<compile_context>
chip_gen: v7x
topology: tpu7x:2x2x1
jax: 0.10.2.dev20260603
libtpu: 0.0.44.dev20260713+nightly
codegen_flags: <defaults>
</compile_context>

<pallas_src>
import functools

import jax
import jax.numpy as jnp
import numpy as np
from jax import lax
from jax.experimental import pallas as pl
from jax.experimental.pallas import tpu as pltpu
from jax.experimental.pallas import tpu_sc as plsc

N = 10000
E = 320000
B = 64
IN = 2
H = 32
EFF = 128
HID = 128
T = 1000
BETA_MIN = 1e-4
BETA_MAX = 0.02

TPAD = 1024
BN = 1000

_betas = np.linspace(BETA_MIN, BETA_MAX, T, dtype=np.float64)
_abars = np.cumprod(1.0 - _betas)
_SCHED = np.zeros((TPAD, 2), dtype=np.float32)
_SCHED[:T, 0] = np.sqrt(_abars)
_SCHED[:T, 1] = np.sqrt(1.0 - _abars)

_HI = jax.lax.Precision.HIGHEST


def _mm(a, b):
    return jax.lax.dot_general(a, b, (((1,), (0,)), ((), ())),
                               precision=_HI, preferred_element_type=jnp.float32)


def _mma(a, w):
    return jax.lax.dot_general(a.astype(jnp.bfloat16), w.astype(jnp.bfloat16),
                               (((1,), (0,)), ((), ())),
                               preferred_element_type=jnp.float32)


def _mme(a, w):
    return jax.lax.dot_general(a.astype(jnp.bfloat16).astype(jnp.float32),
                               w.astype(jnp.bfloat16).astype(jnp.float32),
                               (((1,), (0,)), ((), ())),
                               precision=_HI, preferred_element_type=jnp.float32)


def _prologue_body(x_ref, eps_ref, bi_ref, t_ref, sched_ref,
                   wt_ref, bt_ref, e1w_ref, e1b_ref, e2w_ref, e2b_ref,
                   w1a_ref, w1b_ref, c1_ref,
                   pert_ref, h_ref, a_ref, b_ref):
    t = t_ref[...]
    t_oh = (jax.lax.broadcasted_iota(jnp.int32, (B, TPAD), 1)
            == t).astype(jnp.float32)
    sabs = _mm(t_oh, sched_ref[...])
    tf = t.astype(jnp.float32)
    temb = jax.nn.relu(tf * wt_ref[...] + bt_ref[...][None, :])
    node_tab = jnp.concatenate([sabs, temb], axis=1)

    bi = bi_ref[...]
    bi_oh = (jax.lax.broadcasted_iota(jnp.int32, (BN, B), 1)
             == bi).astype(jnp.float32)
    nodev = _mm(bi_oh, node_tab)

    x = x_ref[...]
    eps = eps_ref[...]
    pert = x * nodev[:, 0:1] + eps * nodev[:, 1:2]
    pert_ref[...] = pert

    h = jax.nn.relu(_mm(pert, e1w_ref[...]) + e1b_ref[...][None, :])
    h = _mma(h, e2w_ref[...]) + e2b_ref[...][None, :] + nodev[:, 2:]
    h_ref[...] = h
    av = _mme(h, w1a_ref[...])
    bv = _mme(h, w1b_ref[...]) + c1_ref[...][None, :]
    a_ref[...] = av
    b_ref[...] = bv


def _run_prologue(x, eps, bi, t, wt, bt, e1w, e1b, e2w, e2b, w1a, w1b, c1):
    grid = (N // BN,)
    row_spec = lambda c: pl.BlockSpec((BN, c), lambda i: (i, 0))
    full = lambda s: pl.BlockSpec(s, lambda i: (0,) * len(s))
    out = pl.pallas_call(
        _prologue_body,
        grid=grid,
        in_specs=[row_spec(IN), row_spec(IN), row_spec(1), full((B, 1)),
                  full((TPAD, 2)), full((1, H)), full((H,)), full((IN, H)),
                  full((H,)), full((H, H)), full((H,)), full((H, EFF)),
                  full((H, EFF)), full((EFF,))],
        out_specs=[row_spec(IN), row_spec(H),
                   row_spec(EFF),
                   row_spec(EFF)],
        out_shape=[jax.ShapeDtypeStruct((N, IN), jnp.float32),
                   jax.ShapeDtypeStruct((N, H), jnp.float32),
                   jax.ShapeDtypeStruct((N, EFF), jnp.float32),
                   jax.ShapeDtypeStruct((N, EFF), jnp.float32)],
    )(x, eps, bi, t, jnp.asarray(_SCHED), wt, bt, e1w, e1b, e2w, e2b,
      w1a, w1b, c1)
    return out


def _layer_body(h_ref, m0_ref, m1_ref,
                ho1_ref, ao1_ref, o1b_ref, o2w_ref, o2b_ref,
                w1a_ref, w1b_ref, c1_ref,
                hn_ref, a_ref, b_ref):
    agg = m0_ref[...] + m1_ref[...]
    u = jax.nn.relu(_mma(h_ref[...], ho1_ref[...]) + _mma(agg, ao1_ref[...])
                    + o1b_ref[...][None, :])
    hn = jax.nn.relu(_mma(u, o2w_ref[...]) + o2b_ref[...][None, :])
    hn_ref[...] = hn
    av = _mme(hn, w1a_ref[...])
    bv = _mme(hn, w1b_ref[...]) + c1_ref[...][None, :]
    a_ref[...] = av
    b_ref[...] = bv


def _run_layer(h, m0, m1, ho1, ao1, o1b, o2w, o2b,
               w1a, w1b, c1):
    grid = (N // BN,)
    row_spec = lambda c: pl.BlockSpec((BN, c), lambda i: (i, 0))
    full = lambda s: pl.BlockSpec(s, lambda i: (0,) * len(s))
    return pl.pallas_call(
        _layer_body,
        grid=grid,
        in_specs=[row_spec(H), row_spec(EFF), row_spec(EFF),
                  full((H, HID)),
                  full((EFF, HID)), full((HID,)), full((HID, H)), full((H,)),
                  full((H, EFF)), full((H, EFF)), full((EFF,))],
        out_specs=[row_spec(H),
                   row_spec(EFF),
                   row_spec(EFF)],
        out_shape=[jax.ShapeDtypeStruct((N, H), jnp.float32),
                   jax.ShapeDtypeStruct((N, EFF), jnp.float32),
                   jax.ShapeDtypeStruct((N, EFF), jnp.float32)],
    )(h, m0, m1, ho1, ao1, o1b, o2w, o2b, w1a, w1b, c1)


def _final_body(h_ref, m0_ref, m1_ref,
                ho1_ref, ao1_ref, o1b_ref, o2w_ref, o2b_ref,
                d1w_ref, d1b_ref, d2w_ref, d2b_ref, out_ref):
    agg = m0_ref[...] + m1_ref[...]
    u = jax.nn.relu(_mma(h_ref[...], ho1_ref[...]) + _mma(agg, ao1_ref[...])
                    + o1b_ref[...][None, :])
    g = _mma(u, o2w_ref[...]) + o2b_ref[...][None, :]
    d = jax.nn.relu(_mma(g, d1w_ref[...]) + d1b_ref[...][None, :])
    out_ref[...] = _mma(d, d2w_ref[...]) + d2b_ref[...][None, :]


def _run_final(h, m0, m1, ho1, ao1, o1b, o2w, o2b,
               d1w, d1b, d2w, d2b):
    grid = (N // BN,)
    row_spec = lambda c: pl.BlockSpec((BN, c), lambda i: (i, 0))
    full = lambda s: pl.BlockSpec(s, lambda i: (0,) * len(s))
    return pl.pallas_call(
        _final_body,
        grid=grid,
        in_specs=[row_spec(H), row_spec(EFF), row_spec(EFF),
                  full((H, HID)),
                  full((EFF, HID)), full((HID,)), full((HID, H)), full((H,)),
                  full((H, H)), full((H,)), full((H, IN)), full((IN,))],
        out_specs=[row_spec(IN)],
        out_shape=[jax.ShapeDtypeStruct((N, IN), jnp.float32)],
    )(h, m0, m1, ho1, ao1, o1b, o2w, o2b, d1w, d1b, d2w, d2b)


NSUB = 16
NW = 32
CH = 128
EPAD = 327680
EPW = EPAD // NW
NCHUNK = EPW // CH
NACC = 10240
ZPS = NACC // NSUB
CPS = 624


def _pad_body(ei_ref, gsrc_ref, gdst_ref, sdst_ref):
    ei = ei_ref[...]
    pad = EPAD - E
    gsrc_ref[...] = jnp.concatenate(
        [jnp.minimum(ei[0:1], N - 1), jnp.full((1, pad), N - 1, jnp.int32)], 1)
    gdst_ref[...] = jnp.concatenate(
        [jnp.minimum(ei[1:2], N - 1), jnp.full((1, pad), N - 1, jnp.int32)], 1)
    sdst_ref[...] = jnp.concatenate(
        [ei[1:2], jnp.full((1, pad), N, jnp.int32)], 1)


def _pad_edges(ei):
    full = lambda s: pl.BlockSpec(s, lambda: (0,) * len(s))
    return pl.pallas_call(
        _pad_body,
        in_specs=[full((2, E))],
        out_specs=[full((1, EPAD)), full((1, EPAD)), full((1, EPAD))],
        out_shape=[jax.ShapeDtypeStruct((1, EPAD), jnp.int32),
                   jax.ShapeDtypeStruct((1, EPAD), jnp.int32),
                   jax.ShapeDtypeStruct((1, EPAD), jnp.int32)],
    )(ei)

def _edge_gather_sc(a, b, gsrc, gdst):
    mesh = plsc.VectorSubcoreMesh(core_axis_name="c", subcore_axis_name="s")

    @functools.partial(
        pl.kernel,
        out_type=jax.ShapeDtypeStruct((EPAD, EFF), jnp.float32),
        mesh=mesh,
        scratch_types=[
            pltpu.VMEM((EPW,), jnp.int32),
            pltpu.VMEM((EPW,), jnp.int32),
            pltpu.VMEM((CH, EFF), jnp.float32),
            pltpu.VMEM((CH, EFF), jnp.float32),
            pltpu.SemaphoreType.DMA,
            pltpu.SemaphoreType.DMA,
        ],
    )
    def k(gsrc_hbm, gdst_hbm, a_hbm, b_hbm, m_hbm,
          sidx, bidx, abuf, bbuf, sem1, sem2):
        cid = lax.axis_index("c")
        sid = lax.axis_index("s")
        base = (sid * 2 + cid) * EPW
        pltpu.sync_copy(gsrc_hbm.at[0, pl.ds(base, EPW)], sidx)
        pltpu.sync_copy(gdst_hbm.at[0, pl.ds(base, EPW)], bidx)

        @pl.loop(0, NCHUNK)
        def _(kk):
            eb = base + kk * CH
            co = kk * CH
            cp1 = pltpu.async_copy(a_hbm.at[sidx.at[pl.ds(co, CH)]], abuf, sem1)
            cp2 = pltpu.async_copy(b_hbm.at[bidx.at[pl.ds(co, CH)]], bbuf, sem2)
            cp1.wait()
            cp2.wait()

            @pl.loop(0, CH)
            def _(r):
                for j in range(EFF // 16):
                    sl = pl.ds(j * 16, 16)
                    v = jnp.maximum(abuf[r, sl] + bbuf[r, sl], 0.0)
                    v = v.astype(jnp.bfloat16).astype(jnp.float32)
                    abuf[r, sl] = v

            pltpu.sync_copy(abuf, m_hbm.at[pl.ds(eb, CH)])

    return k(gsrc, gdst, a, b)


def _scatter_sc(eff, sdst):
    mesh = plsc.VectorSubcoreMesh(core_axis_name="c", subcore_axis_name="s")

    @functools.partial(
        pl.kernel,
        out_type=jax.ShapeDtypeStruct((2, N, EFF), jnp.float32),
        mesh=mesh,
        scratch_types=[
            pltpu.VMEM((NCHUNK, 1, CH), jnp.int32),
            pltpu.VMEM((CH, EFF), jnp.float32),
            pltpu.VMEM_SHARED((NACC, EFF), jnp.float32),
            pltpu.SemaphoreType.DMA,
        ],
    )
    def k(sdst_hbm, eff_hbm, m_hbm, didx, ebuf, macc, sem1):
        cid = lax.axis_index("c")
        sid = lax.axis_index("s")

        @pl.loop(0, CH)
        def _(r):
            for j in range(EFF // 16):
                ebuf[r, pl.ds(j * 16, 16)] = jnp.zeros((16,), jnp.float32)

        for off in (0, 128, 256, 384, 512):
            pltpu.sync_copy(ebuf, macc.at[pl.ds(sid * ZPS + off, CH)])
        plsc.subcore_barrier()

        wid = sid * 2 + cid
        base = wid * EPW
        pltpu.sync_copy(sdst_hbm.at[wid], didx)

        @pl.loop(0, NCHUNK)
        def _(kk):
            eb = base + kk * CH
            pltpu.async_copy(eff_hbm.at[pl.ds(eb, CH)], ebuf, sem1).wait()
            pltpu.sync_copy(ebuf, macc.at[didx.at[kk, 0]], add=True)

        plsc.subcore_barrier()
        pltpu.sync_copy(macc.at[pl.ds(sid * CPS, 640)],
                        m_hbm.at[cid, pl.ds(sid * CPS, 640)])

    return k(sdst, eff)


def _eff_body(m_ref, r2w_ref, r2b_ref, eff_ref):
    eff_ref[...] = _mma(m_ref[...], r2w_ref[...]) + r2b_ref[...][None, :]


def _run_eff(m, r2w, r2b):
    BE = 4096
    grid = (EPAD // BE,)
    full = lambda s: pl.BlockSpec(s, lambda i: (0,) * len(s))
    return pl.pallas_call(
        _eff_body,
        grid=grid,
        in_specs=[pl.BlockSpec((BE, EFF), lambda i: (i, 0)),
                  full((EFF, HID)), full((HID,))],
        out_specs=[pl.BlockSpec((BE, EFF), lambda i: (i, 0))],
        out_shape=[jax.ShapeDtypeStruct((EPAD, EFF), jnp.float32)],
    )(m, r2w, r2b)[0]


def _edge_pass_jnp(a, b, src, dst):
    m = jax.nn.relu(a[src] + b[dst])
    m = m.astype(jnp.bfloat16).astype(jnp.float32)
    mw = jnp.concatenate(
        [m, jnp.ones((E, 1), jnp.float32), jnp.zeros((E, 15), jnp.float32)], 1)
    out = jnp.zeros((N, EFFW), jnp.float32).at[dst].add(mw)
    return out, jnp.zeros((N, EFFW), jnp.float32)


def kernel(x, epsilon, params, edge_index, batch_index, t):
    src = edge_index[0].astype(jnp.int32)
    dst = edge_index[1].astype(jnp.int32)
    bi = batch_index.astype(jnp.int32).reshape(N, 1)
    t2 = t.astype(jnp.int32).reshape(B, 1)

    p = params
    wt, bt = p["t_embed"]
    e1w, e1b = p["enc1"]
    e2w, e2b = p["enc2"]
    d1w, d1b = p["dec1"]
    d2w, d2b = p["dec2"]

    def split_conv(c):
        r1w, r1b = c["r1"]
        r2w, r2b = c["r2"]
        o1w, o1b = c["o1"]
        o2w, o2b = c["o2"]
        return dict(w1a=r1w[:H], w1b=r1w[H:2 * H],
                    c1=r1w[2 * H].astype(jnp.bfloat16).astype(jnp.float32) + r1b,
                    r2w=r2w, r2b=r2b, ho1=o1w[:H], ao1=o1w[H:], o1b=o1b,
                    o2w=o2w, o2b=o2b)

    cv = [split_conv(c) for c in p["convs"]]

    pert, h, a0, b0 = _run_prologue(
        x, epsilon, bi, t2, wt, bt, e1w, e1b, e2w, e2b,
        cv[0]["w1a"], cv[0]["w1b"], cv[0]["c1"])

    gsrc, gdst, sdst = _pad_edges(edge_index.astype(jnp.int32))

    def edge_pass(a, bb, r2w, r2b):
        m = _edge_gather_sc(a, bb, gsrc, gdst)
        eff = _run_eff(m, r2w, r2b)
        mp = _scatter_sc(eff, sdst.reshape(NW, NCHUNK, 1, CH))
        return mp[0], mp[1]

    m0, m1 = edge_pass(a0, b0, cv[0]["r2w"], cv[0]["r2b"])
    h, a1, b1 = _run_layer(h, m0, m1,
                           cv[0]["ho1"], cv[0]["ao1"], cv[0]["o1b"],
                           cv[0]["o2w"], cv[0]["o2b"],
                           cv[1]["w1a"], cv[1]["w1b"], cv[1]["c1"])

    m0, m1 = edge_pass(a1, b1, cv[1]["r2w"], cv[1]["r2b"])
    h, a2, b2 = _run_layer(h, m0, m1,
                           cv[1]["ho1"], cv[1]["ao1"], cv[1]["o1b"],
                           cv[1]["o2w"], cv[1]["o2b"],
                           cv[2]["w1a"], cv[2]["w1b"], cv[2]["c1"])

    m0, m1 = edge_pass(a2, b2, cv[2]["r2w"], cv[2]["r2b"])
    pred, = _run_final(h, m0, m1,
                       cv[2]["ho1"], cv[2]["ao1"], cv[2]["o1b"],
                       cv[2]["o2w"], cv[2]["o2b"], d1w, d1b, d2w, d2b)

    return (pert, epsilon, pred)

# --- scband reference (transcript-rebuilt; emitter-appended) ---
"""Pipeline reference for scband-ddpm-59004260712596 (READ-ONLY COPY).

The authoritative reference and input builder live on the scoring server;
editing this copy changes nothing except your own understanding.
"""

import jax, jax.numpy as jnp
import numpy as np

N = 10000
E = 320000
B = 64
IN = 2
H = 32
EFF = 128
HID = 128
T = 1000
BETA_MIN = 1e-4
BETA_MAX = 0.02


def _lin(key, i, o):
    k1, k2 = jax.random.split(key)
    W = jax.random.normal(k1, (i, o), dtype=jnp.float32) * 0.05
    b = jax.random.normal(k2, (o,), dtype=jnp.float32) * 0.05
    return (W, b)


def setup_inputs(seed: int = 0) -> dict:
    key = jax.random.key(seed)
    ks = jax.random.split(key, 24)
    x = jax.random.normal(ks[0], (N, IN), dtype=jnp.float32)
    edge_index = jax.random.randint(ks[1], (2, E), 0, N, dtype=jnp.int64 if jax.config.jax_enable_x64 else jnp.int32)
    batch_index = jnp.sort(jax.random.randint(ks[2], (N,), 0, B))
    t = jax.random.randint(ks[3], (B,), 0, T)
    epsilon = jax.random.normal(ks[4], (N, IN), dtype=jnp.float32)
    params = {}
    params["t_embed"] = _lin(ks[5], 1, H)
    params["enc1"] = _lin(ks[6], IN, H)
    params["enc2"] = _lin(ks[7], H, H)
    convs = []
    for i in range(3):
        base = 8 + i * 4
        convs.append({
            "r1": _lin(ks[base], 2 * H + 1, HID),
            "r2": _lin(ks[base + 1], HID, EFF),
            "o1": _lin(ks[base + 2], H + EFF, HID),
            "o2": _lin(ks[base + 3], HID, H),
        })
    params["convs"] = convs
    params["dec1"] = _lin(ks[20], H, H)
    params["dec2"] = _lin(ks[21], H, IN)
    return {"x": x, "epsilon": epsilon, "params": params,
            "edge_index": edge_index, "batch_index": batch_index, "t": t}


def _interaction(x, edge_index, p):
    # Interaction Network (Battaglia et al.): edge (relational) model + node (object) model.
    src = edge_index[0]
    dst = edge_index[1]
    rel = jnp.ones((edge_index.shape[1], 1), dtype=x.dtype)  # dim_rel = 1
    e_in = jnp.concatenate([x[src], x[dst], rel], axis=-1)
    h = jax.nn.relu(e_in @ p["r1"][0] + p["r1"][1])
    eff = h @ p["r2"][0] + p["r2"][1]
    agg = jnp.zeros((x.shape[0], eff.shape[1]), dtype=x.dtype).at[dst].add(eff)
    o_in = jnp.concatenate([x, agg], axis=-1)
    h2 = jax.nn.relu(o_in @ p["o1"][0] + p["o1"][1])
    return h2 @ p["o2"][0] + p["o2"][1]


def _denoiser(x, edge_index, t, batch_index, params):
    tf = t[:, None].astype(jnp.float32)
    t_emb = jax.nn.relu(tf @ params["t_embed"][0] + params["t_embed"][1])
    t_emb = t_emb[batch_index]
    h = jax.nn.relu(x @ params["enc1"][0] + params["enc1"][1])
    h = h @ params["enc2"][0] + params["enc2"][1]
    h = h + t_emb
    h = jax.nn.relu(_interaction(h, edge_index, params["convs"][0]))
    h = jax.nn.relu(_interaction(h, edge_index, params["convs"][1]))
    h = _interaction(h, edge_index, params["convs"][2])
    h = jax.nn.relu(h @ params["dec1"][0] + params["dec1"][1])
    return h @ params["dec2"][0] + params["dec2"][1]


def reference(x, epsilon, params, edge_index, batch_index, t):
    betas = jnp.linspace(BETA_MIN, BETA_MAX, T)
    alphas = 1.0 - betas
    alpha_bars = jnp.cumprod(alphas)
    sqrt_alpha_bars = jnp.sqrt(alpha_bars)
    sqrt_one_minus_alpha_bars = jnp.sqrt(1.0 - alpha_bars)
    sab = jnp.take(sqrt_alpha_bars, t)[:, None]          # extract -> [B,1]
    somab = jnp.take(sqrt_one_minus_alpha_bars, t)[:, None]
    perturbed = x * sab[batch_index] + epsilon * somab[batch_index]
    pred_epsilon = _denoiser(perturbed, edge_index, t, batch_index, params)
    return (perturbed, epsilon, pred_epsilon)

if __name__ == "__main__":
    import jax
    _d = setup_inputs()
    print(jax.jit(kernel)(*tuple(_d.values())))

</pallas_src>

<mosaic_0001>
#map = affine_map<(d0, d1) -> (0, 0)>
module attributes {stable_mosaic.version = 14 : i64} {
  func.func @k(%arg0: i32, %arg1: i32, %arg2: memref<1x327680xi32, #tpu.memory_space<hbm>>, %arg3: memref<1x327680xi32, #tpu.memory_space<hbm>>, %arg4: memref<10000x128xf32, #tpu.memory_space<hbm>>, %arg5: memref<10000x128xf32, #tpu.memory_space<hbm>>, %arg6: memref<327680x128xf32, #tpu.memory_space<hbm>>, %arg7: memref<10240xi32, #tpu.memory_space<vmem>>, %arg8: memref<10240xi32, #tpu.memory_space<vmem>>, %arg9: memref<128x128xf32, #tpu.memory_space<vmem>>, %arg10: memref<128x128xf32, #tpu.memory_space<vmem>>, %arg11: memref<!tpu.dma_semaphore, #tpu.memory_space<semaphore_mem>>, %arg12: memref<!tpu.dma_semaphore, #tpu.memory_space<semaphore_mem>>) attributes {dimension_semantics = [#tpu.dimension_semantics<core_parallel>, #tpu.dimension_semantics<subcore_parallel>], iteration_bounds = array<i64: 2, 16>, scalar_prefetch = 0 : i64, scratch_operands = 6 : i64, tpu.core_type = #tpu.core_type<sc_vector_subcore>, window_params = [{transform_indices = #map}, {transform_indices = #map}, {transform_indices = #map}, {transform_indices = #map}, {transform_indices = #map}]} {
    %mul3A = arith.constant 2 : i32
    %mul3A_0 = arith.muli %arg1, %mul3A : i32
    %add3A = arith.addi %mul3A_0, %arg0 : i32
    %mul3A_1 = arith.constant 10240 : i32
    %mul3A_2 = arith.muli %add3A, %mul3A_1 : i32
    %run_scoped3A = arith.constant 0 : i32
    "tpu.region"() ({
      %run_scoped3A_8 = tpu.sem_alloc : memref<!tpu.dma_semaphore, #tpu.memory_space<semaphore_mem>>
      %dma_start3A = tpu.memref_slice %arg2[%run_scoped3A, %mul3A_2] : memref<1x327680xi32, #tpu.memory_space<hbm>> -> memref<1x10240xi32, #tpu.memory_space<hbm>>
      %dma_start3A_9 = tpu.memref_squeeze %dma_start3A : memref<1x10240xi32, #tpu.memory_space<hbm>> -> memref<10240xi32, #tpu.memory_space<hbm>>
      %dma_start3A_10 = tpu.memref_slice %arg2[%run_scoped3A, %mul3A_2] : memref<1x327680xi32, #tpu.memory_space<hbm>> -> memref<1x10240xi32, #tpu.memory_space<hbm>>
      %dma_start3A_11 = tpu.memref_squeeze %dma_start3A_10 : memref<1x10240xi32, #tpu.memory_space<hbm>> -> memref<10240xi32, #tpu.memory_space<hbm>>
      tpu.enqueue_dma source(%dma_start3A_11 : memref<10240xi32, #tpu.memory_space<hbm>>) target(%arg7 : memref<10240xi32, #tpu.memory_space<vmem>>) target_semaphore(%run_scoped3A_8 : memref<!tpu.dma_semaphore, #tpu.memory_space<semaphore_mem>>)
      %dma_wait3A = tpu.memref_slice %arg2[%run_scoped3A, %mul3A_2] : memref<1x327680xi32, #tpu.memory_space<hbm>> -> memref<1x10240xi32, #tpu.memory_space<hbm>>
      %dma_wait3A_12 = tpu.memref_squeeze %dma_wait3A : memref<1x10240xi32, #tpu.memory_space<hbm>> -> memref<10240xi32, #tpu.memory_space<hbm>>
      %dma_wait3A_13 = tpu.memref_slice %arg2[%run_scoped3A, %mul3A_2] : memref<1x327680xi32, #tpu.memory_space<hbm>> -> memref<1x10240xi32, #tpu.memory_space<hbm>>
      %dma_wait3A_14 = tpu.memref_squeeze %dma_wait3A_13 : memref<1x10240xi32, #tpu.memory_space<hbm>> -> memref<10240xi32, #tpu.memory_space<hbm>>
      tpu.wait_dma2 semaphore(%run_scoped3A_8 : memref<!tpu.dma_semaphore, #tpu.memory_space<semaphore_mem>>) src(%dma_wait3A_14 : memref<10240xi32, #tpu.memory_space<hbm>>) dst(%arg7 : memref<10240xi32, #tpu.memory_space<vmem>>)
      tpu.yield
    }) : () -> ()
    %run_scoped3A_3 = arith.constant 0 : i32
    "tpu.region"() ({
      %run_scoped3A_8 = tpu.sem_alloc : memref<!tpu.dma_semaphore, #tpu.memory_space<semaphore_mem>>
      %dma_start3A = tpu.memref_slice %arg3[%run_scoped3A_3, %mul3A_2] : memref<1x327680xi32, #tpu.memory_space<hbm>> -> memref<1x10240xi32, #tpu.memory_space<hbm>>
      %dma_start3A_9 = tpu.memref_squeeze %dma_start3A : memref<1x10240xi32, #tpu.memory_space<hbm>> -> memref<10240xi32, #tpu.memory_space<hbm>>
      %dma_start3A_10 = tpu.memref_slice %arg3[%run_scoped3A_3, %mul3A_2] : memref<1x327680xi32, #tpu.memory_space<hbm>> -> memref<1x10240xi32, #tpu.memory_space<hbm>>
      %dma_start3A_11 = tpu.memref_squeeze %dma_start3A_10 : memref<1x10240xi32, #tpu.memory_space<hbm>> -> memref<10240xi32, #tpu.memory_space<hbm>>
      tpu.enqueue_dma source(%dma_start3A_11 : memref<10240xi32, #tpu.memory_space<hbm>>) target(%arg8 : memref<10240xi32, #tpu.memory_space<vmem>>) target_semaphore(%run_scoped3A_8 : memref<!tpu.dma_semaphore, #tpu.memory_space<semaphore_mem>>)
      %dma_wait3A = tpu.memref_slice %arg3[%run_scoped3A_3, %mul3A_2] : memref<1x327680xi32, #tpu.memory_space<hbm>> -> memref<1x10240xi32, #tpu.memory_space<hbm>>
      %dma_wait3A_12 = tpu.memref_squeeze %dma_wait3A : memref<1x10240xi32, #tpu.memory_space<hbm>> -> memref<10240xi32, #tpu.memory_space<hbm>>
      %dma_wait3A_13 = tpu.memref_slice %arg3[%run_scoped3A_3, %mul3A_2] : memref<1x327680xi32, #tpu.memory_space<hbm>> -> memref<1x10240xi32, #tpu.memory_space<hbm>>
      %dma_wait3A_14 = tpu.memref_squeeze %dma_wait3A_13 : memref<1x10240xi32, #tpu.memory_space<hbm>> -> memref<10240xi32, #tpu.memory_space<hbm>>
      tpu.wait_dma2 semaphore(%run_scoped3A_8 : memref<!tpu.dma_semaphore, #tpu.memory_space<semaphore_mem>>) src(%dma_wait3A_14 : memref<10240xi32, #tpu.memory_space<hbm>>) dst(%arg8 : memref<10240xi32, #tpu.memory_space<vmem>>)
      tpu.yield
    }) : () -> ()
    %scan3A = arith.constant 0 : i32
    %scan3A_4 = arith.constant 80 : i32
    %scan3A_5 = arith.addi %scan3A, %scan3A_4 : i32
    %scan3A_6 = arith.constant 1 : i32
    scf.for %scan3A_8 = %scan3A to %scan3A_5 step %scan3A_6  : i32 {
      %mul3A_9 = arith.constant 1 : i32
      %mul3A_10 = arith.muli %scan3A_8, %mul3A_9 : i32
      %add3A_11 = arith.constant 0 : i32
      %add3A_12 = arith.addi %add3A_11, %mul3A_10 : i32
      %mul3A_13 = arith.constant 128 : i32
      %mul3A_14 = arith.muli %add3A_12, %mul3A_13 : i32
      %add3A_15 = arith.addi %mul3A_2, %mul3A_14 : i32
      %mul3A_16 = arith.constant 128 : i32
      %mul3A_17 = arith.muli %add3A_12, %mul3A_16 : i32
      %dma_start3A = tpu.memref_slice %arg7[%mul3A_17] : memref<10240xi32, #tpu.memory_space<vmem>> -> memref<128xi32, #tpu.memory_space<vmem>>
      %dma_start3A_18 = arith.constant 0 : i32
      %dma_start3A_19 = arith.constant 0 : i32
      %dma_start3A_20 = tpu.memref_slice %arg4[%dma_start3A_18, %dma_start3A_19] : memref<10000x128xf32, #tpu.memory_space<hbm>> -> memref<10000x128xf32, #tpu.memory_space<hbm>>
      tpu.enqueue_indirect_dma source(%dma_start3A_20 : memref<10000x128xf32, #tpu.memory_space<hbm>>) target(%arg9 : memref<128x128xf32, #tpu.memory_space<vmem>>) offsets(%dma_start3A : memref<128xi32, #tpu.memory_space<vmem>>) semaphore(%arg11 : memref<!tpu.dma_semaphore, #tpu.memory_space<semaphore_mem>>)
      %dma_start3A_21 = tpu.memref_slice %arg8[%mul3A_17] : memref<10240xi32, #tpu.memory_space<vmem>> -> memref<128xi32, #tpu.memory_space<vmem>>
      %dma_start3A_22 = arith.constant 0 : i32
      %dma_start3A_23 = arith.constant 0 : i32
      %dma_start3A_24 = tpu.memref_slice %arg5[%dma_start3A_22, %dma_start3A_23] : memref<10000x128xf32, #tpu.memory_space<hbm>> -> memref<10000x128xf32, #tpu.memory_space<hbm>>
      tpu.enqueue_indirect_dma source(%dma_start3A_24 : memref<10000x128xf32, #tpu.memory_space<hbm>>) target(%arg10 : memref<128x128xf32, #tpu.memory_space<vmem>>) offsets(%dma_start3A_21 : memref<128xi32, #tpu.memory_space<vmem>>) semaphore(%arg12 : memref<!tpu.dma_semaphore, #tpu.memory_space<semaphore_mem>>)
      %dma_wait3A = tpu.memref_slice %arg7[%mul3A_17] : memref<10240xi32, #tpu.memory_space<vmem>> -> memref<128xi32, #tpu.memory_space<vmem>>
      %dma_wait3A_25 = arith.constant 0 : i32
      %dma_wait3A_26 = arith.constant 0 : i32
      %dma_wait3A_27 = tpu.memref_slice %arg4[%dma_wait3A_25, %dma_wait3A_26] : memref<10000x128xf32, #tpu.memory_space<hbm>> -> memref<10000x128xf32, #tpu.memory_space<hbm>>
      tpu.wait_indirect_dma semaphore(%arg11 : memref<!tpu.dma_semaphore, #tpu.memory_space<semaphore_mem>>) src(%dma_wait3A_27 : memref<10000x128xf32, #tpu.memory_space<hbm>>) dst(%arg9 : memref<128x128xf32, #tpu.memory_space<vmem>>)
      %dma_wait3A_28 = tpu.memref_slice %arg8[%mul3A_17] : memref<10240xi32, #tpu.memory_space<vmem>> -> memref<128xi32, #tpu.memory_space<vmem>>
      %dma_wait3A_29 = arith.constant 0 : i32
      %dma_wait3A_30 = arith.constant 0 : i32
      %dma_wait3A_31 = tpu.memref_slice %arg5[%dma_wait3A_29, %dma_wait3A_30] : memref<10000x128xf32, #tpu.memory_space<hbm>> -> memref<10000x128xf32, #tpu.memory_space<hbm>>
      tpu.wait_indirect_dma semaphore(%arg12 : memref<!tpu.dma_semaphore, #tpu.memory_space<semaphore_mem>>) src(%dma_wait3A_31 : memref<10000x128xf32, #tpu.memory_space<hbm>>) dst(%arg10 : memref<128x128xf32, #tpu.memory_space<vmem>>)
      %scan3A_32 = arith.constant 0 : i32
      %scan3A_33 = arith.constant 128 : i32
      %scan3A_34 = arith.addi %scan3A_32, %scan3A_33 : i32
      %scan3A_35 = arith.constant 1 : i32
      scf.for %scan3A_37 = %scan3A_32 to %scan3A_34 step %scan3A_35  : i32 {
        %mul3A_38 = arith.constant 1 : i32
        %mul3A_39 = arith.muli %scan3A_37, %mul3A_38 : i32
        %add3A_40 = arith.constant 0 : i32
        %add3A_41 = arith.addi %add3A_40, %mul3A_39 : i32
        %get3A = arith.index_cast %add3A_41 : i32 to index
        %get3A_42 = arith.constant 0 : index
        %get3A_43 = tpu.vector_load %arg9[%get3A, %get3A_42] {strides = array<i32>} : memref<128x128xf32, #tpu.memory_space<vmem>>, vector<1x16xf32>,
        %get3A_44 = vector.shape_cast %get3A_43 : vector<1x16xf32> to vector<16xf32>
        %get3A_45 = arith.index_cast %add3A_41 : i32 to index
        %get3A_46 = arith.constant 0 : index
        %get3A_47 = tpu.vector_load %arg10[%get3A_45, %get3A_46] {strides = array<i32>} : memref<128x128xf32, #tpu.memory_space<vmem>>, vector<1x16xf32>,
        %get3A_48 = vector.shape_cast %get3A_47 : vector<1x16xf32> to vector<16xf32>
        %add3A_49 = arith.addf %get3A_44, %get3A_48 : vector<16xf32>
        %max3A = arith.constant 0.000000e+00 : f32
        %max3A_50 = vector.broadcast %max3A : f32 to vector<16xf32>
        %max3A_51 = arith.maximumf %add3A_49, %max3A_50 : vector<16xf32>
        %convert_element_type3A = arith.truncf %max3A_51 : vector<16xf32> to vector<16xbf16>
        %convert_element_type3A_52 = arith.extf %convert_element_type3A : vector<16xbf16> to vector<16xf32>
        %swap3A = arith.index_cast %add3A_41 : i32 to index
        %swap3A_53 = arith.constant 0 : index
        %swap3A_54 = tpu.vector_load %arg9[%swap3A, %swap3A_53] {strides = array<i32>} : memref<128x128xf32, #tpu.memory_space<vmem>>, vector<1x16xf32>,
        %swap3A_55 = vector.shape_cast %swap3A_54 : vector<1x16xf32> to vector<16xf32>
        %swap3A_56 = vector.shape_cast %convert_element_type3A_52 : vector<16xf32> to vector<1x16xf32>
        tpu.vector_store %arg9[%swap3A, %swap3A_53], %swap3A_56 {strides = array<i32>} : memref<128x128xf32, #tpu.memory_space<vmem>>, vector<1x16xf32>,
        %get3A_57 = arith.index_cast %add3A_41 : i32 to index
        %get3A_58 = arith.constant 16 : index
        %get3A_59 = tpu.vector_load %arg9[%get3A_57, %get3A_58] {strides = array<i32>} : memref<128x128xf32, #tpu.memory_space<vmem>>, vector<1x16xf32>,
        %get3A_60 = vector.shape_cast %get3A_59 : vector<1x16xf32> to vector<16xf32>
        %get3A_61 = arith.index_cast %add3A_41 : i32 to index
        %get3A_62 = arith.constant 16 : index
        %get3A_63 = tpu.vector_load %arg10[%get3A_61, %get3A_62] {strides = array<i32>} : memref<128x128xf32, #tpu.memory_space<vmem>>, vector<1x16xf32>,
        %get3A_64 = vector.shape_cast %get3A_63 : vector<1x16xf32> to vector<16xf32>
        %add3A_65 = arith.addf %get3A_60, %get3A_64 : vector<16xf32>
        %max3A_66 = arith.constant 0.000000e+00 : f32
        %max3A_67 = vector.broadcast %max3A_66 : f32 to vector<16xf32>
        %max3A_68 = arith.maximumf %add3A_65, %max3A_67 : vector<16xf32>
        %convert_element_type3A_69 = arith.truncf %max3A_68 : vector<16xf32> to vector<16xbf16>
        %convert_element_type3A_70 = arith.extf %convert_element_type3A_69 : vector<16xbf16> to vector<16xf32>
        %swap3A_71 = arith.index_cast %add3A_41 : i32 to index
        %swap3A_72 = arith.constant 16 : index
        %swap3A_73 = tpu.vector_load %arg9[%swap3A_71, %swap3A_72] {strides = array<i32>} : memref<128x128xf32, #tpu.memory_space<vmem>>, vector<1x16xf32>,
        %swap3A_74 = vector.shape_cast %swap3A_73 : vector<1x16xf32> to vector<16xf32>
        %swap3A_75 = vector.shape_cast %convert_element_type3A_70 : vector<16xf32> to vector<1x16xf32>
        tpu.vector_store %arg9[%swap3A_71, %swap3A_72], %swap3A_75 {strides = array<i32>} : memref<128x128xf32, #tpu.memory_space<vmem>>, vector<1x16xf32>,
        %get3A_76 = arith.index_cast %add3A_41 : i32 to index
        %get3A_77 = arith.constant 32 : index
        %get3A_78 = tpu.vector_load %arg9[%get3A_76, %get3A_77] {strides = array<i32>} : memref<128x128xf32, #tpu.memory_space<vmem>>, vector<1x16xf32>,
        %get3A_79 = vector.shape_cast %get3A_78 : vector<1x16xf32> to vector<16xf32>
        %get3A_80 = arith.index_cast %add3A_41 : i32 to index
        %get3A_81 = arith.constant 32 : index
        %get3A_82 = tpu.vector_load %arg10[%get3A_80, %get3A_81] {strides = array<i32>} : memref<128x128xf32, #tpu.memory_space<vmem>>, vector<1x16xf32>,
        %get3A_83 = vector.shape_cast %get3A_82 : vector<1x16xf32> to vector<16xf32>
        %add3A_84 = arith.addf %get3A_79, %get3A_83 : vector<16xf32>
        %max3A_85 = arith.constant 0.000000e+00 : f32
        %max3A_86 = vector.broadcast %max3A_85 : f32 to vector<16xf32>
        %max3A_87 = arith.maximumf %add3A_84, %max3A_86 : vector<16xf32>
        %convert_element_type3A_88 = arith.truncf %max3A_87 : vector<16xf32> to vector<16xbf16>
        %convert_element_type3A_89 = arith.extf %convert_element_type3A_88 : vector<16xbf16> to vector<16xf32>
        %swap3A_90 = arith.index_cast %add3A_41 : i32 to index
        %swap3A_91 = arith.constant 32 : index
        %swap3A_92 = tpu.vector_load %arg9[%swap3A_90, %swap3A_91] {strides = array<i32>} : memref<128x128xf32, #tpu.memory_space<vmem>>, vector<1x16xf32>,
        %swap3A_93 = vector.shape_cast %swap3A_92 : vector<1x16xf32> to vector<16xf32>
        %swap3A_94 = vector.shape_cast %convert_element_type3A_89 : vector<16xf32> to vector<1x16xf32>
        tpu.vector_store %arg9[%swap3A_90, %swap3A_91], %swap3A_94 {strides = array<i32>} : memref<128x128xf32, #tpu.memory_space<vmem>>, vector<1x16xf32>,
        %get3A_95 = arith.index_cast %add3A_41 : i32 to index
        %get3A_96 = arith.constant 48 : index
        %get3A_97 = tpu.vector_load %arg9[%get3A_95, %get3A_96] {strides = array<i32>} : memref<128x128xf32, #tpu.memory_space<vmem>>, vector<1x16xf32>,
        %get3A_98 = vector.shape_cast %get3A_97 : vector<1x16xf32> to vector<16xf32>
        %get3A_99 = arith.index_cast %add3A_41 : i32 to index
        %get3A_100 = arith.constant 48 : index
        %get3A_101 = tpu.vector_load %arg10[%get3A_99, %get3A_100] {strides = array<i32>} : memref<128x128xf32, #tpu.memory_space<vmem>>, vector<1x16xf32>,
        %get3A_102 = vector.shape_cast %get3A_101 : vector<1x16xf32> to vector<16xf32>
        %add3A_103 = arith.addf %get3A_98, %get3A_102 : vector<16xf32>
        %max3A_104 = arith.constant 0.000000e+00 : f32
        %max3A_105 = vector.broadcast %max3A_104 : f32 to vector<16xf32>
        %max3A_106 = arith.maximumf %add3A_103, %max3A_105 : vector<16xf32>
        %convert_element_type3A_107 = arith.truncf %max3A_106 : vector<16xf32> to vector<16xbf16>
        %convert_element_type3A_108 = arith.extf %convert_element_type3A_107 : vector<16xbf16> to vector<16xf32>
        %swap3A_109 = arith.index_cast %add3A_41 : i32 to index
        %swap3A_110 = arith.constant 48 : index
        %swap3A_111 = tpu.vector_load %arg9[%swap3A_109, %swap3A_110] {strides = array<i32>} : memref<128x128xf32, #tpu.memory_space<vmem>>, vector<1x16xf32>,
        %swap3A_112 = vector.shape_cast %swap3A_111 : vector<1x16xf32> to vector<16xf32>
        %swap3A_113 = vector.shape_cast %convert_element_type3A_108 : vector<16xf32> to vector<1x16xf32>
        tpu.vector_store %arg9[%swap3A_109, %swap3A_110], %swap3A_113 {strides = array<i32>} : memref<128x128xf32, #tpu.memory_space<vmem>>, vector<1x16xf32>,
        %get3A_114 = arith.index_cast %add3A_41 : i32 to index
        %get3A_115 = arith.constant 64 : index
        %get3A_116 = tpu.vector_load %arg9[%get3A_114, %get3A_115] {strides = array<i32>} : memref<128x128xf32, #tpu.memory_space<vmem>>, vector<1x16xf32>,
        %get3A_117 = vector.shape_cast %get3A_116 : vector<1x16xf32> to vector<16xf32>
        %get3A_118 = arith.index_cast %add3A_41 : i32 to index
        %get3A_119 = arith.constant 64 : index
        %get3A_120 = tpu.vector_load %arg10[%get3A_118, %get3A_119] {strides = array<i32>} : memref<128x128xf32, #tpu.memory_space<vmem>>, vector<1x16xf32>,
        %get3A_121 = vector.shape_cast %get3A_120 : vector<1x16xf32> to vector<16xf32>
        %add3A_122 = arith.addf %get3A_117, %get3A_121 : vector<16xf32>
        %max3A_123 = arith.constant 0.000000e+00 : f32
        %max3A_124 = vector.broadcast %max3A_123 : f32 to vector<16xf32>
        %max3A_125 = arith.maximumf %add3A_122, %max3A_124 : vector<16xf32>
        %convert_element_type3A_126 = arith.truncf %max3A_125 : vector<16xf32> to vector<16xbf16>
        %convert_element_type3A_127 = arith.extf %convert_element_type3A_126 : vector<16xbf16> to vector<16xf32>
        %swap3A_128 = arith.index_cast %add3A_41 : i32 to index
        %swap3A_129 = arith.constant 64 : index
        %swap3A_130 = tpu.vector_load %arg9[%swap3A_128, %swap3A_129] {strides = array<i32>} : memref<128x128xf32, #tpu.memory_space<vmem>>, vector<1x16xf32>,
        %swap3A_131 = vector.shape_cast %swap3A_130 : vector<1x16xf32> to vector<16xf32>
        %swap3A_132 = vector.shape_cast %convert_element_type3A_127 : vector<16xf32> to vector<1x16xf32>
        tpu.vector_store %arg9[%swap3A_128, %swap3A_129], %swap3A_132 {strides = array<i32>} : memref<128x128xf32, #tpu.memory_space<vmem>>, vector<1x16xf32>,
        %get3A_133 = arith.index_cast %add3A_41 : i32 to index
        %get3A_134 = arith.constant 80 : index
        %get3A_135 = tpu.vector_load %arg9[%get3A_133, %get3A_134] {strides = array<i32>} : memref<128x128xf32, #tpu.memory_space<vmem>>, vector<1x16xf32>,
        %get3A_136 = vector.shape_cast %get3A_135 : vector<1x16xf32> to vector<16xf32>
        %get3A_137 = arith.index_cast %add3A_41 : i32 to index
        %get3A_138 = arith.constant 80 : index
        %get3A_139 = tpu.vector_load %arg10[%get3A_137, %get3A_138] {strides = array<i32>} : memref<128x128xf32, #tpu.memory_space<vmem>>, vector<1x16xf32>,
        %get3A_140 = vector.shape_cast %get3A_139 : vector<1x16xf32> to vector<16xf32>
        %add3A_141 = arith.addf %get3A_136, %get3A_140 : vector<16xf32>
        %max3A_142 = arith.constant 0.000000e+00 : f32
        %max3A_143 = vector.broadcast %max3A_142 : f32 to vector<16xf32>
        %max3A_144 = arith.maximumf %add3A_141, %max3A_143 : vector<16xf32>
        %convert_element_type3A_145 = arith.truncf %max3A_144 : vector<16xf32> to vector<16xbf16>
        %convert_element_type3A_146 = arith.extf %convert_element_type3A_145 : vector<16xbf16> to vector<16xf32>
        %swap3A_147 = arith.index_cast %add3A_41 : i32 to index
        %swap3A_148 = arith.constant 80 : index
        %swap3A_149 = tpu.vector_load %arg9[%swap3A_147, %swap3A_148] {strides = array<i32>} : memref<128x128xf32, #tpu.memory_space<vmem>>, vector<1x16xf32>,
        %swap3A_150 = vector.shape_cast %swap3A_149 : vector<1x16xf32> to vector<16xf32>
        %swap3A_151 = vector.shape_cast %convert_element_type3A_146 : vector<16xf32> to vector<1x16xf32>
        tpu.vector_store %arg9[%swap3A_147, %swap3A_148], %swap3A_151 {strides = array<i32>} : memref<128x128xf32, #tpu.memory_space<vmem>>, vector<1x16xf32>,
        %get3A_152 = arith.index_cast %add3A_41 : i32 to index
        %get3A_153 = arith.constant 96 : index
        %get3A_154 = tpu.vector_load %arg9[%get3A_152, %get3A_153] {strides = array<i32>} : memref<128x128xf32, #tpu.memory_space<vmem>>, vector<1x16xf32>,
        %get3A_155 = vector.shape_cast %get3A_154 : vector<1x16xf32> to vector<16xf32>
        %get3A_156 = arith.index_cast %add3A_41 : i32 to index
        %get3A_157 = arith.constant 96 : index
        %get3A_158 = tpu.vector_load %arg10[%get3A_156, %get3A_157] {strides = array<i32>} : memref<128x128xf32, #tpu.memory_space<vmem>>, vector<1x16xf32>,
        %get3A_159 = vector.shape_cast %get3A_158 : vector<1x16xf32> to vector<16xf32>
        %add3A_160 = arith.addf %get3A_155, %get3A_159 : vector<16xf32>
        %max3A_161 = arith.constant 0.000000e+00 : f32
        %max3A_162 = vector.broadcast %max3A_161 : f32 to vector<16xf32>
        %max3A_163 = arith.maximumf %add3A_160, %max3A_162 : vector<16xf32>
        %convert_element_type3A_164 = arith.truncf %max3A_163 : vector<16xf32> to vector<16xbf16>
        %convert_element_type3A_165 = arith.extf %convert_element_type3A_164 : vector<16xbf16> to vector<16xf32>
        %swap3A_166 = arith.index_cast %add3A_41 : i32 to index
        %swap3A_167 = arith.constant 96 : index
        %swap3A_168 = tpu.vector_load %arg9[%swap3A_166, %swap3A_167] {strides = array<i32>} : memref<128x128xf32, #tpu.memory_space<vmem>>, vector<1x16xf32>,
        %swap3A_169 = vector.shape_cast %swap3A_168 : vector<1x16xf32> to vector<16xf32>
        %swap3A_170 = vector.shape_cast %convert_element_type3A_165 : vector<16xf32> to vector<1x16xf32>
        tpu.vector_store %arg9[%swap3A_166, %swap3A_167], %swap3A_170 {strides = array<i32>} : memref<128x128xf32, #tpu.memory_space<vmem>>, vector<1x16xf32>,
        %get3A_171 = arith.index_cast %add3A_41 : i32 to index
        %get3A_172 = arith.constant 112 : index
        %get3A_173 = tpu.vector_load %arg9[%get3A_171, %get3A_172] {strides = array<i32>} : memref<128x128xf32, #tpu.memory_space<vmem>>, vector<1x16xf32>,
        %get3A_174 = vector.shape_cast %get3A_173 : vector<1x16xf32> to vector<16xf32>
        %get3A_175 = arith.index_cast %add3A_41 : i32 to index
        %get3A_176 = arith.constant 112 : index
        %get3A_177 = tpu.vector_load %arg10[%get3A_175, %get3A_176] {strides = array<i32>} : memref<128x128xf32, #tpu.memory_space<vmem>>, vector<1x16xf32>,
        %get3A_178 = vector.shape_cast %get3A_177 : vector<1x16xf32> to vector<16xf32>
        %add3A_179 = arith.addf %get3A_174, %get3A_178 : vector<16xf32>
        %max3A_180 = arith.constant 0.000000e+00 : f32
        %max3A_181 = vector.broadcast %max3A_180 : f32 to vector<16xf32>
        %max3A_182 = arith.maximumf %add3A_179, %max3A_181 : vector<16xf32>
        %convert_element_type3A_183 = arith.truncf %max3A_182 : vector<16xf32> to vector<16xbf16>
        %convert_element_type3A_184 = arith.extf %convert_element_type3A_183 : vector<16xbf16> to vector<16xf32>
        %swap3A_185 = arith.index_cast %add3A_41 : i32 to index
        %swap3A_186 = arith.constant 112 : index
        %swap3A_187 = tpu.vector_load %arg9[%swap3A_185, %swap3A_186] {strides = array<i32>} : memref<128x128xf32, #tpu.memory_space<vmem>>, vector<1x16xf32>,
        %swap3A_188 = vector.shape_cast %swap3A_187 : vector<1x16xf32> to vector<16xf32>
        %swap3A_189 = vector.shape_cast %convert_element_type3A_184 : vector<16xf32> to vector<1x16xf32>
        tpu.vector_store %arg9[%swap3A_185, %swap3A_186], %swap3A_189 {strides = array<i32>} : memref<128x128xf32, #tpu.memory_space<vmem>>, vector<1x16xf32>,
      }
      %scan3A_36 = arith.constant 128 : i32
      "tpu.region"() ({
        %run_scoped3A_37 = tpu.sem_alloc : memref<!tpu.dma_semaphore, #tpu.memory_space<semaphore_mem>>
        %dma_start3A_38 = arith.constant 0 : i32
        %dma_start3A_39 = tpu.memref_slice %arg6[%add3A_15, %dma_start3A_38] : memref<327680x128xf32, #tpu.memory_space<hbm>> -> memref<128x128xf32, #tpu.memory_space<hbm>>
        %dma_start3A_40 = arith.constant 0 : i32
        %dma_start3A_41 = tpu.memref_slice %arg6[%add3A_15, %dma_start3A_40] : memref<327680x128xf32, #tpu.memory_space<hbm>> -> memref<128x128xf32, #tpu.memory_space<hbm>>
        tpu.enqueue_dma source(%arg9 : memref<128x128xf32, #tpu.memory_space<vmem>>) target(%dma_start3A_41 : memref<128x128xf32, #tpu.memory_space<hbm>>) target_semaphore(%run_scoped3A_37 : memref<!tpu.dma_semaphore, #tpu.memory_space<semaphore_mem>>)
        %dma_wait3A_42 = arith.constant 0 : i32
        %dma_wait3A_43 = tpu.memref_slice %arg6[%add3A_15, %dma_wait3A_42] : memref<327680x128xf32, #tpu.memory_space<hbm>> -> memref<128x128xf32, #tpu.memory_space<hbm>>
        %dma_wait3A_44 = arith.constant 0 : i32
        %dma_wait3A_45 = tpu.memref_slice %arg6[%add3A_15, %dma_wait3A_44] : memref<327680x128xf32, #tpu.memory_space<hbm>> -> memref<128x128xf32, #tpu.memory_space<hbm>>
        tpu.wait_dma2 semaphore(%run_scoped3A_37 : memref<!tpu.dma_semaphore, #tpu.memory_space<semaphore_mem>>) src(%arg9 : memref<128x128xf32, #tpu.memory_space<vmem>>) dst(%dma_wait3A_45 : memref<128x128xf32, #tpu.memory_space<hbm>>)
        tpu.yield
      }) : () -> ()
    }
    %scan3A_7 = arith.constant 80 : i32
    return
  }
}

#map = affine_map<(d0, d1) -> (0, 0, 0, 0)>
#map1 = affine_map<(d0, d1) -> (0, 0)>
#map2 = affine_map<(d0, d1) -> (0, 0, 0)>
module attributes {stable_mosaic.version = 14 : i64} {
  func.func @k(%arg0: i32, %arg1: i32, %arg2: memref<32x80x1x128xi32, #tpu.memory_space<hbm>>, %arg3: memref<327680x128xf32, #tpu.memory_space<hbm>>, %arg4: memref<2x10000x128xf32, #tpu.memory_space<hbm>>, %arg5: memref<80x1x128xi32, #tpu.memory_space<vmem>>, %arg6: memref<128x128xf32, #tpu.memory_space<vmem>>, %arg7: memref<10240x128xf32, #tpu.memory_space<vmem_shared>>, %arg8: memref<!tpu.dma_semaphore, #tpu.memory_space<semaphore_mem>>) attributes {dimension_semantics = [#tpu.dimension_semantics<core_parallel>, #tpu.dimension_semantics<subcore_parallel>], iteration_bounds = array<i64: 2, 16>, scalar_prefetch = 0 : i64, scratch_operands = 4 : i64, tpu.core_type = #tpu.core_type<sc_vector_subcore>, window_params = [{transform_indices = #map}, {transform_indices = #map1}, {transform_indices = #map2}]} {
    %scan3A = arith.constant 0 : i32
    %scan3A_0 = arith.constant 128 : i32
    %scan3A_1 = arith.addi %scan3A, %scan3A_0 : i32
    %scan3A_2 = arith.constant 1 : i32
    scf.for %scan3A_37 = %scan3A to %scan3A_1 step %scan3A_2  : i32 {
      %mul3A_38 = arith.constant 1 : i32
      %mul3A_39 = arith.muli %scan3A_37, %mul3A_38 : i32
      %add3A_40 = arith.constant 0 : i32
      %add3A_41 = arith.addi %add3A_40, %mul3A_39 : i32
      %broadcast_in_dim3A = arith.constant 0.000000e+00 : f32
      %broadcast_in_dim3A_42 = vector.broadcast %broadcast_in_dim3A : f32 to vector<16xf32>
      %swap3A = arith.index_cast %add3A_41 : i32 to index
      %swap3A_43 = arith.constant 0 : index
      %swap3A_44 = tpu.vector_load %arg6[%swap3A, %swap3A_43] {strides = array<i32>} : memref<128x128xf32, #tpu.memory_space<vmem>>, vector<1x16xf32>,
      %swap3A_45 = vector.shape_cast %swap3A_44 : vector<1x16xf32> to vector<16xf32>
      %swap3A_46 = vector.shape_cast %broadcast_in_dim3A_42 : vector<16xf32> to vector<1x16xf32>
      tpu.vector_store %arg6[%swap3A, %swap3A_43], %swap3A_46 {strides = array<i32>} : memref<128x128xf32, #tpu.memory_space<vmem>>, vector<1x16xf32>,
      %broadcast_in_dim3A_47 = arith.constant 0.000000e+00 : f32
      %broadcast_in_dim3A_48 = vector.broadcast %broadcast_in_dim3A_47 : f32 to vector<16xf32>
      %swap3A_49 = arith.index_cast %add3A_41 : i32 to index
      %swap3A_50 = arith.constant 16 : index
      %swap3A_51 = tpu.vector_load %arg6[%swap3A_49, %swap3A_50] {strides = array<i32>} : memref<128x128xf32, #tpu.memory_space<vmem>>, vector<1x16xf32>,
      %swap3A_52 = vector.shape_cast %swap3A_51 : vector<1x16xf32> to vector<16xf32>
      %swap3A_53 = vector.shape_cast %broadcast_in_dim3A_48 : vector<16xf32> to vector<1x16xf32>
      tpu.vector_store %arg6[%swap3A_49, %swap3A_50], %swap3A_53 {strides = array<i32>} : memref<128x128xf32, #tpu.memory_space<vmem>>, vector<1x16xf32>,
      %broadcast_in_dim3A_54 = arith.constant 0.000000e+00 : f32
      %broadcast_in_dim3A_55 = vector.broadcast %broadcast_in_dim3A_54 : f32 to vector<16xf32>
      %swap3A_56 = arith.index_cast %add3A_41 : i32 to index
      %swap3A_57 = arith.constant 32 : index
      %swap3A_58 = tpu.vector_load %arg6[%swap3A_56, %swap3A_57] {strides = array<i32>} : memref<128x128xf32, #tpu.memory_space<vmem>>, vector<1x16xf32>,
      %swap3A_59 = vector.shape_cast %swap3A_58 : vector<1x16xf32> to vector<16xf32>
      %swap3A_60 = vector.shape_cast %broadcast_in_dim3A_55 : vector<16xf32> to vector<1x16xf32>
      tpu.vector_store %arg6[%swap3A_56, %swap3A_57], %swap3A_60 {strides = array<i32>} : memref<128x128xf32, #tpu.memory_space<vmem>>, vector<1x16xf32>,
      %broadcast_in_dim3A_61 = arith.constant 0.000000e+00 : f32
      %broadcast_in_dim3A_62 = vector.broadcast %broadcast_in_dim3A_61 : f32 to vector<16xf32>
      %swap3A_63 = arith.index_cast %add3A_41 : i32 to index
      %swap3A_64 = arith.constant 48 : index
      %swap3A_65 = tpu.vector_load %arg6[%swap3A_63, %swap3A_64] {strides = array<i32>} : memref<128x128xf32, #tpu.memory_space<vmem>>, vector<1x16xf32>,
      %swap3A_66 = vector.shape_cast %swap3A_65 : vector<1x16xf32> to vector<16xf32>
      %swap3A_67 = vector.shape_cast %broadcast_in_dim3A_62 : vector<16xf32> to vector<1x16xf32>
      tpu.vector_store %arg6[%swap3A_63, %swap3A_64], %swap3A_67 {strides = array<i32>} : memref<128x128xf32, #tpu.memory_space<vmem>>, vector<1x16xf32>,
      %broadcast_in_dim3A_68 = arith.constant 0.000000e+00 : f32
      %broadcast_in_dim3A_69 = vector.broadcast %broadcast_in_dim3A_68 : f32 to vector<16xf32>
      %swap3A_70 = arith.index_cast %add3A_41 : i32 to index
      %swap3A_71 = arith.constant 64 : index
      %swap3A_72 = tpu.vector_load %arg6[%swap3A_70, %swap3A_71] {strides = array<i32>} : memref<128x128xf32, #tpu.memory_space<vmem>>, vector<1x16xf32>,
      %swap3A_73 = vector.shape_cast %swap3A_72 : vector<1x16xf32> to vector<16xf32>
      %swap3A_74 = vector.shape_cast %broadcast_in_dim3A_69 : vector<16xf32> to vector<1x16xf32>
      tpu.vector_store %arg6[%swap3A_70, %swap3A_71], %swap3A_74 {strides = array<i32>} : memref<128x128xf32, #tpu.memory_space<vmem>>, vector<1x16xf32>,
      %broadcast_in_dim3A_75 = arith.constant 0.000000e+00 : f32
      %broadcast_in_dim3A_76 = vector.broadcast %broadcast_in_dim3A_75 : f32 to vector<16xf32>
      %swap3A_77 = arith.index_cast %add3A_41 : i32 to index
      %swap3A_78 = arith.constant 80 : index
      %swap3A_79 = tpu.vector_load %arg6[%swap3A_77, %swap3A_78] {strides = array<i32>} : memref<128x128xf32, #tpu.memory_space<vmem>>, vector<1x16xf32>,
      %swap3A_80 = vector.shape_cast %swap3A_79 : vector<1x16xf32> to vector<16xf32>
      %swap3A_81 = vector.shape_cast %broadcast_in_dim3A_76 : vector<16xf32> to vector<1x16xf32>
      tpu.vector_store %arg6[%swap3A_77, %swap3A_78], %swap3A_81 {strides = array<i32>} : memref<128x128xf32, #tpu.memory_space<vmem>>, vector<1x16xf32>,
      %broadcast_in_dim3A_82 = arith.constant 0.000000e+00 : f32
      %broadcast_in_dim3A_83 = vector.broadcast %broadcast_in_dim3A_82 : f32 to vector<16xf32>
      %swap3A_84 = arith.index_cast %add3A_41 : i32 to index
      %swap3A_85 = arith.constant 96 : index
      %swap3A_86 = tpu.vector_load %arg6[%swap3A_84, %swap3A_85] {strides = array<i32>} : memref<128x128xf32, #tpu.memory_space<vmem>>, vector<1x16xf32>,
      %swap3A_87 = vector.shape_cast %swap3A_86 : vector<1x16xf32> to vector<16xf32>
      %swap3A_88 = vector.shape_cast %broadcast_in_dim3A_83 : vector<16xf32> to vector<1x16xf32>
      tpu.vector_store %arg6[%swap3A_84, %swap3A_85], %swap3A_88 {strides = array<i32>} : memref<128x128xf32, #tpu.memory_space<vmem>>, vector<1x16xf32>,
      %broadcast_in_dim3A_89 = arith.constant 0.000000e+00 : f32
      %broadcast_in_dim3A_90 = vector.broadcast %broadcast_in_dim3A_89 : f32 to vector<16xf32>
      %swap3A_91 = arith.index_cast %add3A_41 : i32 to index
      %swap3A_92 = arith.constant 112 : index
      %swap3A_93 = tpu.vector_load %arg6[%swap3A_91, %swap3A_92] {strides = array<i32>} : memref<128x128xf32, #tpu.memory_space<vmem>>, vector<1x16xf32>,
      %swap3A_94 = vector.shape_cast %swap3A_93 : vector<1x16xf32> to vector<16xf32>
      %swap3A_95 = vector.shape_cast %broadcast_in_dim3A_90 : vector<16xf32> to vector<1x16xf32>
      tpu.vector_store %arg6[%swap3A_91, %swap3A_92], %swap3A_95 {strides = array<i32>} : memref<128x128xf32, #tpu.memory_space<vmem>>, vector<1x16xf32>,
    }
    %scan3A_3 = arith.constant 128 : i32
    %mul3A = arith.constant 640 : i32
    %mul3A_4 = arith.muli %arg1, %mul3A : i32
    %add3A = arith.constant 0 : i32
    %add3A_5 = arith.addi %mul3A_4, %add3A : i32
    "tpu.region"() ({
      %run_scoped3A = tpu.sem_alloc : memref<!tpu.dma_semaphore, #tpu.memory_space<semaphore_mem>>
      %dma_start3A = arith.constant 0 : i32
      %dma_start3A_37 = tpu.memref_slice %arg7[%add3A_5, %dma_start3A] : memref<10240x128xf32, #tpu.memory_space<vmem_shared>> -> memref<128x128xf32, #tpu.memory_space<vmem_shared>>
      %dma_start3A_38 = arith.constant 0 : i32
      %dma_start3A_39 = tpu.memref_slice %arg7[%add3A_5, %dma_start3A_38] : memref<10240x128xf32, #tpu.memory_space<vmem_shared>> -> memref<128x128xf32, #tpu.memory_space<vmem_shared>>
      tpu.enqueue_dma source(%arg6 : memref<128x128xf32, #tpu.memory_space<vmem>>) target(%dma_start3A_39 : memref<128x128xf32, #tpu.memory_space<vmem_shared>>) target_semaphore(%run_scoped3A : memref<!tpu.dma_semaphore, #tpu.memory_space<semaphore_mem>>)
      %dma_wait3A = arith.constant 0 : i32
      %dma_wait3A_40 = tpu.memref_slice %arg7[%add3A_5, %dma_wait3A] : memref<10240x128xf32, #tpu.memory_space<vmem_shared>> -> memref<128x128xf32, #tpu.memory_space<vmem_shared>>
      %dma_wait3A_41 = arith.constant 0 : i32
      %dma_wait3A_42 = tpu.memref_slice %arg7[%add3A_5, %dma_wait3A_41] : memref<10240x128xf32, #tpu.memory_space<vmem_shared>> -> memref<128x128xf32, #tpu.memory_space<vmem_shared>>
      tpu.wait_dma2 semaphore(%run_scoped3A : memref<!tpu.dma_semaphore, #tpu.memory_space<semaphore_mem>>) src(%arg6 : memref<128x128xf32, #tpu.memory_space<vmem>>) dst(%dma_wait3A_42 : memref<128x128xf32, #tpu.memory_space<vmem_shared>>)
      tpu.yield
    }) : () -> ()
    %mul3A_6 = arith.constant 640 : i32
    %mul3A_7 = arith.muli %arg1, %mul3A_6 : i32
    %add3A_8 = arith.constant 128 : i32
    %add3A_9 = arith.addi %mul3A_7, %add3A_8 : i32
    "tpu.region"() ({
      %run_scoped3A = tpu.sem_alloc : memref<!tpu.dma_semaphore, #tpu.memory_space<semaphore_mem>>
      %dma_start3A = arith.constant 0 : i32
      %dma_start3A_37 = tpu.memref_slice %arg7[%add3A_9, %dma_start3A] : memref<10240x128xf32, #tpu.memory_space<vmem_shared>> -> memref<128x128xf32, #tpu.memory_space<vmem_shared>>
      %dma_start3A_38 = arith.constant 0 : i32
      %dma_start3A_39 = tpu.memref_slice %arg7[%add3A_9, %dma_start3A_38] : memref<10240x128xf32, #tpu.memory_space<vmem_shared>> -> memref<128x128xf32, #tpu.memory_space<vmem_shared>>
      tpu.enqueue_dma source(%arg6 : memref<128x128xf32, #tpu.memory_space<vmem>>) target(%dma_start3A_39 : memref<128x128xf32, #tpu.memory_space<vmem_shared>>) target_semaphore(%run_scoped3A : memref<!tpu.dma_semaphore, #tpu.memory_space<semaphore_mem>>)
      %dma_wait3A = arith.constant 0 : i32
      %dma_wait3A_40 = tpu.memref_slice %arg7[%add3A_9, %dma_wait3A] : memref<10240x128xf32, #tpu.memory_space<vmem_shared>> -> memref<128x128xf32, #tpu.memory_space<vmem_shared>>
      %dma_wait3A_41 = arith.constant 0 : i32
      %dma_wait3A_42 = tpu.memref_slice %arg7[%add3A_9, %dma_wait3A_41] : memref<10240x128xf32, #tpu.memory_space<vmem_shared>> -> memref<128x128xf32, #tpu.memory_space<vmem_shared>>
      tpu.wait_dma2 semaphore(%run_scoped3A : memref<!tpu.dma_semaphore, #tpu.memory_space<semaphore_mem>>) src(%arg6 : memref<128x128xf32, #tpu.memory_space<vmem>>) dst(%dma_wait3A_42 : memref<128x128xf32, #tpu.memory_space<vmem_shared>>)
      tpu.yield
    }) : () -> ()
    %mul3A_10 = arith.constant 640 : i32
    %mul3A_11 = arith.muli %arg1, %mul3A_10 : i32
    %add3A_12 = arith.constant 256 : i32
    %add3A_13 = arith.addi %mul3A_11, %add3A_12 : i32
    "tpu.region"() ({
      %run_scoped3A = tpu.sem_alloc : memref<!tpu.dma_semaphore, #tpu.memory_space<semaphore_mem>>
      %dma_start3A = arith.constant 0 : i32
      %dma_start3A_37 = tpu.memref_slice %arg7[%add3A_13, %dma_start3A] : memref<10240x128xf32, #tpu.memory_space<vmem_shared>> -> memref<128x128xf32, #tpu.memory_space<vmem_shared>>
      %dma_start3A_38 = arith.constant 0 : i32
      %dma_start3A_39 = tpu.memref_slice %arg7[%add3A_13, %dma_start3A_38] : memref<10240x128xf32, #tpu.memory_space<vmem_shared>> -> memref<128x128xf32, #tpu.memory_space<vmem_shared>>
      tpu.enqueue_dma source(%arg6 : memref<128x128xf32, #tpu.memory_space<vmem>>) target(%dma_start3A_39 : memref<128x128xf32, #tpu.memory_space<vmem_shared>>) target_semaphore(%run_scoped3A : memref<!tpu.dma_semaphore, #tpu.memory_space<semaphore_mem>>)
      %dma_wait3A = arith.constant 0 : i32
      %dma_wait3A_40 = tpu.memref_slice %arg7[%add3A_13, %dma_wait3A] : memref<10240x128xf32, #tpu.memory_space<vmem_shared>> -> memref<128x128xf32, #tpu.memory_space<vmem_shared>>
      %dma_wait3A_41 = arith.constant 0 : i32
      %dma_wait3A_42 = tpu.memref_slice %arg7[%add3A_13, %dma_wait3A_41] : memref<10240x128xf32, #tpu.memory_space<vmem_shared>> -> memref<128x128xf32, #tpu.memory_space<vmem_shared>>
      tpu.wait_dma2 semaphore(%run_scoped3A : memref<!tpu.dma_semaphore, #tpu.memory_space<semaphore_mem>>) src(%arg6 : memref<128x128xf32, #tpu.memory_space<vmem>>) dst(%dma_wait3A_42 : memref<128x128xf32, #tpu.memory_space<vmem_shared>>)
      tpu.yield
    }) : () -> ()
    %mul3A_14 = arith.constant 640 : i32
    %mul3A_15 = arith.muli %arg1, %mul3A_14 : i32
    %add3A_16 = arith.constant 384 : i32
    %add3A_17 = arith.addi %mul3A_15, %add3A_16 : i32
    "tpu.region"() ({
      %run_scoped3A = tpu.sem_alloc : memref<!tpu.dma_semaphore, #tpu.memory_space<semaphore_mem>>
      %dma_start3A = arith.constant 0 : i32
      %dma_start3A_37 = tpu.memref_slice %arg7[%add3A_17, %dma_start3A] : memref<10240x128xf32, #tpu.memory_space<vmem_shared>> -> memref<128x128xf32, #tpu.memory_space<vmem_shared>>
      %dma_start3A_38 = arith.constant 0 : i32
      %dma_start3A_39 = tpu.memref_slice %arg7[%add3A_17, %dma_start3A_38] : memref<10240x128xf32, #tpu.memory_space<vmem_shared>> -> memref<128x128xf32, #tpu.memory_space<vmem_shared>>
      tpu.enqueue_dma source(%arg6 : memref<128x128xf32, #tpu.memory_space<vmem>>) target(%dma_start3A_39 : memref<128x128xf32, #tpu.memory_space<vmem_shared>>) target_semaphore(%run_scoped3A : memref<!tpu.dma_semaphore, #tpu.memory_space<semaphore_mem>>)
      %dma_wait3A = arith.constant 0 : i32
      %dma_wait3A_40 = tpu.memref_slice %arg7[%add3A_17, %dma_wait3A] : memref<10240x128xf32, #tpu.memory_space<vmem_shared>> -> memref<128x128xf32, #tpu.memory_space<vmem_shared>>
      %dma_wait3A_41 = arith.constant 0 : i32
      %dma_wait3A_42 = tpu.memref_slice %arg7[%add3A_17, %dma_wait3A_41] : memref<10240x128xf32, #tpu.memory_space<vmem_shared>> -> memref<128x128xf32, #tpu.memory_space<vmem_shared>>
      tpu.wait_dma2 semaphore(%run_scoped3A : memref<!tpu.dma_semaphore, #tpu.memory_space<semaphore_mem>>) src(%arg6 : memref<128x128xf32, #tpu.memory_space<vmem>>) dst(%dma_wait3A_42 : memref<128x128xf32, #tpu.memory_space<vmem_shared>>)
      tpu.yield
    }) : () -> ()
    %mul3A_18 = arith.constant 640 : i32
    %mul3A_19 = arith.muli %arg1, %mul3A_18 : i32
    %add3A_20 = arith.constant 512 : i32
    %add3A_21 = arith.addi %mul3A_19, %add3A_20 : i32
    "tpu.region"() ({
      %run_scoped3A = tpu.sem_alloc : memref<!tpu.dma_semaphore, #tpu.memory_space<semaphore_mem>>
      %dma_start3A = arith.constant 0 : i32
      %dma_start3A_37 = tpu.memref_slice %arg7[%add3A_21, %dma_start3A] : memref<10240x128xf32, #tpu.memory_space<vmem_shared>> -> memref<128x128xf32, #tpu.memory_space<vmem_shared>>
      %dma_start3A_38 = arith.constant 0 : i32
      %dma_start3A_39 = tpu.memref_slice %arg7[%add3A_21, %dma_start3A_38] : memref<10240x128xf32, #tpu.memory_space<vmem_shared>> -> memref<128x128xf32, #tpu.memory_space<vmem_shared>>
      tpu.enqueue_dma source(%arg6 : memref<128x128xf32, #tpu.memory_space<vmem>>) target(%dma_start3A_39 : memref<128x128xf32, #tpu.memory_space<vmem_shared>>) target_semaphore(%run_scoped3A : memref<!tpu.dma_semaphore, #tpu.memory_space<semaphore_mem>>)
      %dma_wait3A = arith.constant 0 : i32
      %dma_wait3A_40 = tpu.memref_slice %arg7[%add3A_21, %dma_wait3A] : memref<10240x128xf32, #tpu.memory_space<vmem_shared>> -> memref<128x128xf32, #tpu.memory_space<vmem_shared>>
      %dma_wait3A_41 = arith.constant 0 : i32
      %dma_wait3A_42 = tpu.memref_slice %arg7[%add3A_21, %dma_wait3A_41] : memref<10240x128xf32, #tpu.memory_space<vmem_shared>> -> memref<128x128xf32, #tpu.memory_space<vmem_shared>>
      tpu.wait_dma2 semaphore(%run_scoped3A : memref<!tpu.dma_semaphore, #tpu.memory_space<semaphore_mem>>) src(%arg6 : memref<128x128xf32, #tpu.memory_space<vmem>>) dst(%dma_wait3A_42 : memref<128x128xf32, #tpu.memory_space<vmem_shared>>)
      tpu.yield
    }) : () -> ()
    %barrier3A = arith.constant 0 : index
    tpu.barrier barrier_id(%barrier3A)
    %mul3A_22 = arith.constant 2 : i32
    %mul3A_23 = arith.muli %arg1, %mul3A_22 : i32
    %add3A_24 = arith.addi %mul3A_23, %arg0 : i32
    %mul3A_25 = arith.constant 10240 : i32
    %mul3A_26 = arith.muli %add3A_24, %mul3A_25 : i32
    "tpu.region"() ({
      %run_scoped3A = tpu.sem_alloc : memref<!tpu.dma_semaphore, #tpu.memory_space<semaphore_mem>>
      %dma_start3A = arith.constant 0 : i32
      %dma_start3A_37 = arith.constant 0 : i32
      %dma_start3A_38 = arith.constant 0 : i32
      %dma_start3A_39 = tpu.memref_slice %arg2[%add3A_24, %dma_start3A, %dma_start3A_37, %dma_start3A_38] : memref<32x80x1x128xi32, #tpu.memory_space<hbm>> -> memref<1x80x1x128xi32, #tpu.memory_space<hbm>>
      %dma_start3A_40 = tpu.memref_squeeze %dma_start3A_39 : memref<1x80x1x128xi32, #tpu.memory_space<hbm>> -> memref<80x1x128xi32, #tpu.memory_space<hbm>>
      %dma_start3A_41 = arith.constant 0 : i32
      %dma_start3A_42 = arith.constant 0 : i32
      %dma_start3A_43 = arith.constant 0 : i32
      %dma_start3A_44 = tpu.memref_slice %arg2[%add3A_24, %dma_start3A_41, %dma_start3A_42, %dma_start3A_43] : memref<32x80x1x128xi32, #tpu.memory_space<hbm>> -> memref<1x80x1x128xi32, #tpu.memory_space<hbm>>
      %dma_start3A_45 = tpu.memref_squeeze %dma_start3A_44 : memref<1x80x1x128xi32, #tpu.memory_space<hbm>> -> memref<80x1x128xi32, #tpu.memory_space<hbm>>
      tpu.enqueue_dma source(%dma_start3A_45 : memref<80x1x128xi32, #tpu.memory_space<hbm>>) target(%arg5 : memref<80x1x128xi32, #tpu.memory_space<vmem>>) target_semaphore(%run_scoped3A : memref<!tpu.dma_semaphore, #tpu.memory_space<semaphore_mem>>)
      %dma_wait3A = arith.constant 0 : i32
      %dma_wait3A_46 = arith.constant 0 : i32
      %dma_wait3A_47 = arith.constant 0 : i32
      %dma_wait3A_48 = tpu.memref_slice %arg2[%add3A_24, %dma_wait3A, %dma_wait3A_46, %dma_wait3A_47] : memref<32x80x1x128xi32, #tpu.memory_space<hbm>> -> memref<1x80x1x128xi32, #tpu.memory_space<hbm>>
      %dma_wait3A_49 = tpu.memref_squeeze %dma_wait3A_48 : memref<1x80x1x128xi32, #tpu.memory_space<hbm>> -> memref<80x1x128xi32, #tpu.memory_space<hbm>>
      %dma_wait3A_50 = arith.constant 0 : i32
      %dma_wait3A_51 = arith.constant 0 : i32
      %dma_wait3A_52 = arith.constant 0 : i32
      %dma_wait3A_53 = tpu.memref_slice %arg2[%add3A_24, %dma_wait3A_50, %dma_wait3A_51, %dma_wait3A_52] : memref<32x80x1x128xi32, #tpu.memory_space<hbm>> -> memref<1x80x1x128xi32, #tpu.memory_space<hbm>>
      %dma_wait3A_54 = tpu.memref_squeeze %dma_wait3A_53 : memref<1x80x1x128xi32, #tpu.memory_space<hbm>> -> memref<80x1x128xi32, #tpu.memory_space<hbm>>
      tpu.wait_dma2 semaphore(%run_scoped3A : memref<!tpu.dma_semaphore, #tpu.memory_space<semaphore_mem>>) src(%dma_wait3A_54 : memref<80x1x128xi32, #tpu.memory_space<hbm>>) dst(%arg5 : memref<80x1x128xi32, #tpu.memory_space<vmem>>)
      tpu.yield
    }) : () -> ()
    %scan3A_27 = arith.constant 0 : i32
    %scan3A_28 = arith.constant 80 : i32
    %scan3A_29 = arith.addi %scan3A_27, %scan3A_28 : i32
    %scan3A_30 = arith.constant 1 : i32
    scf.for %scan3A_37 = %scan3A_27 to %scan3A_29 step %scan3A_30  : i32 {
      %mul3A_38 = arith.constant 1 : i32
      %mul3A_39 = arith.muli %scan3A_37, %mul3A_38 : i32
      %add3A_40 = arith.constant 0 : i32
      %add3A_41 = arith.addi %add3A_40, %mul3A_39 : i32
      %mul3A_42 = arith.constant 128 : i32
      %mul3A_43 = arith.muli %add3A_41, %mul3A_42 : i32
      %add3A_44 = arith.addi %mul3A_26, %mul3A_43 : i32
      %dma_start3A = arith.constant 0 : i32
      %dma_start3A_45 = tpu.memref_slice %arg3[%add3A_44, %dma_start3A] : memref<327680x128xf32, #tpu.memory_space<hbm>> -> memref<128x128xf32, #tpu.memory_space<hbm>>
      %dma_start3A_46 = arith.constant 0 : i32
      %dma_start3A_47 = tpu.memref_slice %arg3[%add3A_44, %dma_start3A_46] : memref<327680x128xf32, #tpu.memory_space<hbm>> -> memref<128x128xf32, #tpu.memory_space<hbm>>
      tpu.enqueue_dma source(%dma_start3A_47 : memref<128x128xf32, #tpu.memory_space<hbm>>) target(%arg6 : memref<128x128xf32, #tpu.memory_space<vmem>>) target_semaphore(%arg8 : memref<!tpu.dma_semaphore, #tpu.memory_space<semaphore_mem>>)
      %dma_wait3A = arith.constant 0 : i32
      %dma_wait3A_48 = tpu.memref_slice %arg3[%add3A_44, %dma_wait3A] : memref<327680x128xf32, #tpu.memory_space<hbm>> -> memref<128x128xf32, #tpu.memory_space<hbm>>
      %dma_wait3A_49 = arith.constant 0 : i32
      %dma_wait3A_50 = tpu.memref_slice %arg3[%add3A_44, %dma_wait3A_49] : memref<327680x128xf32, #tpu.memory_space<hbm>> -> memref<128x128xf32, #tpu.memory_space<hbm>>
      tpu.wait_dma2 semaphore(%arg8 : memref<!tpu.dma_semaphore, #tpu.memory_space<semaphore_mem>>) src(%dma_wait3A_50 : memref<128x128xf32, #tpu.memory_space<hbm>>) dst(%arg6 : memref<128x128xf32, #tpu.memory_space<vmem>>)
      %run_scoped3A = arith.constant 0 : i32
      "tpu.region"() ({
        %run_scoped3A_51 = tpu.sem_alloc : memref<!tpu.dma_semaphore, #tpu.memory_space<semaphore_mem>>
        %dma_start3A_52 = arith.constant 0 : i32
        %dma_start3A_53 = tpu.memref_slice %arg5[%add3A_41, %run_scoped3A, %dma_start3A_52] : memref<80x1x128xi32, #tpu.memory_space<vmem>> -> memref<1x1x128xi32, #tpu.memory_space<vmem>>
        %dma_start3A_54 = tpu.memref_squeeze %dma_start3A_53 : memref<1x1x128xi32, #tpu.memory_space<vmem>> -> memref<128xi32, #tpu.memory_space<vmem>>
        %dma_start3A_55 = arith.constant 0 : i32
        %dma_start3A_56 = arith.constant 0 : i32
        %dma_start3A_57 = tpu.memref_slice %arg7[%dma_start3A_55, %dma_start3A_56] : memref<10240x128xf32, #tpu.memory_space<vmem_shared>> -> memref<10240x128xf32, #tpu.memory_space<vmem_shared>>
        tpu.enqueue_indirect_dma source(%arg6 : memref<128x128xf32, #tpu.memory_space<vmem>>) target(%dma_start3A_57 : memref<10240x128xf32, #tpu.memory_space<vmem_shared>>) offsets(%dma_start3A_54 : memref<128xi32, #tpu.memory_space<vmem>>) semaphore(%run_scoped3A_51 : memref<!tpu.dma_semaphore, #tpu.memory_space<semaphore_mem>>) {add = true}
        %dma_wait3A_58 = arith.constant 0 : i32
        %dma_wait3A_59 = tpu.memref_slice %arg5[%add3A_41, %run_scoped3A, %dma_wait3A_58] : memref<80x1x128xi32, #tpu.memory_space<vmem>> -> memref<1x1x128xi32, #tpu.memory_space<vmem>>
        %dma_wait3A_60 = tpu.memref_squeeze %dma_wait3A_59 : memref<1x1x128xi32, #tpu.memory_space<vmem>> -> memref<128xi32, #tpu.memory_space<vmem>>
        %dma_wait3A_61 = arith.constant 0 : i32
        %dma_wait3A_62 = arith.constant 0 : i32
        %dma_wait3A_63 = tpu.memref_slice %arg7[%dma_wait3A_61, %dma_wait3A_62] : memref<10240x128xf32, #tpu.memory_space<vmem_shared>> -> memref<10240x128xf32, #tpu.memory_space<vmem_shared>>
        tpu.wait_indirect_dma semaphore(%run_scoped3A_51 : memref<!tpu.dma_semaphore, #tpu.memory_space<semaphore_mem>>) src(%arg6 : memref<128x128xf32, #tpu.memory_space<vmem>>) dst(%dma_wait3A_63 : memref<10240x128xf32, #tpu.memory_space<vmem_shared>>)
        tpu.yield
      }) : () -> ()
    }
    %scan3A_31 = arith.constant 80 : i32
    %barrier3A_32 = arith.constant 0 : index
    tpu.barrier barrier_id(%barrier3A_32)
    %mul3A_33 = arith.constant 624 : i32
    %mul3A_34 = arith.muli %arg1, %mul3A_33 : i32
    %mul3A_35 = arith.constant 624 : i32
    %mul3A_36 = arith.muli %arg1, %mul3A_35 : i32
    "tpu.region"() ({
      %run_scoped3A = tpu.sem_alloc : memref<!tpu.dma_semaphore, #tpu.memory_space<semaphore_mem>>
      %dma_start3A = arith.constant 0 : i32
      %dma_start3A_37 = tpu.memref_slice %arg4[%arg0, %mul3A_36, %dma_start3A] : memref<2x10000x128xf32, #tpu.memory_space<hbm>> -> memref<1x640x128xf32, #tpu.memory_space<hbm>>
      %dma_start3A_38 = tpu.memref_squeeze %dma_start3A_37 : memref<1x640x128xf32, #tpu.memory_space<hbm>> -> memref<640x128xf32, #tpu.memory_space<hbm>>
      %dma_start3A_39 = arith.constant 0 : i32
      %dma_start3A_40 = tpu.memref_slice %arg7[%mul3A_34, %dma_start3A_39] : memref<10240x128xf32, #tpu.memory_space<vmem_shared>> -> memref<640x128xf32, #tpu.memory_space<vmem_shared>>
      tpu.enqueue_dma source(%dma_start3A_40 : memref<640x128xf32, #tpu.memory_space<vmem_shared>>) target(%dma_start3A_38 : memref<640x128xf32, #tpu.memory_space<hbm>>) target_semaphore(%run_scoped3A : memref<!tpu.dma_semaphore, #tpu.memory_space<semaphore_mem>>)
      %dma_wait3A = arith.constant 0 : i32
      %dma_wait3A_41 = tpu.memref_slice %arg4[%arg0, %mul3A_36, %dma_wait3A] : memref<2x10000x128xf32, #tpu.memory_space<hbm>> -> memref<1x640x128xf32, #tpu.memory_space<hbm>>
      %dma_wait3A_42 = tpu.memref_squeeze %dma_wait3A_41 : memref<1x640x128xf32, #tpu.memory_space<hbm>> -> memref<640x128xf32, #tpu.memory_space<hbm>>
      %dma_wait3A_43 = arith.constant 0 : i32
      %dma_wait3A_44 = tpu.memref_slice %arg7[%mul3A_34, %dma_wait3A_43] : memref<10240x128xf32, #tpu.memory_space<vmem_shared>> -> memref<640x128xf32, #tpu.memory_space<vmem_shared>>
      tpu.wait_dma2 semaphore(%run_scoped3A : memref<!tpu.dma_semaphore, #tpu.memory_space<semaphore_mem>>) src(%dma_wait3A_44 : memref<640x128xf32, #tpu.memory_space<vmem_shared>>) dst(%dma_wait3A_42 : memref<640x128xf32, #tpu.memory_space<hbm>>)
      tpu.yield
    }) : () -> ()
    return
  }
}

#map = affine_map<(d0, d1) -> (0, 0)>
module attributes {stable_mosaic.version = 14 : i64} {
  func.func @k(%arg0: i32, %arg1: i32, %arg2: memref<1x327680xi32, #tpu.memory_space<hbm>>, %arg3: memref<1x327680xi32, #tpu.memory_space<hbm>>, %arg4: memref<10000x128xf32, #tpu.memory_space<hbm>>, %arg5: memref<10000x128xf32, #tpu.memory_space<hbm>>, %arg6: memref<327680x128xf32, #tpu.memory_space<hbm>>, %arg7: memref<10240xi32, #tpu.memory_space<vmem>>, %arg8: memref<10240xi32, #tpu.memory_space<vmem>>, %arg9: memref<128x128xf32, #tpu.memory_space<vmem>>, %arg10: memref<128x128xf32, #tpu.memory_space<vmem>>, %arg11: memref<!tpu.dma_semaphore, #tpu.memory_space<semaphore_mem>>, %arg12: memref<!tpu.dma_semaphore, #tpu.memory_space<semaphore_mem>>) attributes {dimension_semantics = [#tpu.dimension_semantics<core_parallel>, #tpu.dimension_semantics<subcore_parallel>], iteration_bounds = array<i64: 2, 16>, scalar_prefetch = 0 : i64, scratch_operands = 6 : i64, tpu.core_type = #tpu.core_type<sc_vector_subcore>, window_params = [{transform_indices = #map}, {transform_indices = #map}, {transform_indices = #map}, {transform_indices = #map}, {transform_indices = #map}]} {
    %mul3A = arith.constant 2 : i32
    %mul3A_0 = arith.muli %arg1, %mul3A : i32
    %add3A = arith.addi %mul3A_0, %arg0 : i32
    %mul3A_1 = arith.constant 10240 : i32
    %mul3A_2 = arith.muli %add3A, %mul3A_1 : i32
    %run_scoped3A = arith.constant 0 : i32
    "tpu.region"() ({
      %run_scoped3A_8 = tpu.sem_alloc : memref<!tpu.dma_semaphore, #tpu.memory_space<semaphore_mem>>
      %dma_start3A = tpu.memref_slice %arg2[%run_scoped3A, %mul3A_2] : memref<1x327680xi32, #tpu.memory_space<hbm>> -> memref<1x10240xi32, #tpu.memory_space<hbm>>
      %dma_start3A_9 = tpu.memref_squeeze %dma_start3A : memref<1x10240xi32, #tpu.memory_space<hbm>> -> memref<10240xi32, #tpu.memory_space<hbm>>
      %dma_start3A_10 = tpu.memref_slice %arg2[%run_scoped3A, %mul3A_2] : memref<1x327680xi32, #tpu.memory_space<hbm>> -> memref<1x10240xi32, #tpu.memory_space<hbm>>
      %dma_start3A_11 = tpu.memref_squeeze %dma_start3A_10 : memref<1x10240xi32, #tpu.memory_space<hbm>> -> memref<10240xi32, #tpu.memory_space<hbm>>
      tpu.enqueue_dma source(%dma_start3A_11 : memref<10240xi32, #tpu.memory_space<hbm>>) target(%arg7 : memref<10240xi32, #tpu.memory_space<vmem>>) target_semaphore(%run_scoped3A_8 : memref<!tpu.dma_semaphore, #tpu.memory_space<semaphore_mem>>)
      %dma_wait3A = tpu.memref_slice %arg2[%run_scoped3A, %mul3A_2] : memref<1x327680xi32, #tpu.memory_space<hbm>> -> memref<1x10240xi32, #tpu.memory_space<hbm>>
      %dma_wait3A_12 = tpu.memref_squeeze %dma_wait3A : memref<1x10240xi32, #tpu.memory_space<hbm>> -> memref<10240xi32, #tpu.memory_space<hbm>>
      %dma_wait3A_13 = tpu.memref_slice %arg2[%run_scoped3A, %mul3A_2] : memref<1x327680xi32, #tpu.memory_space<hbm>> -> memref<1x10240xi32, #tpu.memory_space<hbm>>
      %dma_wait3A_14 = tpu.memref_squeeze %dma_wait3A_13 : memref<1x10240xi32, #tpu.memory_space<hbm>> -> memref<10240xi32, #tpu.memory_space<hbm>>
      tpu.wait_dma2 semaphore(%run_scoped3A_8 : memref<!tpu.dma_semaphore, #tpu.memory_space<semaphore_mem>>) src(%dma_wait3A_14 : memref<10240xi32, #tpu.memory_space<hbm>>) dst(%arg7 : memref<10240xi32, #tpu.memory_space<vmem>>)
      tpu.yield
    }) : () -> ()
    %run_scoped3A_3 = arith.constant 0 : i32
    "tpu.region"() ({
      %run_scoped3A_8 = tpu.sem_alloc : memref<!tpu.dma_semaphore, #tpu.memory_space<semaphore_mem>>
      %dma_start3A = tpu.memref_slice %arg3[%run_scoped3A_3, %mul3A_2] : memref<1x327680xi32, #tpu.memory_space<hbm>> -> memref<1x10240xi32, #tpu.memory_space<hbm>>
      %dma_start3A_9 = tpu.memref_squeeze %dma_start3A : memref<1x10240xi32, #tpu.memory_space<hbm>> -> memref<10240xi32, #tpu.memory_space<hbm>>
      %dma_start3A_10 = tpu.memref_slice %arg3[%run_scoped3A_3, %mul3A_2] : memref<1x327680xi32, #tpu.memory_space<hbm>> -> memref<1x10240xi32, #tpu.memory_space<hbm>>
      %dma_start3A_11 = tpu.memref_squeeze %dma_start3A_10 : memref<1x10240xi32, #tpu.memory_space<hbm>> -> memref<10240xi32, #tpu.memory_space<hbm>>
      tpu.enqueue_dma source(%dma_start3A_11 : memref<10240xi32, #tpu.memory_space<hbm>>) target(%arg8 : memref<10240xi32, #tpu.memory_space<vmem>>) target_semaphore(%run_scoped3A_8 : memref<!tpu.dma_semaphore, #tpu.memory_space<semaphore_mem>>)
      %dma_wait3A = tpu.memref_slice %arg3[%run_scoped3A_3, %mul3A_2] : memref<1x327680xi32, #tpu.memory_space<hbm>> -> memref<1x10240xi32, #tpu.memory_space<hbm>>
      %dma_wait3A_12 = tpu.memref_squeeze %dma_wait3A : memref<1x10240xi32, #tpu.memory_space<hbm>> -> memref<10240xi32, #tpu.memory_space<hbm>>
      %dma_wait3A_13 = tpu.memref_slice %arg3[%run_scoped3A_3, %mul3A_2] : memref<1x327680xi32, #tpu.memory_space<hbm>> -> memref<1x10240xi32, #tpu.memory_space<hbm>>
      %dma_wait3A_14 = tpu.memref_squeeze %dma_wait3A_13 : memref<1x10240xi32, #tpu.memory_space<hbm>> -> memref<10240xi32, #tpu.memory_space<hbm>>
      tpu.wait_dma2 semaphore(%run_scoped3A_8 : memref<!tpu.dma_semaphore, #tpu.memory_space<semaphore_mem>>) src(%dma_wait3A_14 : memref<10240xi32, #tpu.memory_space<hbm>>) dst(%arg8 : memref<10240xi32, #tpu.memory_space<vmem>>)
      tpu.yield
    }) : () -> ()
    %scan3A = arith.constant 0 : i32
    %scan3A_4 = arith.constant 80 : i32
    %scan3A_5 = arith.addi %scan3A, %scan3A_4 : i32
    %scan3A_6 = arith.constant 1 : i32
    scf.for %scan3A_8 = %scan3A to %scan3A_5 step %scan3A_6  : i32 {
      %mul3A_9 = arith.constant 1 : i32
      %mul3A_10 = arith.muli %scan3A_8, %mul3A_9 : i32
      %add3A_11 = arith.constant 0 : i32
      %add3A_12 = arith.addi %add3A_11, %mul3A_10 : i32
      %mul3A_13 = arith.constant 128 : i32
      %mul3A_14 = arith.muli %add3A_12, %mul3A_13 : i32
      %add3A_15 = arith.addi %mul3A_2, %mul3A_14 : i32
      %mul3A_16 = arith.constant 128 : i32
      %mul3A_17 = arith.muli %add3A_12, %mul3A_16 : i32
      %dma_start3A = tpu.memref_slice %arg7[%mul3A_17] : memref<10240xi32, #tpu.memory_space<vmem>> -> memref<128xi32, #tpu.memory_space<vmem>>
      %dma_start3A_18 = arith.constant 0 : i32
      %dma_start3A_19 = arith.constant 0 : i32
      %dma_start3A_20 = tpu.memref_slice %arg4[%dma_start3A_18, %dma_start3A_19] : memref<10000x128xf32, #tpu.memory_space<hbm>> -> memref<10000x128xf32, #tpu.memory_space<hbm>>
      tpu.enqueue_indirect_dma source(%dma_start3A_20 : memref<10000x128xf32, #tpu.memory_space<hbm>>) target(%arg9 : memref<128x128xf32, #tpu.memory_space<vmem>>) offsets(%dma_start3A : memref<128xi32, #tpu.memory_space<vmem>>) semaphore(%arg11 : memref<!tpu.dma_semaphore, #tpu.memory_space<semaphore_mem>>)
      %dma_start3A_21 = tpu.memref_slice %arg8[%mul3A_17] : memref<10240xi32, #tpu.memory_space<vmem>> -> memref<128xi32, #tpu.memory_space<vmem>>
      %dma_start3A_22 = arith.constant 0 : i32
      %dma_start3A_23 = arith.constant 0 : i32
      %dma_start3A_24 = tpu.memref_slice %arg5[%dma_start3A_22, %dma_start3A_23] : memref<10000x128xf32, #tpu.memory_space<hbm>> -> memref<10000x128xf32, #tpu.memory_space<hbm>>
      tpu.enqueue_indirect_dma source(%dma_start3A_24 : memref<10000x128xf32, #tpu.memory_space<hbm>>) target(%arg10 : memref<128x128xf32, #tpu.memory_space<vmem>>) offsets(%dma_start3A_21 : memref<128xi32, #tpu.memory_space<vmem>>) semaphore(%arg12 : memref<!tpu.dma_semaphore, #tpu.memory_space<semaphore_mem>>)
      %dma_wait3A = tpu.memref_slice %arg7[%mul3A_17] : memref<10240xi32, #tpu.memory_space<vmem>> -> memref<128xi32, #tpu.memory_space<vmem>>
      %dma_wait3A_25 = arith.constant 0 : i32
      %dma_wait3A_26 = arith.constant 0 : i32
      %dma_wait3A_27 = tpu.memref_slice %arg4[%dma_wait3A_25, %dma_wait3A_26] : memref<10000x128xf32, #tpu.memory_space<hbm>> -> memref<10000x128xf32, #tpu.memory_space<hbm>>
      tpu.wait_indirect_dma semaphore(%arg11 : memref<!tpu.dma_semaphore, #tpu.memory_space<semaphore_mem>>) src(%dma_wait3A_27 : memref<10000x128xf32, #tpu.memory_space<hbm>>) dst(%arg9 : memref<128x128xf32, #tpu.memory_space<vmem>>)
      %dma_wait3A_28 = tpu.memref_slice %arg8[%mul3A_17] : memref<10240xi32, #tpu.memory_space<vmem>> -> memref<128xi32, #tpu.memory_space<vmem>>
      %dma_wait3A_29 = arith.constant 0 : i32
      %dma_wait3A_30 = arith.constant 0 : i32
      %dma_wait3A_31 = tpu.memref_slice %arg5[%dma_wait3A_29, %dma_wait3A_30] : memref<10000x128xf32, #tpu.memory_space<hbm>> -> memref<10000x128xf32, #tpu.memory_space<hbm>>
      tpu.wait_indirect_dma semaphore(%arg12 : memref<!tpu.dma_semaphore, #tpu.memory_space<semaphore_mem>>) src(%dma_wait3A_31 : memref<10000x128xf32, #tpu.memory_space<hbm>>) dst(%arg10 : memref<128x128xf32, #tpu.memory_space<vmem>>)
      %scan3A_32 = arith.constant 0 : i32
      %scan3A_33 = arith.constant 128 : i32
      %scan3A_34 = arith.addi %scan3A_32, %scan3A_33 : i32
      %scan3A_35 = arith.constant 1 : i32
      scf.for %scan3A_37 = %scan3A_32 to %scan3A_34 step %scan3A_35  : i32 {
        %mul3A_38 = arith.constant 1 : i32
        %mul3A_39 = arith.muli %scan3A_37, %mul3A_38 : i32
        %add3A_40 = arith.constant 0 : i32
        %add3A_41 = arith.addi %add3A_40, %mul3A_39 : i32
        %get3A = arith.index_cast %add3A_41 : i32 to index
        %get3A_42 = arith.constant 0 : index
        %get3A_43 = tpu.vector_load %arg9[%get3A, %get3A_42] {strides = array<i32>} : memref<128x128xf32, #tpu.memory_space<vmem>>, vector<1x16xf32>,
        %get3A_44 = vector.shape_cast %get3A_43 : vector<1x16xf32> to vector<16xf32>
        %get3A_45 = arith.index_cast %add3A_41 : i32 to index
        %get3A_46 = arith.constant 0 : index
        %get3A_47 = tpu.vector_load %arg10[%get3A_45, %get3A_46] {strides = array<i32>} : memref<128x128xf32, #tpu.memory_space<vmem>>, vector<1x16xf32>,
        %get3A_48 = vector.shape_cast %get3A_47 : vector<1x16xf32> to vector<16xf32>
        %add3A_49 = arith.addf %get3A_44, %get3A_48 : vector<16xf32>
        %max3A = arith.constant 0.000000e+00 : f32
        %max3A_50 = vector.broadcast %max3A : f32 to vector<16xf32>
        %max3A_51 = arith.maximumf %add3A_49, %max3A_50 : vector<16xf32>
        %convert_element_type3A = arith.truncf %max3A_51 : vector<16xf32> to vector<16xbf16>
        %convert_element_type3A_52 = arith.extf %convert_element_type3A : vector<16xbf16> to vector<16xf32>
        %swap3A = arith.index_cast %add3A_41 : i32 to index
        %swap3A_53 = arith.constant 0 : index
        %swap3A_54 = tpu.vector_load %arg9[%swap3A, %swap3A_53] {strides = array<i32>} : memref<128x128xf32, #tpu.memory_space<vmem>>, vector<1x16xf32>,
        %swap3A_55 = vector.shape_cast %swap3A_54 : vector<1x16xf32> to vector<16xf32>
        %swap3A_56 = vector.shape_cast %convert_element_type3A_52 : vector<16xf32> to vector<1x16xf32>
        tpu.vector_store %arg9[%swap3A, %swap3A_53], %swap3A_56 {strides = array<i32>} : memref<128x128xf32, #tpu.memory_space<vmem>>, vector<1x16xf32>,
        %get3A_57 = arith.index_cast %add3A_41 : i32 to index
        %get3A_58 = arith.constant 16 : index
        %get3A_59 = tpu.vector_load %arg9[%get3A_57, %get3A_58] {strides = array<i32>} : memref<128x128xf32, #tpu.memory_space<vmem>>, vector<1x16xf32>,
        %get3A_60 = vector.shape_cast %get3A_59 : vector<1x16xf32> to vector<16xf32>
        %get3A_61 = arith.index_cast %add3A_41 : i32 to index
        %get3A_62 = arith.constant 16 : index
        %get3A_63 = tpu.vector_load %arg10[%get3A_61, %get3A_62] {strides = array<i32>} : memref<128x128xf32, #tpu.memory_space<vmem>>, vector<1x16xf32>,
        %get3A_64 = vector.shape_cast %get3A_63 : vector<1x16xf32> to vector<16xf32>
        %add3A_65 = arith.addf %get3A_60, %get3A_64 : vector<16xf32>
        %max3A_66 = arith.constant 0.000000e+00 : f32
        %max3A_67 = vector.broadcast %max3A_66 : f32 to vector<16xf32>
        %max3A_68 = arith.maximumf %add3A_65, %max3A_67 : vector<16xf32>
        %convert_element_type3A_69 = arith.truncf %max3A_68 : vector<16xf32> to vector<16xbf16>
        %convert_element_type3A_70 = arith.extf %convert_element_type3A_69 : vector<16xbf16> to vector<16xf32>
        %swap3A_71 = arith.index_cast %add3A_41 : i32 to index
        %swap3A_72 = arith.constant 16 : index
        %swap3A_73 = tpu.vector_load %arg9[%swap3A_71, %swap3A_72] {strides = array<i32>} : memref<128x128xf32, #tpu.memory_space<vmem>>, vector<1x16xf32>,
        %swap3A_74 = vector.shape_cast %swap3A_73 : vector<1x16xf32> to vector<16xf32>
        %swap3A_75 = vector.shape_cast %convert_element_type3A_70 : vector<16xf32> to vector<1x16xf32>
        tpu.vector_store %arg9[%swap3A_71, %swap3A_72], %swap3A_75 {strides = array<i32>} : memref<128x128xf32, #tpu.memory_space<vmem>>, vector<1x16xf32>,
        %get3A_76 = arith.index_cast %add3A_41 : i32 to index
        %get3A_77 = arith.constant 32 : index
        %get3A_78 = tpu.vector_load %arg9[%get3A_76, %get3A_77] {strides = array<i32>} : memref<128x128xf32, #tpu.memory_space<vmem>>, vector<1x16xf32>,
        %get3A_79 = vector.shape_cast %get3A_78 : vector<1x16xf32> to vector<16xf32>
        %get3A_80 = arith.index_cast %add3A_41 : i32 to index
        %get3A_81 = arith.constant 32 : index
        %get3A_82 = tpu.vector_load %arg10[%get3A_80, %get3A_81] {strides = array<i32>} : memref<128x128xf32, #tpu.memory_space<vmem>>, vector<1x16xf32>,
        %get3A_83 = vector.shape_cast %get3A_82 : vector<1x16xf32> to vector<16xf32>
        %add3A_84 = arith.addf %get3A_79, %get3A_83 : vector<16xf32>
        %max3A_85 = arith.constant 0.000000e+00 : f32
        %max3A_86 = vector.broadcast %max3A_85 : f32 to vector<16xf32>
        %max3A_87 = arith.maximumf %add3A_84, %max3A_86 : vector<16xf32>
        %convert_element_type3A_88 = arith.truncf %max3A_87 : vector<16xf32> to vector<16xbf16>
        %convert_element_type3A_89 = arith.extf %convert_element_type3A_88 : vector<16xbf16> to vector<16xf32>
        %swap3A_90 = arith.index_cast %add3A_41 : i32 to index
        %swap3A_91 = arith.constant 32 : index
        %swap3A_92 = tpu.vector_load %arg9[%swap3A_90, %swap3A_91] {strides = array<i32>} : memref<128x128xf32, #tpu.memory_space<vmem>>, vector<1x16xf32>,
        %swap3A_93 = vector.shape_cast %swap3A_92 : vector<1x16xf32> to vector<16xf32>
        %swap3A_94 = vector.shape_cast %convert_element_type3A_89 : vector<16xf32> to vector<1x16xf32>
        tpu.vector_store %arg9[%swap3A_90, %swap3A_91], %swap3A_94 {strides = array<i32>} : memref<128x128xf32, #tpu.memory_space<vmem>>, vector<1x16xf32>,
        %get3A_95 = arith.index_cast %add3A_41 : i32 to index
        %get3A_96 = arith.constant 48 : index
        %get3A_97 = tpu.vector_load %arg9[%get3A_95, %get3A_96] {strides = array<i32>} : memref<128x128xf32, #tpu.memory_space<vmem>>, vector<1x16xf32>,
        %get3A_98 = vector.shape_cast %get3A_97 : vector<1x16xf32> to vector<16xf32>
        %get3A_99 = arith.index_cast %add3A_41 : i32 to index
        %get3A_100 = arith.constant 48 : index
        %get3A_101 = tpu.vector_load %arg10[%get3A_99, %get3A_100] {strides = array<i32>} : memref<128x128xf32, #tpu.memory_space<vmem>>, vector<1x16xf32>,
        %get3A_102 = vector.shape_cast %get3A_101 : vector<1x16xf32> to vector<16xf32>
        %add3A_103 = arith.addf %get3A_98, %get3A_102 : vector<16xf32>
        %max3A_104 = arith.constant 0.000000e+00 : f32
        %max3A_105 = vector.broadcast %max3A_104 : f32 to vector<16xf32>
        %max3A_106 = arith.maximumf %add3A_103, %max3A_105 : vector<16xf32>
        %convert_element_type3A_107 = arith.truncf %max3A_106 : vector<16xf32> to vector<16xbf16>
        %convert_element_type3A_108 = arith.extf %convert_element_type3A_107 : vector<16xbf16> to vector<16xf32>
        %swap3A_109 = arith.index_cast %add3A_41 : i32 to index
        %swap3A_110 = arith.constant 48 : index
        %swap3A_111 = tpu.vector_load %arg9[%swap3A_109, %swap3A_110] {strides = array<i32>} : memref<128x128xf32, #tpu.memory_space<vmem>>, vector<1x16xf32>,
        %swap3A_112 = vector.shape_cast %swap3A_111 : vector<1x16xf32> to vector<16xf32>
        %swap3A_113 = vector.shape_cast %convert_element_type3A_108 : vector<16xf32> to vector<1x16xf32>
        tpu.vector_store %arg9[%swap3A_109, %swap3A_110], %swap3A_113 {strides = array<i32>} : memref<128x128xf32, #tpu.memory_space<vmem>>, vector<1x16xf32>,
        %get3A_114 = arith.index_cast %add3A_41 : i32 to index
        %get3A_115 = arith.constant 64 : index
        %get3A_116 = tpu.vector_load %arg9[%get3A_114, %get3A_115] {strides = array<i32>} : memref<128x128xf32, #tpu.memory_space<vmem>>, vector<1x16xf32>,
        %get3A_117 = vector.shape_cast %get3A_116 : vector<1x16xf32> to vector<16xf32>
        %get3A_118 = arith.index_cast %add3A_41 : i32 to index
        %get3A_119 = arith.constant 64 : index
        %get3A_120 = tpu.vector_load %arg10[%get3A_118, %get3A_119] {strides = array<i32>} : memref<128x128xf32, #tpu.memory_space<vmem>>, vector<1x16xf32>,
        %get3A_121 = vector.shape_cast %get3A_120 : vector<1x16xf32> to vector<16xf32>
        %add3A_122 = arith.addf %get3A_117, %get3A_121 : vector<16xf32>
        %max3A_123 = arith.constant 0.000000e+00 : f32
        %max3A_124 = vector.broadcast %max3A_123 : f32 to vector<16xf32>
        %max3A_125 = arith.maximumf %add3A_122, %max3A_124 : vector<16xf32>
        %convert_element_type3A_126 = arith.truncf %max3A_125 : vector<16xf32> to vector<16xbf16>
        %convert_element_type3A_127 = arith.extf %convert_element_type3A_126 : vector<16xbf16> to vector<16xf32>
        %swap3A_128 = arith.index_cast %add3A_41 : i32 to index
        %swap3A_129 = arith.constant 64 : index
        %swap3A_130 = tpu.vector_load %arg9[%swap3A_128, %swap3A_129] {strides = array<i32>} : memref<128x128xf32, #tpu.memory_space<vmem>>, vector<1x16xf32>,
        %swap3A_131 = vector.shape_cast %swap3A_130 : vector<1x16xf32> to vector<16xf32>
        %swap3A_132 = vector.shape_cast %convert_element_type3A_127 : vector<16xf32> to vector<1x16xf32>
        tpu.vector_store %arg9[%swap3A_128, %swap3A_129], %swap3A_132 {strides = array<i32>} : memref<128x128xf32, #tpu.memory_space<vmem>>, vector<1x16xf32>,
        %get3A_133 = arith.index_cast %add3A_41 : i32 to index
        %get3A_134 = arith.constant 80 : index
        %get3A_135 = tpu.vector_load %arg9[%get3A_133, %get3A_134] {strides = array<i32>} : memref<128x128xf32, #tpu.memory_space<vmem>>, vector<1x16xf32>,
        %get3A_136 = vector.shape_cast %get3A_135 : vector<1x16xf32> to vector<16xf32>
        %get3A_137 = arith.index_cast %add3A_41 : i32 to index
        %get3A_138 = arith.constant 80 : index
        %get3A_139 = tpu.vector_load %arg10[%get3A_137, %get3A_138] {strides = array<i32>} : memref<128x128xf32, #tpu.memory_space<vmem>>, vector<1x16xf32>,
        %get3A_140 = vector.shape_cast %get3A_139 : vector<1x16xf32> to vector<16xf32>
        %add3A_141 = arith.addf %get3A_136, %get3A_140 : vector<16xf32>
        %max3A_142 = arith.constant 0.000000e+00 : f32
        %max3A_143 = vector.broadcast %max3A_142 : f32 to vector<16xf32>
        %max3A_144 = arith.maximumf %add3A_141, %max3A_143 : vector<16xf32>
        %convert_element_type3A_145 = arith.truncf %max3A_144 : vector<16xf32> to vector<16xbf16>
        %convert_element_type3A_146 = arith.extf %convert_element_type3A_145 : vector<16xbf16> to vector<16xf32>
        %swap3A_147 = arith.index_cast %add3A_41 : i32 to index
        %swap3A_148 = arith.constant 80 : index
        %swap3A_149 = tpu.vector_load %arg9[%swap3A_147, %swap3A_148] {strides = array<i32>} : memref<128x128xf32, #tpu.memory_space<vmem>>, vector<1x16xf32>,
        %swap3A_150 = vector.shape_cast %swap3A_149 : vector<1x16xf32> to vector<16xf32>
        %swap3A_151 = vector.shape_cast %convert_element_type3A_146 : vector<16xf32> to vector<1x16xf32>
        tpu.vector_store %arg9[%swap3A_147, %swap3A_148], %swap3A_151 {strides = array<i32>} : memref<128x128xf32, #tpu.memory_space<vmem>>, vector<1x16xf32>,
        %get3A_152 = arith.index_cast %add3A_41 : i32 to index
        %get3A_153 = arith.constant 96 : index
        %get3A_154 = tpu.vector_load %arg9[%get3A_152, %get3A_153] {strides = array<i32>} : memref<128x128xf32, #tpu.memory_space<vmem>>, vector<1x16xf32>,
        %get3A_155 = vector.shape_cast %get3A_154 : vector<1x16xf32> to vector<16xf32>
        %get3A_156 = arith.index_cast %add3A_41 : i32 to index
        %get3A_157 = arith.constant 96 : index
        %get3A_158 = tpu.vector_load %arg10[%get3A_156, %get3A_157] {strides = array<i32>} : memref<128x128xf32, #tpu.memory_space<vmem>>, vector<1x16xf32>,
        %get3A_159 = vector.shape_cast %get3A_158 : vector<1x16xf32> to vector<16xf32>
        %add3A_160 = arith.addf %get3A_155, %get3A_159 : vector<16xf32>
        %max3A_161 = arith.constant 0.000000e+00 : f32
        %max3A_162 = vector.broadcast %max3A_161 : f32 to vector<16xf32>
        %max3A_163 = arith.maximumf %add3A_160, %max3A_162 : vector<16xf32>
        %convert_element_type3A_164 = arith.truncf %max3A_163 : vector<16xf32> to vector<16xbf16>
        %convert_element_type3A_165 = arith.extf %convert_element_type3A_164 : vector<16xbf16> to vector<16xf32>
        %swap3A_166 = arith.index_cast %add3A_41 : i32 to index
        %swap3A_167 = arith.constant 96 : index
        %swap3A_168 = tpu.vector_load %arg9[%swap3A_166, %swap3A_167] {strides = array<i32>} : memref<128x128xf32, #tpu.memory_space<vmem>>, vector<1x16xf32>,
        %swap3A_169 = vector.shape_cast %swap3A_168 : vector<1x16xf32> to vector<16xf32>
        %swap3A_170 = vector.shape_cast %convert_element_type3A_165 : vector<16xf32> to vector<1x16xf32>
        tpu.vector_store %arg9[%swap3A_166, %swap3A_167], %swap3A_170 {strides = array<i32>} : memref<128x128xf32, #tpu.memory_space<vmem>>, vector<1x16xf32>,
        %get3A_171 = arith.index_cast %add3A_41 : i32 to index
        %get3A_172 = arith.constant 112 : index
        %get3A_173 = tpu.vector_load %arg9[%get3A_171, %get3A_172] {strides = array<i32>} : memref<128x128xf32, #tpu.memory_space<vmem>>, vector<1x16xf32>,
        %get3A_174 = vector.shape_cast %get3A_173 : vector<1x16xf32> to vector<16xf32>
        %get3A_175 = arith.index_cast %add3A_41 : i32 to index
        %get3A_176 = arith.constant 112 : index
        %get3A_177 = tpu.vector_load %arg10[%get3A_175, %get3A_176] {strides = array<i32>} : memref<128x128xf32, #tpu.memory_space<vmem>>, vector<1x16xf32>,
        %get3A_178 = vector.shape_cast %get3A_177 : vector<1x16xf32> to vector<16xf32>
        %add3A_179 = arith.addf %get3A_174, %get3A_178 : vector<16xf32>
        %max3A_180 = arith.constant 0.000000e+00 : f32
        %max3A_181 = vector.broadcast %max3A_180 : f32 to vector<16xf32>
        %max3A_182 = arith.maximumf %add3A_179, %max3A_181 : vector<16xf32>
        %convert_element_type3A_183 = arith.truncf %max3A_182 : vector<16xf32> to vector<16xbf16>
        %convert_element_type3A_184 = arith.extf %convert_element_type3A_183 : vector<16xbf16> to vector<16xf32>
        %swap3A_185 = arith.index_cast %add3A_41 : i32 to index
        %swap3A_186 = arith.constant 112 : index
        %swap3A_187 = tpu.vector_load %arg9[%swap3A_185, %swap3A_186] {strides = array<i32>} : memref<128x128xf32, #tpu.memory_space<vmem>>, vector<1x16xf32>,
        %swap3A_188 = vector.shape_cast %swap3A_187 : vector<1x16xf32> to vector<16xf32>
        %swap3A_189 = vector.shape_cast %convert_element_type3A_184 : vector<16xf32> to vector<1x16xf32>
        tpu.vector_store %arg9[%swap3A_185, %swap3A_186], %swap3A_189 {strides = array<i32>} : memref<128x128xf32, #tpu.memory_space<vmem>>, vector<1x16xf32>,
      }
      %scan3A_36 = arith.constant 128 : i32
      "tpu.region"() ({
        %run_scoped3A_37 = tpu.sem_alloc : memref<!tpu.dma_semaphore, #tpu.memory_space<semaphore_mem>>
        %dma_start3A_38 = arith.constant 0 : i32
        %dma_start3A_39 = tpu.memref_slice %arg6[%add3A_15, %dma_start3A_38] : memref<327680x128xf32, #tpu.memory_space<hbm>> -> memref<128x128xf32, #tpu.memory_space<hbm>>
        %dma_start3A_40 = arith.constant 0 : i32
        %dma_start3A_41 = tpu.memref_slice %arg6[%add3A_15, %dma_start3A_40] : memref<327680x128xf32, #tpu.memory_space<hbm>> -> memref<128x128xf32, #tpu.memory_space<hbm>>
        tpu.enqueue_dma source(%arg9 : memref<128x128xf32, #tpu.memory_space<vmem>>) target(%dma_start3A_41 : memref<128x128xf32, #tpu.memory_space<hbm>>) target_semaphore(%run_scoped3A_37 : memref<!tpu.dma_semaphore, #tpu.memory_space<semaphore_mem>>)
        %dma_wait3A_42 = arith.constant 0 : i32
        %dma_wait3A_43 = tpu.memref_slice %arg6[%add3A_15, %dma_wait3A_42] : memref<327680x128xf32, #tpu.memory_space<hbm>> -> memref<128x128xf32, #tpu.memory_space<hbm>>
        %dma_wait3A_44 = arith.constant 0 : i32
        %dma_wait3A_45 = tpu.memref_slice %arg6[%add3A_15, %dma_wait3A_44] : memref<327680x128xf32, #tpu.memory_space<hbm>> -> memref<128x128xf32, #tpu.memory_space<hbm>>
        tpu.wait_dma2 semaphore(%run_scoped3A_37 : memref<!tpu.dma_semaphore, #tpu.memory_space<semaphore_mem>>) src(%arg9 : memref<128x128xf32, #tpu.memory_space<vmem>>) dst(%dma_wait3A_45 : memref<128x128xf32, #tpu.memory_space<hbm>>)
        tpu.yield
      }) : () -> ()
    }
    %scan3A_7 = arith.constant 80 : i32
    return
  }
}

#map = affine_map<(d0, d1) -> (0, 0, 0, 0)>
#map1 = affine_map<(d0, d1) -> (0, 0)>
#map2 = affine_map<(d0, d1) -> (0, 0, 0)>
module attributes {stable_mosaic.version = 14 : i64} {
  func.func @k(%arg0: i32, %arg1: i32, %arg2: memref<32x80x1x128xi32, #tpu.memory_space<hbm>>, %arg3: memref<327680x128xf32, #tpu.memory_space<hbm>>, %arg4: memref<2x10000x128xf32, #tpu.memory_space<hbm>>, %arg5: memref<80x1x128xi32, #tpu.memory_space<vmem>>, %arg6: memref<128x128xf32, #tpu.memory_space<vmem>>, %arg7: memref<10240x128xf32, #tpu.memory_space<vmem_shared>>, %arg8: memref<!tpu.dma_semaphore, #tpu.memory_space<semaphore_mem>>) attributes {dimension_semantics = [#tpu.dimension_semantics<core_parallel>, #tpu.dimension_semantics<subcore_parallel>], iteration_bounds = array<i64: 2, 16>, scalar_prefetch = 0 : i64, scratch_operands = 4 : i64, tpu.core_type = #tpu.core_type<sc_vector_subcore>, window_params = [{transform_indices = #map}, {transform_indices = #map1}, {transform_indices = #map2}]} {
    %scan3A = arith.constant 0 : i32
    %scan3A_0 = arith.constant 128 : i32
    %scan3A_1 = arith.addi %scan3A, %scan3A_0 : i32
    %scan3A_2 = arith.constant 1 : i32
    scf.for %scan3A_37 = %scan3A to %scan3A_1 step %scan3A_2  : i32 {
      %mul3A_38 = arith.constant 1 : i32
      %mul3A_39 = arith.muli %scan3A_37, %mul3A_38 : i32
      %add3A_40 = arith.constant 0 : i32
      %add3A_41 = arith.addi %add3A_40, %mul3A_39 : i32
      %broadcast_in_dim3A = arith.constant 0.000000e+00 : f32
      %broadcast_in_dim3A_42 = vector.broadcast %broadcast_in_dim3A : f32 to vector<16xf32>
      %swap3A = arith.index_cast %add3A_41 : i32 to index
      %swap3A_43 = arith.constant 0 : index
      %swap3A_44 = tpu.vector_load %arg6[%swap3A, %swap3A_43] {strides = array<i32>} : memref<128x128xf32, #tpu.memory_space<vmem>>, vector<1x16xf32>,
      %swap3A_45 = vector.shape_cast %swap3A_44 : vector<1x16xf32> to vector<16xf32>
      %swap3A_46 = vector.shape_cast %broadcast_in_dim3A_42 : vector<16xf32> to vector<1x16xf32>
      tpu.vector_store %arg6[%swap3A, %swap3A_43], %swap3A_46 {strides = array<i32>} : memref<128x128xf32, #tpu.memory_space<vmem>>, vector<1x16xf32>,
      %broadcast_in_dim3A_47 = arith.constant 0.000000e+00 : f32
      %broadcast_in_dim3A_48 = vector.broadcast %broadcast_in_dim3A_47 : f32 to vector<16xf32>
      %swap3A_49 = arith.index_cast %add3A_41 : i32 to index
      %swap3A_50 = arith.constant 16 : index
      %swap3A_51 = tpu.vector_load %arg6[%swap3A_49, %swap3A_50] {strides = array<i32>} : memref<128x128xf32, #tpu.memory_space<vmem>>, vector<1x16xf32>,
      %swap3A_52 = vector.shape_cast %swap3A_51 : vector<1x16xf32> to vector<16xf32>
      %swap3A_53 = vector.shape_cast %broadcast_in_dim3A_48 : vector<16xf32> to vector<1x16xf32>
      tpu.vector_store %arg6[%swap3A_49, %swap3A_50], %swap3A_53 {strides = array<i32>} : memref<128x128xf32, #tpu.memory_space<vmem>>, vector<1x16xf32>,
      %broadcast_in_dim3A_54 = arith.constant 0.000000e+00 : f32
      %broadcast_in_dim3A_55 = vector.broadcast %broadcast_in_dim3A_54 : f32 to vector<16xf32>
      %swap3A_56 = arith.index_cast %add3A_41 : i32 to index
      %swap3A_57 = arith.constant 32 : index
      %swap3A_58 = tpu.vector_load %arg6[%swap3A_56, %swap3A_57] {strides = array<i32>} : memref<128x128xf32, #tpu.memory_space<vmem>>, vector<1x16xf32>,
      %swap3A_59 = vector.shape_cast %swap3A_58 : vector<1x16xf32> to vector<16xf32>
      %swap3A_60 = vector.shape_cast %broadcast_in_dim3A_55 : vector<16xf32> to vector<1x16xf32>
      tpu.vector_store %arg6[%swap3A_56, %swap3A_57], %swap3A_60 {strides = array<i32>} : memref<128x128xf32, #tpu.memory_space<vmem>>, vector<1x16xf32>,
      %broadcast_in_dim3A_61 = arith.constant 0.000000e+00 : f32
      %broadcast_in_dim3A_62 = vector.broadcast %broadcast_in_dim3A_61 : f32 to vector<16xf32>
      %swap3A_63 = arith.index_cast %add3A_41 : i32 to index
      %swap3A_64 = arith.constant 48 : index
      %swap3A_65 = tpu.vector_load %arg6[%swap3A_63, %swap3A_64] {strides = array<i32>} : memref<128x128xf32, #tpu.memory_space<vmem>>, vector<1x16xf32>,
      %swap3A_66 = vector.shape_cast %swap3A_65 : vector<1x16xf32> to vector<16xf32>
      %swap3A_67 = vector.shape_cast %broadcast_in_dim3A_62 : vector<16xf32> to vector<1x16xf32>
      tpu.vector_store %arg6[%swap3A_63, %swap3A_64], %swap3A_67 {strides = array<i32>} : memref<128x128xf32, #tpu.memory_space<vmem>>, vector<1x16xf32>,
      %broadcast_in_dim3A_68 = arith.constant 0.000000e+00 : f32
      %broadcast_in_dim3A_69 = vector.broadcast %broadcast_in_dim3A_68 : f32 to vector<16xf32>
      %swap3A_70 = arith.index_cast %add3A_41 : i32 to index
      %swap3A_71 = arith.constant 64 : index
      %swap3A_72 = tpu.vector_load %arg6[%swap3A_70, %swap3A_71] {strides = array<i32>} : memref<128x128xf32, #tpu.memory_space<vmem>>, vector<1x16xf32>,
      %swap3A_73 = vector.shape_cast %swap3A_72 : vector<1x16xf32> to vector<16xf32>
      %swap3A_74 = vector.shape_cast %broadcast_in_dim3A_69 : vector<16xf32> to vector<1x16xf32>
      tpu.vector_store %arg6[%swap3A_70, %swap3A_71], %swap3A_74 {strides = array<i32>} : memref<128x128xf32, #tpu.memory_space<vmem>>, vector<1x16xf32>,
      %broadcast_in_dim3A_75 = arith.constant 0.000000e+00 : f32
      %broadcast_in_dim3A_76 = vector.broadcast %broadcast_in_dim3A_75 : f32 to vector<16xf32>
      %swap3A_77 = arith.index_cast %add3A_41 : i32 to index
      %swap3A_78 = arith.constant 80 : index
      %swap3A_79 = tpu.vector_load %arg6[%swap3A_77, %swap3A_78] {strides = array<i32>} : memref<128x128xf32, #tpu.memory_space<vmem>>, vector<1x16xf32>,
      %swap3A_80 = vector.shape_cast %swap3A_79 : vector<1x16xf32> to vector<16xf32>
      %swap3A_81 = vector.shape_cast %broadcast_in_dim3A_76 : vector<16xf32> to vector<1x16xf32>
      tpu.vector_store %arg6[%swap3A_77, %swap3A_78], %swap3A_81 {strides = array<i32>} : memref<128x128xf32, #tpu.memory_space<vmem>>, vector<1x16xf32>,
      %broadcast_in_dim3A_82 = arith.constant 0.000000e+00 : f32
      %broadcast_in_dim3A_83 = vector.broadcast %broadcast_in_dim3A_82 : f32 to vector<16xf32>
      %swap3A_84 = arith.index_cast %add3A_41 : i32 to index
      %swap3A_85 = arith.constant 96 : index
      %swap3A_86 = tpu.vector_load %arg6[%swap3A_84, %swap3A_85] {strides = array<i32>} : memref<128x128xf32, #tpu.memory_space<vmem>>, vector<1x16xf32>,
      %swap3A_87 = vector.shape_cast %swap3A_86 : vector<1x16xf32> to vector<16xf32>
      %swap3A_88 = vector.shape_cast %broadcast_in_dim3A_83 : vector<16xf32> to vector<1x16xf32>
      tpu.vector_store %arg6[%swap3A_84, %swap3A_85], %swap3A_88 {strides = array<i32>} : memref<128x128xf32, #tpu.memory_space<vmem>>, vector<1x16xf32>,
      %broadcast_in_dim3A_89 = arith.constant 0.000000e+00 : f32
      %broadcast_in_dim3A_90 = vector.broadcast %broadcast_in_dim3A_89 : f32 to vector<16xf32>
      %swap3A_91 = arith.index_cast %add3A_41 : i32 to index
      %swap3A_92 = arith.constant 112 : index
      %swap3A_93 = tpu.vector_load %arg6[%swap3A_91, %swap3A_92] {strides = array<i32>} : memref<128x128xf32, #tpu.memory_space<vmem>>, vector<1x16xf32>,
      %swap3A_94 = vector.shape_cast %swap3A_93 : vector<1x16xf32> to vector<16xf32>
      %swap3A_95 = vector.shape_cast %broadcast_in_dim3A_90 : vector<16xf32> to vector<1x16xf32>
      tpu.vector_store %arg6[%swap3A_91, %swap3A_92], %swap3A_95 {strides = array<i32>} : memref<128x128xf32, #tpu.memory_space<vmem>>, vector<1x16xf32>,
    }
    %scan3A_3 = arith.constant 128 : i32
    %mul3A = arith.constant 640 : i32
    %mul3A_4 = arith.muli %arg1, %mul3A : i32
    %add3A = arith.constant 0 : i32
    %add3A_5 = arith.addi %mul3A_4, %add3A : i32
    "tpu.region"() ({
      %run_scoped3A = tpu.sem_alloc : memref<!tpu.dma_semaphore, #tpu.memory_space<semaphore_mem>>
      %dma_start3A = arith.constant 0 : i32
      %dma_start3A_37 = tpu.memref_slice %arg7[%add3A_5, %dma_start3A] : memref<10240x128xf32, #tpu.memory_space<vmem_shared>> -> memref<128x128xf32, #tpu.memory_space<vmem_shared>>
      %dma_start3A_38 = arith.constant 0 : i32
      %dma_start3A_39 = tpu.memref_slice %arg7[%add3A_5, %dma_start3A_38] : memref<10240x128xf32, #tpu.memory_space<vmem_shared>> -> memref<128x128xf32, #tpu.memory_space<vmem_shared>>
      tpu.enqueue_dma source(%arg6 : memref<128x128xf32, #tpu.memory_space<vmem>>) target(%dma_start3A_39 : memref<128x128xf32, #tpu.memory_space<vmem_shared>>) target_semaphore(%run_scoped3A : memref<!tpu.dma_semaphore, #tpu.memory_space<semaphore_mem>>)
      %dma_wait3A = arith.constant 0 : i32
      %dma_wait3A_40 = tpu.memref_slice %arg7[%add3A_5, %dma_wait3A] : memref<10240x128xf32, #tpu.memory_space<vmem_shared>> -> memref<128x128xf32, #tpu.memory_space<vmem_shared>>
      %dma_wait3A_41 = arith.constant 0 : i32
      %dma_wait3A_42 = tpu.memref_slice %arg7[%add3A_5, %dma_wait3A_41] : memref<10240x128xf32, #tpu.memory_space<vmem_shared>> -> memref<128x128xf32, #tpu.memory_space<vmem_shared>>
      tpu.wait_dma2 semaphore(%run_scoped3A : memref<!tpu.dma_semaphore, #tpu.memory_space<semaphore_mem>>) src(%arg6 : memref<128x128xf32, #tpu.memory_space<vmem>>) dst(%dma_wait3A_42 : memref<128x128xf32, #tpu.memory_space<vmem_shared>>)
      tpu.yield
    }) : () -> ()
    %mul3A_6 = arith.constant 640 : i32
    %mul3A_7 = arith.muli %arg1, %mul3A_6 : i32
    %add3A_8 = arith.constant 128 : i32
    %add3A_9 = arith.addi %mul3A_7, %add3A_8 : i32
    "tpu.region"() ({
      %run_scoped3A = tpu.sem_alloc : memref<!tpu.dma_semaphore, #tpu.memory_space<semaphore_mem>>
      %dma_start3A = arith.constant 0 : i32
      %dma_start3A_37 = tpu.memref_slice %arg7[%add3A_9, %dma_start3A] : memref<10240x128xf32, #tpu.memory_space<vmem_shared>> -> memref<128x128xf32, #tpu.memory_space<vmem_shared>>
      %dma_start3A_38 = arith.constant 0 : i32
      %dma_start3A_39 = tpu.memref_slice %arg7[%add3A_9, %dma_start3A_38] : memref<10240x128xf32, #tpu.memory_space<vmem_shared>> -> memref<128x128xf32, #tpu.memory_space<vmem_shared>>
      tpu.enqueue_dma source(%arg6 : memref<128x128xf32, #tpu.memory_space<vmem>>) target(%dma_start3A_39 : memref<128x128xf32, #tpu.memory_space<vmem_shared>>) target_semaphore(%run_scoped3A : memref<!tpu.dma_semaphore, #tpu.memory_space<semaphore_mem>>)
      %dma_wait3A = arith.constant 0 : i32
      %dma_wait3A_40 = tpu.memref_slice %arg7[%add3A_9, %dma_wait3A] : memref<10240x128xf32, #tpu.memory_space<vmem_shared>> -> memref<128x128xf32, #tpu.memory_space<vmem_shared>>
      %dma_wait3A_41 = arith.constant 0 : i32
      %dma_wait3A_42 = tpu.memref_slice %arg7[%add3A_9, %dma_wait3A_41] : memref<10240x128xf32, #tpu.memory_space<vmem_shared>> -> memref<128x128xf32, #tpu.memory_space<vmem_shared>>
      tpu.wait_dma2 semaphore(%run_scoped3A : memref<!tpu.dma_semaphore, #tpu.memory_space<semaphore_mem>>) src(%arg6 : memref<128x128xf32, #tpu.memory_space<vmem>>) dst(%dma_wait3A_42 : memref<128x128xf32, #tpu.memory_space<vmem_shared>>)
      tpu.yield
    }) : () -> ()
    %mul3A_10 = arith.constant 640 : i32
    %mul3A_11 = arith.muli %arg1, %mul3A_10 : i32
    %add3A_12 = arith.constant 256 : i32
    %add3A_13 = arith.addi %mul3A_11, %add3A_12 : i32
    "tpu.region"() ({
      %run_scoped3A = tpu.sem_alloc : memref<!tpu.dma_semaphore, #tpu.memory_space<semaphore_mem>>
      %dma_start3A = arith.constant 0 : i32
      %dma_start3A_37 = tpu.memref_slice %arg7[%add3A_13, %dma_start3A] : memref<10240x128xf32, #tpu.memory_space<vmem_shared>> -> memref<128x128xf32, #tpu.memory_space<vmem_shared>>
      %dma_start3A_38 = arith.constant 0 : i32
      %dma_start3A_39 = tpu.memref_slice %arg7[%add3A_13, %dma_start3A_38] : memref<10240x128xf32, #tpu.memory_space<vmem_shared>> -> memref<128x128xf32, #tpu.memory_space<vmem_shared>>
      tpu.enqueue_dma source(%arg6 : memref<128x128xf32, #tpu.memory_space<vmem>>) target(%dma_start3A_39 : memref<128x128xf32, #tpu.memory_space<vmem_shared>>) target_semaphore(%run_scoped3A : memref<!tpu.dma_semaphore, #tpu.memory_space<semaphore_mem>>)
      %dma_wait3A = arith.constant 0 : i32
      %dma_wait3A_40 = tpu.memref_slice %arg7[%add3A_13, %dma_wait3A] : memref<10240x128xf32, #tpu.memory_space<vmem_shared>> -> memref<128x128xf32, #tpu.memory_space<vmem_shared>>
      %dma_wait3A_41 = arith.constant 0 : i32
      %dma_wait3A_42 = tpu.memref_slice %arg7[%add3A_13, %dma_wait3A_41] : memref<10240x128xf32, #tpu.memory_space<vmem_shared>> -> memref<128x128xf32, #tpu.memory_space<vmem_shared>>
      tpu.wait_dma2 semaphore(%run_scoped3A : memref<!tpu.dma_semaphore, #tpu.memory_space<semaphore_mem>>) src(%arg6 : memref<128x128xf32, #tpu.memory_space<vmem>>) dst(%dma_wait3A_42 : memref<128x128xf32, #tpu.memory_space<vmem_shared>>)
      tpu.yield
    }) : () -> ()
    %mul3A_14 = arith.constant 640 : i32
    %mul3A_15 = arith.muli %arg1, %mul3A_14 : i32
    %add3A_16 = arith.constant 384 : i32
    %add3A_17 = arith.addi %mul3A_15, %add3A_16 : i32
    "tpu.region"() ({
      %run_scoped3A = tpu.sem_alloc : memref<!tpu.dma_semaphore, #tpu.memory_space<semaphore_mem>>
      %dma_start3A = arith.constant 0 : i32
      %dma_start3A_37 = tpu.memref_slice %arg7[%add3A_17, %dma_start3A] : memref<10240x128xf32, #tpu.memory_space<vmem_shared>> -> memref<128x128xf32, #tpu.memory_space<vmem_shared>>
      %dma_start3A_38 = arith.constant 0 : i32
      %dma_start3A_39 = tpu.memref_slice %arg7[%add3A_17, %dma_start3A_38] : memref<10240x128xf32, #tpu.memory_space<vmem_shared>> -> memref<128x128xf32, #tpu.memory_space<vmem_shared>>
      tpu.enqueue_dma source(%arg6 : memref<128x128xf32, #tpu.memory_space<vmem>>) target(%dma_start3A_39 : memref<128x128xf32, #tpu.memory_space<vmem_shared>>) target_semaphore(%run_scoped3A : memref<!tpu.dma_semaphore, #tpu.memory_space<semaphore_mem>>)
      %dma_wait3A = arith.constant 0 : i32
      %dma_wait3A_40 = tpu.memref_slice %arg7[%add3A_17, %dma_wait3A] : memref<10240x128xf32, #tpu.memory_space<vmem_shared>> -> memref<128x128xf32, #tpu.memory_space<vmem_shared>>
      %dma_wait3A_41 = arith.constant 0 : i32
      %dma_wait3A_42 = tpu.memref_slice %arg7[%add3A_17, %dma_wait3A_41] : memref<10240x128xf32, #tpu.memory_space<vmem_shared>> -> memref<128x128xf32, #tpu.memory_space<vmem_shared>>
      tpu.wait_dma2 semaphore(%run_scoped3A : memref<!tpu.dma_semaphore, #tpu.memory_space<semaphore_mem>>) src(%arg6 : memref<128x128xf32, #tpu.memory_space<vmem>>) dst(%dma_wait3A_42 : memref<128x128xf32, #tpu.memory_space<vmem_shared>>)
      tpu.yield
    }) : () -> ()
    %mul3A_18 = arith.constant 640 : i32
    %mul3A_19 = arith.muli %arg1, %mul3A_18 : i32
    %add3A_20 = arith.constant 512 : i32
    %add3A_21 = arith.addi %mul3A_19, %add3A_20 : i32
    "tpu.region"() ({
      %run_scoped3A = tpu.sem_alloc : memref<!tpu.dma_semaphore, #tpu.memory_space<semaphore_mem>>
      %dma_start3A = arith.constant 0 : i32
      %dma_start3A_37 = tpu.memref_slice %arg7[%add3A_21, %dma_start3A] : memref<10240x128xf32, #tpu.memory_space<vmem_shared>> -> memref<128x128xf32, #tpu.memory_space<vmem_shared>>
      %dma_start3A_38 = arith.constant 0 : i32
      %dma_start3A_39 = tpu.memref_slice %arg7[%add3A_21, %dma_start3A_38] : memref<10240x128xf32, #tpu.memory_space<vmem_shared>> -> memref<128x128xf32, #tpu.memory_space<vmem_shared>>
      tpu.enqueue_dma source(%arg6 : memref<128x128xf32, #tpu.memory_space<vmem>>) target(%dma_start3A_39 : memref<128x128xf32, #tpu.memory_space<vmem_shared>>) target_semaphore(%run_scoped3A : memref<!tpu.dma_semaphore, #tpu.memory_space<semaphore_mem>>)
      %dma_wait3A = arith.constant 0 : i32
      %dma_wait3A_40 = tpu.memref_slice %arg7[%add3A_21, %dma_wait3A] : memref<10240x128xf32, #tpu.memory_space<vmem_shared>> -> memref<128x128xf32, #tpu.memory_space<vmem_shared>>
      %dma_wait3A_41 = arith.constant 0 : i32
      %dma_wait3A_42 = tpu.memref_slice %arg7[%add3A_21, %dma_wait3A_41] : memref<10240x128xf32, #tpu.memory_space<vmem_shared>> -> memref<128x128xf32, #tpu.memory_space<vmem_shared>>
      tpu.wait_dma2 semaphore(%run_scoped3A : memref<!tpu.dma_semaphore, #tpu.memory_space<semaphore_mem>>) src(%arg6 : memref<128x128xf32, #tpu.memory_space<vmem>>) dst(%dma_wait3A_42 : memref<128x128xf32, #tpu.memory_space<vmem_shared>>)
      tpu.yield
    }) : () -> ()
    %barrier3A = arith.constant 0 : index
    tpu.barrier barrier_id(%barrier3A)
    %mul3A_22 = arith.constant 2 : i32
    %mul3A_23 = arith.muli %arg1, %mul3A_22 : i32
    %add3A_24 = arith.addi %mul3A_23, %arg0 : i32
    %mul3A_25 = arith.constant 10240 : i32
    %mul3A_26 = arith.muli %add3A_24, %mul3A_25 : i32
    "tpu.region"() ({
      %run_scoped3A = tpu.sem_alloc : memref<!tpu.dma_semaphore, #tpu.memory_space<semaphore_mem>>
      %dma_start3A = arith.constant 0 : i32
      %dma_start3A_37 = arith.constant 0 : i32
      %dma_start3A_38 = arith.constant 0 : i32
      %dma_start3A_39 = tpu.memref_slice %arg2[%add3A_24, %dma_start3A, %dma_start3A_37, %dma_start3A_38] : memref<32x80x1x128xi32, #tpu.memory_space<hbm>> -> memref<1x80x1x128xi32, #tpu.memory_space<hbm>>
      %dma_start3A_40 = tpu.memref_squeeze %dma_start3A_39 : memref<1x80x1x128xi32, #tpu.memory_space<hbm>> -> memref<80x1x128xi32, #tpu.memory_space<hbm>>
      %dma_start3A_41 = arith.constant 0 : i32
      %dma_start3A_42 = arith.constant 0 : i32
      %dma_start3A_43 = arith.constant 0 : i32
      %dma_start3A_44 = tpu.memref_slice %arg2[%add3A_24, %dma_start3A_41, %dma_start3A_42, %dma_start3A_43] : memref<32x80x1x128xi32, #tpu.memory_space<hbm>> -> memref<1x80x1x128xi32, #tpu.memory_space<hbm>>
      %dma_start3A_45 = tpu.memref_squeeze %dma_start3A_44 : memref<1x80x1x128xi32, #tpu.memory_space<hbm>> -> memref<80x1x128xi32, #tpu.memory_space<hbm>>
      tpu.enqueue_dma source(%dma_start3A_45 : memref<80x1x128xi32, #tpu.memory_space<hbm>>) target(%arg5 : memref<80x1x128xi32, #tpu.memory_space<vmem>>) target_semaphore(%run_scoped3A : memref<!tpu.dma_semaphore, #tpu.memory_space<semaphore_mem>>)
      %dma_wait3A = arith.constant 0 : i32
      %dma_wait3A_46 = arith.constant 0 : i32
      %dma_wait3A_47 = arith.constant 0 : i32
      %dma_wait3A_48 = tpu.memref_slice %arg2[%add3A_24, %dma_wait3A, %dma_wait3A_46, %dma_wait3A_47] : memref<32x80x1x128xi32, #tpu.memory_space<hbm>> -> memref<1x80x1x128xi32, #tpu.memory_space<hbm>>
      %dma_wait3A_49 = tpu.memref_squeeze %dma_wait3A_48 : memref<1x80x1x128xi32, #tpu.memory_space<hbm>> -> memref<80x1x128xi32, #tpu.memory_space<hbm>>
      %dma_wait3A_50 = arith.constant 0 : i32
      %dma_wait3A_51 = arith.constant 0 : i32
      %dma_wait3A_52 = arith.constant 0 : i32
      %dma_wait3A_53 = tpu.memref_slice %arg2[%add3A_24, %dma_wait3A_50, %dma_wait3A_51, %dma_wait3A_52] : memref<32x80x1x128xi32, #tpu.memory_space<hbm>> -> memref<1x80x1x128xi32, #tpu.memory_space<hbm>>
      %dma_wait3A_54 = tpu.memref_squeeze %dma_wait3A_53 : memref<1x80x1x128xi32, #tpu.memory_space<hbm>> -> memref<80x1x128xi32, #tpu.memory_space<hbm>>
      tpu.wait_dma2 semaphore(%run_scoped3A : memref<!tpu.dma_semaphore, #tpu.memory_space<semaphore_mem>>) src(%dma_wait3A_54 : memref<80x1x128xi32, #tpu.memory_space<hbm>>) dst(%arg5 : memref<80x1x128xi32, #tpu.memory_space<vmem>>)
      tpu.yield
    }) : () -> ()
    %scan3A_27 = arith.constant 0 : i32
    %scan3A_28 = arith.constant 80 : i32
    %scan3A_29 = arith.addi %scan3A_27, %scan3A_28 : i32
    %scan3A_30 = arith.constant 1 : i32
    scf.for %scan3A_37 = %scan3A_27 to %scan3A_29 step %scan3A_30  : i32 {
      %mul3A_38 = arith.constant 1 : i32
      %mul3A_39 = arith.muli %scan3A_37, %mul3A_38 : i32
      %add3A_40 = arith.constant 0 : i32
      %add3A_41 = arith.addi %add3A_40, %mul3A_39 : i32
      %mul3A_42 = arith.constant 128 : i32
      %mul3A_43 = arith.muli %add3A_41, %mul3A_42 : i32
      %add3A_44 = arith.addi %mul3A_26, %mul3A_43 : i32
      %dma_start3A = arith.constant 0 : i32
      %dma_start3A_45 = tpu.memref_slice %arg3[%add3A_44, %dma_start3A] : memref<327680x128xf32, #tpu.memory_space<hbm>> -> memref<128x128xf32, #tpu.memory_space<hbm>>
      %dma_start3A_46 = arith.constant 0 : i32
      %dma_start3A_47 = tpu.memref_slice %arg3[%add3A_44, %dma_start3A_46] : memref<327680x128xf32, #tpu.memory_space<hbm>> -> memref<128x128xf32, #tpu.memory_space<hbm>>
      tpu.enqueue_dma source(%dma_start3A_47 : memref<128x128xf32, #tpu.memory_space<hbm>>) target(%arg6 : memref<128x128xf32, #tpu.memory_space<vmem>>) target_semaphore(%arg8 : memref<!tpu.dma_semaphore, #tpu.memory_space<semaphore_mem>>)
      %dma_wait3A = arith.constant 0 : i32
      %dma_wait3A_48 = tpu.memref_slice %arg3[%add3A_44, %dma_wait3A] : memref<327680x128xf32, #tpu.memory_space<hbm>> -> memref<128x128xf32, #tpu.memory_space<hbm>>
      %dma_wait3A_49 = arith.constant 0 : i32
      %dma_wait3A_50 = tpu.memref_slice %arg3[%add3A_44, %dma_wait3A_49] : memref<327680x128xf32, #tpu.memory_space<hbm>> -> memref<128x128xf32, #tpu.memory_space<hbm>>
      tpu.wait_dma2 semaphore(%arg8 : memref<!tpu.dma_semaphore, #tpu.memory_space<semaphore_mem>>) src(%dma_wait3A_50 : memref<128x128xf32, #tpu.memory_space<hbm>>) dst(%arg6 : memref<128x128xf32, #tpu.memory_space<vmem>>)
      %run_scoped3A = arith.constant 0 : i32
      "tpu.region"() ({
        %run_scoped3A_51 = tpu.sem_alloc : memref<!tpu.dma_semaphore, #tpu.memory_space<semaphore_mem>>
        %dma_start3A_52 = arith.constant 0 : i32
        %dma_start3A_53 = tpu.memref_slice %arg5[%add3A_41, %run_scoped3A, %dma_start3A_52] : memref<80x1x128xi32, #tpu.memory_space<vmem>> -> memref<1x1x128xi32, #tpu.memory_space<vmem>>
        %dma_start3A_54 = tpu.memref_squeeze %dma_start3A_53 : memref<1x1x128xi32, #tpu.memory_space<vmem>> -> memref<128xi32, #tpu.memory_space<vmem>>
        %dma_start3A_55 = arith.constant 0 : i32
        %dma_start3A_56 = arith.constant 0 : i32
        %dma_start3A_57 = tpu.memref_slice %arg7[%dma_start3A_55, %dma_start3A_56] : memref<10240x128xf32, #tpu.memory_space<vmem_shared>> -> memref<10240x128xf32, #tpu.memory_space<vmem_shared>>
        tpu.enqueue_indirect_dma source(%arg6 : memref<128x128xf32, #tpu.memory_space<vmem>>) target(%dma_start3A_57 : memref<10240x128xf32, #tpu.memory_space<vmem_shared>>) offsets(%dma_start3A_54 : memref<128xi32, #tpu.memory_space<vmem>>) semaphore(%run_scoped3A_51 : memref<!tpu.dma_semaphore, #tpu.memory_space<semaphore_mem>>) {add = true}
        %dma_wait3A_58 = arith.constant 0 : i32
        %dma_wait3A_59 = tpu.memref_slice %arg5[%add3A_41, %run_scoped3A, %dma_wait3A_58] : memref<80x1x128xi32, #tpu.memory_space<vmem>> -> memref<1x1x128xi32, #tpu.memory_space<vmem>>
        %dma_wait3A_60 = tpu.memref_squeeze %dma_wait3A_59 : memref<1x1x128xi32, #tpu.memory_space<vmem>> -> memref<128xi32, #tpu.memory_space<vmem>>
        %dma_wait3A_61 = arith.constant 0 : i32
        %dma_wait3A_62 = arith.constant 0 : i32
        %dma_wait3A_63 = tpu.memref_slice %arg7[%dma_wait3A_61, %dma_wait3A_62] : memref<10240x128xf32, #tpu.memory_space<vmem_shared>> -> memref<10240x128xf32, #tpu.memory_space<vmem_shared>>
        tpu.wait_indirect_dma semaphore(%run_scoped3A_51 : memref<!tpu.dma_semaphore, #tpu.memory_space<semaphore_mem>>) src(%arg6 : memref<128x128xf32, #tpu.memory_space<vmem>>) dst(%dma_wait3A_63 : memref<10240x128xf32, #tpu.memory_space<vmem_shared>>)
        tpu.yield
      }) : () -> ()
    }
    %scan3A_31 = arith.constant 80 : i32
    %barrier3A_32 = arith.constant 0 : index
    tpu.barrier barrier_id(%barrier3A_32)
    %mul3A_33 = arith.constant 624 : i32
    %mul3A_34 = arith.muli %arg1, %mul3A_33 : i32
    %mul3A_35 = arith.constant 624 : i32
    %mul3A_36 = arith.muli %arg1, %mul3A_35 : i32
    "tpu.region"() ({
      %run_scoped3A = tpu.sem_alloc : memref<!tpu.dma_semaphore, #tpu.memory_space<semaphore_mem>>
      %dma_start3A = arith.constant 0 : i32
      %dma_start3A_37 = tpu.memref_slice %arg4[%arg0, %mul3A_36, %dma_start3A] : memref<2x10000x128xf32, #tpu.memory_space<hbm>> -> memref<1x640x128xf32, #tpu.memory_space<hbm>>
      %dma_start3A_38 = tpu.memref_squeeze %dma_start3A_37 : memref<1x640x128xf32, #tpu.memory_space<hbm>> -> memref<640x128xf32, #tpu.memory_space<hbm>>
      %dma_start3A_39 = arith.constant 0 : i32
      %dma_start3A_40 = tpu.memref_slice %arg7[%mul3A_34, %dma_start3A_39] : memref<10240x128xf32, #tpu.memory_space<vmem_shared>> -> memref<640x128xf32, #tpu.memory_space<vmem_shared>>
      tpu.enqueue_dma source(%dma_start3A_40 : memref<640x128xf32, #tpu.memory_space<vmem_shared>>) target(%dma_start3A_38 : memref<640x128xf32, #tpu.memory_space<hbm>>) target_semaphore(%run_scoped3A : memref<!tpu.dma_semaphore, #tpu.memory_space<semaphore_mem>>)
      %dma_wait3A = arith.constant 0 : i32
      %dma_wait3A_41 = tpu.memref_slice %arg4[%arg0, %mul3A_36, %dma_wait3A] : memref<2x10000x128xf32, #tpu.memory_space<hbm>> -> memref<1x640x128xf32, #tpu.memory_space<hbm>>
      %dma_wait3A_42 = tpu.memref_squeeze %dma_wait3A_41 : memref<1x640x128xf32, #tpu.memory_space<hbm>> -> memref<640x128xf32, #tpu.memory_space<hbm>>
      %dma_wait3A_43 = arith.constant 0 : i32
      %dma_wait3A_44 = tpu.memref_slice %arg7[%mul3A_34, %dma_wait3A_43] : memref<10240x128xf32, #tpu.memory_space<vmem_shared>> -> memref<640x128xf32, #tpu.memory_space<vmem_shared>>
      tpu.wait_dma2 semaphore(%run_scoped3A : memref<!tpu.dma_semaphore, #tpu.memory_space<semaphore_mem>>) src(%dma_wait3A_44 : memref<640x128xf32, #tpu.memory_space<vmem_shared>>) dst(%dma_wait3A_42 : memref<640x128xf32, #tpu.memory_space<hbm>>)
      tpu.yield
    }) : () -> ()
    return
  }
}

#map = affine_map<(d0, d1) -> (0, 0)>
module attributes {stable_mosaic.version = 14 : i64} {
  func.func @k(%arg0: i32, %arg1: i32, %arg2: memref<1x327680xi32, #tpu.memory_space<hbm>>, %arg3: memref<1x327680xi32, #tpu.memory_space<hbm>>, %arg4: memref<10000x128xf32, #tpu.memory_space<hbm>>, %arg5: memref<10000x128xf32, #tpu.memory_space<hbm>>, %arg6: memref<327680x128xf32, #tpu.memory_space<hbm>>, %arg7: memref<10240xi32, #tpu.memory_space<vmem>>, %arg8: memref<10240xi32, #tpu.memory_space<vmem>>, %arg9: memref<128x128xf32, #tpu.memory_space<vmem>>, %arg10: memref<128x128xf32, #tpu.memory_space<vmem>>, %arg11: memref<!tpu.dma_semaphore, #tpu.memory_space<semaphore_mem>>, %arg12: memref<!tpu.dma_semaphore, #tpu.memory_space<semaphore_mem>>) attributes {dimension_semantics = [#tpu.dimension_semantics<core_parallel>, #tpu.dimension_semantics<subcore_parallel>], iteration_bounds = array<i64: 2, 16>, scalar_prefetch = 0 : i64, scratch_operands = 6 : i64, tpu.core_type = #tpu.core_type<sc_vector_subcore>, window_params = [{transform_indices = #map}, {transform_indices = #map}, {transform_indices = #map}, {transform_indices = #map}, {transform_indices = #map}]} {
    %mul3A = arith.constant 2 : i32
    %mul3A_0 = arith.muli %arg1, %mul3A : i32
    %add3A = arith.addi %mul3A_0, %arg0 : i32
    %mul3A_1 = arith.constant 10240 : i32
    %mul3A_2 = arith.muli %add3A, %mul3A_1 : i32
    %run_scoped3A = arith.constant 0 : i32
    "tpu.region"() ({
      %run_scoped3A_8 = tpu.sem_alloc : memref<!tpu.dma_semaphore, #tpu.memory_space<semaphore_mem>>
      %dma_start3A = tpu.memref_slice %arg2[%run_scoped3A, %mul3A_2] : memref<1x327680xi32, #tpu.memory_space<hbm>> -> memref<1x10240xi32, #tpu.memory_space<hbm>>
      %dma_start3A_9 = tpu.memref_squeeze %dma_start3A : memref<1x10240xi32, #tpu.memory_space<hbm>> -> memref<10240xi32, #tpu.memory_space<hbm>>
      %dma_start3A_10 = tpu.memref_slice %arg2[%run_scoped3A, %mul3A_2] : memref<1x327680xi32, #tpu.memory_space<hbm>> -> memref<1x10240xi32, #tpu.memory_space<hbm>>
      %dma_start3A_11 = tpu.memref_squeeze %dma_start3A_10 : memref<1x10240xi32, #tpu.memory_space<hbm>> -> memref<10240xi32, #tpu.memory_space<hbm>>
      tpu.enqueue_dma source(%dma_start3A_11 : memref<10240xi32, #tpu.memory_space<hbm>>) target(%arg7 : memref<10240xi32, #tpu.memory_space<vmem>>) target_semaphore(%run_scoped3A_8 : memref<!tpu.dma_semaphore, #tpu.memory_space<semaphore_mem>>)
      %dma_wait3A = tpu.memref_slice %arg2[%run_scoped3A, %mul3A_2] : memref<1x327680xi32, #tpu.memory_space<hbm>> -> memref<1x10240xi32, #tpu.memory_space<hbm>>
      %dma_wait3A_12 = tpu.memref_squeeze %dma_wait3A : memref<1x10240xi32, #tpu.memory_space<hbm>> -> memref<10240xi32, #tpu.memory_space<hbm>>
      %dma_wait3A_13 = tpu.memref_slice %arg2[%run_scoped3A, %mul3A_2] : memref<1x327680xi32, #tpu.memory_space<hbm>> -> memref<1x10240xi32, #tpu.memory_space<hbm>>
      %dma_wait3A_14 = tpu.memref_squeeze %dma_wait3A_13 : memref<1x10240xi32, #tpu.memory_space<hbm>> -> memref<10240xi32, #tpu.memory_space<hbm>>
      tpu.wait_dma2 semaphore(%run_scoped3A_8 : memref<!tpu.dma_semaphore, #tpu.memory_space<semaphore_mem>>) src(%dma_wait3A_14 : memref<10240xi32, #tpu.memory_space<hbm>>) dst(%arg7 : memref<10240xi32, #tpu.memory_space<vmem>>)
      tpu.yield
    }) : () -> ()
    %run_scoped3A_3 = arith.constant 0 : i32
    "tpu.region"() ({
      %run_scoped3A_8 = tpu.sem_alloc : memref<!tpu.dma_semaphore, #tpu.memory_space<semaphore_mem>>
      %dma_start3A = tpu.memref_slice %arg3[%run_scoped3A_3, %mul3A_2] : memref<1x327680xi32, #tpu.memory_space<hbm>> -> memref<1x10240xi32, #tpu.memory_space<hbm>>
      %dma_start3A_9 = tpu.memref_squeeze %dma_start3A : memref<1x10240xi32, #tpu.memory_space<hbm>> -> memref<10240xi32, #tpu.memory_space<hbm>>
      %dma_start3A_10 = tpu.memref_slice %arg3[%run_scoped3A_3, %mul3A_2] : memref<1x327680xi32, #tpu.memory_space<hbm>> -> memref<1x10240xi32, #tpu.memory_space<hbm>>
      %dma_start3A_11 = tpu.memref_squeeze %dma_start3A_10 : memref<1x10240xi32, #tpu.memory_space<hbm>> -> memref<10240xi32, #tpu.memory_space<hbm>>
      tpu.enqueue_dma source(%dma_start3A_11 : memref<10240xi32, #tpu.memory_space<hbm>>) target(%arg8 : memref<10240xi32, #tpu.memory_space<vmem>>) target_semaphore(%run_scoped3A_8 : memref<!tpu.dma_semaphore, #tpu.memory_space<semaphore_mem>>)
      %dma_wait3A = tpu.memref_slice %arg3[%run_scoped3A_3, %mul3A_2] : memref<1x327680xi32, #tpu.memory_space<hbm>> -> memref<1x10240xi32, #tpu.memory_space<hbm>>
      %dma_wait3A_12 = tpu.memref_squeeze %dma_wait3A : memref<1x10240xi32, #tpu.memory_space<hbm>> -> memref<10240xi32, #tpu.memory_space<hbm>>
      %dma_wait3A_13 = tpu.memref_slice %arg3[%run_scoped3A_3, %mul3A_2] : memref<1x327680xi32, #tpu.memory_space<hbm>> -> memref<1x10240xi32, #tpu.memory_space<hbm>>
      %dma_wait3A_14 = tpu.memref_squeeze %dma_wait3A_13 : memref<1x10240xi32, #tpu.memory_space<hbm>> -> memref<10240xi32, #tpu.memory_space<hbm>>
      tpu.wait_dma2 semaphore(%run_scoped3A_8 : memref<!tpu.dma_semaphore, #tpu.memory_space<semaphore_mem>>) src(%dma_wait3A_14 : memref<10240xi32, #tpu.memory_space<hbm>>) dst(%arg8 : memref<10240xi32, #tpu.memory_space<vmem>>)
      tpu.yield
    }) : () -> ()
    %scan3A = arith.constant 0 : i32
    %scan3A_4 = arith.constant 80 : i32
    %scan3A_5 = arith.addi %scan3A, %scan3A_4 : i32
    %scan3A_6 = arith.constant 1 : i32
    scf.for %scan3A_8 = %scan3A to %scan3A_5 step %scan3A_6  : i32 {
      %mul3A_9 = arith.constant 1 : i32
      %mul3A_10 = arith.muli %scan3A_8, %mul3A_9 : i32
      %add3A_11 = arith.constant 0 : i32
      %add3A_12 = arith.addi %add3A_11, %mul3A_10 : i32
      %mul3A_13 = arith.constant 128 : i32
      %mul3A_14 = arith.muli %add3A_12, %mul3A_13 : i32
      %add3A_15 = arith.addi %mul3A_2, %mul3A_14 : i32
      %mul3A_16 = arith.constant 128 : i32
      %mul3A_17 = arith.muli %add3A_12, %mul3A_16 : i32
      %dma_start3A = tpu.memref_slice %arg7[%mul3A_17] : memref<10240xi32, #tpu.memory_space<vmem>> -> memref<128xi32, #tpu.memory_space<vmem>>
      %dma_start3A_18 = arith.constant 0 : i32
      %dma_start3A_19 = arith.constant 0 : i32
      %dma_start3A_20 = tpu.memref_slice %arg4[%dma_start3A_18, %dma_start3A_19] : memref<10000x128xf32, #tpu.memory_space<hbm>> -> memref<10000x128xf32, #tpu.memory_space<hbm>>
      tpu.enqueue_indirect_dma source(%dma_start3A_20 : memref<10000x128xf32, #tpu.memory_space<hbm>>) target(%arg9 : memref<128x128xf32, #tpu.memory_space<vmem>>) offsets(%dma_start3A : memref<128xi32, #tpu.memory_space<vmem>>) semaphore(%arg11 : memref<!tpu.dma_semaphore, #tpu.memory_space<semaphore_mem>>)
      %dma_start3A_21 = tpu.memref_slice %arg8[%mul3A_17] : memref<10240xi32, #tpu.memory_space<vmem>> -> memref<128xi32, #tpu.memory_space<vmem>>
      %dma_start3A_22 = arith.constant 0 : i32
      %dma_start3A_23 = arith.constant 0 : i32
      %dma_start3A_24 = tpu.memref_slice %arg5[%dma_start3A_22, %dma_start3A_23] : memref<10000x128xf32, #tpu.memory_space<hbm>> -> memref<10000x128xf32, #tpu.memory_space<hbm>>
      tpu.enqueue_indirect_dma source(%dma_start3A_24 : memref<10000x128xf32, #tpu.memory_space<hbm>>) target(%arg10 : memref<128x128xf32, #tpu.memory_space<vmem>>) offsets(%dma_start3A_21 : memref<128xi32, #tpu.memory_space<vmem>>) semaphore(%arg12 : memref<!tpu.dma_semaphore, #tpu.memory_space<semaphore_mem>>)
      %dma_wait3A = tpu.memref_slice %arg7[%mul3A_17] : memref<10240xi32, #tpu.memory_space<vmem>> -> memref<128xi32, #tpu.memory_space<vmem>>
      %dma_wait3A_25 = arith.constant 0 : i32
      %dma_wait3A_26 = arith.constant 0 : i32
      %dma_wait3A_27 = tpu.memref_slice %arg4[%dma_wait3A_25, %dma_wait3A_26] : memref<10000x128xf32, #tpu.memory_space<hbm>> -> memref<10000x128xf32, #tpu.memory_space<hbm>>
      tpu.wait_indirect_dma semaphore(%arg11 : memref<!tpu.dma_semaphore, #tpu.memory_space<semaphore_mem>>) src(%dma_wait3A_27 : memref<10000x128xf32, #tpu.memory_space<hbm>>) dst(%arg9 : memref<128x128xf32, #tpu.memory_space<vmem>>)
      %dma_wait3A_28 = tpu.memref_slice %arg8[%mul3A_17] : memref<10240xi32, #tpu.memory_space<vmem>> -> memref<128xi32, #tpu.memory_space<vmem>>
      %dma_wait3A_29 = arith.constant 0 : i32
      %dma_wait3A_30 = arith.constant 0 : i32
      %dma_wait3A_31 = tpu.memref_slice %arg5[%dma_wait3A_29, %dma_wait3A_30] : memref<10000x128xf32, #tpu.memory_space<hbm>> -> memref<10000x128xf32, #tpu.memory_space<hbm>>
      tpu.wait_indirect_dma semaphore(%arg12 : memref<!tpu.dma_semaphore, #tpu.memory_space<semaphore_mem>>) src(%dma_wait3A_31 : memref<10000x128xf32, #tpu.memory_space<hbm>>) dst(%arg10 : memref<128x128xf32, #tpu.memory_space<vmem>>)
      %scan3A_32 = arith.constant 0 : i32
      %scan3A_33 = arith.constant 128 : i32
      %scan3A_34 = arith.addi %scan3A_32, %scan3A_33 : i32
      %scan3A_35 = arith.constant 1 : i32
      scf.for %scan3A_37 = %scan3A_32 to %scan3A_34 step %scan3A_35  : i32 {
        %mul3A_38 = arith.constant 1 : i32
        %mul3A_39 = arith.muli %scan3A_37, %mul3A_38 : i32
        %add3A_40 = arith.constant 0 : i32
        %add3A_41 = arith.addi %add3A_40, %mul3A_39 : i32
        %get3A = arith.index_cast %add3A_41 : i32 to index
        %get3A_42 = arith.constant 0 : index
        %get3A_43 = tpu.vector_load %arg9[%get3A, %get3A_42] {strides = array<i32>} : memref<128x128xf32, #tpu.memory_space<vmem>>, vector<1x16xf32>,
        %get3A_44 = vector.shape_cast %get3A_43 : vector<1x16xf32> to vector<16xf32>
        %get3A_45 = arith.index_cast %add3A_41 : i32 to index
        %get3A_46 = arith.constant 0 : index
        %get3A_47 = tpu.vector_load %arg10[%get3A_45, %get3A_46] {strides = array<i32>} : memref<128x128xf32, #tpu.memory_space<vmem>>, vector<1x16xf32>,
        %get3A_48 = vector.shape_cast %get3A_47 : vector<1x16xf32> to vector<16xf32>
        %add3A_49 = arith.addf %get3A_44, %get3A_48 : vector<16xf32>
        %max3A = arith.constant 0.000000e+00 : f32
        %max3A_50 = vector.broadcast %max3A : f32 to vector<16xf32>
        %max3A_51 = arith.maximumf %add3A_49, %max3A_50 : vector<16xf32>
        %convert_element_type3A = arith.truncf %max3A_51 : vector<16xf32> to vector<16xbf16>
        %convert_element_type3A_52 = arith.extf %convert_element_type3A : vector<16xbf16> to vector<16xf32>
        %swap3A = arith.index_cast %add3A_41 : i32 to index
        %swap3A_53 = arith.constant 0 : index
        %swap3A_54 = tpu.vector_load %arg9[%swap3A, %swap3A_53] {strides = array<i32>} : memref<128x128xf32, #tpu.memory_space<vmem>>, vector<1x16xf32>,
        %swap3A_55 = vector.shape_cast %swap3A_54 : vector<1x16xf32> to vector<16xf32>
        %swap3A_56 = vector.shape_cast %convert_element_type3A_52 : vector<16xf32> to vector<1x16xf32>
        tpu.vector_store %arg9[%swap3A, %swap3A_53], %swap3A_56 {strides = array<i32>} : memref<128x128xf32, #tpu.memory_space<vmem>>, vector<1x16xf32>,
        %get3A_57 = arith.index_cast %add3A_41 : i32 to index
        %get3A_58 = arith.constant 16 : index
        %get3A_59 = tpu.vector_load %arg9[%get3A_57, %get3A_58] {strides = array<i32>} : memref<128x128xf32, #tpu.memory_space<vmem>>, vector<1x16xf32>,
        %get3A_60 = vector.shape_cast %get3A_59 : vector<1x16xf32> to vector<16xf32>
        %get3A_61 = arith.index_cast %add3A_41 : i32 to index
        %get3A_62 = arith.constant 16 : index
        %get3A_63 = tpu.vector_load %arg10[%get3A_61, %get3A_62] {strides = array<i32>} : memref<128x128xf32, #tpu.memory_space<vmem>>, vector<1x16xf32>,
        %get3A_64 = vector.shape_cast %get3A_63 : vector<1x16xf32> to vector<16xf32>
        %add3A_65 = arith.addf %get3A_60, %get3A_64 : vector<16xf32>
        %max3A_66 = arith.constant 0.000000e+00 : f32
        %max3A_67 = vector.broadcast %max3A_66 : f32 to vector<16xf32>
        %max3A_68 = arith.maximumf %add3A_65, %max3A_67 : vector<16xf32>
        %convert_element_type3A_69 = arith.truncf %max3A_68 : vector<16xf32> to vector<16xbf16>
        %convert_element_type3A_70 = arith.extf %convert_element_type3A_69 : vector<16xbf16> to vector<16xf32>
        %swap3A_71 = arith.index_cast %add3A_41 : i32 to index
        %swap3A_72 = arith.constant 16 : index
        %swap3A_73 = tpu.vector_load %arg9[%swap3A_71, %swap3A_72] {strides = array<i32>} : memref<128x128xf32, #tpu.memory_space<vmem>>, vector<1x16xf32>,
        %swap3A_74 = vector.shape_cast %swap3A_73 : vector<1x16xf32> to vector<16xf32>
        %swap3A_75 = vector.shape_cast %convert_element_type3A_70 : vector<16xf32> to vector<1x16xf32>
        tpu.vector_store %arg9[%swap3A_71, %swap3A_72], %swap3A_75 {strides = array<i32>} : memref<128x128xf32, #tpu.memory_space<vmem>>, vector<1x16xf32>,
        %get3A_76 = arith.index_cast %add3A_41 : i32 to index
        %get3A_77 = arith.constant 32 : index
        %get3A_78 = tpu.vector_load %arg9[%get3A_76, %get3A_77] {strides = array<i32>} : memref<128x128xf32, #tpu.memory_space<vmem>>, vector<1x16xf32>,
        %get3A_79 = vector.shape_cast %get3A_78 : vector<1x16xf32> to vector<16xf32>
        %get3A_80 = arith.index_cast %add3A_41 : i32 to index
        %get3A_81 = arith.constant 32 : index
        %get3A_82 = tpu.vector_load %arg10[%get3A_80, %get3A_81] {strides = array<i32>} : memref<128x128xf32, #tpu.memory_space<vmem>>, vector<1x16xf32>,
        %get3A_83 = vector.shape_cast %get3A_82 : vector<1x16xf32> to vector<16xf32>
        %add3A_84 = arith.addf %get3A_79, %get3A_83 : vector<16xf32>
        %max3A_85 = arith.constant 0.000000e+00 : f32
        %max3A_86 = vector.broadcast %max3A_85 : f32 to vector<16xf32>
        %max3A_87 = arith.maximumf %add3A_84, %max3A_86 : vector<16xf32>
        %convert_element_type3A_88 = arith.truncf %max3A_87 : vector<16xf32> to vector<16xbf16>
        %convert_element_type3A_89 = arith.extf %convert_element_type3A_88 : vector<16xbf16> to vector<16xf32>
        %swap3A_90 = arith.index_cast %add3A_41 : i32 to index
        %swap3A_91 = arith.constant 32 : index
        %swap3A_92 = tpu.vector_load %arg9[%swap3A_90, %swap3A_91] {strides = array<i32>} : memref<128x128xf32, #tpu.memory_space<vmem>>, vector<1x16xf32>,
        %swap3A_93 = vector.shape_cast %swap3A_92 : vector<1x16xf32> to vector<16xf32>
        %swap3A_94 = vector.shape_cast %convert_element_type3A_89 : vector<16xf32> to vector<1x16xf32>
        tpu.vector_store %arg9[%swap3A_90, %swap3A_91], %swap3A_94 {strides = array<i32>} : memref<128x128xf32, #tpu.memory_space<vmem>>, vector<1x16xf32>,
        %get3A_95 = arith.index_cast %add3A_41 : i32 to index
        %get3A_96 = arith.constant 48 : index
        %get3A_97 = tpu.vector_load %arg9[%get3A_95, %get3A_96] {strides = array<i32>} : memref<128x128xf32, #tpu.memory_space<vmem>>, vector<1x16xf32>,
        %get3A_98 = vector.shape_cast %get3A_97 : vector<1x16xf32> to vector<16xf32>
        %get3A_99 = arith.index_cast %add3A_41 : i32 to index
        %get3A_100 = arith.constant 48 : index
        %get3A_101 = tpu.vector_load %arg10[%get3A_99, %get3A_100] {strides = array<i32>} : memref<128x128xf32, #tpu.memory_space<vmem>>, vector<1x16xf32>,
        %get3A_102 = vector.shape_cast %get3A_101 : vector<1x16xf32> to vector<16xf32>
        %add3A_103 = arith.addf %get3A_98, %get3A_102 : vector<16xf32>
        %max3A_104 = arith.constant 0.000000e+00 : f32
        %max3A_105 = vector.broadcast %max3A_104 : f32 to vector<16xf32>
        %max3A_106 = arith.maximumf %add3A_103, %max3A_105 : vector<16xf32>
        %convert_element_type3A_107 = arith.truncf %max3A_106 : vector<16xf32> to vector<16xbf16>
        %convert_element_type3A_108 = arith.extf %convert_element_type3A_107 : vector<16xbf16> to vector<16xf32>
        %swap3A_109 = arith.index_cast %add3A_41 : i32 to index
        %swap3A_110 = arith.constant 48 : index
        %swap3A_111 = tpu.vector_load %arg9[%swap3A_109, %swap3A_110] {strides = array<i32>} : memref<128x128xf32, #tpu.memory_space<vmem>>, vector<1x16xf32>,
        %swap3A_112 = vector.shape_cast %swap3A_111 : vector<1x16xf32> to vector<16xf32>
        %swap3A_113 = vector.shape_cast %convert_element_type3A_108 : vector<16xf32> to vector<1x16xf32>
        tpu.vector_store %arg9[%swap3A_109, %swap3A_110], %swap3A_113 {strides = array<i32>} : memref<128x128xf32, #tpu.memory_space<vmem>>, vector<1x16xf32>,
        %get3A_114 = arith.index_cast %add3A_41 : i32 to index
        %get3A_115 = arith.constant 64 : index
        %get3A_116 = tpu.vector_load %arg9[%get3A_114, %get3A_115] {strides = array<i32>} : memref<128x128xf32, #tpu.memory_space<vmem>>, vector<1x16xf32>,
        %get3A_117 = vector.shape_cast %get3A_116 : vector<1x16xf32> to vector<16xf32>
        %get3A_118 = arith.index_cast %add3A_41 : i32 to index
        %get3A_119 = arith.constant 64 : index
        %get3A_120 = tpu.vector_load %arg10[%get3A_118, %get3A_119] {strides = array<i32>} : memref<128x128xf32, #tpu.memory_space<vmem>>, vector<1x16xf32>,
        %get3A_121 = vector.shape_cast %get3A_120 : vector<1x16xf32> to vector<16xf32>
        %add3A_122 = arith.addf %get3A_117, %get3A_121 : vector<16xf32>
        %max3A_123 = arith.constant 0.000000e+00 : f32
        %max3A_124 = vector.broadcast %max3A_123 : f32 to vector<16xf32>
        %max3A_125 = arith.maximumf %add3A_122, %max3A_124 : vector<16xf32>
        %convert_element_type3A_126 = arith.truncf %max3A_125 : vector<16xf32> to vector<16xbf16>
        %convert_element_type3A_127 = arith.extf %convert_element_type3A_126 : vector<16xbf16> to vector<16xf32>
        %swap3A_128 = arith.index_cast %add3A_41 : i32 to index
        %swap3A_129 = arith.constant 64 : index
        %swap3A_130 = tpu.vector_load %arg9[%swap3A_128, %swap3A_129] {strides = array<i32>} : memref<128x128xf32, #tpu.memory_space<vmem>>, vector<1x16xf32>,
        %swap3A_131 = vector.shape_cast %swap3A_130 : vector<1x16xf32> to vector<16xf32>
        %swap3A_132 = vector.shape_cast %convert_element_type3A_127 : vector<16xf32> to vector<1x16xf32>
        tpu.vector_store %arg9[%swap3A_128, %swap3A_129], %swap3A_132 {strides = array<i32>} : memref<128x128xf32, #tpu.memory_space<vmem>>, vector<1x16xf32>,
        %get3A_133 = arith.index_cast %add3A_41 : i32 to index
        %get3A_134 = arith.constant 80 : index
        %get3A_135 = tpu.vector_load %arg9[%get3A_133, %get3A_134] {strides = array<i32>} : memref<128x128xf32, #tpu.memory_space<vmem>>, vector<1x16xf32>,
        %get3A_136 = vector.shape_cast %get3A_135 : vector<1x16xf32> to vector<16xf32>
        %get3A_137 = arith.index_cast %add3A_41 : i32 to index
        %get3A_138 = arith.constant 80 : index
        %get3A_139 = tpu.vector_load %arg10[%get3A_137, %get3A_138] {strides = array<i32>} : memref<128x128xf32, #tpu.memory_space<vmem>>, vector<1x16xf32>,
        %get3A_140 = vector.shape_cast %get3A_139 : vector<1x16xf32> to vector<16xf32>
        %add3A_141 = arith.addf %get3A_136, %get3A_140 : vector<16xf32>
        %max3A_142 = arith.constant 0.000000e+00 : f32
        %max3A_143 = vector.broadcast %max3A_142 : f32 to vector<16xf32>
        %max3A_144 = arith.maximumf %add3A_141, %max3A_143 : vector<16xf32>
        %convert_element_type3A_145 = arith.truncf %max3A_144 : vector<16xf32> to vector<16xbf16>
        %convert_element_type3A_146 = arith.extf %convert_element_type3A_145 : vector<16xbf16> to vector<16xf32>
        %swap3A_147 = arith.index_cast %add3A_41 : i32 to index
        %swap3A_148 = arith.constant 80 : index
        %swap3A_149 = tpu.vector_load %arg9[%swap3A_147, %swap3A_148] {strides = array<i32>} : memref<128x128xf32, #tpu.memory_space<vmem>>, vector<1x16xf32>,
        %swap3A_150 = vector.shape_cast %swap3A_149 : vector<1x16xf32> to vector<16xf32>
        %swap3A_151 = vector.shape_cast %convert_element_type3A_146 : vector<16xf32> to vector<1x16xf32>
        tpu.vector_store %arg9[%swap3A_147, %swap3A_148], %swap3A_151 {strides = array<i32>} : memref<128x128xf32, #tpu.memory_space<vmem>>, vector<1x16xf32>,
        %get3A_152 = arith.index_cast %add3A_41 : i32 to index
        %get3A_153 = arith.constant 96 : index
        %get3A_154 = tpu.vector_load %arg9[%get3A_152, %get3A_153] {strides = array<i32>} : memref<128x128xf32, #tpu.memory_space<vmem>>, vector<1x16xf32>,
        %get3A_155 = vector.shape_cast %get3A_154 : vector<1x16xf32> to vector<16xf32>
        %get3A_156 = arith.index_cast %add3A_41 : i32 to index
        %get3A_157 = arith.constant 96 : index
        %get3A_158 = tpu.vector_load %arg10[%get3A_156, %get3A_157] {strides = array<i32>} : memref<128x128xf32, #tpu.memory_space<vmem>>, vector<1x16xf32>,
        %get3A_159 = vector.shape_cast %get3A_158 : vector<1x16xf32> to vector<16xf32>
        %add3A_160 = arith.addf %get3A_155, %get3A_159 : vector<16xf32>
        %max3A_161 = arith.constant 0.000000e+00 : f32
        %max3A_162 = vector.broadcast %max3A_161 : f32 to vector<16xf32>
        %max3A_163 = arith.maximumf %add3A_160, %max3A_162 : vector<16xf32>
        %convert_element_type3A_164 = arith.truncf %max3A_163 : vector<16xf32> to vector<16xbf16>
        %convert_element_type3A_165 = arith.extf %convert_element_type3A_164 : vector<16xbf16> to vector<16xf32>
        %swap3A_166 = arith.index_cast %add3A_41 : i32 to index
        %swap3A_167 = arith.constant 96 : index
        %swap3A_168 = tpu.vector_load %arg9[%swap3A_166, %swap3A_167] {strides = array<i32>} : memref<128x128xf32, #tpu.memory_space<vmem>>, vector<1x16xf32>,
        %swap3A_169 = vector.shape_cast %swap3A_168 : vector<1x16xf32> to vector<16xf32>
        %swap3A_170 = vector.shape_cast %convert_element_type3A_165 : vector<16xf32> to vector<1x16xf32>
        tpu.vector_store %arg9[%swap3A_166, %swap3A_167], %swap3A_170 {strides = array<i32>} : memref<128x128xf32, #tpu.memory_space<vmem>>, vector<1x16xf32>,
        %get3A_171 = arith.index_cast %add3A_41 : i32 to index
        %get3A_172 = arith.constant 112 : index
        %get3A_173 = tpu.vector_load %arg9[%get3A_171, %get3A_172] {strides = array<i32>} : memref<128x128xf32, #tpu.memory_space<vmem>>, vector<1x16xf32>,
        %get3A_174 = vector.shape_cast %get3A_173 : vector<1x16xf32> to vector<16xf32>
        %get3A_175 = arith.index_cast %add3A_41 : i32 to index
        %get3A_176 = arith.constant 112 : index
        %get3A_177 = tpu.vector_load %arg10[%get3A_175, %get3A_176] {strides = array<i32>} : memref<128x128xf32, #tpu.memory_space<vmem>>, vector<1x16xf32>,
        %get3A_178 = vector.shape_cast %get3A_177 : vector<1x16xf32> to vector<16xf32>
        %add3A_179 = arith.addf %get3A_174, %get3A_178 : vector<16xf32>
        %max3A_180 = arith.constant 0.000000e+00 : f32
        %max3A_181 = vector.broadcast %max3A_180 : f32 to vector<16xf32>
        %max3A_182 = arith.maximumf %add3A_179, %max3A_181 : vector<16xf32>
        %convert_element_type3A_183 = arith.truncf %max3A_182 : vector<16xf32> to vector<16xbf16>
        %convert_element_type3A_184 = arith.extf %convert_element_type3A_183 : vector<16xbf16> to vector<16xf32>
        %swap3A_185 = arith.index_cast %add3A_41 : i32 to index
        %swap3A_186 = arith.constant 112 : index
        %swap3A_187 = tpu.vector_load %arg9[%swap3A_185, %swap3A_186] {strides = array<i32>} : memref<128x128xf32, #tpu.memory_space<vmem>>, vector<1x16xf32>,
        %swap3A_188 = vector.shape_cast %swap3A_187 : vector<1x16xf32> to vector<16xf32>
        %swap3A_189 = vector.shape_cast %convert_element_type3A_184 : vector<16xf32> to vector<1x16xf32>
        tpu.vector_store %arg9[%swap3A_185, %swap3A_186], %swap3A_189 {strides = array<i32>} : memref<128x128xf32, #tpu.memory_space<vmem>>, vector<1x16xf32>,
      }
      %scan3A_36 = arith.constant 128 : i32
      "tpu.region"() ({
        %run_scoped3A_37 = tpu.sem_alloc : memref<!tpu.dma_semaphore, #tpu.memory_space<semaphore_mem>>
        %dma_start3A_38 = arith.constant 0 : i32
        %dma_start3A_39 = tpu.memref_slice %arg6[%add3A_15, %dma_start3A_38] : memref<327680x128xf32, #tpu.memory_space<hbm>> -> memref<128x128xf32, #tpu.memory_space<hbm>>
        %dma_start3A_40 = arith.constant 0 : i32
        %dma_start3A_41 = tpu.memref_slice %arg6[%add3A_15, %dma_start3A_40] : memref<327680x128xf32, #tpu.memory_space<hbm>> -> memref<128x128xf32, #tpu.memory_space<hbm>>
        tpu.enqueue_dma source(%arg9 : memref<128x128xf32, #tpu.memory_space<vmem>>) target(%dma_start3A_41 : memref<128x128xf32, #tpu.memory_space<hbm>>) target_semaphore(%run_scoped3A_37 : memref<!tpu.dma_semaphore, #tpu.memory_space<semaphore_mem>>)
        %dma_wait3A_42 = arith.constant 0 : i32
        %dma_wait3A_43 = tpu.memref_slice %arg6[%add3A_15, %dma_wait3A_42] : memref<327680x128xf32, #tpu.memory_space<hbm>> -> memref<128x128xf32, #tpu.memory_space<hbm>>
        %dma_wait3A_44 = arith.constant 0 : i32
        %dma_wait3A_45 = tpu.memref_slice %arg6[%add3A_15, %dma_wait3A_44] : memref<327680x128xf32, #tpu.memory_space<hbm>> -> memref<128x128xf32, #tpu.memory_space<hbm>>
        tpu.wait_dma2 semaphore(%run_scoped3A_37 : memref<!tpu.dma_semaphore, #tpu.memory_space<semaphore_mem>>) src(%arg9 : memref<128x128xf32, #tpu.memory_space<vmem>>) dst(%dma_wait3A_45 : memref<128x128xf32, #tpu.memory_space<hbm>>)
        tpu.yield
      }) : () -> ()
    }
    %scan3A_7 = arith.constant 80 : i32
    return
  }
}

#map = affine_map<(d0, d1) -> (0, 0, 0, 0)>
#map1 = affine_map<(d0, d1) -> (0, 0)>
#map2 = affine_map<(d0, d1) -> (0, 0, 0)>
module attributes {stable_mosaic.version = 14 : i64} {
  func.func @k(%arg0: i32, %arg1: i32, %arg2: memref<32x80x1x128xi32, #tpu.memory_space<hbm>>, %arg3: memref<327680x128xf32, #tpu.memory_space<hbm>>, %arg4: memref<2x10000x128xf32, #tpu.memory_space<hbm>>, %arg5: memref<80x1x128xi32, #tpu.memory_space<vmem>>, %arg6: memref<128x128xf32, #tpu.memory_space<vmem>>, %arg7: memref<10240x128xf32, #tpu.memory_space<vmem_shared>>, %arg8: memref<!tpu.dma_semaphore, #tpu.memory_space<semaphore_mem>>) attributes {dimension_semantics = [#tpu.dimension_semantics<core_parallel>, #tpu.dimension_semantics<subcore_parallel>], iteration_bounds = array<i64: 2, 16>, scalar_prefetch = 0 : i64, scratch_operands = 4 : i64, tpu.core_type = #tpu.core_type<sc_vector_subcore>, window_params = [{transform_indices = #map}, {transform_indices = #map1}, {transform_indices = #map2}]} {
    %scan3A = arith.constant 0 : i32
    %scan3A_0 = arith.constant 128 : i32
    %scan3A_1 = arith.addi %scan3A, %scan3A_0 : i32
    %scan3A_2 = arith.constant 1 : i32
    scf.for %scan3A_37 = %scan3A to %scan3A_1 step %scan3A_2  : i32 {
      %mul3A_38 = arith.constant 1 : i32
      %mul3A_39 = arith.muli %scan3A_37, %mul3A_38 : i32
      %add3A_40 = arith.constant 0 : i32
      %add3A_41 = arith.addi %add3A_40, %mul3A_39 : i32
      %broadcast_in_dim3A = arith.constant 0.000000e+00 : f32
      %broadcast_in_dim3A_42 = vector.broadcast %broadcast_in_dim3A : f32 to vector<16xf32>
      %swap3A = arith.index_cast %add3A_41 : i32 to index
      %swap3A_43 = arith.constant 0 : index
      %swap3A_44 = tpu.vector_load %arg6[%swap3A, %swap3A_43] {strides = array<i32>} : memref<128x128xf32, #tpu.memory_space<vmem>>, vector<1x16xf32>,
      %swap3A_45 = vector.shape_cast %swap3A_44 : vector<1x16xf32> to vector<16xf32>
      %swap3A_46 = vector.shape_cast %broadcast_in_dim3A_42 : vector<16xf32> to vector<1x16xf32>
      tpu.vector_store %arg6[%swap3A, %swap3A_43], %swap3A_46 {strides = array<i32>} : memref<128x128xf32, #tpu.memory_space<vmem>>, vector<1x16xf32>,
      %broadcast_in_dim3A_47 = arith.constant 0.000000e+00 : f32
      %broadcast_in_dim3A_48 = vector.broadcast %broadcast_in_dim3A_47 : f32 to vector<16xf32>
      %swap3A_49 = arith.index_cast %add3A_41 : i32 to index
      %swap3A_50 = arith.constant 16 : index
      %swap3A_51 = tpu.vector_load %arg6[%swap3A_49, %swap3A_50] {strides = array<i32>} : memref<128x128xf32, #tpu.memory_space<vmem>>, vector<1x16xf32>,
      %swap3A_52 = vector.shape_cast %swap3A_51 : vector<1x16xf32> to vector<16xf32>
      %swap3A_53 = vector.shape_cast %broadcast_in_dim3A_48 : vector<16xf32> to vector<1x16xf32>
      tpu.vector_store %arg6[%swap3A_49, %swap3A_50], %swap3A_53 {strides = array<i32>} : memref<128x128xf32, #tpu.memory_space<vmem>>, vector<1x16xf32>,
      %broadcast_in_dim3A_54 = arith.constant 0.000000e+00 : f32
      %broadcast_in_dim3A_55 = vector.broadcast %broadcast_in_dim3A_54 : f32 to vector<16xf32>
      %swap3A_56 = arith.index_cast %add3A_41 : i32 to index
      %swap3A_57 = arith.constant 32 : index
      %swap3A_58 = tpu.vector_load %arg6[%swap3A_56, %swap3A_57] {strides = array<i32>} : memref<128x128xf32, #tpu.memory_space<vmem>>, vector<1x16xf32>,
      %swap3A_59 = vector.shape_cast %swap3A_58 : vector<1x16xf32> to vector<16xf32>
      %swap3A_60 = vector.shape_cast %broadcast_in_dim3A_55 : vector<16xf32> to vector<1x16xf32>
      tpu.vector_store %arg6[%swap3A_56, %swap3A_57], %swap3A_60 {strides = array<i32>} : memref<128x128xf32, #tpu.memory_space<vmem>>, vector<1x16xf32>,
      %broadcast_in_dim3A_61 = arith.constant 0.000000e+00 : f32
      %broadcast_in_dim3A_62 = vector.broadcast %broadcast_in_dim3A_61 : f32 to vector<16xf32>
      %swap3A_63 = arith.index_cast %add3A_41 : i32 to index
      %swap3A_64 = arith.constant 48 : index
      %swap3A_65 = tpu.vector_load %arg6[%swap3A_63, %swap3A_64] {strides = array<i32>} : memref<128x128xf32, #tpu.memory_space<vmem>>, vector<1x16xf32>,
      %swap3A_66 = vector.shape_cast %swap3A_65 : vector<1x16xf32> to vector<16xf32>
      %swap3A_67 = vector.shape_cast %broadcast_in_dim3A_62 : vector<16xf32> to vector<1x16xf32>
      tpu.vector_store %arg6[%swap3A_63, %swap3A_64], %swap3A_67 {strides = array<i32>} : memref<128x128xf32, #tpu.memory_space<vmem>>, vector<1x16xf32>,
      %broadcast_in_dim3A_68 = arith.constant 0.000000e+00 : f32
      %broadcast_in_dim3A_69 = vector.broadcast %broadcast_in_dim3A_68 : f32 to vector<16xf32>
      %swap3A_70 = arith.index_cast %add3A_41 : i32 to index
      %swap3A_71 = arith.constant 64 : index
      %swap3A_72 = tpu.vector_load %arg6[%swap3A_70, %swap3A_71] {strides = array<i32>} : memref<128x128xf32, #tpu.memory_space<vmem>>, vector<1x16xf32>,
      %swap3A_73 = vector.shape_cast %swap3A_72 : vector<1x16xf32> to vector<16xf32>
      %swap3A_74 = vector.shape_cast %broadcast_in_dim3A_69 : vector<16xf32> to vector<1x16xf32>
      tpu.vector_store %arg6[%swap3A_70, %swap3A_71], %swap3A_74 {strides = array<i32>} : memref<128x128xf32, #tpu.memory_space<vmem>>, vector<1x16xf32>,
      %broadcast_in_dim3A_75 = arith.constant 0.000000e+00 : f32
      %broadcast_in_dim3A_76 = vector.broadcast %broadcast_in_dim3A_75 : f32 to vector<16xf32>
      %swap3A_77 = arith.index_cast %add3A_41 : i32 to index
      %swap3A_78 = arith.constant 80 : index
      %swap3A_79 = tpu.vector_load %arg6[%swap3A_77, %swap3A_78] {strides = array<i32>} : memref<128x128xf32, #tpu.memory_space<vmem>>, vector<1x16xf32>,
      %swap3A_80 = vector.shape_cast %swap3A_79 : vector<1x16xf32> to vector<16xf32>
      %swap3A_81 = vector.shape_cast %broadcast_in_dim3A_76 : vector<16xf32> to vector<1x16xf32>
      tpu.vector_store %arg6[%swap3A_77, %swap3A_78], %swap3A_81 {strides = array<i32>} : memref<128x128xf32, #tpu.memory_space<vmem>>, vector<1x16xf32>,
      %broadcast_in_dim3A_82 = arith.constant 0.000000e+00 : f32
      %broadcast_in_dim3A_83 = vector.broadcast %broadcast_in_dim3A_82 : f32 to vector<16xf32>
      %swap3A_84 = arith.index_cast %add3A_41 : i32 to index
      %swap3A_85 = arith.constant 96 : index
      %swap3A_86 = tpu.vector_load %arg6[%swap3A_84, %swap3A_85] {strides = array<i32>} : memref<128x128xf32, #tpu.memory_space<vmem>>, vector<1x16xf32>,
      %swap3A_87 = vector.shape_cast %swap3A_86 : vector<1x16xf32> to vector<16xf32>
      %swap3A_88 = vector.shape_cast %broadcast_in_dim3A_83 : vector<16xf32> to vector<1x16xf32>
      tpu.vector_store %arg6[%swap3A_84, %swap3A_85], %swap3A_88 {strides = array<i32>} : memref<128x128xf32, #tpu.memory_space<vmem>>, vector<1x16xf32>,
      %broadcast_in_dim3A_89 = arith.constant 0.000000e+00 : f32
      %broadcast_in_dim3A_90 = vector.broadcast %broadcast_in_dim3A_89 : f32 to vector<16xf32>
      %swap3A_91 = arith.index_cast %add3A_41 : i32 to index
      %swap3A_92 = arith.constant 112 : index
      %swap3A_93 = tpu.vector_load %arg6[%swap3A_91, %swap3A_92] {strides = array<i32>} : memref<128x128xf32, #tpu.memory_space<vmem>>, vector<1x16xf32>,
      %swap3A_94 = vector.shape_cast %swap3A_93 : vector<1x16xf32> to vector<16xf32>
      %swap3A_95 = vector.shape_cast %broadcast_in_dim3A_90 : vector<16xf32> to vector<1x16xf32>
      tpu.vector_store %arg6[%swap3A_91, %swap3A_92], %swap3A_95 {strides = array<i32>} : memref<128x128xf32, #tpu.memory_space<vmem>>, vector<1x16xf32>,
    }
    %scan3A_3 = arith.constant 128 : i32
    %mul3A = arith.constant 640 : i32
    %mul3A_4 = arith.muli %arg1, %mul3A : i32
    %add3A = arith.constant 0 : i32
    %add3A_5 = arith.addi %mul3A_4, %add3A : i32
    "tpu.region"() ({
      %run_scoped3A = tpu.sem_alloc : memref<!tpu.dma_semaphore, #tpu.memory_space<semaphore_mem>>
      %dma_start3A = arith.constant 0 : i32
      %dma_start3A_37 = tpu.memref_slice %arg7[%add3A_5, %dma_start3A] : memref<10240x128xf32, #tpu.memory_space<vmem_shared>> -> memref<128x128xf32, #tpu.memory_space<vmem_shared>>
      %dma_start3A_38 = arith.constant 0 : i32
      %dma_start3A_39 = tpu.memref_slice %arg7[%add3A_5, %dma_start3A_38] : memref<10240x128xf32, #tpu.memory_space<vmem_shared>> -> memref<128x128xf32, #tpu.memory_space<vmem_shared>>
      tpu.enqueue_dma source(%arg6 : memref<128x128xf32, #tpu.memory_space<vmem>>) target(%dma_start3A_39 : memref<128x128xf32, #tpu.memory_space<vmem_shared>>) target_semaphore(%run_scoped3A : memref<!tpu.dma_semaphore, #tpu.memory_space<semaphore_mem>>)
      %dma_wait3A = arith.constant 0 : i32
      %dma_wait3A_40 = tpu.memref_slice %arg7[%add3A_5, %dma_wait3A] : memref<10240x128xf32, #tpu.memory_space<vmem_shared>> -> memref<128x128xf32, #tpu.memory_space<vmem_shared>>
      %dma_wait3A_41 = arith.constant 0 : i32
      %dma_wait3A_42 = tpu.memref_slice %arg7[%add3A_5, %dma_wait3A_41] : memref<10240x128xf32, #tpu.memory_space<vmem_shared>> -> memref<128x128xf32, #tpu.memory_space<vmem_shared>>
      tpu.wait_dma2 semaphore(%run_scoped3A : memref<!tpu.dma_semaphore, #tpu.memory_space<semaphore_mem>>) src(%arg6 : memref<128x128xf32, #tpu.memory_space<vmem>>) dst(%dma_wait3A_42 : memref<128x128xf32, #tpu.memory_space<vmem_shared>>)
      tpu.yield
    }) : () -> ()
    %mul3A_6 = arith.constant 640 : i32
    %mul3A_7 = arith.muli %arg1, %mul3A_6 : i32
    %add3A_8 = arith.constant 128 : i32
    %add3A_9 = arith.addi %mul3A_7, %add3A_8 : i32
    "tpu.region"() ({
      %run_scoped3A = tpu.sem_alloc : memref<!tpu.dma_semaphore, #tpu.memory_space<semaphore_mem>>
      %dma_start3A = arith.constant 0 : i32
      %dma_start3A_37 = tpu.memref_slice %arg7[%add3A_9, %dma_start3A] : memref<10240x128xf32, #tpu.memory_space<vmem_shared>> -> memref<128x128xf32, #tpu.memory_space<vmem_shared>>
      %dma_start3A_38 = arith.constant 0 : i32
      %dma_start3A_39 = tpu.memref_slice %arg7[%add3A_9, %dma_start3A_38] : memref<10240x128xf32, #tpu.memory_space<vmem_shared>> -> memref<128x128xf32, #tpu.memory_space<vmem_shared>>
      tpu.enqueue_dma source(%arg6 : memref<128x128xf32, #tpu.memory_space<vmem>>) target(%dma_start3A_39 : memref<128x128xf32, #tpu.memory_space<vmem_shared>>) target_semaphore(%run_scoped3A : memref<!tpu.dma_semaphore, #tpu.memory_space<semaphore_mem>>)
      %dma_wait3A = arith.constant 0 : i32
      %dma_wait3A_40 = tpu.memref_slice %arg7[%add3A_9, %dma_wait3A] : memref<10240x128xf32, #tpu.memory_space<vmem_shared>> -> memref<128x128xf32, #tpu.memory_space<vmem_shared>>
      %dma_wait3A_41 = arith.constant 0 : i32
      %dma_wait3A_42 = tpu.memref_slice %arg7[%add3A_9, %dma_wait3A_41] : memref<10240x128xf32, #tpu.memory_space<vmem_shared>> -> memref<128x128xf32, #tpu.memory_space<vmem_shared>>
      tpu.wait_dma2 semaphore(%run_scoped3A : memref<!tpu.dma_semaphore, #tpu.memory_space<semaphore_mem>>) src(%arg6 : memref<128x128xf32, #tpu.memory_space<vmem>>) dst(%dma_wait3A_42 : memref<128x128xf32, #tpu.memory_space<vmem_shared>>)
      tpu.yield
    }) : () -> ()
    %mul3A_10 = arith.constant 640 : i32
    %mul3A_11 = arith.muli %arg1, %mul3A_10 : i32
    %add3A_12 = arith.constant 256 : i32
    %add3A_13 = arith.addi %mul3A_11, %add3A_12 : i32
    "tpu.region"() ({
      %run_scoped3A = tpu.sem_alloc : memref<!tpu.dma_semaphore, #tpu.memory_space<semaphore_mem>>
      %dma_start3A = arith.constant 0 : i32
      %dma_start3A_37 = tpu.memref_slice %arg7[%add3A_13, %dma_start3A] : memref<10240x128xf32, #tpu.memory_space<vmem_shared>> -> memref<128x128xf32, #tpu.memory_space<vmem_shared>>
      %dma_start3A_38 = arith.constant 0 : i32
      %dma_start3A_39 = tpu.memref_slice %arg7[%add3A_13, %dma_start3A_38] : memref<10240x128xf32, #tpu.memory_space<vmem_shared>> -> memref<128x128xf32, #tpu.memory_space<vmem_shared>>
      tpu.enqueue_dma source(%arg6 : memref<128x128xf32, #tpu.memory_space<vmem>>) target(%dma_start3A_39 : memref<128x128xf32, #tpu.memory_space<vmem_shared>>) target_semaphore(%run_scoped3A : memref<!tpu.dma_semaphore, #tpu.memory_space<semaphore_mem>>)
      %dma_wait3A = arith.constant 0 : i32
      %dma_wait3A_40 = tpu.memref_slice %arg7[%add3A_13, %dma_wait3A] : memref<10240x128xf32, #tpu.memory_space<vmem_shared>> -> memref<128x128xf32, #tpu.memory_space<vmem_shared>>
      %dma_wait3A_41 = arith.constant 0 : i32
      %dma_wait3A_42 = tpu.memref_slice %arg7[%add3A_13, %dma_wait3A_41] : memref<10240x128xf32, #tpu.memory_space<vmem_shared>> -> memref<128x128xf32, #tpu.memory_space<vmem_shared>>
      tpu.wait_dma2 semaphore(%run_scoped3A : memref<!tpu.dma_semaphore, #tpu.memory_space<semaphore_mem>>) src(%arg6 : memref<128x128xf32, #tpu.memory_space<vmem>>) dst(%dma_wait3A_42 : memref<128x128xf32, #tpu.memory_space<vmem_shared>>)
      tpu.yield
    }) : () -> ()
    %mul3A_14 = arith.constant 640 : i32
    %mul3A_15 = arith.muli %arg1, %mul3A_14 : i32
    %add3A_16 = arith.constant 384 : i32
    %add3A_17 = arith.addi %mul3A_15, %add3A_16 : i32
    "tpu.region"() ({
      %run_scoped3A = tpu.sem_alloc : memref<!tpu.dma_semaphore, #tpu.memory_space<semaphore_mem>>
      %dma_start3A = arith.constant 0 : i32
      %dma_start3A_37 = tpu.memref_slice %arg7[%add3A_17, %dma_start3A] : memref<10240x128xf32, #tpu.memory_space<vmem_shared>> -> memref<128x128xf32, #tpu.memory_space<vmem_shared>>
      %dma_start3A_38 = arith.constant 0 : i32
      %dma_start3A_39 = tpu.memref_slice %arg7[%add3A_17, %dma_start3A_38] : memref<10240x128xf32, #tpu.memory_space<vmem_shared>> -> memref<128x128xf32, #tpu.memory_space<vmem_shared>>
      tpu.enqueue_dma source(%arg6 : memref<128x128xf32, #tpu.memory_space<vmem>>) target(%dma_start3A_39 : memref<128x128xf32, #tpu.memory_space<vmem_shared>>) target_semaphore(%run_scoped3A : memref<!tpu.dma_semaphore, #tpu.memory_space<semaphore_mem>>)
      %dma_wait3A = arith.constant 0 : i32
      %dma_wait3A_40 = tpu.memref_slice %arg7[%add3A_17, %dma_wait3A] : memref<10240x128xf32, #tpu.memory_space<vmem_shared>> -> memref<128x128xf32, #tpu.memory_space<vmem_shared>>
      %dma_wait3A_41 = arith.constant 0 : i32
      %dma_wait3A_42 = tpu.memref_slice %arg7[%add3A_17, %dma_wait3A_41] : memref<10240x128xf32, #tpu.memory_space<vmem_shared>> -> memref<128x128xf32, #tpu.memory_space<vmem_shared>>
      tpu.wait_dma2 semaphore(%run_scoped3A : memref<!tpu.dma_semaphore, #tpu.memory_space<semaphore_mem>>) src(%arg6 : memref<128x128xf32, #tpu.memory_space<vmem>>) dst(%dma_wait3A_42 : memref<128x128xf32, #tpu.memory_space<vmem_shared>>)
      tpu.yield
    }) : () -> ()
    %mul3A_18 = arith.constant 640 : i32
    %mul3A_19 = arith.muli %arg1, %mul3A_18 : i32
    %add3A_20 = arith.constant 512 : i32
    %add3A_21 = arith.addi %mul3A_19, %add3A_20 : i32
    "tpu.region"() ({
      %run_scoped3A = tpu.sem_alloc : memref<!tpu.dma_semaphore, #tpu.memory_space<semaphore_mem>>
      %dma_start3A = arith.constant 0 : i32
      %dma_start3A_37 = tpu.memref_slice %arg7[%add3A_21, %dma_start3A] : memref<10240x128xf32, #tpu.memory_space<vmem_shared>> -> memref<128x128xf32, #tpu.memory_space<vmem_shared>>
      %dma_start3A_38 = arith.constant 0 : i32
      %dma_start3A_39 = tpu.memref_slice %arg7[%add3A_21, %dma_start3A_38] : memref<10240x128xf32, #tpu.memory_space<vmem_shared>> -> memref<128x128xf32, #tpu.memory_space<vmem_shared>>
      tpu.enqueue_dma source(%arg6 : memref<128x128xf32, #tpu.memory_space<vmem>>) target(%dma_start3A_39 : memref<128x128xf32, #tpu.memory_space<vmem_shared>>) target_semaphore(%run_scoped3A : memref<!tpu.dma_semaphore, #tpu.memory_space<semaphore_mem>>)
      %dma_wait3A = arith.constant 0 : i32
      %dma_wait3A_40 = tpu.memref_slice %arg7[%add3A_21, %dma_wait3A] : memref<10240x128xf32, #tpu.memory_space<vmem_shared>> -> memref<128x128xf32, #tpu.memory_space<vmem_shared>>
      %dma_wait3A_41 = arith.constant 0 : i32
      %dma_wait3A_42 = tpu.memref_slice %arg7[%add3A_21, %dma_wait3A_41] : memref<10240x128xf32, #tpu.memory_space<vmem_shared>> -> memref<128x128xf32, #tpu.memory_space<vmem_shared>>
      tpu.wait_dma2 semaphore(%run_scoped3A : memref<!tpu.dma_semaphore, #tpu.memory_space<semaphore_mem>>) src(%arg6 : memref<128x128xf32, #tpu.memory_space<vmem>>) dst(%dma_wait3A_42 : memref<128x128xf32, #tpu.memory_space<vmem_shared>>)
      tpu.yield
    }) : () -> ()
    %barrier3A = arith.constant 0 : index
    tpu.barrier barrier_id(%barrier3A)
    %mul3A_22 = arith.constant 2 : i32
    %mul3A_23 = arith.muli %arg1, %mul3A_22 : i32
    %add3A_24 = arith.addi %mul3A_23, %arg0 : i32
    %mul3A_25 = arith.constant 10240 : i32
    %mul3A_26 = arith.muli %add3A_24, %mul3A_25 : i32
    "tpu.region"() ({
      %run_scoped3A = tpu.sem_alloc : memref<!tpu.dma_semaphore, #tpu.memory_space<semaphore_mem>>
      %dma_start3A = arith.constant 0 : i32
      %dma_start3A_37 = arith.constant 0 : i32
      %dma_start3A_38 = arith.constant 0 : i32
      %dma_start3A_39 = tpu.memref_slice %arg2[%add3A_24, %dma_start3A, %dma_start3A_37, %dma_start3A_38] : memref<32x80x1x128xi32, #tpu.memory_space<hbm>> -> memref<1x80x1x128xi32, #tpu.memory_space<hbm>>
      %dma_start3A_40 = tpu.memref_squeeze %dma_start3A_39 : memref<1x80x1x128xi32, #tpu.memory_space<hbm>> -> memref<80x1x128xi32, #tpu.memory_space<hbm>>
      %dma_start3A_41 = arith.constant 0 : i32
      %dma_start3A_42 = arith.constant 0 : i32
      %dma_start3A_43 = arith.constant 0 : i32
      %dma_start3A_44 = tpu.memref_slice %arg2[%add3A_24, %dma_start3A_41, %dma_start3A_42, %dma_start3A_43] : memref<32x80x1x128xi32, #tpu.memory_space<hbm>> -> memref<1x80x1x128xi32, #tpu.memory_space<hbm>>
      %dma_start3A_45 = tpu.memref_squeeze %dma_start3A_44 : memref<1x80x1x128xi32, #tpu.memory_space<hbm>> -> memref<80x1x128xi32, #tpu.memory_space<hbm>>
      tpu.enqueue_dma source(%dma_start3A_45 : memref<80x1x128xi32, #tpu.memory_space<hbm>>) target(%arg5 : memref<80x1x128xi32, #tpu.memory_space<vmem>>) target_semaphore(%run_scoped3A : memref<!tpu.dma_semaphore, #tpu.memory_space<semaphore_mem>>)
      %dma_wait3A = arith.constant 0 : i32
      %dma_wait3A_46 = arith.constant 0 : i32
      %dma_wait3A_47 = arith.constant 0 : i32
      %dma_wait3A_48 = tpu.memref_slice %arg2[%add3A_24, %dma_wait3A, %dma_wait3A_46, %dma_wait3A_47] : memref<32x80x1x128xi32, #tpu.memory_space<hbm>> -> memref<1x80x1x128xi32, #tpu.memory_space<hbm>>
      %dma_wait3A_49 = tpu.memref_squeeze %dma_wait3A_48 : memref<1x80x1x128xi32, #tpu.memory_space<hbm>> -> memref<80x1x128xi32, #tpu.memory_space<hbm>>
      %dma_wait3A_50 = arith.constant 0 : i32
      %dma_wait3A_51 = arith.constant 0 : i32
      %dma_wait3A_52 = arith.constant 0 : i32
      %dma_wait3A_53 = tpu.memref_slice %arg2[%add3A_24, %dma_wait3A_50, %dma_wait3A_51, %dma_wait3A_52] : memref<32x80x1x128xi32, #tpu.memory_space<hbm>> -> memref<1x80x1x128xi32, #tpu.memory_space<hbm>>
      %dma_wait3A_54 = tpu.memref_squeeze %dma_wait3A_53 : memref<1x80x1x128xi32, #tpu.memory_space<hbm>> -> memref<80x1x128xi32, #tpu.memory_space<hbm>>
      tpu.wait_dma2 semaphore(%run_scoped3A : memref<!tpu.dma_semaphore, #tpu.memory_space<semaphore_mem>>) src(%dma_wait3A_54 : memref<80x1x128xi32, #tpu.memory_space<hbm>>) dst(%arg5 : memref<80x1x128xi32, #tpu.memory_space<vmem>>)
      tpu.yield
    }) : () -> ()
    %scan3A_27 = arith.constant 0 : i32
    %scan3A_28 = arith.constant 80 : i32
    %scan3A_29 = arith.addi %scan3A_27, %scan3A_28 : i32
    %scan3A_30 = arith.constant 1 : i32
    scf.for %scan3A_37 = %scan3A_27 to %scan3A_29 step %scan3A_30  : i32 {
      %mul3A_38 = arith.constant 1 : i32
      %mul3A_39 = arith.muli %scan3A_37, %mul3A_38 : i32
      %add3A_40 = arith.constant 0 : i32
      %add3A_41 = arith.addi %add3A_40, %mul3A_39 : i32
      %mul3A_42 = arith.constant 128 : i32
      %mul3A_43 = arith.muli %add3A_41, %mul3A_42 : i32
      %add3A_44 = arith.addi %mul3A_26, %mul3A_43 : i32
      %dma_start3A = arith.constant 0 : i32
      %dma_start3A_45 = tpu.memref_slice %arg3[%add3A_44, %dma_start3A] : memref<327680x128xf32, #tpu.memory_space<hbm>> -> memref<128x128xf32, #tpu.memory_space<hbm>>
      %dma_start3A_46 = arith.constant 0 : i32
      %dma_start3A_47 = tpu.memref_slice %arg3[%add3A_44, %dma_start3A_46] : memref<327680x128xf32, #tpu.memory_space<hbm>> -> memref<128x128xf32, #tpu.memory_space<hbm>>
      tpu.enqueue_dma source(%dma_start3A_47 : memref<128x128xf32, #tpu.memory_space<hbm>>) target(%arg6 : memref<128x128xf32, #tpu.memory_space<vmem>>) target_semaphore(%arg8 : memref<!tpu.dma_semaphore, #tpu.memory_space<semaphore_mem>>)
      %dma_wait3A = arith.constant 0 : i32
      %dma_wait3A_48 = tpu.memref_slice %arg3[%add3A_44, %dma_wait3A] : memref<327680x128xf32, #tpu.memory_space<hbm>> -> memref<128x128xf32, #tpu.memory_space<hbm>>
      %dma_wait3A_49 = arith.constant 0 : i32
      %dma_wait3A_50 = tpu.memref_slice %arg3[%add3A_44, %dma_wait3A_49] : memref<327680x128xf32, #tpu.memory_space<hbm>> -> memref<128x128xf32, #tpu.memory_space<hbm>>
      tpu.wait_dma2 semaphore(%arg8 : memref<!tpu.dma_semaphore, #tpu.memory_space<semaphore_mem>>) src(%dma_wait3A_50 : memref<128x128xf32, #tpu.memory_space<hbm>>) dst(%arg6 : memref<128x128xf32, #tpu.memory_space<vmem>>)
      %run_scoped3A = arith.constant 0 : i32
      "tpu.region"() ({
        %run_scoped3A_51 = tpu.sem_alloc : memref<!tpu.dma_semaphore, #tpu.memory_space<semaphore_mem>>
        %dma_start3A_52 = arith.constant 0 : i32
        %dma_start3A_53 = tpu.memref_slice %arg5[%add3A_41, %run_scoped3A, %dma_start3A_52] : memref<80x1x128xi32, #tpu.memory_space<vmem>> -> memref<1x1x128xi32, #tpu.memory_space<vmem>>
        %dma_start3A_54 = tpu.memref_squeeze %dma_start3A_53 : memref<1x1x128xi32, #tpu.memory_space<vmem>> -> memref<128xi32, #tpu.memory_space<vmem>>
        %dma_start3A_55 = arith.constant 0 : i32
        %dma_start3A_56 = arith.constant 0 : i32
        %dma_start3A_57 = tpu.memref_slice %arg7[%dma_start3A_55, %dma_start3A_56] : memref<10240x128xf32, #tpu.memory_space<vmem_shared>> -> memref<10240x128xf32, #tpu.memory_space<vmem_shared>>
        tpu.enqueue_indirect_dma source(%arg6 : memref<128x128xf32, #tpu.memory_space<vmem>>) target(%dma_start3A_57 : memref<10240x128xf32, #tpu.memory_space<vmem_shared>>) offsets(%dma_start3A_54 : memref<128xi32, #tpu.memory_space<vmem>>) semaphore(%run_scoped3A_51 : memref<!tpu.dma_semaphore, #tpu.memory_space<semaphore_mem>>) {add = true}
        %dma_wait3A_58 = arith.constant 0 : i32
        %dma_wait3A_59 = tpu.memref_slice %arg5[%add3A_41, %run_scoped3A, %dma_wait3A_58] : memref<80x1x128xi32, #tpu.memory_space<vmem>> -> memref<1x1x128xi32, #tpu.memory_space<vmem>>
        %dma_wait3A_60 = tpu.memref_squeeze %dma_wait3A_59 : memref<1x1x128xi32, #tpu.memory_space<vmem>> -> memref<128xi32, #tpu.memory_space<vmem>>
        %dma_wait3A_61 = arith.constant 0 : i32
        %dma_wait3A_62 = arith.constant 0 : i32
        %dma_wait3A_63 = tpu.memref_slice %arg7[%dma_wait3A_61, %dma_wait3A_62] : memref<10240x128xf32, #tpu.memory_space<vmem_shared>> -> memref<10240x128xf32, #tpu.memory_space<vmem_shared>>
        tpu.wait_indirect_dma semaphore(%run_scoped3A_51 : memref<!tpu.dma_semaphore, #tpu.memory_space<semaphore_mem>>) src(%arg6 : memref<128x128xf32, #tpu.memory_space<vmem>>) dst(%dma_wait3A_63 : memref<10240x128xf32, #tpu.memory_space<vmem_shared>>)
        tpu.yield
      }) : () -> ()
    }
    %scan3A_31 = arith.constant 80 : i32
    %barrier3A_32 = arith.constant 0 : index
    tpu.barrier barrier_id(%barrier3A_32)
    %mul3A_33 = arith.constant 624 : i32
    %mul3A_34 = arith.muli %arg1, %mul3A_33 : i32
    %mul3A_35 = arith.constant 624 : i32
    %mul3A_36 = arith.muli %arg1, %mul3A_35 : i32
    "tpu.region"() ({
      %run_scoped3A = tpu.sem_alloc : memref<!tpu.dma_semaphore, #tpu.memory_space<semaphore_mem>>
      %dma_start3A = arith.constant 0 : i32
      %dma_start3A_37 = tpu.memref_slice %arg4[%arg0, %mul3A_36, %dma_start3A] : memref<2x10000x128xf32, #tpu.memory_space<hbm>> -> memref<1x640x128xf32, #tpu.memory_space<hbm>>
      %dma_start3A_38 = tpu.memref_squeeze %dma_start3A_37 : memref<1x640x128xf32, #tpu.memory_space<hbm>> -> memref<640x128xf32, #tpu.memory_space<hbm>>
      %dma_start3A_39 = arith.constant 0 : i32
      %dma_start3A_40 = tpu.memref_slice %arg7[%mul3A_34, %dma_start3A_39] : memref<10240x128xf32, #tpu.memory_space<vmem_shared>> -> memref<640x128xf32, #tpu.memory_space<vmem_shared>>
      tpu.enqueue_dma source(%dma_start3A_40 : memref<640x128xf32, #tpu.memory_space<vmem_shared>>) target(%dma_start3A_38 : memref<640x128xf32, #tpu.memory_space<hbm>>) target_semaphore(%run_scoped3A : memref<!tpu.dma_semaphore, #tpu.memory_space<semaphore_mem>>)
      %dma_wait3A = arith.constant 0 : i32
      %dma_wait3A_41 = tpu.memref_slice %arg4[%arg0, %mul3A_36, %dma_wait3A] : memref<2x10000x128xf32, #tpu.memory_space<hbm>> -> memref<1x640x128xf32, #tpu.memory_space<hbm>>
      %dma_wait3A_42 = tpu.memref_squeeze %dma_wait3A_41 : memref<1x640x128xf32, #tpu.memory_space<hbm>> -> memref<640x128xf32, #tpu.memory_space<hbm>>
      %dma_wait3A_43 = arith.constant 0 : i32
      %dma_wait3A_44 = tpu.memref_slice %arg7[%mul3A_34, %dma_wait3A_43] : memref<10240x128xf32, #tpu.memory_space<vmem_shared>> -> memref<640x128xf32, #tpu.memory_space<vmem_shared>>
      tpu.wait_dma2 semaphore(%run_scoped3A : memref<!tpu.dma_semaphore, #tpu.memory_space<semaphore_mem>>) src(%dma_wait3A_44 : memref<640x128xf32, #tpu.memory_space<vmem_shared>>) dst(%dma_wait3A_42 : memref<640x128xf32, #tpu.memory_space<hbm>>)
      tpu.yield
    }) : () -> ()
    return
  }
}

module attributes {stable_mosaic.version = 14 : i64} {
  func.func @_pad_body(%arg0: memref<2x320000xi32, #tpu.memory_space<vmem>>, %arg1: memref<1x327680xi32, #tpu.memory_space<vmem>>, %arg2: memref<1x327680xi32, #tpu.memory_space<vmem>>, %arg3: memref<1x327680xi32, #tpu.memory_space<vmem>>) attributes {dimension_semantics = [], scalar_prefetch = 0 : i64, scratch_operands = 0 : i64, tpu.core_type = #tpu.core_type<tc>} {
    %get3A = arith.constant 0 : index
    %get3A_0 = arith.constant 0 : index
    %get3A_1 = vector.load %arg0[%get3A, %get3A_0] : memref<2x320000xi32, #tpu.memory_space<vmem>>, vector<2x320000xi32>
    %slice3A = vector.extract_strided_slice %get3A_1 {offsets = [0, 0], sizes = [1, 320000], strides = [1, 1]} : vector<2x320000xi32> to vector<1x320000xi32>
    %min3A = arith.constant 9999 : i32
    %min3A_2 = vector.broadcast %min3A : i32 to vector<1x320000xi32>
    %min3A_3 = arith.minsi %slice3A, %min3A_2 : vector<1x320000xi32>
    %broadcast_in_dim3A = arith.constant 9999 : i32
    %broadcast_in_dim3A_4 = vector.broadcast %broadcast_in_dim3A : i32 to vector<1x7680xi32>
    %concatenate3A = tpu.concatenate %min3A_3, %broadcast_in_dim3A_4 in 1 : vector<1x320000xi32>, vector<1x7680xi32> -> vector<1x327680xi32>
    %swap3A = arith.constant 0 : index
    %swap3A_5 = arith.constant 0 : index
    %swap3A_6 = vector.load %arg1[%swap3A, %swap3A_5] : memref<1x327680xi32, #tpu.memory_space<vmem>>, vector<1x327680xi32>
    tpu.vector_store %arg1[%swap3A, %swap3A_5], %concatenate3A {strides = array<i32>} : memref<1x327680xi32, #tpu.memory_space<vmem>>, vector<1x327680xi32>,
    %slice3A_7 = vector.extract_strided_slice %get3A_1 {offsets = [1, 0], sizes = [1, 320000], strides = [1, 1]} : vector<2x320000xi32> to vector<1x320000xi32>
    %min3A_8 = arith.constant 9999 : i32
    %min3A_9 = vector.broadcast %min3A_8 : i32 to vector<1x320000xi32>
    %min3A_10 = arith.minsi %slice3A_7, %min3A_9 : vector<1x320000xi32>
    %broadcast_in_dim3A_11 = arith.constant 9999 : i32
    %broadcast_in_dim3A_12 = vector.broadcast %broadcast_in_dim3A_11 : i32 to vector<1x7680xi32>
    %concatenate3A_13 = tpu.concatenate %min3A_10, %broadcast_in_dim3A_12 in 1 : vector<1x320000xi32>, vector<1x7680xi32> -> vector<1x327680xi32>
    %swap3A_14 = arith.constant 0 : index
    %swap3A_15 = arith.constant 0 : index
    %swap3A_16 = vector.load %arg2[%swap3A_14, %swap3A_15] : memref<1x327680xi32, #tpu.memory_space<vmem>>, vector<1x327680xi32>
    tpu.vector_store %arg2[%swap3A_14, %swap3A_15], %concatenate3A_13 {strides = array<i32>} : memref<1x327680xi32, #tpu.memory_space<vmem>>, vector<1x327680xi32>,
    %slice3A_17 = vector.extract_strided_slice %get3A_1 {offsets = [1, 0], sizes = [1, 320000], strides = [1, 1]} : vector<2x320000xi32> to vector<1x320000xi32>
    %broadcast_in_dim3A_18 = arith.constant 10000 : i32
    %broadcast_in_dim3A_19 = vector.broadcast %broadcast_in_dim3A_18 : i32 to vector<1x7680xi32>
    %concatenate3A_20 = tpu.concatenate %slice3A_17, %broadcast_in_dim3A_19 in 1 : vector<1x320000xi32>, vector<1x7680xi32> -> vector<1x327680xi32>
    %swap3A_21 = arith.constant 0 : index
    %swap3A_22 = arith.constant 0 : index
    %swap3A_23 = vector.load %arg3[%swap3A_21, %swap3A_22] : memref<1x327680xi32, #tpu.memory_space<vmem>>, vector<1x327680xi32>
    tpu.vector_store %arg3[%swap3A_21, %swap3A_22], %concatenate3A_20 {strides = array<i32>} : memref<1x327680xi32, #tpu.memory_space<vmem>>, vector<1x327680xi32>,
    return
  }
}

module attributes {stable_mosaic.version = 14 : i64} {
  func.func @_prologue_body(%arg0: i32, %arg1: memref<1000x2xf32, #tpu.memory_space<vmem>>, %arg2: memref<1000x2xf32, #tpu.memory_space<vmem>>, %arg3: memref<1000x1xi32, #tpu.memory_space<vmem>>, %arg4: memref<64x1xi32, #tpu.memory_space<vmem>>, %arg5: memref<1024x2xf32, #tpu.memory_space<vmem>>, %arg6: memref<1x32xf32, #tpu.memory_space<vmem>>, %arg7: memref<32xf32, #tpu.memory_space<vmem>>, %arg8: memref<2x32xf32, #tpu.memory_space<vmem>>, %arg9: memref<32xf32, #tpu.memory_space<vmem>>, %arg10: memref<32x32xf32, #tpu.memory_space<vmem>>, %arg11: memref<32xf32, #tpu.memory_space<vmem>>, %arg12: memref<32x128xf32, #tpu.memory_space<vmem>>, %arg13: memref<32x128xf32, #tpu.memory_space<vmem>>, %arg14: memref<128xf32, #tpu.memory_space<vmem>>, %arg15: memref<1000x2xf32, #tpu.memory_space<vmem>>, %arg16: memref<1000x32xf32, #tpu.memory_space<vmem>>, %arg17: memref<1000x128xf32, #tpu.memory_space<vmem>>, %arg18: memref<1000x128xf32, #tpu.memory_space<vmem>>) attributes {dimension_semantics = [#tpu.dimension_semantics<arbitrary>], iteration_bounds = array<i64: 10>, scalar_prefetch = 0 : i64, scratch_operands = 0 : i64, tpu.core_type = #tpu.core_type<tc>, window_params = [{transform_indices = @transform_0, window_bounds = array<i64: 1000, 2>}, {transform_indices = @transform_1, window_bounds = array<i64: 1000, 2>}, {transform_indices = @transform_2, window_bounds = array<i64: 1000, 1>}, {pipeline_mode = #tpu.pipeline_mode<synchronous>, transform_indices = @transform_3, window_bounds = array<i64: 64, 1>}, {pipeline_mode = #tpu.pipeline_mode<synchronous>, transform_indices = @transform_4, window_bounds = array<i64: 1024, 2>}, {pipeline_mode = #tpu.pipeline_mode<synchronous>, transform_indices = @transform_5, window_bounds = array<i64: 1, 32>}, {pipeline_mode = #tpu.pipeline_mode<synchronous>, transform_indices = @transform_6, window_bounds = array<i64: 32>}, {pipeline_mode = #tpu.pipeline_mode<synchronous>, transform_indices = @transform_7, window_bounds = array<i64: 2, 32>}, {pipeline_mode = #tpu.pipeline_mode<synchronous>, transform_indices = @transform_8, window_bounds = array<i64: 32>}, {pipeline_mode = #tpu.pipeline_mode<synchronous>, transform_indices = @transform_9, window_bounds = array<i64: 32, 32>}, {pipeline_mode = #tpu.pipeline_mode<synchronous>, transform_indices = @transform_10, window_bounds = array<i64: 32>}, {pipeline_mode = #tpu.pipeline_mode<synchronous>, transform_indices = @transform_11, window_bounds = array<i64: 32, 128>}, {pipeline_mode = #tpu.pipeline_mode<synchronous>, transform_indices = @transform_12, window_bounds = array<i64: 32, 128>}, {pipeline_mode = #tpu.pipeline_mode<synchronous>, transform_indices = @transform_13, window_bounds = array<i64: 128>}, {transform_indices = @transform_14, window_bounds = array<i64: 1000, 2>}, {transform_indices = @transform_15, window_bounds = array<i64: 1000, 32>}, {transform_indices = @transform_16, window_bounds = array<i64: 1000, 128>}, {transform_indices = @transform_17, window_bounds = array<i64: 1000, 128>}]} {
    %get3A = arith.constant 0 : index
    %get3A_0 = arith.constant 0 : index
    %get3A_1 = vector.load %arg4[%get3A, %get3A_0] : memref<64x1xi32, #tpu.memory_space<vmem>>, vector<64x1xi32>
    %iota3A = tpu.iota {dimensions = array<i32: 1>} : vector<64x1024xi32>
    %eq3A = vector.broadcast %get3A_1 : vector<64x1xi32> to vector<64x1024xi32>
    %eq3A_2 = arith.cmpi eq, %iota3A, %eq3A : vector<64x1024xi32>
    %convert_element_type3A = arith.extui %eq3A_2 : vector<64x1024xi1> to vector<64x1024xi32>
    %convert_element_type3A_3 = arith.sitofp %convert_element_type3A : vector<64x1024xi32> to vector<64x1024xf32>
    %get3A_4 = arith.constant 0 : index
    %get3A_5 = arith.constant 0 : index
    %get3A_6 = vector.load %arg5[%get3A_4, %get3A_5] : memref<1024x2xf32, #tpu.memory_space<vmem>>, vector<1024x2xf32>
    %dot_general3A = arith.constant dense<0.000000e+00> : vector<64x2xf32>
    %dot_general3A_7 = tpu.matmul %convert_element_type3A_3, %get3A_6, %dot_general3A {dimension_numbers = #tpu.dot_dimension_numbers<[1], [0], [0], [1], [0, 0, 1, 1], [], []>, precision = #tpu.contract_precision<fp32>, transpose_lhs_hint = false} : vector<64x1024xf32>, vector<1024x2xf32>, vector<64x2xf32> -> vector<64x2xf32>
    %convert_element_type3A_8 = arith.sitofp %get3A_1 : vector<64x1xi32> to vector<64x1xf32>
    %get3A_9 = arith.constant 0 : index
    %get3A_10 = arith.constant 0 : index
    %get3A_11 = vector.load %arg6[%get3A_9, %get3A_10] : memref<1x32xf32, #tpu.memory_space<vmem>>, vector<1x32xf32>
    %mul3A = vector.broadcast %convert_element_type3A_8 : vector<64x1xf32> to vector<64x32xf32>
    %mul3A_12 = vector.broadcast %get3A_11 : vector<1x32xf32> to vector<64x32xf32>
    %mul3A_13 = arith.mulf %mul3A, %mul3A_12 : vector<64x32xf32>
    %get3A_14 = arith.constant 0 : index
    %get3A_15 = vector.load %arg7[%get3A_14] : memref<32xf32, #tpu.memory_space<vmem>>, vector<32xf32>
    %broadcast_in_dim3A = vector.shape_cast %get3A_15 : vector<32xf32> to vector<1x32xf32>
    %add3A = vector.broadcast %broadcast_in_dim3A : vector<1x32xf32> to vector<64x32xf32>
    %add3A_16 = arith.addf %mul3A_13, %add3A : vector<64x32xf32>
    %max3A = arith.constant 0.000000e+00 : f32
    %max3A_17 = vector.broadcast %max3A : f32 to vector<64x32xf32>
    %max3A_18 = arith.maximumf %add3A_16, %max3A_17 : vector<64x32xf32>
    %concatenate3A = tpu.concatenate %dot_general3A_7, %max3A_18 in 1 : vector<64x2xf32>, vector<64x32xf32> -> vector<64x34xf32>
    %get3A_19 = arith.constant 0 : index
    %get3A_20 = arith.constant 0 : index
    %get3A_21 = vector.load %arg3[%get3A_19, %get3A_20] : memref<1000x1xi32, #tpu.memory_space<vmem>>, vector<1000x1xi32>
    %iota3A_22 = tpu.iota {dimensions = array<i32: 1>} : vector<1000x64xi32>
    %eq3A_23 = vector.broadcast %get3A_21 : vector<1000x1xi32> to vector<1000x64xi32>
    %eq3A_24 = arith.cmpi eq, %iota3A_22, %eq3A_23 : vector<1000x64xi32>
    %convert_element_type3A_25 = arith.extui %eq3A_24 : vector<1000x64xi1> to vector<1000x64xi32>
    %convert_element_type3A_26 = arith.sitofp %convert_element_type3A_25 : vector<1000x64xi32> to vector<1000x64xf32>
    %dot_general3A_27 = arith.constant dense<0.000000e+00> : vector<1000x34xf32>
    %dot_general3A_28 = tpu.matmul %convert_element_type3A_26, %concatenate3A, %dot_general3A_27 {dimension_numbers = #tpu.dot_dimension_numbers<[1], [0], [0], [1], [0, 0, 1, 1], [], []>, precision = #tpu.contract_precision<fp32>, transpose_lhs_hint = false} : vector<1000x64xf32>, vector<64x34xf32>, vector<1000x34xf32> -> vector<1000x34xf32>
    %get3A_29 = arith.constant 0 : index
    %get3A_30 = arith.constant 0 : index
    %get3A_31 = vector.load %arg1[%get3A_29, %get3A_30] : memref<1000x2xf32, #tpu.memory_space<vmem>>, vector<1000x2xf32>
    %get3A_32 = arith.constant 0 : index
    %get3A_33 = arith.constant 0 : index
    %get3A_34 = vector.load %arg2[%get3A_32, %get3A_33] : memref<1000x2xf32, #tpu.memory_space<vmem>>, vector<1000x2xf32>
    %slice3A = vector.extract_strided_slice %dot_general3A_28 {offsets = [0, 0], sizes = [1000, 1], strides = [1, 1]} : vector<1000x34xf32> to vector<1000x1xf32>
    %mul3A_35 = vector.broadcast %slice3A : vector<1000x1xf32> to vector<1000x2xf32>
    %mul3A_36 = arith.mulf %get3A_31, %mul3A_35 : vector<1000x2xf32>
    %slice3A_37 = vector.extract_strided_slice %dot_general3A_28 {offsets = [0, 1], sizes = [1000, 1], strides = [1, 1]} : vector<1000x34xf32> to vector<1000x1xf32>
    %mul3A_38 = vector.broadcast %slice3A_37 : vector<1000x1xf32> to vector<1000x2xf32>
    %mul3A_39 = arith.mulf %get3A_34, %mul3A_38 : vector<1000x2xf32>
    %add3A_40 = arith.addf %mul3A_36, %mul3A_39 : vector<1000x2xf32>
    %swap3A = arith.constant 0 : index
    %swap3A_41 = arith.constant 0 : index
    %swap3A_42 = vector.load %arg15[%swap3A, %swap3A_41] : memref<1000x2xf32, #tpu.memory_space<vmem>>, vector<1000x2xf32>
    tpu.vector_store %arg15[%swap3A, %swap3A_41], %add3A_40 {strides = array<i32>} : memref<1000x2xf32, #tpu.memory_space<vmem>>, vector<1000x2xf32>,
    %get3A_43 = arith.constant 0 : index
    %get3A_44 = arith.constant 0 : index
    %get3A_45 = vector.load %arg8[%get3A_43, %get3A_44] : memref<2x32xf32, #tpu.memory_space<vmem>>, vector<2x32xf32>
    %dot_general3A_46 = arith.constant dense<0.000000e+00> : vector<1000x32xf32>
    %dot_general3A_47 = tpu.matmul %add3A_40, %get3A_45, %dot_general3A_46 {dimension_numbers = #tpu.dot_dimension_numbers<[1], [0], [0], [1], [0, 0, 1, 1], [], []>, precision = #tpu.contract_precision<fp32>, transpose_lhs_hint = false} : vector<1000x2xf32>, vector<2x32xf32>, vector<1000x32xf32> -> vector<1000x32xf32>
    %get3A_48 = arith.constant 0 : index
    %get3A_49 = vector.load %arg9[%get3A_48] : memref<32xf32, #tpu.memory_space<vmem>>, vector<32xf32>
    %broadcast_in_dim3A_50 = vector.shape_cast %get3A_49 : vector<32xf32> to vector<1x32xf32>
    %add3A_51 = vector.broadcast %broadcast_in_dim3A_50 : vector<1x32xf32> to vector<1000x32xf32>
    %add3A_52 = arith.addf %dot_general3A_47, %add3A_51 : vector<1000x32xf32>
    %max3A_53 = arith.constant 0.000000e+00 : f32
    %max3A_54 = vector.broadcast %max3A_53 : f32 to vector<1000x32xf32>
    %max3A_55 = arith.maximumf %add3A_52, %max3A_54 : vector<1000x32xf32>
    %get3A_56 = arith.constant 0 : index
    %get3A_57 = arith.constant 0 : index
    %get3A_58 = vector.load %arg10[%get3A_56, %get3A_57] : memref<32x32xf32, #tpu.memory_space<vmem>>, vector<32x32xf32>
    %convert_element_type3A_59 = arith.truncf %max3A_55 : vector<1000x32xf32> to vector<1000x32xbf16>
    %convert_element_type3A_60 = arith.truncf %get3A_58 : vector<32x32xf32> to vector<32x32xbf16>
    %dot_general3A_61 = arith.constant dense<0.000000e+00> : vector<1000x32xf32>
    %dot_general3A_62 = tpu.matmul %convert_element_type3A_59, %convert_element_type3A_60, %dot_general3A_61 {dimension_numbers = #tpu.dot_dimension_numbers<[1], [0], [0], [1], [0, 0, 1, 1], [], []>, transpose_lhs_hint = false} : vector<1000x32xbf16>, vector<32x32xbf16>, vector<1000x32xf32> -> vector<1000x32xf32>
    %get3A_63 = arith.constant 0 : index
    %get3A_64 = vector.load %arg11[%get3A_63] : memref<32xf32, #tpu.memory_space<vmem>>, vector<32xf32>
    %broadcast_in_dim3A_65 = vector.shape_cast %get3A_64 : vector<32xf32> to vector<1x32xf32>
    %add3A_66 = vector.broadcast %broadcast_in_dim3A_65 : vector<1x32xf32> to vector<1000x32xf32>
    %add3A_67 = arith.addf %dot_general3A_62, %add3A_66 : vector<1000x32xf32>
    %slice3A_68 = vector.extract_strided_slice %dot_general3A_28 {offsets = [0, 2], sizes = [1000, 32], strides = [1, 1]} : vector<1000x34xf32> to vector<1000x32xf32>
    %add3A_69 = arith.addf %add3A_67, %slice3A_68 : vector<1000x32xf32>
    %swap3A_70 = arith.constant 0 : index
    %swap3A_71 = arith.constant 0 : index
    %swap3A_72 = vector.load %arg16[%swap3A_70, %swap3A_71] : memref<1000x32xf32, #tpu.memory_space<vmem>>, vector<1000x32xf32>
    tpu.vector_store %arg16[%swap3A_70, %swap3A_71], %add3A_69 {strides = array<i32>} : memref<1000x32xf32, #tpu.memory_space<vmem>>, vector<1000x32xf32>,
    %get3A_73 = arith.constant 0 : index
    %get3A_74 = arith.constant 0 : index
    %get3A_75 = vector.load %arg12[%get3A_73, %get3A_74] : memref<32x128xf32, #tpu.memory_space<vmem>>, vector<32x128xf32>
    %convert_element_type3A_76 = arith.truncf %add3A_69 : vector<1000x32xf32> to vector<1000x32xbf16>
    %convert_element_type3A_77 = arith.extf %convert_element_type3A_76 : vector<1000x32xbf16> to vector<1000x32xf32>
    %convert_element_type3A_78 = arith.truncf %get3A_75 : vector<32x128xf32> to vector<32x128xbf16>
    %convert_element_type3A_79 = arith.extf %convert_element_type3A_78 : vector<32x128xbf16> to vector<32x128xf32>
    %dot_general3A_80 = arith.constant dense<0.000000e+00> : vector<1000x128xf32>
    %dot_general3A_81 = tpu.matmul %convert_element_type3A_77, %convert_element_type3A_79, %dot_general3A_80 {dimension_numbers = #tpu.dot_dimension_numbers<[1], [0], [0], [1], [0, 0, 1, 1], [], []>, precision = #tpu.contract_precision<fp32>, transpose_lhs_hint = false} : vector<1000x32xf32>, vector<32x128xf32>, vector<1000x128xf32> -> vector<1000x128xf32>
    %get3A_82 = arith.constant 0 : index
    %get3A_83 = arith.constant 0 : index
    %get3A_84 = vector.load %arg13[%get3A_82, %get3A_83] : memref<32x128xf32, #tpu.memory_space<vmem>>, vector<32x128xf32>
    %convert_element_type3A_85 = arith.truncf %add3A_69 : vector<1000x32xf32> to vector<1000x32xbf16>
    %convert_element_type3A_86 = arith.extf %convert_element_type3A_85 : vector<1000x32xbf16> to vector<1000x32xf32>
    %convert_element_type3A_87 = arith.truncf %get3A_84 : vector<32x128xf32> to vector<32x128xbf16>
    %convert_element_type3A_88 = arith.extf %convert_element_type3A_87 : vector<32x128xbf16> to vector<32x128xf32>
    %dot_general3A_89 = arith.constant dense<0.000000e+00> : vector<1000x128xf32>
    %dot_general3A_90 = tpu.matmul %convert_element_type3A_86, %convert_element_type3A_88, %dot_general3A_89 {dimension_numbers = #tpu.dot_dimension_numbers<[1], [0], [0], [1], [0, 0, 1, 1], [], []>, precision = #tpu.contract_precision<fp32>, transpose_lhs_hint = false} : vector<1000x32xf32>, vector<32x128xf32>, vector<1000x128xf32> -> vector<1000x128xf32>
    %get3A_91 = arith.constant 0 : index
    %get3A_92 = vector.load %arg14[%get3A_91] : memref<128xf32, #tpu.memory_space<vmem>>, vector<128xf32>
    %broadcast_in_dim3A_93 = vector.shape_cast %get3A_92 : vector<128xf32> to vector<1x128xf32>
    %add3A_94 = vector.broadcast %broadcast_in_dim3A_93 : vector<1x128xf32> to vector<1000x128xf32>
    %add3A_95 = arith.addf %dot_general3A_90, %add3A_94 : vector<1000x128xf32>
    %swap3A_96 = arith.constant 0 : index
    %swap3A_97 = arith.constant 0 : index
    %swap3A_98 = vector.load %arg17[%swap3A_96, %swap3A_97] : memref<1000x128xf32, #tpu.memory_space<vmem>>, vector<1000x128xf32>
    tpu.vector_store %arg17[%swap3A_96, %swap3A_97], %dot_general3A_81 {strides = array<i32>} : memref<1000x128xf32, #tpu.memory_space<vmem>>, vector<1000x128xf32>,
    %swap3A_99 = arith.constant 0 : index
    %swap3A_100 = arith.constant 0 : index
    %swap3A_101 = vector.load %arg18[%swap3A_99, %swap3A_100] : memref<1000x128xf32, #tpu.memory_space<vmem>>, vector<1000x128xf32>
    tpu.vector_store %arg18[%swap3A_99, %swap3A_100], %add3A_95 {strides = array<i32>} : memref<1000x128xf32, #tpu.memory_space<vmem>>, vector<1000x128xf32>,
    return
  }
  func.func @transform_0(%arg0: i32) -> (i32, i32) {
    %c0_i32 = arith.constant 0 : i32
    %c0_i32_0 = arith.constant 0 : i32
    return %arg0, %c0_i32 : i32, i32
  }
  func.func @transform_1(%arg0: i32) -> (i32, i32) {
    %c0_i32 = arith.constant 0 : i32
    %c0_i32_0 = arith.constant 0 : i32
    return %arg0, %c0_i32 : i32, i32
  }
  func.func @transform_2(%arg0: i32) -> (i32, i32) {
    %c0_i32 = arith.constant 0 : i32
    %c0_i32_0 = arith.constant 0 : i32
    return %arg0, %c0_i32 : i32, i32
  }
  func.func @transform_3(%arg0: i32) -> (i32, i32) {
    %c0_i32 = arith.constant 0 : i32
    %c0_i32_0 = arith.constant 0 : i32
    %c0_i32_1 = arith.constant 0 : i32
    return %c0_i32, %c0_i32_0 : i32, i32
  }
  func.func @transform_4(%arg0: i32) -> (i32, i32) {
    %c0_i32 = arith.constant 0 : i32
    %c0_i32_0 = arith.constant 0 : i32
    %c0_i32_1 = arith.constant 0 : i32
    return %c0_i32, %c0_i32_0 : i32, i32
  }
  func.func @transform_5(%arg0: i32) -> (i32, i32) {
    %c0_i32 = arith.constant 0 : i32
    %c0_i32_0 = arith.constant 0 : i32
    %c0_i32_1 = arith.constant 0 : i32
    return %c0_i32, %c0_i32_0 : i32, i32
  }
  func.func @transform_6(%arg0: i32) -> i32 {
    %c0_i32 = arith.constant 0 : i32
    %c0_i32_0 = arith.constant 0 : i32
    return %c0_i32 : i32
  }
  func.func @transform_7(%arg0: i32) -> (i32, i32) {
    %c0_i32 = arith.constant 0 : i32
    %c0_i32_0 = arith.constant 0 : i32
    %c0_i32_1 = arith.constant 0 : i32
    return %c0_i32, %c0_i32_0 : i32, i32
  }
  func.func @transform_8(%arg0: i32) -> i32 {
    %c0_i32 = arith.constant 0 : i32
    %c0_i32_0 = arith.constant 0 : i32
    return %c0_i32 : i32
  }
  func.func @transform_9(%arg0: i32) -> (i32, i32) {
    %c0_i32 = arith.constant 0 : i32
    %c0_i32_0 = arith.constant 0 : i32
    %c0_i32_1 = arith.constant 0 : i32
    return %c0_i32, %c0_i32_0 : i32, i32
  }
  func.func @transform_10(%arg0: i32) -> i32 {
    %c0_i32 = arith.constant 0 : i32
    %c0_i32_0 = arith.constant 0 : i32
    return %c0_i32 : i32
  }
  func.func @transform_11(%arg0: i32) -> (i32, i32) {
    %c0_i32 = arith.constant 0 : i32
    %c0_i32_0 = arith.constant 0 : i32
    %c0_i32_1 = arith.constant 0 : i32
    return %c0_i32, %c0_i32_0 : i32, i32
  }
  func.func @transform_12(%arg0: i32) -> (i32, i32) {
    %c0_i32 = arith.constant 0 : i32
    %c0_i32_0 = arith.constant 0 : i32
    %c0_i32_1 = arith.constant 0 : i32
    return %c0_i32, %c0_i32_0 : i32, i32
  }
  func.func @transform_13(%arg0: i32) -> i32 {
    %c0_i32 = arith.constant 0 : i32
    %c0_i32_0 = arith.constant 0 : i32
    return %c0_i32 : i32
  }
  func.func @transform_14(%arg0: i32) -> (i32, i32) {
    %c0_i32 = arith.constant 0 : i32
    %c0_i32_0 = arith.constant 0 : i32
    return %arg0, %c0_i32 : i32, i32
  }
  func.func @transform_15(%arg0: i32) -> (i32, i32) {
    %c0_i32 = arith.constant 0 : i32
    %c0_i32_0 = arith.constant 0 : i32
    return %arg0, %c0_i32 : i32, i32
  }
  func.func @transform_16(%arg0: i32) -> (i32, i32) {
    %c0_i32 = arith.constant 0 : i32
    %c0_i32_0 = arith.constant 0 : i32
    return %arg0, %c0_i32 : i32, i32
  }
  func.func @transform_17(%arg0: i32) -> (i32, i32) {
    %c0_i32 = arith.constant 0 : i32
    %c0_i32_0 = arith.constant 0 : i32
    return %arg0, %c0_i32 : i32, i32
  }
}

module attributes {stable_mosaic.version = 14 : i64} {
  func.func @_eff_body(%arg0: i32, %arg1: memref<4096x128xf32, #tpu.memory_space<vmem>>, %arg2: memref<128x128xf32, #tpu.memory_space<vmem>>, %arg3: memref<128xf32, #tpu.memory_space<vmem>>, %arg4: memref<4096x128xf32, #tpu.memory_space<vmem>>) attributes {dimension_semantics = [#tpu.dimension_semantics<arbitrary>], iteration_bounds = array<i64: 80>, scalar_prefetch = 0 : i64, scratch_operands = 0 : i64, tpu.core_type = #tpu.core_type<tc>, window_params = [{transform_indices = @transform_0, window_bounds = array<i64: 4096, 128>}, {pipeline_mode = #tpu.pipeline_mode<synchronous>, transform_indices = @transform_1, window_bounds = array<i64: 128, 128>}, {pipeline_mode = #tpu.pipeline_mode<synchronous>, transform_indices = @transform_2, window_bounds = array<i64: 128>}, {transform_indices = @transform_3, window_bounds = array<i64: 4096, 128>}]} {
    %get3A = arith.constant 0 : index
    %get3A_0 = arith.constant 0 : index
    %get3A_1 = vector.load %arg1[%get3A, %get3A_0] : memref<4096x128xf32, #tpu.memory_space<vmem>>, vector<4096x128xf32>
    %get3A_2 = arith.constant 0 : index
    %get3A_3 = arith.constant 0 : index
    %get3A_4 = vector.load %arg2[%get3A_2, %get3A_3] : memref<128x128xf32, #tpu.memory_space<vmem>>, vector<128x128xf32>
    %convert_element_type3A = arith.truncf %get3A_1 : vector<4096x128xf32> to vector<4096x128xbf16>
    %convert_element_type3A_5 = arith.truncf %get3A_4 : vector<128x128xf32> to vector<128x128xbf16>
    %dot_general3A = arith.constant dense<0.000000e+00> : vector<4096x128xf32>
    %dot_general3A_6 = tpu.matmul %convert_element_type3A, %convert_element_type3A_5, %dot_general3A {dimension_numbers = #tpu.dot_dimension_numbers<[1], [0], [0], [1], [0, 0, 1, 1], [], []>, transpose_lhs_hint = false} : vector<4096x128xbf16>, vector<128x128xbf16>, vector<4096x128xf32> -> vector<4096x128xf32>
    %get3A_7 = arith.constant 0 : index
    %get3A_8 = vector.load %arg3[%get3A_7] : memref<128xf32, #tpu.memory_space<vmem>>, vector<128xf32>
    %broadcast_in_dim3A = vector.shape_cast %get3A_8 : vector<128xf32> to vector<1x128xf32>
    %add3A = vector.broadcast %broadcast_in_dim3A : vector<1x128xf32> to vector<4096x128xf32>
    %add3A_9 = arith.addf %dot_general3A_6, %add3A : vector<4096x128xf32>
    %swap3A = arith.constant 0 : index
    %swap3A_10 = arith.constant 0 : index
    %swap3A_11 = vector.load %arg4[%swap3A, %swap3A_10] : memref<4096x128xf32, #tpu.memory_space<vmem>>, vector<4096x128xf32>
    tpu.vector_store %arg4[%swap3A, %swap3A_10], %add3A_9 {strides = array<i32>} : memref<4096x128xf32, #tpu.memory_space<vmem>>, vector<4096x128xf32>,
    return
  }
  func.func @transform_0(%arg0: i32) -> (i32, i32) {
    %c0_i32 = arith.constant 0 : i32
    %c0_i32_0 = arith.constant 0 : i32
    return %arg0, %c0_i32 : i32, i32
  }
  func.func @transform_1(%arg0: i32) -> (i32, i32) {
    %c0_i32 = arith.constant 0 : i32
    %c0_i32_0 = arith.constant 0 : i32
    %c0_i32_1 = arith.constant 0 : i32
    return %c0_i32, %c0_i32_0 : i32, i32
  }
  func.func @transform_2(%arg0: i32) -> i32 {
    %c0_i32 = arith.constant 0 : i32
    %c0_i32_0 = arith.constant 0 : i32
    return %c0_i32 : i32
  }
  func.func @transform_3(%arg0: i32) -> (i32, i32) {
    %c0_i32 = arith.constant 0 : i32
    %c0_i32_0 = arith.constant 0 : i32
    return %arg0, %c0_i32 : i32, i32
  }
}

module attributes {stable_mosaic.version = 14 : i64} {
  func.func @_layer_body(%arg0: i32, %arg1: memref<1000x32xf32, #tpu.memory_space<vmem>>, %arg2: memref<1000x128xf32, #tpu.memory_space<vmem>>, %arg3: memref<1000x128xf32, #tpu.memory_space<vmem>>, %arg4: memref<32x128xf32, #tpu.memory_space<vmem>>, %arg5: memref<128x128xf32, #tpu.memory_space<vmem>>, %arg6: memref<128xf32, #tpu.memory_space<vmem>>, %arg7: memref<128x32xf32, #tpu.memory_space<vmem>>, %arg8: memref<32xf32, #tpu.memory_space<vmem>>, %arg9: memref<32x128xf32, #tpu.memory_space<vmem>>, %arg10: memref<32x128xf32, #tpu.memory_space<vmem>>, %arg11: memref<128xf32, #tpu.memory_space<vmem>>, %arg12: memref<1000x32xf32, #tpu.memory_space<vmem>>, %arg13: memref<1000x128xf32, #tpu.memory_space<vmem>>, %arg14: memref<1000x128xf32, #tpu.memory_space<vmem>>) attributes {dimension_semantics = [#tpu.dimension_semantics<arbitrary>], iteration_bounds = array<i64: 10>, scalar_prefetch = 0 : i64, scratch_operands = 0 : i64, tpu.core_type = #tpu.core_type<tc>, window_params = [{transform_indices = @transform_0, window_bounds = array<i64: 1000, 32>}, {transform_indices = @transform_1, window_bounds = array<i64: 1000, 128>}, {transform_indices = @transform_2, window_bounds = array<i64: 1000, 128>}, {pipeline_mode = #tpu.pipeline_mode<synchronous>, transform_indices = @transform_3, window_bounds = array<i64: 32, 128>}, {pipeline_mode = #tpu.pipeline_mode<synchronous>, transform_indices = @transform_4, window_bounds = array<i64: 128, 128>}, {pipeline_mode = #tpu.pipeline_mode<synchronous>, transform_indices = @transform_5, window_bounds = array<i64: 128>}, {pipeline_mode = #tpu.pipeline_mode<synchronous>, transform_indices = @transform_6, window_bounds = array<i64: 128, 32>}, {pipeline_mode = #tpu.pipeline_mode<synchronous>, transform_indices = @transform_7, window_bounds = array<i64: 32>}, {pipeline_mode = #tpu.pipeline_mode<synchronous>, transform_indices = @transform_8, window_bounds = array<i64: 32, 128>}, {pipeline_mode = #tpu.pipeline_mode<synchronous>, transform_indices = @transform_9, window_bounds = array<i64: 32, 128>}, {pipeline_mode = #tpu.pipeline_mode<synchronous>, transform_indices = @transform_10, window_bounds = array<i64: 128>}, {transform_indices = @transform_11, window_bounds = array<i64: 1000, 32>}, {transform_indices = @transform_12, window_bounds = array<i64: 1000, 128>}, {transform_indices = @transform_13, window_bounds = array<i64: 1000, 128>}]} {
    %get3A = arith.constant 0 : index
    %get3A_0 = arith.constant 0 : index
    %get3A_1 = vector.load %arg2[%get3A, %get3A_0] : memref<1000x128xf32, #tpu.memory_space<vmem>>, vector<1000x128xf32>
    %get3A_2 = arith.constant 0 : index
    %get3A_3 = arith.constant 0 : index
    %get3A_4 = vector.load %arg3[%get3A_2, %get3A_3] : memref<1000x128xf32, #tpu.memory_space<vmem>>, vector<1000x128xf32>
    %add3A = arith.addf %get3A_1, %get3A_4 : vector<1000x128xf32>
    %get3A_5 = arith.constant 0 : index
    %get3A_6 = arith.constant 0 : index
    %get3A_7 = vector.load %arg1[%get3A_5, %get3A_6] : memref<1000x32xf32, #tpu.memory_space<vmem>>, vector<1000x32xf32>
    %get3A_8 = arith.constant 0 : index
    %get3A_9 = arith.constant 0 : index
    %get3A_10 = vector.load %arg4[%get3A_8, %get3A_9] : memref<32x128xf32, #tpu.memory_space<vmem>>, vector<32x128xf32>
    %convert_element_type3A = arith.truncf %get3A_7 : vector<1000x32xf32> to vector<1000x32xbf16>
    %convert_element_type3A_11 = arith.truncf %get3A_10 : vector<32x128xf32> to vector<32x128xbf16>
    %dot_general3A = arith.constant dense<0.000000e+00> : vector<1000x128xf32>
    %dot_general3A_12 = tpu.matmul %convert_element_type3A, %convert_element_type3A_11, %dot_general3A {dimension_numbers = #tpu.dot_dimension_numbers<[1], [0], [0], [1], [0, 0, 1, 1], [], []>, transpose_lhs_hint = false} : vector<1000x32xbf16>, vector<32x128xbf16>, vector<1000x128xf32> -> vector<1000x128xf32>
    %get3A_13 = arith.constant 0 : index
    %get3A_14 = arith.constant 0 : index
    %get3A_15 = vector.load %arg5[%get3A_13, %get3A_14] : memref<128x128xf32, #tpu.memory_space<vmem>>, vector<128x128xf32>
    %convert_element_type3A_16 = arith.truncf %add3A : vector<1000x128xf32> to vector<1000x128xbf16>
    %convert_element_type3A_17 = arith.truncf %get3A_15 : vector<128x128xf32> to vector<128x128xbf16>
    %dot_general3A_18 = arith.constant dense<0.000000e+00> : vector<1000x128xf32>
    %dot_general3A_19 = tpu.matmul %convert_element_type3A_16, %convert_element_type3A_17, %dot_general3A_18 {dimension_numbers = #tpu.dot_dimension_numbers<[1], [0], [0], [1], [0, 0, 1, 1], [], []>, transpose_lhs_hint = false} : vector<1000x128xbf16>, vector<128x128xbf16>, vector<1000x128xf32> -> vector<1000x128xf32>
    %add3A_20 = arith.addf %dot_general3A_12, %dot_general3A_19 : vector<1000x128xf32>
    %get3A_21 = arith.constant 0 : index
    %get3A_22 = vector.load %arg6[%get3A_21] : memref<128xf32, #tpu.memory_space<vmem>>, vector<128xf32>
    %broadcast_in_dim3A = vector.shape_cast %get3A_22 : vector<128xf32> to vector<1x128xf32>
    %add3A_23 = vector.broadcast %broadcast_in_dim3A : vector<1x128xf32> to vector<1000x128xf32>
    %add3A_24 = arith.addf %add3A_20, %add3A_23 : vector<1000x128xf32>
    %max3A = arith.constant 0.000000e+00 : f32
    %max3A_25 = vector.broadcast %max3A : f32 to vector<1000x128xf32>
    %max3A_26 = arith.maximumf %add3A_24, %max3A_25 : vector<1000x128xf32>
    %get3A_27 = arith.constant 0 : index
    %get3A_28 = arith.constant 0 : index
    %get3A_29 = vector.load %arg7[%get3A_27, %get3A_28] : memref<128x32xf32, #tpu.memory_space<vmem>>, vector<128x32xf32>
    %convert_element_type3A_30 = arith.truncf %max3A_26 : vector<1000x128xf32> to vector<1000x128xbf16>
    %convert_element_type3A_31 = arith.truncf %get3A_29 : vector<128x32xf32> to vector<128x32xbf16>
    %dot_general3A_32 = arith.constant dense<0.000000e+00> : vector<1000x32xf32>
    %dot_general3A_33 = tpu.matmul %convert_element_type3A_30, %convert_element_type3A_31, %dot_general3A_32 {dimension_numbers = #tpu.dot_dimension_numbers<[1], [0], [0], [1], [0, 0, 1, 1], [], []>, transpose_lhs_hint = false} : vector<1000x128xbf16>, vector<128x32xbf16>, vector<1000x32xf32> -> vector<1000x32xf32>
    %get3A_34 = arith.constant 0 : index
    %get3A_35 = vector.load %arg8[%get3A_34] : memref<32xf32, #tpu.memory_space<vmem>>, vector<32xf32>
    %broadcast_in_dim3A_36 = vector.shape_cast %get3A_35 : vector<32xf32> to vector<1x32xf32>
    %add3A_37 = vector.broadcast %broadcast_in_dim3A_36 : vector<1x32xf32> to vector<1000x32xf32>
    %add3A_38 = arith.addf %dot_general3A_33, %add3A_37 : vector<1000x32xf32>
    %max3A_39 = arith.constant 0.000000e+00 : f32
    %max3A_40 = vector.broadcast %max3A_39 : f32 to vector<1000x32xf32>
    %max3A_41 = arith.maximumf %add3A_38, %max3A_40 : vector<1000x32xf32>
    %swap3A = arith.constant 0 : index
    %swap3A_42 = arith.constant 0 : index
    %swap3A_43 = vector.load %arg12[%swap3A, %swap3A_42] : memref<1000x32xf32, #tpu.memory_space<vmem>>, vector<1000x32xf32>
    tpu.vector_store %arg12[%swap3A, %swap3A_42], %max3A_41 {strides = array<i32>} : memref<1000x32xf32, #tpu.memory_space<vmem>>, vector<1000x32xf32>,
    %get3A_44 = arith.constant 0 : index
    %get3A_45 = arith.constant 0 : index
    %get3A_46 = vector.load %arg9[%get3A_44, %get3A_45] : memref<32x128xf32, #tpu.memory_space<vmem>>, vector<32x128xf32>
    %convert_element_type3A_47 = arith.truncf %max3A_41 : vector<1000x32xf32> to vector<1000x32xbf16>
    %convert_element_type3A_48 = arith.extf %convert_element_type3A_47 : vector<1000x32xbf16> to vector<1000x32xf32>
    %convert_element_type3A_49 = arith.truncf %get3A_46 : vector<32x128xf32> to vector<32x128xbf16>
    %convert_element_type3A_50 = arith.extf %convert_element_type3A_49 : vector<32x128xbf16> to vector<32x128xf32>
    %dot_general3A_51 = arith.constant dense<0.000000e+00> : vector<1000x128xf32>
    %dot_general3A_52 = tpu.matmul %convert_element_type3A_48, %convert_element_type3A_50, %dot_general3A_51 {dimension_numbers = #tpu.dot_dimension_numbers<[1], [0], [0], [1], [0, 0, 1, 1], [], []>, precision = #tpu.contract_precision<fp32>, transpose_lhs_hint = false} : vector<1000x32xf32>, vector<32x128xf32>, vector<1000x128xf32> -> vector<1000x128xf32>
    %get3A_53 = arith.constant 0 : index
    %get3A_54 = arith.constant 0 : index
    %get3A_55 = vector.load %arg10[%get3A_53, %get3A_54] : memref<32x128xf32, #tpu.memory_space<vmem>>, vector<32x128xf32>
    %convert_element_type3A_56 = arith.truncf %max3A_41 : vector<1000x32xf32> to vector<1000x32xbf16>
    %convert_element_type3A_57 = arith.extf %convert_element_type3A_56 : vector<1000x32xbf16> to vector<1000x32xf32>
    %convert_element_type3A_58 = arith.truncf %get3A_55 : vector<32x128xf32> to vector<32x128xbf16>
    %convert_element_type3A_59 = arith.extf %convert_element_type3A_58 : vector<32x128xbf16> to vector<32x128xf32>
    %dot_general3A_60 = arith.constant dense<0.000000e+00> : vector<1000x128xf32>
    %dot_general3A_61 = tpu.matmul %convert_element_type3A_57, %convert_element_type3A_59, %dot_general3A_60 {dimension_numbers = #tpu.dot_dimension_numbers<[1], [0], [0], [1], [0, 0, 1, 1], [], []>, precision = #tpu.contract_precision<fp32>, transpose_lhs_hint = false} : vector<1000x32xf32>, vector<32x128xf32>, vector<1000x128xf32> -> vector<1000x128xf32>
    %get3A_62 = arith.constant 0 : index
    %get3A_63 = vector.load %arg11[%get3A_62] : memref<128xf32, #tpu.memory_space<vmem>>, vector<128xf32>
    %broadcast_in_dim3A_64 = vector.shape_cast %get3A_63 : vector<128xf32> to vector<1x128xf32>
    %add3A_65 = vector.broadcast %broadcast_in_dim3A_64 : vector<1x128xf32> to vector<1000x128xf32>
    %add3A_66 = arith.addf %dot_general3A_61, %add3A_65 : vector<1000x128xf32>
    %swap3A_67 = arith.constant 0 : index
    %swap3A_68 = arith.constant 0 : index
    %swap3A_69 = vector.load %arg13[%swap3A_67, %swap3A_68] : memref<1000x128xf32, #tpu.memory_space<vmem>>, vector<1000x128xf32>
    tpu.vector_store %arg13[%swap3A_67, %swap3A_68], %dot_general3A_52 {strides = array<i32>} : memref<1000x128xf32, #tpu.memory_space<vmem>>, vector<1000x128xf32>,
    %swap3A_70 = arith.constant 0 : index
    %swap3A_71 = arith.constant 0 : index
    %swap3A_72 = vector.load %arg14[%swap3A_70, %swap3A_71] : memref<1000x128xf32, #tpu.memory_space<vmem>>, vector<1000x128xf32>
    tpu.vector_store %arg14[%swap3A_70, %swap3A_71], %add3A_66 {strides = array<i32>} : memref<1000x128xf32, #tpu.memory_space<vmem>>, vector<1000x128xf32>,
    return
  }
  func.func @transform_0(%arg0: i32) -> (i32, i32) {
    %c0_i32 = arith.constant 0 : i32
    %c0_i32_0 = arith.constant 0 : i32
    return %arg0, %c0_i32 : i32, i32
  }
  func.func @transform_1(%arg0: i32) -> (i32, i32) {
    %c0_i32 = arith.constant 0 : i32
    %c0_i32_0 = arith.constant 0 : i32
    return %arg0, %c0_i32 : i32, i32
  }
  func.func @transform_2(%arg0: i32) -> (i32, i32) {
    %c0_i32 = arith.constant 0 : i32
    %c0_i32_0 = arith.constant 0 : i32
    return %arg0, %c0_i32 : i32, i32
  }
  func.func @transform_3(%arg0: i32) -> (i32, i32) {
    %c0_i32 = arith.constant 0 : i32
    %c0_i32_0 = arith.constant 0 : i32
    %c0_i32_1 = arith.constant 0 : i32
    return %c0_i32, %c0_i32_0 : i32, i32
  }
  func.func @transform_4(%arg0: i32) -> (i32, i32) {
    %c0_i32 = arith.constant 0 : i32
    %c0_i32_0 = arith.constant 0 : i32
    %c0_i32_1 = arith.constant 0 : i32
    return %c0_i32, %c0_i32_0 : i32, i32
  }
  func.func @transform_5(%arg0: i32) -> i32 {
    %c0_i32 = arith.constant 0 : i32
    %c0_i32_0 = arith.constant 0 : i32
    return %c0_i32 : i32
  }
  func.func @transform_6(%arg0: i32) -> (i32, i32) {
    %c0_i32 = arith.constant 0 : i32
    %c0_i32_0 = arith.constant 0 : i32
    %c0_i32_1 = arith.constant 0 : i32
    return %c0_i32, %c0_i32_0 : i32, i32
  }
  func.func @transform_7(%arg0: i32) -> i32 {
    %c0_i32 = arith.constant 0 : i32
    %c0_i32_0 = arith.constant 0 : i32
    return %c0_i32 : i32
  }
  func.func @transform_8(%arg0: i32) -> (i32, i32) {
    %c0_i32 = arith.constant 0 : i32
    %c0_i32_0 = arith.constant 0 : i32
    %c0_i32_1 = arith.constant 0 : i32
    return %c0_i32, %c0_i32_0 : i32, i32
  }
  func.func @transform_9(%arg0: i32) -> (i32, i32) {
    %c0_i32 = arith.constant 0 : i32
    %c0_i32_0 = arith.constant 0 : i32
    %c0_i32_1 = arith.constant 0 : i32
    return %c0_i32, %c0_i32_0 : i32, i32
  }
  func.func @transform_10(%arg0: i32) -> i32 {
    %c0_i32 = arith.constant 0 : i32
    %c0_i32_0 = arith.constant 0 : i32
    return %c0_i32 : i32
  }
  func.func @transform_11(%arg0: i32) -> (i32, i32) {
    %c0_i32 = arith.constant 0 : i32
    %c0_i32_0 = arith.constant 0 : i32
    return %arg0, %c0_i32 : i32, i32
  }
  func.func @transform_12(%arg0: i32) -> (i32, i32) {
    %c0_i32 = arith.constant 0 : i32
    %c0_i32_0 = arith.constant 0 : i32
    return %arg0, %c0_i32 : i32, i32
  }
  func.func @transform_13(%arg0: i32) -> (i32, i32) {
    %c0_i32 = arith.constant 0 : i32
    %c0_i32_0 = arith.constant 0 : i32
    return %arg0, %c0_i32 : i32, i32
  }
}

module attributes {stable_mosaic.version = 14 : i64} {
  func.func @_final_body(%arg0: i32, %arg1: memref<1000x32xf32, #tpu.memory_space<vmem>>, %arg2: memref<1000x128xf32, #tpu.memory_space<vmem>>, %arg3: memref<1000x128xf32, #tpu.memory_space<vmem>>, %arg4: memref<32x128xf32, #tpu.memory_space<vmem>>, %arg5: memref<128x128xf32, #tpu.memory_space<vmem>>, %arg6: memref<128xf32, #tpu.memory_space<vmem>>, %arg7: memref<128x32xf32, #tpu.memory_space<vmem>>, %arg8: memref<32xf32, #tpu.memory_space<vmem>>, %arg9: memref<32x32xf32, #tpu.memory_space<vmem>>, %arg10: memref<32xf32, #tpu.memory_space<vmem>>, %arg11: memref<32x2xf32, #tpu.memory_space<vmem>>, %arg12: memref<2xf32, #tpu.memory_space<vmem>>, %arg13: memref<1000x2xf32, #tpu.memory_space<vmem>>) attributes {dimension_semantics = [#tpu.dimension_semantics<arbitrary>], iteration_bounds = array<i64: 10>, scalar_prefetch = 0 : i64, scratch_operands = 0 : i64, tpu.core_type = #tpu.core_type<tc>, window_params = [{transform_indices = @transform_0, window_bounds = array<i64: 1000, 32>}, {transform_indices = @transform_1, window_bounds = array<i64: 1000, 128>}, {transform_indices = @transform_2, window_bounds = array<i64: 1000, 128>}, {pipeline_mode = #tpu.pipeline_mode<synchronous>, transform_indices = @transform_3, window_bounds = array<i64: 32, 128>}, {pipeline_mode = #tpu.pipeline_mode<synchronous>, transform_indices = @transform_4, window_bounds = array<i64: 128, 128>}, {pipeline_mode = #tpu.pipeline_mode<synchronous>, transform_indices = @transform_5, window_bounds = array<i64: 128>}, {pipeline_mode = #tpu.pipeline_mode<synchronous>, transform_indices = @transform_6, window_bounds = array<i64: 128, 32>}, {pipeline_mode = #tpu.pipeline_mode<synchronous>, transform_indices = @transform_7, window_bounds = array<i64: 32>}, {pipeline_mode = #tpu.pipeline_mode<synchronous>, transform_indices = @transform_8, window_bounds = array<i64: 32, 32>}, {pipeline_mode = #tpu.pipeline_mode<synchronous>, transform_indices = @transform_9, window_bounds = array<i64: 32>}, {pipeline_mode = #tpu.pipeline_mode<synchronous>, transform_indices = @transform_10, window_bounds = array<i64: 32, 2>}, {pipeline_mode = #tpu.pipeline_mode<synchronous>, transform_indices = @transform_11, window_bounds = array<i64: 2>}, {transform_indices = @transform_12, window_bounds = array<i64: 1000, 2>}]} {
    %get3A = arith.constant 0 : index
    %get3A_0 = arith.constant 0 : index
    %get3A_1 = vector.load %arg2[%get3A, %get3A_0] : memref<1000x128xf32, #tpu.memory_space<vmem>>, vector<1000x128xf32>
    %get3A_2 = arith.constant 0 : index
    %get3A_3 = arith.constant 0 : index
    %get3A_4 = vector.load %arg3[%get3A_2, %get3A_3] : memref<1000x128xf32, #tpu.memory_space<vmem>>, vector<1000x128xf32>
    %add3A = arith.addf %get3A_1, %get3A_4 : vector<1000x128xf32>
    %get3A_5 = arith.constant 0 : index
    %get3A_6 = arith.constant 0 : index
    %get3A_7 = vector.load %arg1[%get3A_5, %get3A_6] : memref<1000x32xf32, #tpu.memory_space<vmem>>, vector<1000x32xf32>
    %get3A_8 = arith.constant 0 : index
    %get3A_9 = arith.constant 0 : index
    %get3A_10 = vector.load %arg4[%get3A_8, %get3A_9] : memref<32x128xf32, #tpu.memory_space<vmem>>, vector<32x128xf32>
    %convert_element_type3A = arith.truncf %get3A_7 : vector<1000x32xf32> to vector<1000x32xbf16>
    %convert_element_type3A_11 = arith.truncf %get3A_10 : vector<32x128xf32> to vector<32x128xbf16>
    %dot_general3A = arith.constant dense<0.000000e+00> : vector<1000x128xf32>
    %dot_general3A_12 = tpu.matmul %convert_element_type3A, %convert_element_type3A_11, %dot_general3A {dimension_numbers = #tpu.dot_dimension_numbers<[1], [0], [0], [1], [0, 0, 1, 1], [], []>, transpose_lhs_hint = false} : vector<1000x32xbf16>, vector<32x128xbf16>, vector<1000x128xf32> -> vector<1000x128xf32>
    %get3A_13 = arith.constant 0 : index
    %get3A_14 = arith.constant 0 : index
    %get3A_15 = vector.load %arg5[%get3A_13, %get3A_14] : memref<128x128xf32, #tpu.memory_space<vmem>>, vector<128x128xf32>
    %convert_element_type3A_16 = arith.truncf %add3A : vector<1000x128xf32> to vector<1000x128xbf16>
    %convert_element_type3A_17 = arith.truncf %get3A_15 : vector<128x128xf32> to vector<128x128xbf16>
    %dot_general3A_18 = arith.constant dense<0.000000e+00> : vector<1000x128xf32>
    %dot_general3A_19 = tpu.matmul %convert_element_type3A_16, %convert_element_type3A_17, %dot_general3A_18 {dimension_numbers = #tpu.dot_dimension_numbers<[1], [0], [0], [1], [0, 0, 1, 1], [], []>, transpose_lhs_hint = false} : vector<1000x128xbf16>, vector<128x128xbf16>, vector<1000x128xf32> -> vector<1000x128xf32>
    %add3A_20 = arith.addf %dot_general3A_12, %dot_general3A_19 : vector<1000x128xf32>
    %get3A_21 = arith.constant 0 : index
    %get3A_22 = vector.load %arg6[%get3A_21] : memref<128xf32, #tpu.memory_space<vmem>>, vector<128xf32>
    %broadcast_in_dim3A = vector.shape_cast %get3A_22 : vector<128xf32> to vector<1x128xf32>
    %add3A_23 = vector.broadcast %broadcast_in_dim3A : vector<1x128xf32> to vector<1000x128xf32>
    %add3A_24 = arith.addf %add3A_20, %add3A_23 : vector<1000x128xf32>
    %max3A = arith.constant 0.000000e+00 : f32
    %max3A_25 = vector.broadcast %max3A : f32 to vector<1000x128xf32>
    %max3A_26 = arith.maximumf %add3A_24, %max3A_25 : vector<1000x128xf32>
    %get3A_27 = arith.constant 0 : index
    %get3A_28 = arith.constant 0 : index
    %get3A_29 = vector.load %arg7[%get3A_27, %get3A_28] : memref<128x32xf32, #tpu.memory_space<vmem>>, vector<128x32xf32>
    %convert_element_type3A_30 = arith.truncf %max3A_26 : vector<1000x128xf32> to vector<1000x128xbf16>
    %convert_element_type3A_31 = arith.truncf %get3A_29 : vector<128x32xf32> to vector<128x32xbf16>
    %dot_general3A_32 = arith.constant dense<0.000000e+00> : vector<1000x32xf32>
    %dot_general3A_33 = tpu.matmul %convert_element_type3A_30, %convert_element_type3A_31, %dot_general3A_32 {dimension_numbers = #tpu.dot_dimension_numbers<[1], [0], [0], [1], [0, 0, 1, 1], [], []>, transpose_lhs_hint = false} : vector<1000x128xbf16>, vector<128x32xbf16>, vector<1000x32xf32> -> vector<1000x32xf32>
    %get3A_34 = arith.constant 0 : index
    %get3A_35 = vector.load %arg8[%get3A_34] : memref<32xf32, #tpu.memory_space<vmem>>, vector<32xf32>
    %broadcast_in_dim3A_36 = vector.shape_cast %get3A_35 : vector<32xf32> to vector<1x32xf32>
    %add3A_37 = vector.broadcast %broadcast_in_dim3A_36 : vector<1x32xf32> to vector<1000x32xf32>
    %add3A_38 = arith.addf %dot_general3A_33, %add3A_37 : vector<1000x32xf32>
    %get3A_39 = arith.constant 0 : index
    %get3A_40 = arith.constant 0 : index
    %get3A_41 = vector.load %arg9[%get3A_39, %get3A_40] : memref<32x32xf32, #tpu.memory_space<vmem>>, vector<32x32xf32>
    %convert_element_type3A_42 = arith.truncf %add3A_38 : vector<1000x32xf32> to vector<1000x32xbf16>
    %convert_element_type3A_43 = arith.truncf %get3A_41 : vector<32x32xf32> to vector<32x32xbf16>
    %dot_general3A_44 = arith.constant dense<0.000000e+00> : vector<1000x32xf32>
    %dot_general3A_45 = tpu.matmul %convert_element_type3A_42, %convert_element_type3A_43, %dot_general3A_44 {dimension_numbers = #tpu.dot_dimension_numbers<[1], [0], [0], [1], [0, 0, 1, 1], [], []>, transpose_lhs_hint = false} : vector<1000x32xbf16>, vector<32x32xbf16>, vector<1000x32xf32> -> vector<1000x32xf32>
    %get3A_46 = arith.constant 0 : index
    %get3A_47 = vector.load %arg10[%get3A_46] : memref<32xf32, #tpu.memory_space<vmem>>, vector<32xf32>
    %broadcast_in_dim3A_48 = vector.shape_cast %get3A_47 : vector<32xf32> to vector<1x32xf32>
    %add3A_49 = vector.broadcast %broadcast_in_dim3A_48 : vector<1x32xf32> to vector<1000x32xf32>
    %add3A_50 = arith.addf %dot_general3A_45, %add3A_49 : vector<1000x32xf32>
    %max3A_51 = arith.constant 0.000000e+00 : f32
    %max3A_52 = vector.broadcast %max3A_51 : f32 to vector<1000x32xf32>
    %max3A_53 = arith.maximumf %add3A_50, %max3A_52 : vector<1000x32xf32>
    %get3A_54 = arith.constant 0 : index
    %get3A_55 = arith.constant 0 : index
    %get3A_56 = vector.load %arg11[%get3A_54, %get3A_55] : memref<32x2xf32, #tpu.memory_space<vmem>>, vector<32x2xf32>
    %convert_element_type3A_57 = arith.truncf %max3A_53 : vector<1000x32xf32> to vector<1000x32xbf16>
    %convert_element_type3A_58 = arith.truncf %get3A_56 : vector<32x2xf32> to vector<32x2xbf16>
    %dot_general3A_59 = arith.constant dense<0.000000e+00> : vector<1000x2xf32>
    %dot_general3A_60 = tpu.matmul %convert_element_type3A_57, %convert_element_type3A_58, %dot_general3A_59 {dimension_numbers = #tpu.dot_dimension_numbers<[1], [0], [0], [1], [0, 0, 1, 1], [], []>, transpose_lhs_hint = false} : vector<1000x32xbf16>, vector<32x2xbf16>, vector<1000x2xf32> -> vector<1000x2xf32>
    %get3A_61 = arith.constant 0 : index
    %get3A_62 = vector.load %arg12[%get3A_61] : memref<2xf32, #tpu.memory_space<vmem>>, vector<2xf32>
    %broadcast_in_dim3A_63 = vector.shape_cast %get3A_62 : vector<2xf32> to vector<1x2xf32>
    %add3A_64 = vector.broadcast %broadcast_in_dim3A_63 : vector<1x2xf32> to vector<1000x2xf32>
    %add3A_65 = arith.addf %dot_general3A_60, %add3A_64 : vector<1000x2xf32>
    %swap3A = arith.constant 0 : index
    %swap3A_66 = arith.constant 0 : index
    %swap3A_67 = vector.load %arg13[%swap3A, %swap3A_66] : memref<1000x2xf32, #tpu.memory_space<vmem>>, vector<1000x2xf32>
    tpu.vector_store %arg13[%swap3A, %swap3A_66], %add3A_65 {strides = array<i32>} : memref<1000x2xf32, #tpu.memory_space<vmem>>, vector<1000x2xf32>,
    return
  }
  func.func @transform_0(%arg0: i32) -> (i32, i32) {
    %c0_i32 = arith.constant 0 : i32
    %c0_i32_0 = arith.constant 0 : i32
    return %arg0, %c0_i32 : i32, i32
  }
  func.func @transform_1(%arg0: i32) -> (i32, i32) {
    %c0_i32 = arith.constant 0 : i32
    %c0_i32_0 = arith.constant 0 : i32
    return %arg0, %c0_i32 : i32, i32
  }
  func.func @transform_2(%arg0: i32) -> (i32, i32) {
    %c0_i32 = arith.constant 0 : i32
    %c0_i32_0 = arith.constant 0 : i32
    return %arg0, %c0_i32 : i32, i32
  }
  func.func @transform_3(%arg0: i32) -> (i32, i32) {
    %c0_i32 = arith.constant 0 : i32
    %c0_i32_0 = arith.constant 0 : i32
    %c0_i32_1 = arith.constant 0 : i32
    return %c0_i32, %c0_i32_0 : i32, i32
  }
  func.func @transform_4(%arg0: i32) -> (i32, i32) {
    %c0_i32 = arith.constant 0 : i32
    %c0_i32_0 = arith.constant 0 : i32
    %c0_i32_1 = arith.constant 0 : i32
    return %c0_i32, %c0_i32_0 : i32, i32
  }
  func.func @transform_5(%arg0: i32) -> i32 {
    %c0_i32 = arith.constant 0 : i32
    %c0_i32_0 = arith.constant 0 : i32
    return %c0_i32 : i32
  }
  func.func @transform_6(%arg0: i32) -> (i32, i32) {
    %c0_i32 = arith.constant 0 : i32
    %c0_i32_0 = arith.constant 0 : i32
    %c0_i32_1 = arith.constant 0 : i32
    return %c0_i32, %c0_i32_0 : i32, i32
  }
  func.func @transform_7(%arg0: i32) -> i32 {
    %c0_i32 = arith.constant 0 : i32
    %c0_i32_0 = arith.constant 0 : i32
    return %c0_i32 : i32
  }
  func.func @transform_8(%arg0: i32) -> (i32, i32) {
    %c0_i32 = arith.constant 0 : i32
    %c0_i32_0 = arith.constant 0 : i32
    %c0_i32_1 = arith.constant 0 : i32
    return %c0_i32, %c0_i32_0 : i32, i32
  }
  func.func @transform_9(%arg0: i32) -> i32 {
    %c0_i32 = arith.constant 0 : i32
    %c0_i32_0 = arith.constant 0 : i32
    return %c0_i32 : i32
  }
  func.func @transform_10(%arg0: i32) -> (i32, i32) {
    %c0_i32 = arith.constant 0 : i32
    %c0_i32_0 = arith.constant 0 : i32
    %c0_i32_1 = arith.constant 0 : i32
    return %c0_i32, %c0_i32_0 : i32, i32
  }
  func.func @transform_11(%arg0: i32) -> i32 {
    %c0_i32 = arith.constant 0 : i32
    %c0_i32_0 = arith.constant 0 : i32
    return %c0_i32 : i32
  }
  func.func @transform_12(%arg0: i32) -> (i32, i32) {
    %c0_i32 = arith.constant 0 : i32
    %c0_i32_0 = arith.constant 0 : i32
    return %arg0, %c0_i32 : i32, i32
  }
}

</mosaic_0001>

<sc_bundles>
// kernel: kernel.16.cloned.1.call-start
scs
__scs_entry_jumppad:
0x0: {  	(pc) =	sbr.rel $0x88, $3  }
0x1: {  	(tag) =	ssettag $0x0;
	lr =	simm.s32 $0x1  }
0x2: {  	[smem:$0x3F7A] =	sst lr;
	_ =	strace $0xD0000000  }
0x3: {  	_ = 	snop  }
0x4: {  	_ = 	snop  }
0x5: {  	_ = 	snop  }
0x6: {  	_ = 	snop  }
0x7: {  	_ = 	snop  }
__scs_overlays_trampoline_lowered:
0x8: {  	[smem:$0x3F89] =	sst s0  }
0x9: {  	[smem:$0x3F8A] =	sst s1  }
0xa: {  	[smem:$0x3F8B] =	sst s2  }
0xb: {  	[smem:$0x3F8C] =	sst s3  }
0xc: {  	[smem:$0x3F8D] =	sst s4  }
0xd: {  	[smem:$0x3F8E] =	sst s5  }
0xe: {  	[smem:$0x3F8F] =	sst s6  }
0xf: {  	[smem:$0x3F90] =	sst s7  }
0x10: {  	[smem:$0x3F91] =	sst s8  }
0x11: {  	[smem:$0x3F92] =	sst s9;
	s0 =	simm.s32 @!p0 $0x0  }
0x12: {  	s1 =	sld [smem:$0x3F78];
	s0 =	simm.s32 @p0 $0x1  }
0x13: {  	[smem:$0x3F93] =	sst s0;
	s0 =	simm.s32 @!p1 $0x0  }
0x14: {  	s2 =	sld [smem:$0x3F77];
	s0 =	simm.s32 @p1 $0x1  }
0x15: {  	[smem:$0x3F94] =	sst s0;
	s0 =	simm.s32 @!p2 $0x0  }
0x16: {  	s3 =	sld [smem:$0x3FDB];
	s0 =	simm.s32 @p2 $0x1  }
0x17: {  	s4 =	simm.s32 $0x1BF5;
	[smem:$0x3F96] =	sst s0  }
0x18: {  	s0 =	sld [smem:$0x3F79];
	_ =	swait.ge [sflag:s4], $0x0  }
0x19: {  	s7 =	sld [smem:$0x3F7A]  }
0x1a: {  	s8 =	sadd.s32 $0xFFFFE003, lr  }
0x1b: {  	s9 =	sadd.s32 $0xFFFFFEF7, lr;
	s5 =	simm.s32 $0xFFFFFFFF;
	p2 =	slt.u32 s8, $0xFFFFF086  }
0x1c: {  	p1 =	slt.u32 s9, $0xF7A;
	s5 =	simm.s32 @!p2 $0x0  }
0x1d: {  	s5 =	simm.s32 @p1 $0x1;
	p0 =	seq.s32 s7, s2  }
0x1e: {  	s7 =	smul.u32 @!p0 $0xF7A, s2;
	p2 =	seq.s32 @!p0 s5, $0x0  }
0x1f: {  	s9 =	smul.u32 $0xF7A, s1;
	s8 =	simm.s32 @!p0 $0x1BF5;
	p2 =	por !p2, p0  }
0x20: {  	[sflag:s8] =	ssyncset.s32 @!p0 $0xFFFFF086;
	s6 =	sadd.s32 @!p0 s3, s7;
	s7 =	simm.s32 @!p0 $0x108  }
0x21: {  	s3 =	sadd.s32 s3, s9;
	s6 =	sadd.s32 @!p0 $0x88, s6;
	s7 =	simm.s32 @p2 $0x1082  }
0x22: {  	[simem:s7], [sflag:s8] =	dma.local @!p0 [hbm:s6], $0xF7A  }
0x23: {  	s9 =	sor.u32 $0xD0000000, s2;
	s6 =	simm.s32 $0x108;
	_ =	swait.ge @!p0 [sflag:s8], $0x0  }
0x24: {  	s3 =	sadd.s32 $0x88, s3;
	s6 =	simm.s32 @!p1 $0x1082;
	[sflag:s4] =	ssyncset.s32 $0xFFFFF086  }
0x25: {  	[simem:s6], [sflag:s4] =	dma.local [hbm:s3], $0xF7A  }
0x26: {  	[smem:$0x3F7A] =	sst s1;
	(tag) =	ssettag s2;
	_ =	strace s9  }
0x27: {  	s1 =	sld [smem:$0x3F8A]  }
0x28: {  	s2 =	sld [smem:$0x3F8B]  }
0x29: {  	s4 =	sld [smem:$0x3F8D]  }
0x2a: {  	p0 =	seq.s32 s5, $0x0;
	s5 =	sld [smem:$0x3F8E]  }
0x2b: {  	s6 =	sld [smem:$0x3F8F]  }
0x2c: {  	s7 =	sld [smem:$0x3F90]  }
0x2d: {  	s3 =	simm.s32 $0x108;
	s8 =	sld [smem:$0x3F91]  }
0x2e: {  	s3 =	simm.s32 @!p0 $0x1082;
	s9 =	sld [smem:$0x3F92]  }
0x2f: {  	lr =	sadd.s32 s0, s3;
	s0 =	sld [smem:$0x3F89]  }
0x30: {  	s3 =	sld [smem:$0x3F8C]  }
0x31: {  	[smem:$0x3F95] =	sst s10  }
0x32: {  	s10 =	sld [smem:$0x3F93];
	_ =	sdelay $0x3  }
0x33: {  	p0 =	seq.s32 s10, $0x1;
	s10 =	sld [smem:$0x3F95];
	_ =	sdelay $0x3  }
0x34: {  	[smem:$0x3F95] =	sst s10  }
0x35: {  	s10 =	sld [smem:$0x3F94];
	_ =	sdelay $0x3  }
0x36: {  	p1 =	seq.s32 s10, $0x1;
	s10 =	sld [smem:$0x3F95];
	_ =	sdelay $0x3  }
0x37: {  	[smem:$0x3F95] =	sst s10  }
0x38: {  	s10 =	sld [smem:$0x3F96]  }
0x39: {  	_ = 	snop;
	(pc) =	sbr.ind lr, $3  }
0x3a: {  	_ = 	snop  }
0x3b: {  	_ = 	snop  }
0x3c: {  	p2 =	seq.s32 s10, $0x1;
	s10 =	sld [smem:$0x3F95]  }
0x3d: {  	_ =	shalt  }
0x3e: {  	_ =	shalt  }
0x3f: {  	_ =	shalt  }
0x40: {  	_ =	shalt  }
0x41: {  	_ =	shalt  }
0x42: {  	_ =	shalt  }
0x43: {  	_ =	shalt  }
0x44: {  	_ =	shalt  }
0x45: {  	_ =	shalt  }
0x46: {  	_ =	shalt  }
0x47: {  	_ =	shalt  }
0x48: {  	_ =	shalt  }
0x49: {  	_ =	shalt  }
0x4a: {  	_ =	shalt  }
0x4b: {  	_ =	shalt  }
0x4c: {  	_ =	shalt  }
0x4d: {  	_ =	shalt  }
0x4e: {  	_ =	shalt  }
0x4f: {  	_ =	shalt  }
0x50: {  	_ =	shalt  }
0x51: {  	_ =	shalt  }
0x52: {  	_ =	shalt  }
0x53: {  	_ =	shalt  }
0x54: {  	_ =	shalt  }
0x55: {  	_ =	shalt  }
0x56: {  	_ =	shalt  }
0x57: {  	_ =	shalt  }
0x58: {  	_ =	shalt  }
0x59: {  	_ =	shalt  }
0x5a: {  	_ =	shalt  }
0x5b: {  	_ =	shalt  }
0x5c: {  	_ =	shalt  }
0x5d: {  	_ =	shalt  }
0x5e: {  	_ =	shalt  }
0x5f: {  	_ =	shalt  }
0x60: {  	_ =	shalt  }
0x61: {  	_ =	shalt  }
0x62: {  	_ =	shalt  }
0x63: {  	_ =	shalt  }
0x64: {  	_ =	shalt  }
0x65: {  	_ =	shalt  }
0x66: {  	_ =	shalt  }
0x67: {  	_ =	shalt  }
0x68: {  	_ =	shalt  }
0x69: {  	_ =	shalt  }
0x6a: {  	_ =	shalt  }
0x6b: {  	_ =	shalt  }
0x6c: {  	_ =	shalt  }
0x6d: {  	_ =	shalt  }
0x6e: {  	_ =	shalt  }
0x6f: {  	_ =	shalt  }
0x70: {  	_ =	shalt  }
0x71: {  	_ =	shalt  }
0x72: {  	_ =	shalt  }
0x73: {  	_ =	shalt  }
0x74: {  	_ =	shalt  }
0x75: {  	_ =	shalt  }
0x76: {  	_ =	shalt  }
0x77: {  	_ =	shalt  }
0x78: {  	_ =	shalt  }
0x79: {  	_ =	shalt  }
0x7a: {  	_ =	shalt  }
0x7b: {  	_ =	shalt  }
0x7c: {  	_ =	shalt  }
0x7d: {  	_ =	shalt  }
0x7e: {  	_ =	shalt  }
0x7f: {  	_ =	shalt  }
0x80: {  	_ =	shalt  }
0x81: {  	_ =	shalt  }
0x82: {  	_ =	shalt  }
0x83: {  	_ =	shalt  }
0x84: {  	_ =	shalt  }
0x85: {  	_ =	shalt  }
0x86: {  	_ =	shalt  }
0x87: {  	_ =	shalt  }
.Lfunc_end0:
.L_simem_size_0:
called_computation_lowered:
.L_overlay_start_0:
0x88: {  	s2 =	sld [smem:$0x3FD9]  }
0x89: {  	s3 =	sld [smem:$0x3FFE];
	_ =	sdelay $0x1  }
0x8a: {  	s1 =	srdreg.scid  }
0x8b: {  	s0 =	sand.u32 $0x1, s1  }
0x8c: {  	s16 =	sshll.u32 s0, $0xA;
	s2 =	sadd.s32 s3, s2  }
0x8d: {  	s2 =	sadd.s32 s2, s16  }
0x8e: {  	[smem:$0x3FA1] =	sst s2  }
0x8f: {  	_ = 	snop  }
0x90: {  	(tm) =	ssettm $0x1  }
0x91: {  	s17 =	sld [smem:$0x3FFB];
	_ =	sdelay $0x3  }
0x92: {  	_ =	strace s17  }
0x93: {  	s2 =	sld [smem:$0x3FFC];
	_ =	sdelay $0x3  }
0x94: {  	_ =	strace s2  }
0x95: {  	s2 =	sld [smem:$0x3FFD];
	_ =	sdelay $0x3  }
0x96: {  	_ =	strace s2  }
0x97: {  	_ =	strace $0x8FFFFFFF  }
0x98: {  	s18 =	sld [smem:$0x3FDB];
	_ =	sdelay $0x1  }
0x99: {  	s19 =	simm.s32 $_scs_section_size  }
0x9a: {  	s4 =	simm.s32 $_size__tile_overlayer_lowered;
	s5 =	simm.s32 $_tile_overlayer_lowered  }
0x9b: {  	s22 =	simm.s32 $0x1BFF;
	s21 =	sshll.u32 s5, $0x1;
	s2 =	sadd.s32 s19, s18  }
0x9c: {  	s6 =	simm.s32 $0x0;
	s20 =	sshll.u32 s4, $0x1;
	s4 =	sadd.s32 s21, s2  }
0x9d: {  	[timem:s6], [sflag:s22] =	dma.local [hbm:s4], s20  }
0x9e: {  	_ =	swait.ge [sflag:s22], s20  }
0x9f: {  	s3 =	ssub.s32 $0x0, s20;
	[sflag:s22] =	ssyncset.done $0x0  }
0xa0: {  	[sflag:s22] =	ssyncadd.s32 s3;
	_ =	sdelay $0x1  }
0xa1: {  	s23 =	simm.s32 $0x1B8B  }
0xa2: {  	_ =	swait.ge [sflag:s23], $0x1  }
0xa3: {  	[sflag:s23] =	ssyncset.done $0x0  }
0xa4: {  	s25 =	simm.s32 $0x1B8E;
	s24 =	sld [smem:$0x3FFE];
	[sflag:s23] =	ssyncadd.s32 $0xFFFFFFFF  }
0xa5: {  	s26 =	simm.s32 $execute0_lowered;
	[smem:$0x3FD2] =	sst s25  }
0xa6: {  	s4 =	sshll.u32 s26, $0x1;
	_ =	strace $0x80000046;
	[dreg:$0x1] =	wrdreg $0xFFFFFFFF  }
0xa7: {  	s28 =	simm.s32 $_size_execute0_lowered;
	s2 =	sadd.s32 s2, s4;
	[dreg:$0x0] =	wrdreg $0x0  }
0xa8: {  	s4 =	sshll.u32 s28, $0x1;
	[dreg:$0x2] =	wrdreg s2  }
0xa9: {  	[dreg:$0x3] =	wrdreg s4  }
0xaa: {  	[dreg:$0x4] =	wrdreg $0xC0  }
0xab: {  	_ =	task [dreg:s6], $0x5FFFF  }
0xac: {  	[dreg:$0x1] =	wrdreg $0xFFFFFFFF  }
0xad: {  	[dreg:$0x0] =	wrdreg $0x60  }
0xae: {  	[dreg:$0x2] =	wrdreg s24  }
0xaf: {  	[dreg:$0x3] =	wrdreg $0x9  }
0xb0: {  	_ =	task.clear_ibuf [dreg:s6], $0x4FFFF;
	_ =	strace $0x90000046  }
0xb1: {  	s29 =	simm.s32 $0x9;
	_ =	strace $0x80000048  }
0xb2: {  	_ =	swait.ge [sflag:s29], $0x1  }
0xb3: {  	[sflag:s29] =	ssyncadd.s32 $0xFFFFFFFF  }
0xb4: {  	_ =	strace $0x90000048  }
0xb5: {  	_ =	sfence  }
0xb6: {  	s30 =	sld [smem:$0x0];
	_ =	sdelay $0x2  }
0xb7: {  	s31 =	sshll.u32 s1, $0xD;
	s1 =	sshrl.u32 s1, $0x2  }
0xb8: {  	s3 =	sand.u32 $0x4000, s31;
	s1 =	sadd.s32 s1, s30  }
0xb9: {  	s0 =	sor.u32 s3, s0;
	s1 =	sshll.u32 s1, $0x11  }
0xba: {  	s0 =	sor.u32 s1, s0  }
0xbb: {  	s0 =	sadd.s32 $0x8F2B, s0  }
0xbc: {  	[sflag:s0] =	ssyncadd.remote.s32 $0x1  }
0xbd: {  	_ =	sfence.sel $0xFFFF  }
0xbe: {  	[dreg:$0x0] =	wrdreg $0xFFFFFFFF;
	(pc) =	sbr.abs _section_cstart, $3  }
0xbf: {  	[dreg:$0x1] =	wrdreg $0xFFFFFFFF  }
0xc0: {  	_ =	task.clear_ibuf [dreg:s6], $0x2FFFF;
	_ =	strace $0x9FFFFFFF  }
0xc1: {  	(tm) =	ssettm $0x7FFFFFFF  }
tec
execute0_lowered:
.L_overlay_start_1:
0x0: {  	(tag) =	ssettag $0x1  }
0x1: {  	s1 =	srdreg.scid  }
0x2: {  	s0 =	stileid.u32;
	s5 =	rddreg [dreg:$0x0]  }
0x3: {  	s2 =	simm.s32 $0x0;
	s10 =	simm.s32 $0x3;
	s11 =	simm.s32 $0x2800  }
0x4: {  	s12 =	simm.s32 $0x80;
	s13 =	simm.s32 $0x5000;
	s14 =	simm.s32 $0x9000  }
0x5: {  	s15 =	simm.s32 $0x1;
	s16 =	simm.s32 $0x2;
	s17 =	simm.s32 $0x0  }
0x6: {  	s3 =	sand.u32 $0x1, s1;
	s4 =	sshll.u32 s0, $0x1;
	s1 =	rddreg [dreg:$0x1]  }
0x7: {  	[smem:$0x7FF] =	sst s2;
	s8 =	sor.u32 s3, s4;
	s6 =	ssub.s32 $0x2, s3  }
0x8: {  	_ =	strace $0x80000047;
	s4 =	smul.u32 $0x500, s8;
	s9 =	sshrl.u32 s6, $0x1  }
0x9: {  	s3 =	sadd.s32 $0xB000, s5;
	s8 =	smul.u32 $0x140000, s8;
	s9 =	ssub.s32 s6, s9  }
0xa: {  	s7 =	sadd.s32 s4, s5;
	s4 =	sadd.s32 $0x32200, s5;
	s5 =	sadd.s32 $0xC5800, s5  }
0xb: {  	s9 =	smax.u32 s9, $0x1;
	s6 =	sadd.s32 $0x80600, s7;
	s7 =	sadd.s32 $0x94600, s7  }
.LBB2_1:
0xc: {  	[tilespmem:s2], [sflag:$0x3] =	stream.linear.gather [hbm4b:s6+s2], $0x2800, $0x38;
	[tilespmem:$0xD000] =	vst v63  }
0xd: {  	_ =	swait.ge [sflag:s10], $0x2800  }
0xe: {  	[sflag:s10] =	ssyncset.done $0x0  }
0xf: {  	[sflag:s10] =	ssyncadd.s32 $0xFFFFD800  }
0x10: {  	[tilespmem:s11], [sflag:$0x3] =	stream.linear.gather [hbm4b:s7+s2], $0x2800, $0x38;
	[tilespmem:$0xD000] =	vst v63  }
0x11: {  	_ =	swait.ge [sflag:s10], $0x2800  }
0x12: {  	[sflag:s10] =	ssyncset.done $0x0  }
0x13: {  	s18 =	simm.s32 $0x0;
	[sflag:s10] =	ssyncadd.s32 $0xFFFFD800  }
.LBB2_2:
0x14: {  	s19 =	sshll.u32 s18, $0x7  }
0x15: {  	[tilespmem:s13], [sflag:$0x1] =	stream.indirect.gather [hbm4b:s3+s12], $0x80, s19, s12, $0xb8;
	[tilespmem:$0xD000] =	vst v63  }
0x16: {  	s19 =	sadd.s32 $0x2800, s19  }
0x17: {  	[tilespmem:s14], [sflag:$0x2] =	stream.indirect.gather [hbm4b:s4+s12], $0x80, s19, s12, $0xb8;
	[tilespmem:$0xD000] =	vst v63  }
0x18: {  	_ =	swait.ge [sflag:s15], $0x4000  }
0x19: {  	[sflag:s15] =	ssyncset.done $0x0  }
0x1a: {  	[sflag:s15] =	ssyncadd.s32 $0xFFFFC000  }
0x1b: {  	_ =	swait.ge [sflag:s16], $0x4000  }
0x1c: {  	[sflag:s16] =	ssyncset.done $0x0  }
0x1d: {  	s19 =	simm.s32 $0x0;
	[sflag:s16] =	ssyncadd.s32 $0xFFFFC000  }
0x1e: {  	v6 =	vld [tilespmem:s19+$0x9000]  }
0x1f: {  	v11 =	vld [tilespmem:s19+$0x9010]  }
0x20: {  	v5 =	vld [tilespmem:s19+$0x9020]  }
0x21: {  	v4 =	vld [tilespmem:s19+$0x9030]  }
0x22: {  	v3 =	vld [tilespmem:s19+$0x9040]  }
0x23: {  	v2 =	vld [tilespmem:s19+$0x9050]  }
0x24: {  	v1 =	vld [tilespmem:s19+$0x9060]  }
0x25: {  	v0 =	vld [tilespmem:s19+$0x9070]  }
0x26: {  	v12 =	vld [tilespmem:s19+$0x5000]  }
0x27: {  	v13 =	vld [tilespmem:s19+$0x5010]  }
0x28: {  	v10 =	vld [tilespmem:s19+$0x5020]  }
0x29: {  	v9 =	vld [tilespmem:s19+$0x5030]  }
0x2a: {  	v8 =	vld [tilespmem:s19+$0x5040]  }
0x2b: {  	v7 =	vld [tilespmem:s19+$0x5050];
	v12 =	vadd.f32 v6, v12  }
0x2c: {  	s20 =	simm.s32 $0x200;
	v11 =	vadd.f32 v11, v13;
	v6 =	vld [tilespmem:s19+$0x5060]  }
.LBB2_3:
0x2d: {  	s21 =	sshra.s32 s20, $0x2;
	p0 =	sne.s32 s20, $0xFE00;
	v12 =	vmax.f32 v12, $0.0e+00;
	v5 =	vadd.f32 v5, v10;
	v10 =	vld [tilespmem:s19+$0x5070]  }
0x2e: {  	v13 =	vld [tilespmem:s21+$0x9000];
	[tilespmem:s19+$0x5000] =	vst v12;
	v11 =	vmax.f32 v11, $0.0e+00;
	v4 =	vadd.f32 v4, v9  }
0x2f: {  	v14 =	vld [tilespmem:s21+$0x9010];
	[tilespmem:s19+$0x5010] =	vst v11;
	v9 =	vmax.f32 v5, $0.0e+00;
	v3 =	vadd.f32 v3, v8  }
0x30: {  	v5 =	vld [tilespmem:s21+$0x9020];
	[tilespmem:s19+$0x5020] =	vst v9;
	v8 =	vmax.f32 v4, $0.0e+00;
	v2 =	vadd.f32 v2, v7  }
0x31: {  	v4 =	vld [tilespmem:s21+$0x9030];
	[tilespmem:s19+$0x5030] =	vst v8;
	v7 =	vmax.f32 v3, $0.0e+00;
	v1 =	vadd.f32 v1, v6  }
0x32: {  	v3 =	vld [tilespmem:s21+$0x9040];
	[tilespmem:s19+$0x5040] =	vst v7;
	v6 =	vmax.f32 v2, $0.0e+00;
	v0 =	vadd.f32 v0, v10  }
0x33: {  	v2 =	vld [tilespmem:s21+$0x9050];
	[tilespmem:s19+$0x5050] =	vst v6;
	v6 =	vmax.f32 v1, $0.0e+00  }
0x34: {  	v1 =	vld [tilespmem:s21+$0x9060];
	[tilespmem:s19+$0x5060] =	vst v6;
	v6 =	vmax.f32 v0, $0.0e+00  }
0x35: {  	v0 =	vld [tilespmem:s21+$0x9070];
	[tilespmem:s19+$0x5070] =	vst v6;
	s19 =	smov.u32 s21  }
0x36: {  	v6 =	vld [tilespmem:s19+$0x5000]  }
0x37: {  	v11 =	vld [tilespmem:s19+$0x5010]  }
.Ltmp0:
0x38: {  	v10 =	vld [tilespmem:s19+$0x5020];
	(pc) =	sbr.rel @p0 .LBB2_3-.Ltmp0, $4  }
0x39: {  	v9 =	vld [tilespmem:s19+$0x5030]  }
0x3a: {  	v8 =	vld [tilespmem:s19+$0x5040]  }
0x3b: {  	v12 =	vadd.f32 v13, v6;
	v7 =	vld [tilespmem:s19+$0x5050]  }
0x3c: {  	s20 =	sadd.s32 $0x200, s20;
	v11 =	vadd.f32 v14, v11;
	v6 =	vld [tilespmem:s19+$0x5060]  }
0x3d: {  	v12 =	vmax.f32 v12, $0.0e+00;
	v5 =	vadd.f32 v5, v10;
	v63 =	vld [tilespmem:s19+$0x5070]  }
0x3e: {  	[tilespmem:s19+$0x5000] =	vst v12;
	v11 =	vmax.f32 v11, $0.0e+00;
	v4 =	vadd.f32 v4, v9  }
0x3f: {  	[tilespmem:s19+$0x5010] =	vst v11;
	v5 =	vmax.f32 v5, $0.0e+00;
	v3 =	vadd.f32 v3, v8  }
0x40: {  	[tilespmem:s19+$0x5020] =	vst v5;
	v4 =	vmax.f32 v4, $0.0e+00;
	v2 =	vadd.f32 v2, v7  }
0x41: {  	[tilespmem:s19+$0x5030] =	vst v4;
	v3 =	vmax.f32 v3, $0.0e+00;
	v1 =	vadd.f32 v1, v6  }
0x42: {  	s20 =	sshll.u32 s18, $0xE;
	[tilespmem:s19+$0x5040] =	vst v3;
	v2 =	vmax.f32 v2, $0.0e+00;
	v0 =	vadd.f32 v0, v63  }
0x43: {  	s18 =	sadd.s32 $0x1, s18;
	s20 =	sadd.s32 s8, s20;
	[tilespmem:s19+$0x5050] =	vst v2;
	v1 =	vmax.f32 v1, $0.0e+00  }
0x44: {  	p0 =	sne.s32 s18, $0x50;
	s20 =	sshrl.u32 s20, $0x3;
	[tilespmem:s19+$0x5060] =	vst v1;
	v0 =	vmax.f32 v0, $0.0e+00  }
.Ltmp1:
0x45: {  	s31 =	sadd.s32 s5, s20;
	[tilespmem:s19+$0x5070] =	vst v0;
	(pc) =	sbr.rel @p0 .LBB2_2-.Ltmp1, $4  }
0x46: {  	[hbm4b:s31+s2] =	stream.linear.scatter [tilespmem:s13], [sflag:$0x3], $0x4000, $0x38;
	[tilespmem:$0xD000] =	vst v63  }
0x47: {  	_ =	swait.ge [sflag:s10], $0x4000  }
0x48: {  	[sflag:s10] =	ssyncset.done $0x0  }
0x49: {  	[sflag:s10] =	ssyncadd.s32 $0xFFFFC000  }
0x4a: {  	s17 =	sadd.s32 $0x1, s17  }
0x4b: {  	p0 =	sne.s32 s17, s9  }
.Ltmp2:
0x4c: {  	_ = 	snop;
	(pc) =	sbr.rel @p0 .LBB2_1-.Ltmp2, $1  }
0x4d: {  	_ =	sdelay $0x3  }
0x4e: {  	_ =	sfence.sel $0x180000  }
0x4f: {  	[bflag:$0x0] =	sbarrier.arrive $0xFFFF  }
0x50: {  	p0 =	sne.s32 s0, $0x0;
	_ =	strace $0x90000047  }
0x51: {  	s0 =	sadd.s32 @!p0 $0x100000, s1;
	[bflag:$0x2] =	sbarrier.arrive $0xFFFF  }
0x52: {  	[sflag:s0] =	ssyncadd.tile.s32 @!p0 $0x1;
	_ =	shalt  }
.Lfunc_end2:
_tile_overlayer_lowered:
.L_overlay_start_2:
0x53: {  	(tag) =	ssettag $0x2  }
0x54: {  	s0 =	rddreg [dreg:$0x0];
	s2 =	stileid.u32  }
0x55: {  	s1 =	rddreg [dreg:$0x1];
	p0 =	sne.s32 s2, $0x0  }
0x56: {  	s3 =	rddreg [dreg:$0x2];
	[bflag:$0x3] =	sbarrier.arrive $0xFFFF;
	s2 =	simm.s32 @!p0 $0x1C03  }
0x57: {  	[timem:s3], [sflag:s2] =	dma.local @!p0 [hbm:s0], s1  }
0x58: {  	s0 =	simm.s32 @!p0 $0x3  }
0x59: {  	_ =	swait.ge @!p0 [sflag:s0], s1  }
0x5a: {  	s1 =	ssub.s32 @!p0 $0x0, s1;
	[sflag:s0] =	ssyncset.done @!p0 $0x0  }
0x5b: {  	[sflag:s0] =	ssyncadd.s32 @!p0 s1  }
0x5c: {  	[bflag:$0x3] =	sbarrier.arrive $0xFFFF  }
0x5d: {  	_ =	shalt  }

// kernel: kernel.19.cloned.1.call-start
scs
__scs_entry_jumppad:
0x0: {  	(pc) =	sbr.rel $0x88, $3  }
0x1: {  	(tag) =	ssettag $0x0;
	lr =	simm.s32 $0x1  }
0x2: {  	[smem:$0x3F7A] =	sst lr;
	_ =	strace $0xD0000000  }
0x3: {  	_ = 	snop  }
0x4: {  	_ = 	snop  }
0x5: {  	_ = 	snop  }
0x6: {  	_ = 	snop  }
0x7: {  	_ = 	snop  }
__scs_overlays_trampoline_lowered:
0x8: {  	[smem:$0x3F89] =	sst s0  }
0x9: {  	[smem:$0x3F8A] =	sst s1  }
0xa: {  	[smem:$0x3F8B] =	sst s2  }
0xb: {  	[smem:$0x3F8C] =	sst s3  }
0xc: {  	[smem:$0x3F8D] =	sst s4  }
0xd: {  	[smem:$0x3F8E] =	sst s5  }
0xe: {  	[smem:$0x3F8F] =	sst s6  }
0xf: {  	[smem:$0x3F90] =	sst s7  }
0x10: {  	[smem:$0x3F91] =	sst s8  }
0x11: {  	[smem:$0x3F92] =	sst s9;
	s0 =	simm.s32 @!p0 $0x0  }
0x12: {  	s1 =	sld [smem:$0x3F78];
	s0 =	simm.s32 @p0 $0x1  }
0x13: {  	[smem:$0x3F93] =	sst s0;
	s0 =	simm.s32 @!p1 $0x0  }
0x14: {  	s2 =	sld [smem:$0x3F77];
	s0 =	simm.s32 @p1 $0x1  }
0x15: {  	[smem:$0x3F94] =	sst s0;
	s0 =	simm.s32 @!p2 $0x0  }
0x16: {  	s3 =	sld [smem:$0x3FDB];
	s0 =	simm.s32 @p2 $0x1  }
0x17: {  	s4 =	simm.s32 $0x1BF5;
	[smem:$0x3F96] =	sst s0  }
0x18: {  	s0 =	sld [smem:$0x3F79];
	_ =	swait.ge [sflag:s4], $0x0  }
0x19: {  	s7 =	sld [smem:$0x3F7A]  }
0x1a: {  	s8 =	sadd.s32 $0xFFFFE003, lr  }
0x1b: {  	s9 =	sadd.s32 $0xFFFFFEF7, lr;
	s5 =	simm.s32 $0xFFFFFFFF;
	p2 =	slt.u32 s8, $0xFFFFF086  }
0x1c: {  	p1 =	slt.u32 s9, $0xF7A;
	s5 =	simm.s32 @!p2 $0x0  }
0x1d: {  	s5 =	simm.s32 @p1 $0x1;
	p0 =	seq.s32 s7, s2  }
0x1e: {  	s7 =	smul.u32 @!p0 $0xF7A, s2;
	p2 =	seq.s32 @!p0 s5, $0x0  }
0x1f: {  	s9 =	smul.u32 $0xF7A, s1;
	s8 =	simm.s32 @!p0 $0x1BF5;
	p2 =	por !p2, p0  }
0x20: {  	[sflag:s8] =	ssyncset.s32 @!p0 $0xFFFFF086;
	s6 =	sadd.s32 @!p0 s3, s7;
	s7 =	simm.s32 @!p0 $0x108  }
0x21: {  	s3 =	sadd.s32 s3, s9;
	s6 =	sadd.s32 @!p0 $0x88, s6;
	s7 =	simm.s32 @p2 $0x1082  }
0x22: {  	[simem:s7], [sflag:s8] =	dma.local @!p0 [hbm:s6], $0xF7A  }
0x23: {  	s9 =	sor.u32 $0xD0000000, s2;
	s6 =	simm.s32 $0x108;
	_ =	swait.ge @!p0 [sflag:s8], $0x0  }
0x24: {  	s3 =	sadd.s32 $0x88, s3;
	s6 =	simm.s32 @!p1 $0x1082;
	[sflag:s4] =	ssyncset.s32 $0xFFFFF086  }
0x25: {  	[simem:s6], [sflag:s4] =	dma.local [hbm:s3], $0xF7A  }
0x26: {  	[smem:$0x3F7A] =	sst s1;
	(tag) =	ssettag s2;
	_ =	strace s9  }
0x27: {  	s1 =	sld [smem:$0x3F8A]  }
0x28: {  	s2 =	sld [smem:$0x3F8B]  }
0x29: {  	s4 =	sld [smem:$0x3F8D]  }
0x2a: {  	p0 =	seq.s32 s5, $0x0;
	s5 =	sld [smem:$0x3F8E]  }
0x2b: {  	s6 =	sld [smem:$0x3F8F]  }
0x2c: {  	s7 =	sld [smem:$0x3F90]  }
0x2d: {  	s3 =	simm.s32 $0x108;
	s8 =	sld [smem:$0x3F91]  }
0x2e: {  	s3 =	simm.s32 @!p0 $0x1082;
	s9 =	sld [smem:$0x3F92]  }
0x2f: {  	lr =	sadd.s32 s0, s3;
	s0 =	sld [smem:$0x3F89]  }
0x30: {  	s3 =	sld [smem:$0x3F8C]  }
0x31: {  	[smem:$0x3F95] =	sst s10  }
0x32: {  	s10 =	sld [smem:$0x3F93];
	_ =	sdelay $0x3  }
0x33: {  	p0 =	seq.s32 s10, $0x1;
	s10 =	sld [smem:$0x3F95];
	_ =	sdelay $0x3  }
0x34: {  	[smem:$0x3F95] =	sst s10  }
0x35: {  	s10 =	sld [smem:$0x3F94];
	_ =	sdelay $0x3  }
0x36: {  	p1 =	seq.s32 s10, $0x1;
	s10 =	sld [smem:$0x3F95];
	_ =	sdelay $0x3  }
0x37: {  	[smem:$0x3F95] =	sst s10  }
0x38: {  	s10 =	sld [smem:$0x3F96]  }
0x39: {  	_ = 	snop;
	(pc) =	sbr.ind lr, $3  }
0x3a: {  	_ = 	snop  }
0x3b: {  	_ = 	snop  }
0x3c: {  	p2 =	seq.s32 s10, $0x1;
	s10 =	sld [smem:$0x3F95]  }
0x3d: {  	_ =	shalt  }
0x3e: {  	_ =	shalt  }
0x3f: {  	_ =	shalt  }
0x40: {  	_ =	shalt  }
0x41: {  	_ =	shalt  }
0x42: {  	_ =	shalt  }
0x43: {  	_ =	shalt  }
0x44: {  	_ =	shalt  }
0x45: {  	_ =	shalt  }
0x46: {  	_ =	shalt  }
0x47: {  	_ =	shalt  }
0x48: {  	_ =	shalt  }
0x49: {  	_ =	shalt  }
0x4a: {  	_ =	shalt  }
0x4b: {  	_ =	shalt  }
0x4c: {  	_ =	shalt  }
0x4d: {  	_ =	shalt  }
0x4e: {  	_ =	shalt  }
0x4f: {  	_ =	shalt  }
0x50: {  	_ =	shalt  }
0x51: {  	_ =	shalt  }
0x52: {  	_ =	shalt  }
0x53: {  	_ =	shalt  }
0x54: {  	_ =	shalt  }
0x55: {  	_ =	shalt  }
0x56: {  	_ =	shalt  }
0x57: {  	_ =	shalt  }
0x58: {  	_ =	shalt  }
0x59: {  	_ =	shalt  }
0x5a: {  	_ =	shalt  }
0x5b: {  	_ =	shalt  }
0x5c: {  	_ =	shalt  }
0x5d: {  	_ =	shalt  }
0x5e: {  	_ =	shalt  }
0x5f: {  	_ =	shalt  }
0x60: {  	_ =	shalt  }
0x61: {  	_ =	shalt  }
0x62: {  	_ =	shalt  }
0x63: {  	_ =	shalt  }
0x64: {  	_ =	shalt  }
0x65: {  	_ =	shalt  }
0x66: {  	_ =	shalt  }
0x67: {  	_ =	shalt  }
0x68: {  	_ =	shalt  }
0x69: {  	_ =	shalt  }
0x6a: {  	_ =	shalt  }
0x6b: {  	_ =	shalt  }
0x6c: {  	_ =	shalt  }
0x6d: {  	_ =	shalt  }
0x6e: {  	_ =	shalt  }
0x6f: {  	_ =	shalt  }
0x70: {  	_ =	shalt  }
0x71: {  	_ =	shalt  }
0x72: {  	_ =	shalt  }
0x73: {  	_ =	shalt  }
0x74: {  	_ =	shalt  }
0x75: {  	_ =	shalt  }
0x76: {  	_ =	shalt  }
0x77: {  	_ =	shalt  }
0x78: {  	_ =	shalt  }
0x79: {  	_ =	shalt  }
0x7a: {  	_ =	shalt  }
0x7b: {  	_ =	shalt  }
0x7c: {  	_ =	shalt  }
0x7d: {  	_ =	shalt  }
0x7e: {  	_ =	shalt  }
0x7f: {  	_ =	shalt  }
0x80: {  	_ =	shalt  }
0x81: {  	_ =	shalt  }
0x82: {  	_ =	shalt  }
0x83: {  	_ =	shalt  }
0x84: {  	_ =	shalt  }
0x85: {  	_ =	shalt  }
0x86: {  	_ =	shalt  }
0x87: {  	_ =	shalt  }
.Lfunc_end0:
.L_simem_size_0:
called_computation.1_lowered:
.L_overlay_start_0:
0x88: {  	s2 =	sld [smem:$0x3FD9]  }
0x89: {  	s3 =	sld [smem:$0x3FFE];
	_ =	sdelay $0x1  }
0x8a: {  	s1 =	srdreg.scid  }
0x8b: {  	s0 =	sand.u32 $0x1, s1  }
0x8c: {  	s16 =	sshll.u32 s0, $0xA;
	s2 =	sadd.s32 s3, s2  }
0x8d: {  	s2 =	sadd.s32 s2, s16  }
0x8e: {  	[smem:$0x3FA1] =	sst s2  }
0x8f: {  	_ = 	snop  }
0x90: {  	(tm) =	ssettm $0x1  }
0x91: {  	s17 =	sld [smem:$0x3FFB];
	_ =	sdelay $0x3  }
0x92: {  	_ =	strace s17  }
0x93: {  	s2 =	sld [smem:$0x3FFC];
	_ =	sdelay $0x3  }
0x94: {  	_ =	strace s2  }
0x95: {  	s2 =	sld [smem:$0x3FFD];
	_ =	sdelay $0x3  }
0x96: {  	_ =	strace s2  }
0x97: {  	_ =	strace $0x8FFFFFFF  }
0x98: {  	s18 =	sld [smem:$0x3FDB];
	_ =	sdelay $0x1  }
0x99: {  	s19 =	simm.s32 $_scs_section_size  }
0x9a: {  	s4 =	simm.s32 $_size__tile_overlayer_lowered;
	s5 =	simm.s32 $_tile_overlayer_lowered  }
0x9b: {  	s22 =	simm.s32 $0x1BFF;
	s21 =	sshll.u32 s5, $0x1;
	s2 =	sadd.s32 s19, s18  }
0x9c: {  	s6 =	simm.s32 $0x0;
	s20 =	sshll.u32 s4, $0x1;
	s4 =	sadd.s32 s21, s2  }
0x9d: {  	[timem:s6], [sflag:s22] =	dma.local [hbm:s4], s20  }
0x9e: {  	_ =	swait.ge [sflag:s22], s20  }
0x9f: {  	s3 =	ssub.s32 $0x0, s20;
	[sflag:s22] =	ssyncset.done $0x0  }
0xa0: {  	[sflag:s22] =	ssyncadd.s32 s3;
	_ =	sdelay $0x1  }
0xa1: {  	s23 =	simm.s32 $0x1B8B  }
0xa2: {  	_ =	swait.ge [sflag:s23], $0x1  }
0xa3: {  	[sflag:s23] =	ssyncset.done $0x0  }
0xa4: {  	s25 =	simm.s32 $0x1B8E;
	s24 =	sld [smem:$0x3FFE];
	[sflag:s23] =	ssyncadd.s32 $0xFFFFFFFF  }
0xa5: {  	s26 =	simm.s32 $execute0_lowered;
	[smem:$0x3FD2] =	sst s25  }
0xa6: {  	s4 =	sshll.u32 s26, $0x1;
	_ =	strace $0x80000049;
	[dreg:$0x1] =	wrdreg $0xFFFFFFFF  }
0xa7: {  	s28 =	simm.s32 $_size_execute0_lowered;
	s2 =	sadd.s32 s2, s4;
	[dreg:$0x0] =	wrdreg $0x0  }
0xa8: {  	s4 =	sshll.u32 s28, $0x1;
	[dreg:$0x2] =	wrdreg s2  }
0xa9: {  	[dreg:$0x3] =	wrdreg s4  }
0xaa: {  	[dreg:$0x4] =	wrdreg $0xC0  }
0xab: {  	_ =	task [dreg:s6], $0x5FFFF  }
0xac: {  	[dreg:$0x1] =	wrdreg $0xFFFFFFFF  }
0xad: {  	[dreg:$0x0] =	wrdreg $0x60  }
0xae: {  	[dreg:$0x2] =	wrdreg s24  }
0xaf: {  	[dreg:$0x3] =	wrdreg $0x68000  }
0xb0: {  	[dreg:$0x4] =	wrdreg $0x9  }
0xb1: {  	_ =	task.clear_ibuf [dreg:s6], $0x5FFFF;
	_ =	strace $0x90000049  }
0xb2: {  	s29 =	simm.s32 $0x9;
	_ =	strace $0x8000004B  }
0xb3: {  	_ =	swait.ge [sflag:s29], $0x1  }
0xb4: {  	[sflag:s29] =	ssyncadd.s32 $0xFFFFFFFF  }
0xb5: {  	_ =	strace $0x9000004B  }
0xb6: {  	_ =	sfence  }
0xb7: {  	s30 =	sld [smem:$0x0];
	_ =	sdelay $0x2  }
0xb8: {  	s31 =	sshll.u32 s1, $0xD;
	s1 =	sshrl.u32 s1, $0x2  }
0xb9: {  	s3 =	sand.u32 $0x4000, s31;
	s1 =	sadd.s32 s1, s30  }
0xba: {  	s0 =	sor.u32 s3, s0;
	s1 =	sshll.u32 s1, $0x11  }
0xbb: {  	s0 =	sor.u32 s1, s0  }
0xbc: {  	s0 =	sadd.s32 $0x8F2B, s0  }
0xbd: {  	[sflag:s0] =	ssyncadd.remote.s32 $0x1  }
0xbe: {  	_ =	sfence.sel $0xFFFF  }
0xbf: {  	[dreg:$0x0] =	wrdreg $0xFFFFFFFF;
	(pc) =	sbr.abs _section_cstart, $3  }
0xc0: {  	[dreg:$0x1] =	wrdreg $0xFFFFFFFF  }
0xc1: {  	_ =	task.clear_ibuf [dreg:s6], $0x2FFFF;
	_ =	strace $0x9FFFFFFF  }
0xc2: {  	(tm) =	ssettm $0x7FFFFFFF  }
0xc3: {  	_ =	shalt  }
tec
execute0_lowered:
.L_overlay_start_1:
0x0: {  	(tag) =	ssettag $0x1  }
0x1: {  	s1 =	srdreg.scid  }
0x2: {  	s0 =	stileid.u32;
	s4 =	rddreg [dreg:$0x0]  }
0x3: {  	s2 =	rddreg [dreg:$0x1];
	s6 =	smul.u32 $0x50000, s0  }
0x4: {  	s3 =	simm.s32 $0x0;
	s16 =	simm.s32 $0x80;
	s8 =	smul.u32 $0x13800, s0  }
0x5: {  	s19 =	simm.s32 $0x0;
	s9 =	sand.u32 $0x1, s1;
	s14 =	smul.u32 $0x4E000, s0  }
0x6: {  	s26 =	sshll.u32 s0, $0x1;
	[smem:$0x7FF] =	sst s3;
	s7 =	smul.u32 $0x138800, s9  }
0x7: {  	s17 =	sshll.u32 s0, $0x6;
	s1 =	sor.u32 s9, s26;
	s15 =	smul.u32 $0x28000, s9  }
0x8: {  	s29 =	ssub.s32 $0x2, s9;
	s17 =	sor.u32 $0x1C02, s17;
	s5 =	smul.u32 $0x2800, s1  }
0x9: {  	s1 =	rddreg [dreg:$0x2];
	_ =	strace $0x8000004A;
	s12 =	sadd.s32 s6, s4  }
0xa: {  	s30 =	sshrl.u32 s29, $0x1;
	s6 =	sshrl.u32 s6, $0x2;
	s31 =	sshrl.u32 s14, $0x2  }
0xb: {  	s14 =	simm.s32 $0x2;
	s28 =	sadd.s32 s8, s7;
	s13 =	ssub.s32 s29, s30  }
0xc: {  	s18 =	sadd.s32 s31, s2;
	s12 =	sadd.s32 s15, s12;
	s5 =	sshrl.u32 s5, $0x3  }
0xd: {  	s15 =	simm.s32 $0x1;
	s10 =	sadd.s32 s5, s4;
	s5 =	sshrl.u32 s28, $0x3  }
0xe: {  	s12 =	sadd.s32 $0x5C5800, s12;
	s11 =	sadd.s32 s5, s4;
	s4 =	sadd.s32 s6, s2  }
0xf: {  	s18 =	sshrl.u32 s18, $0x3;
	s9 =	sadd.s32 $0x8A600, s10;
	s5 =	sadd.s32 $0x4000, s4  }
0x10: {  	s6 =	sadd.s32 $0x8000, s4;
	s7 =	sadd.s32 $0xC000, s4;
	s8 =	sadd.s32 $0x10000, s4  }
0x11: {  	v0 =	vimm.f32 $0.0e+00;
	s10 =	sadd.s32 $0xB000, s11;
	s11 =	smax.u32 s13, $0x1;
	s13 =	simm.s32 $0x2800  }
.LBB2_1:
0x12: {  	s20 =	simm.s32 $0x0;
	s21 =	simm.s32 $0x200  }
.LBB2_2:
0x13: {  	p0 =	sne.s32 s21, $0xFE00;
	[tilespmem:s20+$0x2870] =	vst v0  }
0x14: {  	[tilespmem:s20+$0x2800] =	vst v0  }
0x15: {  	[tilespmem:s20+$0x2810] =	vst v0  }
.Ltmp0:
0x16: {  	[tilespmem:s20+$0x2820] =	vst v0;
	(pc) =	sbr.rel @p0 .LBB2_2-.Ltmp0, $4  }
0x17: {  	[tilespmem:s20+$0x2830] =	vst v0  }
0x18: {  	[tilespmem:s20+$0x2840] =	vst v0  }
0x19: {  	[tilespmem:s20+$0x2850] =	vst v0  }
0x1a: {  	[tilespmem:s20+$0x2860] =	vst v0;
	s20 =	sshra.s32 s21, $0x2;
	s21 =	sadd.s32 $0x200, s21  }
0x1b: {  	[tilespmem:s20+$0x2870] =	vst v0  }
0x1c: {  	[tilespmem:s20+$0x2800] =	vst v0  }
0x1d: {  	[tilespmem:s20+$0x2810] =	vst v0  }
0x1e: {  	[tilespmem:s20+$0x2820] =	vst v0  }
0x1f: {  	[tilespmem:s20+$0x2830] =	vst v0  }
0x20: {  	[tilespmem:s20+$0x2840] =	vst v0  }
0x21: {  	[tilespmem:s20+$0x2850] =	vst v0  }
0x22: {  	[tilespmem:s20+$0x2860] =	vst v0  }
0x23: {  	[spmem:s4] =	stream.linear.scatter [tilespmem:s13], [sflag:$0x2], $0x4000, $0x38;
	[tilespmem:$0x1A800] =	vst v63  }
0x24: {  	_ =	swait.ge [sflag:s14], $0x4000  }
0x25: {  	[sflag:s14] =	ssyncset.done $0x0  }
0x26: {  	[sflag:s14] =	ssyncadd.s32 $0xFFFFC000  }
0x27: {  	[spmem:s5] =	stream.linear.scatter [tilespmem:s13], [sflag:$0x2], $0x4000, $0x38;
	[tilespmem:$0x1A800] =	vst v63  }
0x28: {  	_ =	swait.ge [sflag:s14], $0x4000  }
0x29: {  	[sflag:s14] =	ssyncset.done $0x0  }
0x2a: {  	[sflag:s14] =	ssyncadd.s32 $0xFFFFC000  }
0x2b: {  	[spmem:s6] =	stream.linear.scatter [tilespmem:s13], [sflag:$0x2], $0x4000, $0x38;
	[tilespmem:$0x1A800] =	vst v63  }
0x2c: {  	_ =	swait.ge [sflag:s14], $0x4000  }
0x2d: {  	[sflag:s14] =	ssyncset.done $0x0  }
0x2e: {  	[sflag:s14] =	ssyncadd.s32 $0xFFFFC000  }
0x2f: {  	[spmem:s7] =	stream.linear.scatter [tilespmem:s13], [sflag:$0x2], $0x4000, $0x38;
	[tilespmem:$0x1A800] =	vst v63  }
0x30: {  	_ =	swait.ge [sflag:s14], $0x4000  }
0x31: {  	[sflag:s14] =	ssyncset.done $0x0  }
0x32: {  	[sflag:s14] =	ssyncadd.s32 $0xFFFFC000  }
0x33: {  	[spmem:s8] =	stream.linear.scatter [tilespmem:s13], [sflag:$0x2], $0x4000, $0x38;
	[tilespmem:$0x1A800] =	vst v63  }
0x34: {  	_ =	swait.ge [sflag:s14], $0x4000  }
0x35: {  	[sflag:s14] =	ssyncset.done $0x0  }
0x36: {  	[sflag:s14] =	ssyncadd.s32 $0xFFFFC000  }
0x37: {  	s30 =	simm.s32 $0x0;
	[bflag:$0x0] =	sbarrier.arrive $0xFFFF  }
0x38: {  	[tilespmem:s30], [sflag:$0x2] =	stream.linear.gather [hbm4b:s9+s30], $0x2800, $0x38;
	[tilespmem:$0x1A800] =	vst v63  }
0x39: {  	_ =	swait.ge [sflag:s14], $0x2800  }
0x3a: {  	[sflag:s14] =	ssyncset.done $0x0  }
0x3b: {  	[sflag:s14] =	ssyncadd.s32 $0xFFFFD800  }
0x3c: {  	[tilespmem:s13], [sflag:$0x1] =	stream.linear.gather [hbm4b:s12+s3], $0x4000, $0x38;
	[tilespmem:$0x1A800] =	vst v63  }
0x3d: {  	_ =	swait.ge [sflag:s15], $0x4000  }
0x3e: {  	[sflag:s15] =	ssyncset.done $0x0  }
0x3f: {  	s31 =	simm.s32 $0x0;
	[sflag:s15] =	ssyncadd.s32 $0xFFFFC000  }
0x40: {  	[spmem:s2] =	stream.indirect.scatter.add.f32 [tilespmem:s13], [sflag:$0x2], $0x80, s31, s16, $0xb8;
	[tilespmem:$0x1A800] =	vst v63  }
0x41: {  	_ =	swait.ge [sflag:s14], $0x4000  }
0x42: {  	s20 =	simm.s32 $0x200;
	s21 =	smov.u32 s12;
	[sflag:s14] =	ssyncset.done $0x0  }
.LBB2_4:
0x43: {  	p0 =	sne.s32 s20, $0x9E00;
	[sflag:s14] =	ssyncadd.s32 $0xFFFFC000;
	s21 =	sadd.s32 $0x800, s21  }
0x44: {  	[tilespmem:s13], [sflag:$0x1] =	stream.linear.gather [hbm4b:s21+s3], $0x4000, $0x38;
	[tilespmem:$0x1A800] =	vst v63  }
0x45: {  	s22 =	smov.u32 s20;
	s20 =	sadd.s32 $0x200, s20;
	_ =	swait.ge [sflag:s15], $0x4000  }
.Ltmp1:
0x46: {  	[sflag:s15] =	ssyncset.done $0x0;
	(pc) =	sbr.rel @p0 .LBB2_4-.Ltmp1, $4  }
0x47: {  	s22 =	sshra.s32 s22, $0x2;
	[sflag:s15] =	ssyncadd.s32 $0xFFFFC000  }
0x48: {  	[spmem:s2] =	stream.indirect.scatter.add.f32 [tilespmem:s13], [sflag:$0x2], $0x80, s22, s16, $0xb8;
	[tilespmem:$0x1A800] =	vst v63  }
0x49: {  	_ =	swait.ge [sflag:s14], $0x4000  }
0x4a: {  	[sflag:s14] =	ssyncset.done $0x0  }
0x4b: {  	s19 =	sadd.s32 $0x1, s19  }
0x4c: {  	[sflag:s14] =	ssyncadd.s32 $0xFFFFC000;
	p0 =	sne.s32 s19, s11  }
.Ltmp2:
0x4d: {  	[bflag:$0x0] =	sbarrier.arrive $0xFFFF;
	(pc) =	sbr.rel @p0 .LBB2_1-.Ltmp2, $4  }
0x4e: {  	[hbm:s10], [sflag:s17] =	dma.local [spmem:s18], $0x2800  }
0x4f: {  	_ =	swait.ge [sflag:s14], $0x2800  }
0x50: {  	[sflag:s14] =	ssyncset.done $0x0  }
0x51: {  	[sflag:s14] =	ssyncadd.s32 $0xFFFFD800  }
0x52: {  	_ =	sfence.sel $0x180000  }
0x53: {  	[bflag:$0x0] =	sbarrier.arrive $0xFFFF  }
0x54: {  	p0 =	sne.s32 s0, $0x0;
	_ =	strace $0x9000004A  }
0x55: {  	s0 =	sadd.s32 @!p0 $0x100000, s1;
	[bflag:$0x2] =	sbarrier.arrive $0xFFFF  }
0x56: {  	[sflag:s0] =	ssyncadd.tile.s32 @!p0 $0x1;
	_ =	shalt  }
.Lfunc_end2:
_tile_overlayer_lowered:
.L_overlay_start_2:
0x57: {  	(tag) =	ssettag $0x2  }
0x58: {  	s0 =	rddreg [dreg:$0x0];
	s2 =	stileid.u32  }
0x59: {  	s1 =	rddreg [dreg:$0x1];
	p0 =	sne.s32 s2, $0x0  }
0x5a: {  	s3 =	rddreg [dreg:$0x2];
	[bflag:$0x3] =	sbarrier.arrive $0xFFFF;
	s2 =	simm.s32 @!p0 $0x1C02  }
0x5b: {  	[timem:s3], [sflag:s2] =	dma.local @!p0 [hbm:s0], s1  }
0x5c: {  	s0 =	simm.s32 @!p0 $0x2  }
0x5d: {  	_ =	swait.ge @!p0 [sflag:s0], s1  }
0x5e: {  	s1 =	ssub.s32 @!p0 $0x0, s1;
	[sflag:s0] =	ssyncset.done @!p0 $0x0  }
0x5f: {  	[sflag:s0] =	ssyncadd.s32 @!p0 s1  }
0x60: {  	[bflag:$0x3] =	sbarrier.arrive $0xFFFF  }
0x61: {  	_ =	shalt  }

// kernel: kernel.22.cloned.1.call-start
scs
__scs_entry_jumppad:
0x0: {  	(pc) =	sbr.rel $0x88, $3  }
0x1: {  	(tag) =	ssettag $0x0;
	lr =	simm.s32 $0x1  }
0x2: {  	[smem:$0x3F7A] =	sst lr;
	_ =	strace $0xD0000000  }
0x3: {  	_ = 	snop  }
0x4: {  	_ = 	snop  }
0x5: {  	_ = 	snop  }
0x6: {  	_ = 	snop  }
0x7: {  	_ = 	snop  }
__scs_overlays_trampoline_lowered:
0x8: {  	[smem:$0x3F89] =	sst s0  }
0x9: {  	[smem:$0x3F8A] =	sst s1  }
0xa: {  	[smem:$0x3F8B] =	sst s2  }
0xb: {  	[smem:$0x3F8C] =	sst s3  }
0xc: {  	[smem:$0x3F8D] =	sst s4  }
0xd: {  	[smem:$0x3F8E] =	sst s5  }
0xe: {  	[smem:$0x3F8F] =	sst s6  }
0xf: {  	[smem:$0x3F90] =	sst s7  }
0x10: {  	[smem:$0x3F91] =	sst s8  }
0x11: {  	[smem:$0x3F92] =	sst s9;
	s0 =	simm.s32 @!p0 $0x0  }
0x12: {  	s1 =	sld [smem:$0x3F78];
	s0 =	simm.s32 @p0 $0x1  }
0x13: {  	[smem:$0x3F93] =	sst s0;
	s0 =	simm.s32 @!p1 $0x0  }
0x14: {  	s2 =	sld [smem:$0x3F77];
	s0 =	simm.s32 @p1 $0x1  }
0x15: {  	[smem:$0x3F94] =	sst s0;
	s0 =	simm.s32 @!p2 $0x0  }
0x16: {  	s3 =	sld [smem:$0x3FDB];
	s0 =	simm.s32 @p2 $0x1  }
0x17: {  	s4 =	simm.s32 $0x1BF5;
	[smem:$0x3F96] =	sst s0  }
0x18: {  	s0 =	sld [smem:$0x3F79];
	_ =	swait.ge [sflag:s4], $0x0  }
0x19: {  	s7 =	sld [smem:$0x3F7A]  }
0x1a: {  	s8 =	sadd.s32 $0xFFFFE003, lr  }
0x1b: {  	s9 =	sadd.s32 $0xFFFFFEF7, lr;
	s5 =	simm.s32 $0xFFFFFFFF;
	p2 =	slt.u32 s8, $0xFFFFF086  }
0x1c: {  	p1 =	slt.u32 s9, $0xF7A;
	s5 =	simm.s32 @!p2 $0x0  }
0x1d: {  	s5 =	simm.s32 @p1 $0x1;
	p0 =	seq.s32 s7, s2  }
0x1e: {  	s7 =	smul.u32 @!p0 $0xF7A, s2;
	p2 =	seq.s32 @!p0 s5, $0x0  }
0x1f: {  	s9 =	smul.u32 $0xF7A, s1;
	s8 =	simm.s32 @!p0 $0x1BF5;
	p2 =	por !p2, p0  }
0x20: {  	[sflag:s8] =	ssyncset.s32 @!p0 $0xFFFFF086;
	s6 =	sadd.s32 @!p0 s3, s7;
	s7 =	simm.s32 @!p0 $0x108  }
0x21: {  	s3 =	sadd.s32 s3, s9;
	s6 =	sadd.s32 @!p0 $0x88, s6;
	s7 =	simm.s32 @p2 $0x1082  }
0x22: {  	[simem:s7], [sflag:s8] =	dma.local @!p0 [hbm:s6], $0xF7A  }
0x23: {  	s9 =	sor.u32 $0xD0000000, s2;
	s6 =	simm.s32 $0x108;
	_ =	swait.ge @!p0 [sflag:s8], $0x0  }
0x24: {  	s3 =	sadd.s32 $0x88, s3;
	s6 =	simm.s32 @!p1 $0x1082;
	[sflag:s4] =	ssyncset.s32 $0xFFFFF086  }
0x25: {  	[simem:s6], [sflag:s4] =	dma.local [hbm:s3], $0xF7A  }
0x26: {  	[smem:$0x3F7A] =	sst s1;
	(tag) =	ssettag s2;
	_ =	strace s9  }
0x27: {  	s1 =	sld [smem:$0x3F8A]  }
0x28: {  	s2 =	sld [smem:$0x3F8B]  }
0x29: {  	s4 =	sld [smem:$0x3F8D]  }
0x2a: {  	p0 =	seq.s32 s5, $0x0;
	s5 =	sld [smem:$0x3F8E]  }
0x2b: {  	s6 =	sld [smem:$0x3F8F]  }
0x2c: {  	s7 =	sld [smem:$0x3F90]  }
0x2d: {  	s3 =	simm.s32 $0x108;
	s8 =	sld [smem:$0x3F91]  }
0x2e: {  	s3 =	simm.s32 @!p0 $0x1082;
	s9 =	sld [smem:$0x3F92]  }
0x2f: {  	lr =	sadd.s32 s0, s3;
	s0 =	sld [smem:$0x3F89]  }
0x30: {  	s3 =	sld [smem:$0x3F8C]  }
0x31: {  	[smem:$0x3F95] =	sst s10  }
0x32: {  	s10 =	sld [smem:$0x3F93];
	_ =	sdelay $0x3  }
0x33: {  	p0 =	seq.s32 s10, $0x1;
	s10 =	sld [smem:$0x3F95];
	_ =	sdelay $0x3  }
0x34: {  	[smem:$0x3F95] =	sst s10  }
0x35: {  	s10 =	sld [smem:$0x3F94];
	_ =	sdelay $0x3  }
0x36: {  	p1 =	seq.s32 s10, $0x1;
	s10 =	sld [smem:$0x3F95];
	_ =	sdelay $0x3  }
0x37: {  	[smem:$0x3F95] =	sst s10  }
0x38: {  	s10 =	sld [smem:$0x3F96]  }
0x39: {  	_ = 	snop;
	(pc) =	sbr.ind lr, $3  }
0x3a: {  	_ = 	snop  }
0x3b: {  	_ = 	snop  }
0x3c: {  	p2 =	seq.s32 s10, $0x1;
	s10 =	sld [smem:$0x3F95]  }
0x3d: {  	_ =	shalt  }
0x3e: {  	_ =	shalt  }
0x3f: {  	_ =	shalt  }
0x40: {  	_ =	shalt  }
0x41: {  	_ =	shalt  }
0x42: {  	_ =	shalt  }
0x43: {  	_ =	shalt  }
0x44: {  	_ =	shalt  }
0x45: {  	_ =	shalt  }
0x46: {  	_ =	shalt  }
0x47: {  	_ =	shalt  }
0x48: {  	_ =	shalt  }
0x49: {  	_ =	shalt  }
0x4a: {  	_ =	shalt  }
0x4b: {  	_ =	shalt  }
0x4c: {  	_ =	shalt  }
0x4d: {  	_ =	shalt  }
0x4e: {  	_ =	shalt  }
0x4f: {  	_ =	shalt  }
0x50: {  	_ =	shalt  }
0x51: {  	_ =	shalt  }
0x52: {  	_ =	shalt  }
0x53: {  	_ =	shalt  }
0x54: {  	_ =	shalt  }
0x55: {  	_ =	shalt  }
0x56: {  	_ =	shalt  }
0x57: {  	_ =	shalt  }
0x58: {  	_ =	shalt  }
0x59: {  	_ =	shalt  }
0x5a: {  	_ =	shalt  }
0x5b: {  	_ =	shalt  }
0x5c: {  	_ =	shalt  }
0x5d: {  	_ =	shalt  }
0x5e: {  	_ =	shalt  }
0x5f: {  	_ =	shalt  }
0x60: {  	_ =	shalt  }
0x61: {  	_ =	shalt  }
0x62: {  	_ =	shalt  }
0x63: {  	_ =	shalt  }
0x64: {  	_ =	shalt  }
0x65: {  	_ =	shalt  }
0x66: {  	_ =	shalt  }
0x67: {  	_ =	shalt  }
0x68: {  	_ =	shalt  }
0x69: {  	_ =	shalt  }
0x6a: {  	_ =	shalt  }
0x6b: {  	_ =	shalt  }
0x6c: {  	_ =	shalt  }
0x6d: {  	_ =	shalt  }
0x6e: {  	_ =	shalt  }
0x6f: {  	_ =	shalt  }
0x70: {  	_ =	shalt  }
0x71: {  	_ =	shalt  }
0x72: {  	_ =	shalt  }
0x73: {  	_ =	shalt  }
0x74: {  	_ =	shalt  }
0x75: {  	_ =	shalt  }
0x76: {  	_ =	shalt  }
0x77: {  	_ =	shalt  }
0x78: {  	_ =	shalt  }
0x79: {  	_ =	shalt  }
0x7a: {  	_ =	shalt  }
0x7b: {  	_ =	shalt  }
0x7c: {  	_ =	shalt  }
0x7d: {  	_ =	shalt  }
0x7e: {  	_ =	shalt  }
0x7f: {  	_ =	shalt  }
0x80: {  	_ =	shalt  }
0x81: {  	_ =	shalt  }
0x82: {  	_ =	shalt  }
0x83: {  	_ =	shalt  }
0x84: {  	_ =	shalt  }
0x85: {  	_ =	shalt  }
0x86: {  	_ =	shalt  }
0x87: {  	_ =	shalt  }
.Lfunc_end0:
.L_simem_size_0:
called_computation.2_lowered:
.L_overlay_start_0:
0x88: {  	s2 =	sld [smem:$0x3FD9]  }
0x89: {  	s3 =	sld [smem:$0x3FFE];
	_ =	sdelay $0x1  }
0x8a: {  	s1 =	srdreg.scid  }
0x8b: {  	s0 =	sand.u32 $0x1, s1  }
0x8c: {  	s16 =	sshll.u32 s0, $0xA;
	s2 =	sadd.s32 s3, s2  }
0x8d: {  	s2 =	sadd.s32 s2, s16  }
0x8e: {  	[smem:$0x3FA1] =	sst s2  }
0x8f: {  	_ = 	snop  }
0x90: {  	(tm) =	ssettm $0x1  }
0x91: {  	s17 =	sld [smem:$0x3FFB];
	_ =	sdelay $0x3  }
0x92: {  	_ =	strace s17  }
0x93: {  	s2 =	sld [smem:$0x3FFC];
	_ =	sdelay $0x3  }
0x94: {  	_ =	strace s2  }
0x95: {  	s2 =	sld [smem:$0x3FFD];
	_ =	sdelay $0x3  }
0x96: {  	_ =	strace s2  }
0x97: {  	_ =	strace $0x8FFFFFFF  }
0x98: {  	s18 =	sld [smem:$0x3FDB];
	_ =	sdelay $0x1  }
0x99: {  	s19 =	simm.s32 $_scs_section_size  }
0x9a: {  	s4 =	simm.s32 $_size__tile_overlayer_lowered;
	s5 =	simm.s32 $_tile_overlayer_lowered  }
0x9b: {  	s22 =	simm.s32 $0x1BFF;
	s21 =	sshll.u32 s5, $0x1;
	s2 =	sadd.s32 s19, s18  }
0x9c: {  	s6 =	simm.s32 $0x0;
	s20 =	sshll.u32 s4, $0x1;
	s4 =	sadd.s32 s21, s2  }
0x9d: {  	[timem:s6], [sflag:s22] =	dma.local [hbm:s4], s20  }
0x9e: {  	_ =	swait.ge [sflag:s22], s20  }
0x9f: {  	s3 =	ssub.s32 $0x0, s20;
	[sflag:s22] =	ssyncset.done $0x0  }
0xa0: {  	[sflag:s22] =	ssyncadd.s32 s3;
	_ =	sdelay $0x1  }
0xa1: {  	s23 =	simm.s32 $0x1B8B  }
0xa2: {  	_ =	swait.ge [sflag:s23], $0x1  }
0xa3: {  	[sflag:s23] =	ssyncset.done $0x0  }
0xa4: {  	s25 =	simm.s32 $0x1B8E;
	s24 =	sld [smem:$0x3FFE];
	[sflag:s23] =	ssyncadd.s32 $0xFFFFFFFF  }
0xa5: {  	s26 =	simm.s32 $execute0_lowered;
	[smem:$0x3FD2] =	sst s25  }
0xa6: {  	s4 =	sshll.u32 s26, $0x1;
	_ =	strace $0x8000004C;
	[dreg:$0x1] =	wrdreg $0xFFFFFFFF  }
0xa7: {  	s28 =	simm.s32 $_size_execute0_lowered;
	s2 =	sadd.s32 s2, s4;
	[dreg:$0x0] =	wrdreg $0x0  }
0xa8: {  	s4 =	sshll.u32 s28, $0x1;
	[dreg:$0x2] =	wrdreg s2  }
0xa9: {  	[dreg:$0x3] =	wrdreg s4  }
0xaa: {  	[dreg:$0x4] =	wrdreg $0xC0  }
0xab: {  	_ =	task [dreg:s6], $0x5FFFF  }
0xac: {  	[dreg:$0x1] =	wrdreg $0xFFFFFFFF  }
0xad: {  	[dreg:$0x0] =	wrdreg $0x60  }
0xae: {  	[dreg:$0x2] =	wrdreg s24  }
0xaf: {  	[dreg:$0x3] =	wrdreg $0x9  }
0xb0: {  	_ =	task.clear_ibuf [dreg:s6], $0x4FFFF;
	_ =	strace $0x9000004C  }
0xb1: {  	s29 =	simm.s32 $0x9;
	_ =	strace $0x8000004E  }
0xb2: {  	_ =	swait.ge [sflag:s29], $0x1  }
0xb3: {  	[sflag:s29] =	ssyncadd.s32 $0xFFFFFFFF  }
0xb4: {  	_ =	strace $0x9000004E  }
0xb5: {  	_ =	sfence  }
0xb6: {  	s30 =	sld [smem:$0x0];
	_ =	sdelay $0x2  }
0xb7: {  	s31 =	sshll.u32 s1, $0xD;
	s1 =	sshrl.u32 s1, $0x2  }
0xb8: {  	s3 =	sand.u32 $0x4000, s31;
	s1 =	sadd.s32 s1, s30  }
0xb9: {  	s0 =	sor.u32 s3, s0;
	s1 =	sshll.u32 s1, $0x11  }
0xba: {  	s0 =	sor.u32 s1, s0  }
0xbb: {  	s0 =	sadd.s32 $0x8F2B, s0  }
0xbc: {  	[sflag:s0] =	ssyncadd.remote.s32 $0x1  }
0xbd: {  	_ =	sfence.sel $0xFFFF  }
0xbe: {  	[dreg:$0x0] =	wrdreg $0xFFFFFFFF;
	(pc) =	sbr.abs _section_cstart, $3  }
0xbf: {  	[dreg:$0x1] =	wrdreg $0xFFFFFFFF  }
0xc0: {  	_ =	task.clear_ibuf [dreg:s6], $0x2FFFF;
	_ =	strace $0x9FFFFFFF  }
0xc1: {  	(tm) =	ssettm $0x7FFFFFFF  }
tec
execute0_lowered:
.L_overlay_start_1:
0x0: {  	(tag) =	ssettag $0x1  }
0x1: {  	s1 =	srdreg.scid  }
0x2: {  	s0 =	stileid.u32;
	s5 =	rddreg [dreg:$0x0]  }
0x3: {  	s2 =	simm.s32 $0x0;
	s10 =	simm.s32 $0x3;
	s11 =	simm.s32 $0x2800  }
0x4: {  	s12 =	simm.s32 $0x80;
	s13 =	simm.s32 $0x5000;
	s14 =	simm.s32 $0x9000  }
0x5: {  	s15 =	simm.s32 $0x1;
	s16 =	simm.s32 $0x2;
	s17 =	simm.s32 $0x0  }
0x6: {  	s3 =	sand.u32 $0x1, s1;
	s4 =	sshll.u32 s0, $0x1;
	s1 =	rddreg [dreg:$0x1]  }
0x7: {  	[smem:$0x7FF] =	sst s2;
	s8 =	sor.u32 s3, s4;
	s6 =	ssub.s32 $0x2, s3  }
0x8: {  	_ =	strace $0x8000004D;
	s4 =	smul.u32 $0x500, s8;
	s9 =	sshrl.u32 s6, $0x1  }
0x9: {  	s3 =	sadd.s32 $0xB000, s5;
	s8 =	smul.u32 $0x140000, s8;
	s9 =	ssub.s32 s6, s9  }
0xa: {  	s7 =	sadd.s32 s4, s5;
	s4 =	sadd.s32 $0x32200, s5;
	s5 =	sadd.s32 $0xC5800, s5  }
0xb: {  	s9 =	smax.u32 s9, $0x1;
	s6 =	sadd.s32 $0x80600, s7;
	s7 =	sadd.s32 $0x94600, s7  }
.LBB2_1:
0xc: {  	[tilespmem:s2], [sflag:$0x3] =	stream.linear.gather [hbm4b:s6+s2], $0x2800, $0x38;
	[tilespmem:$0xD000] =	vst v63  }
0xd: {  	_ =	swait.ge [sflag:s10], $0x2800  }
0xe: {  	[sflag:s10] =	ssyncset.done $0x0  }
0xf: {  	[sflag:s10] =	ssyncadd.s32 $0xFFFFD800  }
0x10: {  	[tilespmem:s11], [sflag:$0x3] =	stream.linear.gather [hbm4b:s7+s2], $0x2800, $0x38;
	[tilespmem:$0xD000] =	vst v63  }
0x11: {  	_ =	swait.ge [sflag:s10], $0x2800  }
0x12: {  	[sflag:s10] =	ssyncset.done $0x0  }
0x13: {  	s18 =	simm.s32 $0x0;
	[sflag:s10] =	ssyncadd.s32 $0xFFFFD800  }
.LBB2_2:
0x14: {  	s19 =	sshll.u32 s18, $0x7  }
0x15: {  	[tilespmem:s13], [sflag:$0x1] =	stream.indirect.gather [hbm4b:s3+s12], $0x80, s19, s12, $0xb8;
	[tilespmem:$0xD000] =	vst v63  }
0x16: {  	s19 =	sadd.s32 $0x2800, s19  }
0x17: {  	[tilespmem:s14], [sflag:$0x2] =	stream.indirect.gather [hbm4b:s4+s12], $0x80, s19, s12, $0xb8;
	[tilespmem:$0xD000] =	vst v63  }
0x18: {  	_ =	swait.ge [sflag:s15], $0x4000  }
0x19: {  	[sflag:s15] =	ssyncset.done $0x0  }
0x1a: {  	[sflag:s15] =	ssyncadd.s32 $0xFFFFC000  }
0x1b: {  	_ =	swait.ge [sflag:s16], $0x4000  }
0x1c: {  	[sflag:s16] =	ssyncset.done $0x0  }
0x1d: {  	s19 =	simm.s32 $0x0;
	[sflag:s16] =	ssyncadd.s32 $0xFFFFC000  }
0x1e: {  	v6 =	vld [tilespmem:s19+$0x9000]  }
0x1f: {  	v11 =	vld [tilespmem:s19+$0x9010]  }
0x20: {  	v5 =	vld [tilespmem:s19+$0x9020]  }
0x21: {  	v4 =	vld [tilespmem:s19+$0x9030]  }
0x22: {  	v3 =	vld [tilespmem:s19+$0x9040]  }
0x23: {  	v2 =	vld [tilespmem:s19+$0x9050]  }
0x24: {  	v1 =	vld [tilespmem:s19+$0x9060]  }
0x25: {  	v0 =	vld [tilespmem:s19+$0x9070]  }
0x26: {  	v12 =	vld [tilespmem:s19+$0x5000]  }
0x27: {  	v13 =	vld [tilespmem:s19+$0x5010]  }
0x28: {  	v10 =	vld [tilespmem:s19+$0x5020]  }
0x29: {  	v9 =	vld [tilespmem:s19+$0x5030]  }
0x2a: {  	v8 =	vld [tilespmem:s19+$0x5040]  }
0x2b: {  	v7 =	vld [tilespmem:s19+$0x5050];
	v12 =	vadd.f32 v6, v12  }
0x2c: {  	s20 =	simm.s32 $0x200;
	v11 =	vadd.f32 v11, v13;
	v6 =	vld [tilespmem:s19+$0x5060]  }
.LBB2_3:
0x2d: {  	s21 =	sshra.s32 s20, $0x2;
	p0 =	sne.s32 s20, $0xFE00;
	v12 =	vmax.f32 v12, $0.0e+00;
	v5 =	vadd.f32 v5, v10;
	v10 =	vld [tilespmem:s19+$0x5070]  }
0x2e: {  	v13 =	vld [tilespmem:s21+$0x9000];
	[tilespmem:s19+$0x5000] =	vst v12;
	v11 =	vmax.f32 v11, $0.0e+00;
	v4 =	vadd.f32 v4, v9  }
0x2f: {  	v14 =	vld [tilespmem:s21+$0x9010];
	[tilespmem:s19+$0x5010] =	vst v11;
	v9 =	vmax.f32 v5, $0.0e+00;
	v3 =	vadd.f32 v3, v8  }
0x30: {  	v5 =	vld [tilespmem:s21+$0x9020];
	[tilespmem:s19+$0x5020] =	vst v9;
	v8 =	vmax.f32 v4, $0.0e+00;
	v2 =	vadd.f32 v2, v7  }
0x31: {  	v4 =	vld [tilespmem:s21+$0x9030];
	[tilespmem:s19+$0x5030] =	vst v8;
	v7 =	vmax.f32 v3, $0.0e+00;
	v1 =	vadd.f32 v1, v6  }
0x32: {  	v3 =	vld [tilespmem:s21+$0x9040];
	[tilespmem:s19+$0x5040] =	vst v7;
	v6 =	vmax.f32 v2, $0.0e+00;
	v0 =	vadd.f32 v0, v10  }
0x33: {  	v2 =	vld [tilespmem:s21+$0x9050];
	[tilespmem:s19+$0x5050] =	vst v6;
	v6 =	vmax.f32 v1, $0.0e+00  }
0x34: {  	v1 =	vld [tilespmem:s21+$0x9060];
	[tilespmem:s19+$0x5060] =	vst v6;
	v6 =	vmax.f32 v0, $0.0e+00  }
0x35: {  	v0 =	vld [tilespmem:s21+$0x9070];
	[tilespmem:s19+$0x5070] =	vst v6;
	s19 =	smov.u32 s21  }
0x36: {  	v6 =	vld [tilespmem:s19+$0x5000]  }
0x37: {  	v11 =	vld [tilespmem:s19+$0x5010]  }
.Ltmp0:
0x38: {  	v10 =	vld [tilespmem:s19+$0x5020];
	(pc) =	sbr.rel @p0 .LBB2_3-.Ltmp0, $4  }
0x39: {  	v9 =	vld [tilespmem:s19+$0x5030]  }
0x3a: {  	v8 =	vld [tilespmem:s19+$0x5040]  }
0x3b: {  	v12 =	vadd.f32 v13, v6;
	v7 =	vld [tilespmem:s19+$0x5050]  }
0x3c: {  	s20 =	sadd.s32 $0x200, s20;
	v11 =	vadd.f32 v14, v11;
	v6 =	vld [tilespmem:s19+$0x5060]  }
0x3d: {  	v12 =	vmax.f32 v12, $0.0e+00;
	v5 =	vadd.f32 v5, v10;
	v63 =	vld [tilespmem:s19+$0x5070]  }
0x3e: {  	[tilespmem:s19+$0x5000] =	vst v12;
	v11 =	vmax.f32 v11, $0.0e+00;
	v4 =	vadd.f32 v4, v9  }
0x3f: {  	[tilespmem:s19+$0x5010] =	vst v11;
	v5 =	vmax.f32 v5, $0.0e+00;
	v3 =	vadd.f32 v3, v8  }
0x40: {  	[tilespmem:s19+$0x5020] =	vst v5;
	v4 =	vmax.f32 v4, $0.0e+00;
	v2 =	vadd.f32 v2, v7  }
0x41: {  	[tilespmem:s19+$0x5030] =	vst v4;
	v3 =	vmax.f32 v3, $0.0e+00;
	v1 =	vadd.f32 v1, v6  }
0x42: {  	s20 =	sshll.u32 s18, $0xE;
	[tilespmem:s19+$0x5040] =	vst v3;
	v2 =	vmax.f32 v2, $0.0e+00;
	v0 =	vadd.f32 v0, v63  }
0x43: {  	s18 =	sadd.s32 $0x1, s18;
	s20 =	sadd.s32 s8, s20;
	[tilespmem:s19+$0x5050] =	vst v2;
	v1 =	vmax.f32 v1, $0.0e+00  }
0x44: {  	p0 =	sne.s32 s18, $0x50;
	s20 =	sshrl.u32 s20, $0x3;
	[tilespmem:s19+$0x5060] =	vst v1;
	v0 =	vmax.f32 v0, $0.0e+00  }
.Ltmp1:
0x45: {  	s31 =	sadd.s32 s5, s20;
	[tilespmem:s19+$0x5070] =	vst v0;
	(pc) =	sbr.rel @p0 .LBB2_2-.Ltmp1, $4  }
0x46: {  	[hbm4b:s31+s2] =	stream.linear.scatter [tilespmem:s13], [sflag:$0x3], $0x4000, $0x38;
	[tilespmem:$0xD000] =	vst v63  }
0x47: {  	_ =	swait.ge [sflag:s10], $0x4000  }
0x48: {  	[sflag:s10] =	ssyncset.done $0x0  }
0x49: {  	[sflag:s10] =	ssyncadd.s32 $0xFFFFC000  }
0x4a: {  	s17 =	sadd.s32 $0x1, s17  }
0x4b: {  	p0 =	sne.s32 s17, s9  }
.Ltmp2:
0x4c: {  	_ = 	snop;
	(pc) =	sbr.rel @p0 .LBB2_1-.Ltmp2, $1  }
0x4d: {  	_ =	sdelay $0x3  }
0x4e: {  	_ =	sfence.sel $0x180000  }
0x4f: {  	[bflag:$0x0] =	sbarrier.arrive $0xFFFF  }
0x50: {  	p0 =	sne.s32 s0, $0x0;
	_ =	strace $0x9000004D  }
0x51: {  	s0 =	sadd.s32 @!p0 $0x100000, s1;
	[bflag:$0x2] =	sbarrier.arrive $0xFFFF  }
0x52: {  	[sflag:s0] =	ssyncadd.tile.s32 @!p0 $0x1;
	_ =	shalt  }
.Lfunc_end2:
_tile_overlayer_lowered:
.L_overlay_start_2:
0x53: {  	(tag) =	ssettag $0x2  }
0x54: {  	s0 =	rddreg [dreg:$0x0];
	s2 =	stileid.u32  }
0x55: {  	s1 =	rddreg [dreg:$0x1];
	p0 =	sne.s32 s2, $0x0  }
0x56: {  	s3 =	rddreg [dreg:$0x2];
	[bflag:$0x3] =	sbarrier.arrive $0xFFFF;
	s2 =	simm.s32 @!p0 $0x1C03  }
0x57: {  	[timem:s3], [sflag:s2] =	dma.local @!p0 [hbm:s0], s1  }
0x58: {  	s0 =	simm.s32 @!p0 $0x3  }
0x59: {  	_ =	swait.ge @!p0 [sflag:s0], s1  }
0x5a: {  	s1 =	ssub.s32 @!p0 $0x0, s1;
	[sflag:s0] =	ssyncset.done @!p0 $0x0  }
0x5b: {  	[sflag:s0] =	ssyncadd.s32 @!p0 s1  }
0x5c: {  	[bflag:$0x3] =	sbarrier.arrive $0xFFFF  }
0x5d: {  	_ =	shalt  }

// kernel: kernel.25.cloned.1.call-start
scs
__scs_entry_jumppad:
0x0: {  	(pc) =	sbr.rel $0x88, $3  }
0x1: {  	(tag) =	ssettag $0x0;
	lr =	simm.s32 $0x1  }
0x2: {  	[smem:$0x3F7A] =	sst lr;
	_ =	strace $0xD0000000  }
0x3: {  	_ = 	snop  }
0x4: {  	_ = 	snop  }
0x5: {  	_ = 	snop  }
0x6: {  	_ = 	snop  }
0x7: {  	_ = 	snop  }
__scs_overlays_trampoline_lowered:
0x8: {  	[smem:$0x3F89] =	sst s0  }
0x9: {  	[smem:$0x3F8A] =	sst s1  }
0xa: {  	[smem:$0x3F8B] =	sst s2  }
0xb: {  	[smem:$0x3F8C] =	sst s3  }
0xc: {  	[smem:$0x3F8D] =	sst s4  }
0xd: {  	[smem:$0x3F8E] =	sst s5  }
0xe: {  	[smem:$0x3F8F] =	sst s6  }
0xf: {  	[smem:$0x3F90] =	sst s7  }
0x10: {  	[smem:$0x3F91] =	sst s8  }
0x11: {  	[smem:$0x3F92] =	sst s9;
	s0 =	simm.s32 @!p0 $0x0  }
0x12: {  	s1 =	sld [smem:$0x3F78];
	s0 =	simm.s32 @p0 $0x1  }
0x13: {  	[smem:$0x3F93] =	sst s0;
	s0 =	simm.s32 @!p1 $0x0  }
0x14: {  	s2 =	sld [smem:$0x3F77];
	s0 =	simm.s32 @p1 $0x1  }
0x15: {  	[smem:$0x3F94] =	sst s0;
	s0 =	simm.s32 @!p2 $0x0  }
0x16: {  	s3 =	sld [smem:$0x3FDB];
	s0 =	simm.s32 @p2 $0x1  }
0x17: {  	s4 =	simm.s32 $0x1BF5;
	[smem:$0x3F96] =	sst s0  }
0x18: {  	s0 =	sld [smem:$0x3F79];
	_ =	swait.ge [sflag:s4], $0x0  }
0x19: {  	s7 =	sld [smem:$0x3F7A]  }
0x1a: {  	s8 =	sadd.s32 $0xFFFFE003, lr  }
0x1b: {  	s9 =	sadd.s32 $0xFFFFFEF7, lr;
	s5 =	simm.s32 $0xFFFFFFFF;
	p2 =	slt.u32 s8, $0xFFFFF086  }
0x1c: {  	p1 =	slt.u32 s9, $0xF7A;
	s5 =	simm.s32 @!p2 $0x0  }
0x1d: {  	s5 =	simm.s32 @p1 $0x1;
	p0 =	seq.s32 s7, s2  }
0x1e: {  	s7 =	smul.u32 @!p0 $0xF7A, s2;
	p2 =	seq.s32 @!p0 s5, $0x0  }
0x1f: {  	s9 =	smul.u32 $0xF7A, s1;
	s8 =	simm.s32 @!p0 $0x1BF5;
	p2 =	por !p2, p0  }
0x20: {  	[sflag:s8] =	ssyncset.s32 @!p0 $0xFFFFF086;
	s6 =	sadd.s32 @!p0 s3, s7;
	s7 =	simm.s32 @!p0 $0x108  }
0x21: {  	s3 =	sadd.s32 s3, s9;
	s6 =	sadd.s32 @!p0 $0x88, s6;
	s7 =	simm.s32 @p2 $0x1082  }
0x22: {  	[simem:s7], [sflag:s8] =	dma.local @!p0 [hbm:s6], $0xF7A  }
0x23: {  	s9 =	sor.u32 $0xD0000000, s2;
	s6 =	simm.s32 $0x108;
	_ =	swait.ge @!p0 [sflag:s8], $0x0  }
0x24: {  	s3 =	sadd.s32 $0x88, s3;
	s6 =	simm.s32 @!p1 $0x1082;
	[sflag:s4] =	ssyncset.s32 $0xFFFFF086  }
0x25: {  	[simem:s6], [sflag:s4] =	dma.local [hbm:s3], $0xF7A  }
0x26: {  	[smem:$0x3F7A] =	sst s1;
	(tag) =	ssettag s2;
	_ =	strace s9  }
0x27: {  	s1 =	sld [smem:$0x3F8A]  }
0x28: {  	s2 =	sld [smem:$0x3F8B]  }
0x29: {  	s4 =	sld [smem:$0x3F8D]  }
0x2a: {  	p0 =	seq.s32 s5, $0x0;
	s5 =	sld [smem:$0x3F8E]  }
0x2b: {  	s6 =	sld [smem:$0x3F8F]  }
0x2c: {  	s7 =	sld [smem:$0x3F90]  }
0x2d: {  	s3 =	simm.s32 $0x108;
	s8 =	sld [smem:$0x3F91]  }
0x2e: {  	s3 =	simm.s32 @!p0 $0x1082;
	s9 =	sld [smem:$0x3F92]  }
0x2f: {  	lr =	sadd.s32 s0, s3;
	s0 =	sld [smem:$0x3F89]  }
0x30: {  	s3 =	sld [smem:$0x3F8C]  }
0x31: {  	[smem:$0x3F95] =	sst s10  }
0x32: {  	s10 =	sld [smem:$0x3F93];
	_ =	sdelay $0x3  }
0x33: {  	p0 =	seq.s32 s10, $0x1;
	s10 =	sld [smem:$0x3F95];
	_ =	sdelay $0x3  }
0x34: {  	[smem:$0x3F95] =	sst s10  }
0x35: {  	s10 =	sld [smem:$0x3F94];
	_ =	sdelay $0x3  }
0x36: {  	p1 =	seq.s32 s10, $0x1;
	s10 =	sld [smem:$0x3F95];
	_ =	sdelay $0x3  }
0x37: {  	[smem:$0x3F95] =	sst s10  }
0x38: {  	s10 =	sld [smem:$0x3F96]  }
0x39: {  	_ = 	snop;
	(pc) =	sbr.ind lr, $3  }
0x3a: {  	_ = 	snop  }
0x3b: {  	_ = 	snop  }
0x3c: {  	p2 =	seq.s32 s10, $0x1;
	s10 =	sld [smem:$0x3F95]  }
0x3d: {  	_ =	shalt  }
0x3e: {  	_ =	shalt  }
0x3f: {  	_ =	shalt  }
0x40: {  	_ =	shalt  }
0x41: {  	_ =	shalt  }
0x42: {  	_ =	shalt  }
0x43: {  	_ =	shalt  }
0x44: {  	_ =	shalt  }
0x45: {  	_ =	shalt  }
0x46: {  	_ =	shalt  }
0x47: {  	_ =	shalt  }
0x48: {  	_ =	shalt  }
0x49: {  	_ =	shalt  }
0x4a: {  	_ =	shalt  }
0x4b: {  	_ =	shalt  }
0x4c: {  	_ =	shalt  }
0x4d: {  	_ =	shalt  }
0x4e: {  	_ =	shalt  }
0x4f: {  	_ =	shalt  }
0x50: {  	_ =	shalt  }
0x51: {  	_ =	shalt  }
0x52: {  	_ =	shalt  }
0x53: {  	_ =	shalt  }
0x54: {  	_ =	shalt  }
0x55: {  	_ =	shalt  }
0x56: {  	_ =	shalt  }
0x57: {  	_ =	shalt  }
0x58: {  	_ =	shalt  }
0x59: {  	_ =	shalt  }
0x5a: {  	_ =	shalt  }
0x5b: {  	_ =	shalt  }
0x5c: {  	_ =	shalt  }
0x5d: {  	_ =	shalt  }
0x5e: {  	_ =	shalt  }
0x5f: {  	_ =	shalt  }
0x60: {  	_ =	shalt  }
0x61: {  	_ =	shalt  }
0x62: {  	_ =	shalt  }
0x63: {  	_ =	shalt  }
0x64: {  	_ =	shalt  }
0x65: {  	_ =	shalt  }
0x66: {  	_ =	shalt  }
0x67: {  	_ =	shalt  }
0x68: {  	_ =	shalt  }
0x69: {  	_ =	shalt  }
0x6a: {  	_ =	shalt  }
0x6b: {  	_ =	shalt  }
0x6c: {  	_ =	shalt  }
0x6d: {  	_ =	shalt  }
0x6e: {  	_ =	shalt  }
0x6f: {  	_ =	shalt  }
0x70: {  	_ =	shalt  }
0x71: {  	_ =	shalt  }
0x72: {  	_ =	shalt  }
0x73: {  	_ =	shalt  }
0x74: {  	_ =	shalt  }
0x75: {  	_ =	shalt  }
0x76: {  	_ =	shalt  }
0x77: {  	_ =	shalt  }
0x78: {  	_ =	shalt  }
0x79: {  	_ =	shalt  }
0x7a: {  	_ =	shalt  }
0x7b: {  	_ =	shalt  }
0x7c: {  	_ =	shalt  }
0x7d: {  	_ =	shalt  }
0x7e: {  	_ =	shalt  }
0x7f: {  	_ =	shalt  }
0x80: {  	_ =	shalt  }
0x81: {  	_ =	shalt  }
0x82: {  	_ =	shalt  }
0x83: {  	_ =	shalt  }
0x84: {  	_ =	shalt  }
0x85: {  	_ =	shalt  }
0x86: {  	_ =	shalt  }
0x87: {  	_ =	shalt  }
.Lfunc_end0:
.L_simem_size_0:
called_computation.3_lowered:
.L_overlay_start_0:
0x88: {  	s2 =	sld [smem:$0x3FD9]  }
0x89: {  	s3 =	sld [smem:$0x3FFE];
	_ =	sdelay $0x1  }
0x8a: {  	s1 =	srdreg.scid  }
0x8b: {  	s0 =	sand.u32 $0x1, s1  }
0x8c: {  	s16 =	sshll.u32 s0, $0xA;
	s2 =	sadd.s32 s3, s2  }
0x8d: {  	s2 =	sadd.s32 s2, s16  }
0x8e: {  	[smem:$0x3FA1] =	sst s2  }
0x8f: {  	_ = 	snop  }
0x90: {  	(tm) =	ssettm $0x1  }
0x91: {  	s17 =	sld [smem:$0x3FFB];
	_ =	sdelay $0x3  }
0x92: {  	_ =	strace s17  }
0x93: {  	s2 =	sld [smem:$0x3FFC];
	_ =	sdelay $0x3  }
0x94: {  	_ =	strace s2  }
0x95: {  	s2 =	sld [smem:$0x3FFD];
	_ =	sdelay $0x3  }
0x96: {  	_ =	strace s2  }
0x97: {  	_ =	strace $0x8FFFFFFF  }
0x98: {  	s18 =	sld [smem:$0x3FDB];
	_ =	sdelay $0x1  }
0x99: {  	s19 =	simm.s32 $_scs_section_size  }
0x9a: {  	s4 =	simm.s32 $_size__tile_overlayer_lowered;
	s5 =	simm.s32 $_tile_overlayer_lowered  }
0x9b: {  	s22 =	simm.s32 $0x1BFF;
	s21 =	sshll.u32 s5, $0x1;
	s2 =	sadd.s32 s19, s18  }
0x9c: {  	s6 =	simm.s32 $0x0;
	s20 =	sshll.u32 s4, $0x1;
	s4 =	sadd.s32 s21, s2  }
0x9d: {  	[timem:s6], [sflag:s22] =	dma.local [hbm:s4], s20  }
0x9e: {  	_ =	swait.ge [sflag:s22], s20  }
0x9f: {  	s3 =	ssub.s32 $0x0, s20;
	[sflag:s22] =	ssyncset.done $0x0  }
0xa0: {  	[sflag:s22] =	ssyncadd.s32 s3;
	_ =	sdelay $0x1  }
0xa1: {  	s23 =	simm.s32 $0x1B8B  }
0xa2: {  	_ =	swait.ge [sflag:s23], $0x1  }
0xa3: {  	[sflag:s23] =	ssyncset.done $0x0  }
0xa4: {  	s25 =	simm.s32 $0x1B8E;
	s24 =	sld [smem:$0x3FFE];
	[sflag:s23] =	ssyncadd.s32 $0xFFFFFFFF  }
0xa5: {  	s26 =	simm.s32 $execute0_lowered;
	[smem:$0x3FD2] =	sst s25  }
0xa6: {  	s4 =	sshll.u32 s26, $0x1;
	_ =	strace $0x8000004F;
	[dreg:$0x1] =	wrdreg $0xFFFFFFFF  }
0xa7: {  	s28 =	simm.s32 $_size_execute0_lowered;
	s2 =	sadd.s32 s2, s4;
	[dreg:$0x0] =	wrdreg $0x0  }
0xa8: {  	s4 =	sshll.u32 s28, $0x1;
	[dreg:$0x2] =	wrdreg s2  }
0xa9: {  	[dreg:$0x3] =	wrdreg s4  }
0xaa: {  	[dreg:$0x4] =	wrdreg $0xC0  }
0xab: {  	_ =	task [dreg:s6], $0x5FFFF  }
0xac: {  	[dreg:$0x1] =	wrdreg $0xFFFFFFFF  }
0xad: {  	[dreg:$0x0] =	wrdreg $0x60  }
0xae: {  	[dreg:$0x2] =	wrdreg s24  }
0xaf: {  	[dreg:$0x3] =	wrdreg $0x68000  }
0xb0: {  	[dreg:$0x4] =	wrdreg $0x9  }
0xb1: {  	_ =	task.clear_ibuf [dreg:s6], $0x5FFFF;
	_ =	strace $0x9000004F  }
0xb2: {  	s29 =	simm.s32 $0x9;
	_ =	strace $0x80000051  }
0xb3: {  	_ =	swait.ge [sflag:s29], $0x1  }
0xb4: {  	[sflag:s29] =	ssyncadd.s32 $0xFFFFFFFF  }
0xb5: {  	_ =	strace $0x90000051  }
0xb6: {  	_ =	sfence  }
0xb7: {  	s30 =	sld [smem:$0x0];
	_ =	sdelay $0x2  }
0xb8: {  	s31 =	sshll.u32 s1, $0xD;
	s1 =	sshrl.u32 s1, $0x2  }
0xb9: {  	s3 =	sand.u32 $0x4000, s31;
	s1 =	sadd.s32 s1, s30  }
0xba: {  	s0 =	sor.u32 s3, s0;
	s1 =	sshll.u32 s1, $0x11  }
0xbb: {  	s0 =	sor.u32 s1, s0  }
0xbc: {  	s0 =	sadd.s32 $0x8F2B, s0  }
0xbd: {  	[sflag:s0] =	ssyncadd.remote.s32 $0x1  }
0xbe: {  	_ =	sfence.sel $0xFFFF  }
0xbf: {  	[dreg:$0x0] =	wrdreg $0xFFFFFFFF;
	(pc) =	sbr.abs _section_cstart, $3  }
0xc0: {  	[dreg:$0x1] =	wrdreg $0xFFFFFFFF  }
0xc1: {  	_ =	task.clear_ibuf [dreg:s6], $0x2FFFF;
	_ =	strace $0x9FFFFFFF  }
0xc2: {  	(tm) =	ssettm $0x7FFFFFFF  }
0xc3: {  	_ =	shalt  }
tec
execute0_lowered:
.L_overlay_start_1:
0x0: {  	(tag) =	ssettag $0x1  }
0x1: {  	s1 =	srdreg.scid  }
0x2: {  	s0 =	stileid.u32;
	s4 =	rddreg [dreg:$0x0]  }
0x3: {  	s2 =	rddreg [dreg:$0x1];
	s6 =	smul.u32 $0x50000, s0  }
0x4: {  	s3 =	simm.s32 $0x0;
	s16 =	simm.s32 $0x80;
	s8 =	smul.u32 $0x13800, s0  }
0x5: {  	s19 =	simm.s32 $0x0;
	s9 =	sand.u32 $0x1, s1;
	s14 =	smul.u32 $0x4E000, s0  }
0x6: {  	s26 =	sshll.u32 s0, $0x1;
	[smem:$0x7FF] =	sst s3;
	s7 =	smul.u32 $0x138800, s9  }
0x7: {  	s17 =	sshll.u32 s0, $0x6;
	s1 =	sor.u32 s9, s26;
	s15 =	smul.u32 $0x28000, s9  }
0x8: {  	s29 =	ssub.s32 $0x2, s9;
	s17 =	sor.u32 $0x1C02, s17;
	s5 =	smul.u32 $0x2800, s1  }
0x9: {  	s1 =	rddreg [dreg:$0x2];
	_ =	strace $0x80000050;
	s12 =	sadd.s32 s6, s4  }
0xa: {  	s30 =	sshrl.u32 s29, $0x1;
	s6 =	sshrl.u32 s6, $0x2;
	s31 =	sshrl.u32 s14, $0x2  }
0xb: {  	s14 =	simm.s32 $0x2;
	s28 =	sadd.s32 s8, s7;
	s13 =	ssub.s32 s29, s30  }
0xc: {  	s18 =	sadd.s32 s31, s2;
	s12 =	sadd.s32 s15, s12;
	s5 =	sshrl.u32 s5, $0x3  }
0xd: {  	s15 =	simm.s32 $0x1;
	s10 =	sadd.s32 s5, s4;
	s5 =	sshrl.u32 s28, $0x3  }
0xe: {  	s12 =	sadd.s32 $0x5C5800, s12;
	s11 =	sadd.s32 s5, s4;
	s4 =	sadd.s32 s6, s2  }
0xf: {  	s18 =	sshrl.u32 s18, $0x3;
	s9 =	sadd.s32 $0x8A600, s10;
	s5 =	sadd.s32 $0x4000, s4  }
0x10: {  	s6 =	sadd.s32 $0x8000, s4;
	s7 =	sadd.s32 $0xC000, s4;
	s8 =	sadd.s32 $0x10000, s4  }
0x11: {  	v0 =	vimm.f32 $0.0e+00;
	s10 =	sadd.s32 $0xB000, s11;
	s11 =	smax.u32 s13, $0x1;
	s13 =	simm.s32 $0x2800  }
.LBB2_1:
0x12: {  	s20 =	simm.s32 $0x0;
	s21 =	simm.s32 $0x200  }
.LBB2_2:
0x13: {  	p0 =	sne.s32 s21, $0xFE00;
	[tilespmem:s20+$0x2870] =	vst v0  }
0x14: {  	[tilespmem:s20+$0x2800] =	vst v0  }
0x15: {  	[tilespmem:s20+$0x2810] =	vst v0  }
.Ltmp0:
0x16: {  	[tilespmem:s20+$0x2820] =	vst v0;
	(pc) =	sbr.rel @p0 .LBB2_2-.Ltmp0, $4  }
0x17: {  	[tilespmem:s20+$0x2830] =	vst v0  }
0x18: {  	[tilespmem:s20+$0x2840] =	vst v0  }
0x19: {  	[tilespmem:s20+$0x2850] =	vst v0  }
0x1a: {  	[tilespmem:s20+$0x2860] =	vst v0;
	s20 =	sshra.s32 s21, $0x2;
	s21 =	sadd.s32 $0x200, s21  }
0x1b: {  	[tilespmem:s20+$0x2870] =	vst v0  }
0x1c: {  	[tilespmem:s20+$0x2800] =	vst v0  }
0x1d: {  	[tilespmem:s20+$0x2810] =	vst v0  }
0x1e: {  	[tilespmem:s20+$0x2820] =	vst v0  }
0x1f: {  	[tilespmem:s20+$0x2830] =	vst v0  }
0x20: {  	[tilespmem:s20+$0x2840] =	vst v0  }
0x21: {  	[tilespmem:s20+$0x2850] =	vst v0  }
0x22: {  	[tilespmem:s20+$0x2860] =	vst v0  }
0x23: {  	[spmem:s4] =	stream.linear.scatter [tilespmem:s13], [sflag:$0x2], $0x4000, $0x38;
	[tilespmem:$0x1A800] =	vst v63  }
0x24: {  	_ =	swait.ge [sflag:s14], $0x4000  }
0x25: {  	[sflag:s14] =	ssyncset.done $0x0  }
0x26: {  	[sflag:s14] =	ssyncadd.s32 $0xFFFFC000  }
0x27: {  	[spmem:s5] =	stream.linear.scatter [tilespmem:s13], [sflag:$0x2], $0x4000, $0x38;
	[tilespmem:$0x1A800] =	vst v63  }
0x28: {  	_ =	swait.ge [sflag:s14], $0x4000  }
0x29: {  	[sflag:s14] =	ssyncset.done $0x0  }
0x2a: {  	[sflag:s14] =	ssyncadd.s32 $0xFFFFC000  }
0x2b: {  	[spmem:s6] =	stream.linear.scatter [tilespmem:s13], [sflag:$0x2], $0x4000, $0x38;
	[tilespmem:$0x1A800] =	vst v63  }
0x2c: {  	_ =	swait.ge [sflag:s14], $0x4000  }
0x2d: {  	[sflag:s14] =	ssyncset.done $0x0  }
0x2e: {  	[sflag:s14] =	ssyncadd.s32 $0xFFFFC000  }
0x2f: {  	[spmem:s7] =	stream.linear.scatter [tilespmem:s13], [sflag:$0x2], $0x4000, $0x38;
	[tilespmem:$0x1A800] =	vst v63  }
0x30: {  	_ =	swait.ge [sflag:s14], $0x4000  }
0x31: {  	[sflag:s14] =	ssyncset.done $0x0  }
0x32: {  	[sflag:s14] =	ssyncadd.s32 $0xFFFFC000  }
0x33: {  	[spmem:s8] =	stream.linear.scatter [tilespmem:s13], [sflag:$0x2], $0x4000, $0x38;
	[tilespmem:$0x1A800] =	vst v63  }
0x34: {  	_ =	swait.ge [sflag:s14], $0x4000  }
0x35: {  	[sflag:s14] =	ssyncset.done $0x0  }
0x36: {  	[sflag:s14] =	ssyncadd.s32 $0xFFFFC000  }
0x37: {  	s30 =	simm.s32 $0x0;
	[bflag:$0x0] =	sbarrier.arrive $0xFFFF  }
0x38: {  	[tilespmem:s30], [sflag:$0x2] =	stream.linear.gather [hbm4b:s9+s30], $0x2800, $0x38;
	[tilespmem:$0x1A800] =	vst v63  }
0x39: {  	_ =	swait.ge [sflag:s14], $0x2800  }
0x3a: {  	[sflag:s14] =	ssyncset.done $0x0  }
0x3b: {  	[sflag:s14] =	ssyncadd.s32 $0xFFFFD800  }
0x3c: {  	[tilespmem:s13], [sflag:$0x1] =	stream.linear.gather [hbm4b:s12+s3], $0x4000, $0x38;
	[tilespmem:$0x1A800] =	vst v63  }
0x3d: {  	_ =	swait.ge [sflag:s15], $0x4000  }
0x3e: {  	[sflag:s15] =	ssyncset.done $0x0  }
0x3f: {  	s31 =	simm.s32 $0x0;
	[sflag:s15] =	ssyncadd.s32 $0xFFFFC000  }
0x40: {  	[spmem:s2] =	stream.indirect.scatter.add.f32 [tilespmem:s13], [sflag:$0x2], $0x80, s31, s16, $0xb8;
	[tilespmem:$0x1A800] =	vst v63  }
0x41: {  	_ =	swait.ge [sflag:s14], $0x4000  }
0x42: {  	s20 =	simm.s32 $0x200;
	s21 =	smov.u32 s12;
	[sflag:s14] =	ssyncset.done $0x0  }
.LBB2_4:
0x43: {  	p0 =	sne.s32 s20, $0x9E00;
	[sflag:s14] =	ssyncadd.s32 $0xFFFFC000;
	s21 =	sadd.s32 $0x800, s21  }
0x44: {  	[tilespmem:s13], [sflag:$0x1] =	stream.linear.gather [hbm4b:s21+s3], $0x4000, $0x38;
	[tilespmem:$0x1A800] =	vst v63  }
0x45: {  	s22 =	smov.u32 s20;
	s20 =	sadd.s32 $0x200, s20;
	_ =	swait.ge [sflag:s15], $0x4000  }
.Ltmp1:
0x46: {  	[sflag:s15] =	ssyncset.done $0x0;
	(pc) =	sbr.rel @p0 .LBB2_4-.Ltmp1, $4  }
0x47: {  	s22 =	sshra.s32 s22, $0x2;
	[sflag:s15] =	ssyncadd.s32 $0xFFFFC000  }
0x48: {  	[spmem:s2] =	stream.indirect.scatter.add.f32 [tilespmem:s13], [sflag:$0x2], $0x80, s22, s16, $0xb8;
	[tilespmem:$0x1A800] =	vst v63  }
0x49: {  	_ =	swait.ge [sflag:s14], $0x4000  }
0x4a: {  	[sflag:s14] =	ssyncset.done $0x0  }
0x4b: {  	s19 =	sadd.s32 $0x1, s19  }
0x4c: {  	[sflag:s14] =	ssyncadd.s32 $0xFFFFC000;
	p0 =	sne.s32 s19, s11  }
.Ltmp2:
0x4d: {  	[bflag:$0x0] =	sbarrier.arrive $0xFFFF;
	(pc) =	sbr.rel @p0 .LBB2_1-.Ltmp2, $4  }
0x4e: {  	[hbm:s10], [sflag:s17] =	dma.local [spmem:s18], $0x2800  }
0x4f: {  	_ =	swait.ge [sflag:s14], $0x2800  }
0x50: {  	[sflag:s14] =	ssyncset.done $0x0  }
0x51: {  	[sflag:s14] =	ssyncadd.s32 $0xFFFFD800  }
0x52: {  	_ =	sfence.sel $0x180000  }
0x53: {  	[bflag:$0x0] =	sbarrier.arrive $0xFFFF  }
0x54: {  	p0 =	sne.s32 s0, $0x0;
	_ =	strace $0x90000050  }
0x55: {  	s0 =	sadd.s32 @!p0 $0x100000, s1;
	[bflag:$0x2] =	sbarrier.arrive $0xFFFF  }
0x56: {  	[sflag:s0] =	ssyncadd.tile.s32 @!p0 $0x1;
	_ =	shalt  }
.Lfunc_end2:
_tile_overlayer_lowered:
.L_overlay_start_2:
0x57: {  	(tag) =	ssettag $0x2  }
0x58: {  	s0 =	rddreg [dreg:$0x0];
	s2 =	stileid.u32  }
0x59: {  	s1 =	rddreg [dreg:$0x1];
	p0 =	sne.s32 s2, $0x0  }
0x5a: {  	s3 =	rddreg [dreg:$0x2];
	[bflag:$0x3] =	sbarrier.arrive $0xFFFF;
	s2 =	simm.s32 @!p0 $0x1C02  }
0x5b: {  	[timem:s3], [sflag:s2] =	dma.local @!p0 [hbm:s0], s1  }
0x5c: {  	s0 =	simm.s32 @!p0 $0x2  }
0x5d: {  	_ =	swait.ge @!p0 [sflag:s0], s1  }
0x5e: {  	s1 =	ssub.s32 @!p0 $0x0, s1;
	[sflag:s0] =	ssyncset.done @!p0 $0x0  }
0x5f: {  	[sflag:s0] =	ssyncadd.s32 @!p0 s1  }
0x60: {  	[bflag:$0x3] =	sbarrier.arrive $0xFFFF  }
0x61: {  	_ =	shalt  }

// kernel: kernel.28.cloned.1.call-start
scs
__scs_entry_jumppad:
0x0: {  	(pc) =	sbr.rel $0x88, $3  }
0x1: {  	(tag) =	ssettag $0x0;
	lr =	simm.s32 $0x1  }
0x2: {  	[smem:$0x3F7A] =	sst lr;
	_ =	strace $0xD0000000  }
0x3: {  	_ = 	snop  }
0x4: {  	_ = 	snop  }
0x5: {  	_ = 	snop  }
0x6: {  	_ = 	snop  }
0x7: {  	_ = 	snop  }
__scs_overlays_trampoline_lowered:
0x8: {  	[smem:$0x3F89] =	sst s0  }
0x9: {  	[smem:$0x3F8A] =	sst s1  }
0xa: {  	[smem:$0x3F8B] =	sst s2  }
0xb: {  	[smem:$0x3F8C] =	sst s3  }
0xc: {  	[smem:$0x3F8D] =	sst s4  }
0xd: {  	[smem:$0x3F8E] =	sst s5  }
0xe: {  	[smem:$0x3F8F] =	sst s6  }
0xf: {  	[smem:$0x3F90] =	sst s7  }
0x10: {  	[smem:$0x3F91] =	sst s8  }
0x11: {  	[smem:$0x3F92] =	sst s9;
	s0 =	simm.s32 @!p0 $0x0  }
0x12: {  	s1 =	sld [smem:$0x3F78];
	s0 =	simm.s32 @p0 $0x1  }
0x13: {  	[smem:$0x3F93] =	sst s0;
	s0 =	simm.s32 @!p1 $0x0  }
0x14: {  	s2 =	sld [smem:$0x3F77];
	s0 =	simm.s32 @p1 $0x1  }
0x15: {  	[smem:$0x3F94] =	sst s0;
	s0 =	simm.s32 @!p2 $0x0  }
0x16: {  	s3 =	sld [smem:$0x3FDB];
	s0 =	simm.s32 @p2 $0x1  }
0x17: {  	s4 =	simm.s32 $0x1BF5;
	[smem:$0x3F96] =	sst s0  }
0x18: {  	s0 =	sld [smem:$0x3F79];
	_ =	swait.ge [sflag:s4], $0x0  }
0x19: {  	s7 =	sld [smem:$0x3F7A]  }
0x1a: {  	s8 =	sadd.s32 $0xFFFFE003, lr  }
0x1b: {  	s9 =	sadd.s32 $0xFFFFFEF7, lr;
	s5 =	simm.s32 $0xFFFFFFFF;
	p2 =	slt.u32 s8, $0xFFFFF086  }
0x1c: {  	p1 =	slt.u32 s9, $0xF7A;
	s5 =	simm.s32 @!p2 $0x0  }
0x1d: {  	s5 =	simm.s32 @p1 $0x1;
	p0 =	seq.s32 s7, s2  }
0x1e: {  	s7 =	smul.u32 @!p0 $0xF7A, s2;
	p2 =	seq.s32 @!p0 s5, $0x0  }
0x1f: {  	s9 =	smul.u32 $0xF7A, s1;
	s8 =	simm.s32 @!p0 $0x1BF5;
	p2 =	por !p2, p0  }
0x20: {  	[sflag:s8] =	ssyncset.s32 @!p0 $0xFFFFF086;
	s6 =	sadd.s32 @!p0 s3, s7;
	s7 =	simm.s32 @!p0 $0x108  }
0x21: {  	s3 =	sadd.s32 s3, s9;
	s6 =	sadd.s32 @!p0 $0x88, s6;
	s7 =	simm.s32 @p2 $0x1082  }
0x22: {  	[simem:s7], [sflag:s8] =	dma.local @!p0 [hbm:s6], $0xF7A  }
0x23: {  	s9 =	sor.u32 $0xD0000000, s2;
	s6 =	simm.s32 $0x108;
	_ =	swait.ge @!p0 [sflag:s8], $0x0  }
0x24: {  	s3 =	sadd.s32 $0x88, s3;
	s6 =	simm.s32 @!p1 $0x1082;
	[sflag:s4] =	ssyncset.s32 $0xFFFFF086  }
0x25: {  	[simem:s6], [sflag:s4] =	dma.local [hbm:s3], $0xF7A  }
0x26: {  	[smem:$0x3F7A] =	sst s1;
	(tag) =	ssettag s2;
	_ =	strace s9  }
0x27: {  	s1 =	sld [smem:$0x3F8A]  }
0x28: {  	s2 =	sld [smem:$0x3F8B]  }
0x29: {  	s4 =	sld [smem:$0x3F8D]  }
0x2a: {  	p0 =	seq.s32 s5, $0x0;
	s5 =	sld [smem:$0x3F8E]  }
0x2b: {  	s6 =	sld [smem:$0x3F8F]  }
0x2c: {  	s7 =	sld [smem:$0x3F90]  }
0x2d: {  	s3 =	simm.s32 $0x108;
	s8 =	sld [smem:$0x3F91]  }
0x2e: {  	s3 =	simm.s32 @!p0 $0x1082;
	s9 =	sld [smem:$0x3F92]  }
0x2f: {  	lr =	sadd.s32 s0, s3;
	s0 =	sld [smem:$0x3F89]  }
0x30: {  	s3 =	sld [smem:$0x3F8C]  }
0x31: {  	[smem:$0x3F95] =	sst s10  }
0x32: {  	s10 =	sld [smem:$0x3F93];
	_ =	sdelay $0x3  }
0x33: {  	p0 =	seq.s32 s10, $0x1;
	s10 =	sld [smem:$0x3F95];
	_ =	sdelay $0x3  }
0x34: {  	[smem:$0x3F95] =	sst s10  }
0x35: {  	s10 =	sld [smem:$0x3F94];
	_ =	sdelay $0x3  }
0x36: {  	p1 =	seq.s32 s10, $0x1;
	s10 =	sld [smem:$0x3F95];
	_ =	sdelay $0x3  }
0x37: {  	[smem:$0x3F95] =	sst s10  }
0x38: {  	s10 =	sld [smem:$0x3F96]  }
0x39: {  	_ = 	snop;
	(pc) =	sbr.ind lr, $3  }
0x3a: {  	_ = 	snop  }
0x3b: {  	_ = 	snop  }
0x3c: {  	p2 =	seq.s32 s10, $0x1;
	s10 =	sld [smem:$0x3F95]  }
0x3d: {  	_ =	shalt  }
0x3e: {  	_ =	shalt  }
0x3f: {  	_ =	shalt  }
0x40: {  	_ =	shalt  }
0x41: {  	_ =	shalt  }
0x42: {  	_ =	shalt  }
0x43: {  	_ =	shalt  }
0x44: {  	_ =	shalt  }
0x45: {  	_ =	shalt  }
0x46: {  	_ =	shalt  }
0x47: {  	_ =	shalt  }
0x48: {  	_ =	shalt  }
0x49: {  	_ =	shalt  }
0x4a: {  	_ =	shalt  }
0x4b: {  	_ =	shalt  }
0x4c: {  	_ =	shalt  }
0x4d: {  	_ =	shalt  }
0x4e: {  	_ =	shalt  }
0x4f: {  	_ =	shalt  }
0x50: {  	_ =	shalt  }
0x51: {  	_ =	shalt  }
0x52: {  	_ =	shalt  }
0x53: {  	_ =	shalt  }
0x54: {  	_ =	shalt  }
0x55: {  	_ =	shalt  }
0x56: {  	_ =	shalt  }
0x57: {  	_ =	shalt  }
0x58: {  	_ =	shalt  }
0x59: {  	_ =	shalt  }
0x5a: {  	_ =	shalt  }
0x5b: {  	_ =	shalt  }
0x5c: {  	_ =	shalt  }
0x5d: {  	_ =	shalt  }
0x5e: {  	_ =	shalt  }
0x5f: {  	_ =	shalt  }
0x60: {  	_ =	shalt  }
0x61: {  	_ =	shalt  }
0x62: {  	_ =	shalt  }
0x63: {  	_ =	shalt  }
0x64: {  	_ =	shalt  }
0x65: {  	_ =	shalt  }
0x66: {  	_ =	shalt  }
0x67: {  	_ =	shalt  }
0x68: {  	_ =	shalt  }
0x69: {  	_ =	shalt  }
0x6a: {  	_ =	shalt  }
0x6b: {  	_ =	shalt  }
0x6c: {  	_ =	shalt  }
0x6d: {  	_ =	shalt  }
0x6e: {  	_ =	shalt  }
0x6f: {  	_ =	shalt  }
0x70: {  	_ =	shalt  }
0x71: {  	_ =	shalt  }
0x72: {  	_ =	shalt  }
0x73: {  	_ =	shalt  }
0x74: {  	_ =	shalt  }
0x75: {  	_ =	shalt  }
0x76: {  	_ =	shalt  }
0x77: {  	_ =	shalt  }
0x78: {  	_ =	shalt  }
0x79: {  	_ =	shalt  }
0x7a: {  	_ =	shalt  }
0x7b: {  	_ =	shalt  }
0x7c: {  	_ =	shalt  }
0x7d: {  	_ =	shalt  }
0x7e: {  	_ =	shalt  }
0x7f: {  	_ =	shalt  }
0x80: {  	_ =	shalt  }
0x81: {  	_ =	shalt  }
0x82: {  	_ =	shalt  }
0x83: {  	_ =	shalt  }
0x84: {  	_ =	shalt  }
0x85: {  	_ =	shalt  }
0x86: {  	_ =	shalt  }
0x87: {  	_ =	shalt  }
.Lfunc_end0:
.L_simem_size_0:
called_computation.4_lowered:
.L_overlay_start_0:
0x88: {  	s2 =	sld [smem:$0x3FD9]  }
0x89: {  	s3 =	sld [smem:$0x3FFE];
	_ =	sdelay $0x1  }
0x8a: {  	s1 =	srdreg.scid  }
0x8b: {  	s0 =	sand.u32 $0x1, s1  }
0x8c: {  	s16 =	sshll.u32 s0, $0xA;
	s2 =	sadd.s32 s3, s2  }
0x8d: {  	s2 =	sadd.s32 s2, s16  }
0x8e: {  	[smem:$0x3FA1] =	sst s2  }
0x8f: {  	_ = 	snop  }
0x90: {  	(tm) =	ssettm $0x1  }
0x91: {  	s17 =	sld [smem:$0x3FFB];
	_ =	sdelay $0x3  }
0x92: {  	_ =	strace s17  }
0x93: {  	s2 =	sld [smem:$0x3FFC];
	_ =	sdelay $0x3  }
0x94: {  	_ =	strace s2  }
0x95: {  	s2 =	sld [smem:$0x3FFD];
	_ =	sdelay $0x3  }
0x96: {  	_ =	strace s2  }
0x97: {  	_ =	strace $0x8FFFFFFF  }
0x98: {  	s18 =	sld [smem:$0x3FDB];
	_ =	sdelay $0x1  }
0x99: {  	s19 =	simm.s32 $_scs_section_size  }
0x9a: {  	s4 =	simm.s32 $_size__tile_overlayer_lowered;
	s5 =	simm.s32 $_tile_overlayer_lowered  }
0x9b: {  	s22 =	simm.s32 $0x1BFF;
	s21 =	sshll.u32 s5, $0x1;
	s2 =	sadd.s32 s19, s18  }
0x9c: {  	s6 =	simm.s32 $0x0;
	s20 =	sshll.u32 s4, $0x1;
	s4 =	sadd.s32 s21, s2  }
0x9d: {  	[timem:s6], [sflag:s22] =	dma.local [hbm:s4], s20  }
0x9e: {  	_ =	swait.ge [sflag:s22], s20  }
0x9f: {  	s3 =	ssub.s32 $0x0, s20;
	[sflag:s22] =	ssyncset.done $0x0  }
0xa0: {  	[sflag:s22] =	ssyncadd.s32 s3;
	_ =	sdelay $0x1  }
0xa1: {  	s23 =	simm.s32 $0x1B8B  }
0xa2: {  	_ =	swait.ge [sflag:s23], $0x1  }
0xa3: {  	[sflag:s23] =	ssyncset.done $0x0  }
0xa4: {  	s25 =	simm.s32 $0x1B8E;
	s24 =	sld [smem:$0x3FFE];
	[sflag:s23] =	ssyncadd.s32 $0xFFFFFFFF  }
0xa5: {  	s26 =	simm.s32 $execute0_lowered;
	[smem:$0x3FD2] =	sst s25  }
0xa6: {  	s4 =	sshll.u32 s26, $0x1;
	_ =	strace $0x80000052;
	[dreg:$0x1] =	wrdreg $0xFFFFFFFF  }
0xa7: {  	s28 =	simm.s32 $_size_execute0_lowered;
	s2 =	sadd.s32 s2, s4;
	[dreg:$0x0] =	wrdreg $0x0  }
0xa8: {  	s4 =	sshll.u32 s28, $0x1;
	[dreg:$0x2] =	wrdreg s2  }
0xa9: {  	[dreg:$0x3] =	wrdreg s4  }
0xaa: {  	[dreg:$0x4] =	wrdreg $0xC0  }
0xab: {  	_ =	task [dreg:s6], $0x5FFFF  }
0xac: {  	[dreg:$0x1] =	wrdreg $0xFFFFFFFF  }
0xad: {  	[dreg:$0x0] =	wrdreg $0x60  }
0xae: {  	[dreg:$0x2] =	wrdreg s24  }
0xaf: {  	[dreg:$0x3] =	wrdreg $0x9  }
0xb0: {  	_ =	task.clear_ibuf [dreg:s6], $0x4FFFF;
	_ =	strace $0x90000052  }
0xb1: {  	s29 =	simm.s32 $0x9;
	_ =	strace $0x80000054  }
0xb2: {  	_ =	swait.ge [sflag:s29], $0x1  }
0xb3: {  	[sflag:s29] =	ssyncadd.s32 $0xFFFFFFFF  }
0xb4: {  	_ =	strace $0x90000054  }
0xb5: {  	_ =	sfence  }
0xb6: {  	s30 =	sld [smem:$0x0];
	_ =	sdelay $0x2  }
0xb7: {  	s31 =	sshll.u32 s1, $0xD;
	s1 =	sshrl.u32 s1, $0x2  }
0xb8: {  	s3 =	sand.u32 $0x4000, s31;
	s1 =	sadd.s32 s1, s30  }
0xb9: {  	s0 =	sor.u32 s3, s0;
	s1 =	sshll.u32 s1, $0x11  }
0xba: {  	s0 =	sor.u32 s1, s0  }
0xbb: {  	s0 =	sadd.s32 $0x8F2B, s0  }
0xbc: {  	[sflag:s0] =	ssyncadd.remote.s32 $0x1  }
0xbd: {  	_ =	sfence.sel $0xFFFF  }
0xbe: {  	[dreg:$0x0] =	wrdreg $0xFFFFFFFF;
	(pc) =	sbr.abs _section_cstart, $3  }
0xbf: {  	[dreg:$0x1] =	wrdreg $0xFFFFFFFF  }
0xc0: {  	_ =	task.clear_ibuf [dreg:s6], $0x2FFFF;
	_ =	strace $0x9FFFFFFF  }
0xc1: {  	(tm) =	ssettm $0x7FFFFFFF  }
tec
execute0_lowered:
.L_overlay_start_1:
0x0: {  	(tag) =	ssettag $0x1  }
0x1: {  	s1 =	srdreg.scid  }
0x2: {  	s0 =	stileid.u32;
	s5 =	rddreg [dreg:$0x0]  }
0x3: {  	s2 =	simm.s32 $0x0;
	s10 =	simm.s32 $0x3;
	s11 =	simm.s32 $0x2800  }
0x4: {  	s12 =	simm.s32 $0x80;
	s13 =	simm.s32 $0x5000;
	s14 =	simm.s32 $0x9000  }
0x5: {  	s15 =	simm.s32 $0x1;
	s16 =	simm.s32 $0x2;
	s17 =	simm.s32 $0x0  }
0x6: {  	s3 =	sand.u32 $0x1, s1;
	s4 =	sshll.u32 s0, $0x1;
	s1 =	rddreg [dreg:$0x1]  }
0x7: {  	[smem:$0x7FF] =	sst s2;
	s8 =	sor.u32 s3, s4;
	s6 =	ssub.s32 $0x2, s3  }
0x8: {  	_ =	strace $0x80000053;
	s4 =	smul.u32 $0x500, s8;
	s9 =	sshrl.u32 s6, $0x1  }
0x9: {  	s3 =	sadd.s32 $0xB000, s5;
	s8 =	smul.u32 $0x140000, s8;
	s9 =	ssub.s32 s6, s9  }
0xa: {  	s7 =	sadd.s32 s4, s5;
	s4 =	sadd.s32 $0x32200, s5;
	s5 =	sadd.s32 $0xC5800, s5  }
0xb: {  	s9 =	smax.u32 s9, $0x1;
	s6 =	sadd.s32 $0x80600, s7;
	s7 =	sadd.s32 $0x94600, s7  }
.LBB2_1:
0xc: {  	[tilespmem:s2], [sflag:$0x3] =	stream.linear.gather [hbm4b:s6+s2], $0x2800, $0x38;
	[tilespmem:$0xD000] =	vst v63  }
0xd: {  	_ =	swait.ge [sflag:s10], $0x2800  }
0xe: {  	[sflag:s10] =	ssyncset.done $0x0  }
0xf: {  	[sflag:s10] =	ssyncadd.s32 $0xFFFFD800  }
0x10: {  	[tilespmem:s11], [sflag:$0x3] =	stream.linear.gather [hbm4b:s7+s2], $0x2800, $0x38;
	[tilespmem:$0xD000] =	vst v63  }
0x11: {  	_ =	swait.ge [sflag:s10], $0x2800  }
0x12: {  	[sflag:s10] =	ssyncset.done $0x0  }
0x13: {  	s18 =	simm.s32 $0x0;
	[sflag:s10] =	ssyncadd.s32 $0xFFFFD800  }
.LBB2_2:
0x14: {  	s19 =	sshll.u32 s18, $0x7  }
0x15: {  	[tilespmem:s13], [sflag:$0x1] =	stream.indirect.gather [hbm4b:s3+s12], $0x80, s19, s12, $0xb8;
	[tilespmem:$0xD000] =	vst v63  }
0x16: {  	s19 =	sadd.s32 $0x2800, s19  }
0x17: {  	[tilespmem:s14], [sflag:$0x2] =	stream.indirect.gather [hbm4b:s4+s12], $0x80, s19, s12, $0xb8;
	[tilespmem:$0xD000] =	vst v63  }
0x18: {  	_ =	swait.ge [sflag:s15], $0x4000  }
0x19: {  	[sflag:s15] =	ssyncset.done $0x0  }
0x1a: {  	[sflag:s15] =	ssyncadd.s32 $0xFFFFC000  }
0x1b: {  	_ =	swait.ge [sflag:s16], $0x4000  }
0x1c: {  	[sflag:s16] =	ssyncset.done $0x0  }
0x1d: {  	s19 =	simm.s32 $0x0;
	[sflag:s16] =	ssyncadd.s32 $0xFFFFC000  }
0x1e: {  	v6 =	vld [tilespmem:s19+$0x9000]  }
0x1f: {  	v11 =	vld [tilespmem:s19+$0x9010]  }
0x20: {  	v5 =	vld [tilespmem:s19+$0x9020]  }
0x21: {  	v4 =	vld [tilespmem:s19+$0x9030]  }
0x22: {  	v3 =	vld [tilespmem:s19+$0x9040]  }
0x23: {  	v2 =	vld [tilespmem:s19+$0x9050]  }
0x24: {  	v1 =	vld [tilespmem:s19+$0x9060]  }
0x25: {  	v0 =	vld [tilespmem:s19+$0x9070]  }
0x26: {  	v12 =	vld [tilespmem:s19+$0x5000]  }
0x27: {  	v13 =	vld [tilespmem:s19+$0x5010]  }
0x28: {  	v10 =	vld [tilespmem:s19+$0x5020]  }
0x29: {  	v9 =	vld [tilespmem:s19+$0x5030]  }
0x2a: {  	v8 =	vld [tilespmem:s19+$0x5040]  }
0x2b: {  	v7 =	vld [tilespmem:s19+$0x5050];
	v12 =	vadd.f32 v6, v12  }
0x2c: {  	s20 =	simm.s32 $0x200;
	v11 =	vadd.f32 v11, v13;
	v6 =	vld [tilespmem:s19+$0x5060]  }
.LBB2_3:
0x2d: {  	s21 =	sshra.s32 s20, $0x2;
	p0 =	sne.s32 s20, $0xFE00;
	v12 =	vmax.f32 v12, $0.0e+00;
	v5 =	vadd.f32 v5, v10;
	v10 =	vld [tilespmem:s19+$0x5070]  }
0x2e: {  	v13 =	vld [tilespmem:s21+$0x9000];
	[tilespmem:s19+$0x5000] =	vst v12;
	v11 =	vmax.f32 v11, $0.0e+00;
	v4 =	vadd.f32 v4, v9  }
0x2f: {  	v14 =	vld [tilespmem:s21+$0x9010];
	[tilespmem:s19+$0x5010] =	vst v11;
	v9 =	vmax.f32 v5, $0.0e+00;
	v3 =	vadd.f32 v3, v8  }
0x30: {  	v5 =	vld [tilespmem:s21+$0x9020];
	[tilespmem:s19+$0x5020] =	vst v9;
	v8 =	vmax.f32 v4, $0.0e+00;
	v2 =	vadd.f32 v2, v7  }
0x31: {  	v4 =	vld [tilespmem:s21+$0x9030];
	[tilespmem:s19+$0x5030] =	vst v8;
	v7 =	vmax.f32 v3, $0.0e+00;
	v1 =	vadd.f32 v1, v6  }
0x32: {  	v3 =	vld [tilespmem:s21+$0x9040];
	[tilespmem:s19+$0x5040] =	vst v7;
	v6 =	vmax.f32 v2, $0.0e+00;
	v0 =	vadd.f32 v0, v10  }
0x33: {  	v2 =	vld [tilespmem:s21+$0x9050];
	[tilespmem:s19+$0x5050] =	vst v6;
	v6 =	vmax.f32 v1, $0.0e+00  }
0x34: {  	v1 =	vld [tilespmem:s21+$0x9060];
	[tilespmem:s19+$0x5060] =	vst v6;
	v6 =	vmax.f32 v0, $0.0e+00  }
0x35: {  	v0 =	vld [tilespmem:s21+$0x9070];
	[tilespmem:s19+$0x5070] =	vst v6;
	s19 =	smov.u32 s21  }
0x36: {  	v6 =	vld [tilespmem:s19+$0x5000]  }
0x37: {  	v11 =	vld [tilespmem:s19+$0x5010]  }
.Ltmp0:
0x38: {  	v10 =	vld [tilespmem:s19+$0x5020];
	(pc) =	sbr.rel @p0 .LBB2_3-.Ltmp0, $4  }
0x39: {  	v9 =	vld [tilespmem:s19+$0x5030]  }
0x3a: {  	v8 =	vld [tilespmem:s19+$0x5040]  }
0x3b: {  	v12 =	vadd.f32 v13, v6;
	v7 =	vld [tilespmem:s19+$0x5050]  }
0x3c: {  	s20 =	sadd.s32 $0x200, s20;
	v11 =	vadd.f32 v14, v11;
	v6 =	vld [tilespmem:s19+$0x5060]  }
0x3d: {  	v12 =	vmax.f32 v12, $0.0e+00;
	v5 =	vadd.f32 v5, v10;
	v63 =	vld [tilespmem:s19+$0x5070]  }
0x3e: {  	[tilespmem:s19+$0x5000] =	vst v12;
	v11 =	vmax.f32 v11, $0.0e+00;
	v4 =	vadd.f32 v4, v9  }
0x3f: {  	[tilespmem:s19+$0x5010] =	vst v11;
	v5 =	vmax.f32 v5, $0.0e+00;
	v3 =	vadd.f32 v3, v8  }
0x40: {  	[tilespmem:s19+$0x5020] =	vst v5;
	v4 =	vmax.f32 v4, $0.0e+00;
	v2 =	vadd.f32 v2, v7  }
0x41: {  	[tilespmem:s19+$0x5030] =	vst v4;
	v3 =	vmax.f32 v3, $0.0e+00;
	v1 =	vadd.f32 v1, v6  }
0x42: {  	s20 =	sshll.u32 s18, $0xE;
	[tilespmem:s19+$0x5040] =	vst v3;
	v2 =	vmax.f32 v2, $0.0e+00;
	v0 =	vadd.f32 v0, v63  }
0x43: {  	s18 =	sadd.s32 $0x1, s18;
	s20 =	sadd.s32 s8, s20;
	[tilespmem:s19+$0x5050] =	vst v2;
	v1 =	vmax.f32 v1, $0.0e+00  }
0x44: {  	p0 =	sne.s32 s18, $0x50;
	s20 =	sshrl.u32 s20, $0x3;
	[tilespmem:s19+$0x5060] =	vst v1;
	v0 =	vmax.f32 v0, $0.0e+00  }
.Ltmp1:
0x45: {  	s31 =	sadd.s32 s5, s20;
	[tilespmem:s19+$0x5070] =	vst v0;
	(pc) =	sbr.rel @p0 .LBB2_2-.Ltmp1, $4  }
0x46: {  	[hbm4b:s31+s2] =	stream.linear.scatter [tilespmem:s13], [sflag:$0x3], $0x4000, $0x38;
	[tilespmem:$0xD000] =	vst v63  }
0x47: {  	_ =	swait.ge [sflag:s10], $0x4000  }
0x48: {  	[sflag:s10] =	ssyncset.done $0x0  }
0x49: {  	[sflag:s10] =	ssyncadd.s32 $0xFFFFC000  }
0x4a: {  	s17 =	sadd.s32 $0x1, s17  }
0x4b: {  	p0 =	sne.s32 s17, s9  }
.Ltmp2:
0x4c: {  	_ = 	snop;
	(pc) =	sbr.rel @p0 .LBB2_1-.Ltmp2, $1  }
0x4d: {  	_ =	sdelay $0x3  }
0x4e: {  	_ =	sfence.sel $0x180000  }
0x4f: {  	[bflag:$0x0] =	sbarrier.arrive $0xFFFF  }
0x50: {  	p0 =	sne.s32 s0, $0x0;
	_ =	strace $0x90000053  }
0x51: {  	s0 =	sadd.s32 @!p0 $0x100000, s1;
	[bflag:$0x2] =	sbarrier.arrive $0xFFFF  }
0x52: {  	[sflag:s0] =	ssyncadd.tile.s32 @!p0 $0x1;
	_ =	shalt  }
.Lfunc_end2:
_tile_overlayer_lowered:
.L_overlay_start_2:
0x53: {  	(tag) =	ssettag $0x2  }
0x54: {  	s0 =	rddreg [dreg:$0x0];
	s2 =	stileid.u32  }
0x55: {  	s1 =	rddreg [dreg:$0x1];
	p0 =	sne.s32 s2, $0x0  }
0x56: {  	s3 =	rddreg [dreg:$0x2];
	[bflag:$0x3] =	sbarrier.arrive $0xFFFF;
	s2 =	simm.s32 @!p0 $0x1C03  }
0x57: {  	[timem:s3], [sflag:s2] =	dma.local @!p0 [hbm:s0], s1  }
0x58: {  	s0 =	simm.s32 @!p0 $0x3  }
0x59: {  	_ =	swait.ge @!p0 [sflag:s0], s1  }
0x5a: {  	s1 =	ssub.s32 @!p0 $0x0, s1;
	[sflag:s0] =	ssyncset.done @!p0 $0x0  }
0x5b: {  	[sflag:s0] =	ssyncadd.s32 @!p0 s1  }
0x5c: {  	[bflag:$0x3] =	sbarrier.arrive $0xFFFF  }
0x5d: {  	_ =	shalt  }

// kernel: kernel.31.cloned.1.call-start
scs
__scs_entry_jumppad:
0x0: {  	(pc) =	sbr.rel $0x88, $3  }
0x1: {  	(tag) =	ssettag $0x0;
	lr =	simm.s32 $0x1  }
0x2: {  	[smem:$0x3F7A] =	sst lr;
	_ =	strace $0xD0000000  }
0x3: {  	_ = 	snop  }
0x4: {  	_ = 	snop  }
0x5: {  	_ = 	snop  }
0x6: {  	_ = 	snop  }
0x7: {  	_ = 	snop  }
__scs_overlays_trampoline_lowered:
0x8: {  	[smem:$0x3F89] =	sst s0  }
0x9: {  	[smem:$0x3F8A] =	sst s1  }
0xa: {  	[smem:$0x3F8B] =	sst s2  }
0xb: {  	[smem:$0x3F8C] =	sst s3  }
0xc: {  	[smem:$0x3F8D] =	sst s4  }
0xd: {  	[smem:$0x3F8E] =	sst s5  }
0xe: {  	[smem:$0x3F8F] =	sst s6  }
0xf: {  	[smem:$0x3F90] =	sst s7  }
0x10: {  	[smem:$0x3F91] =	sst s8  }
0x11: {  	[smem:$0x3F92] =	sst s9;
	s0 =	simm.s32 @!p0 $0x0  }
0x12: {  	s1 =	sld [smem:$0x3F78];
	s0 =	simm.s32 @p0 $0x1  }
0x13: {  	[smem:$0x3F93] =	sst s0;
	s0 =	simm.s32 @!p1 $0x0  }
0x14: {  	s2 =	sld [smem:$0x3F77];
	s0 =	simm.s32 @p1 $0x1  }
0x15: {  	[smem:$0x3F94] =	sst s0;
	s0 =	simm.s32 @!p2 $0x0  }
0x16: {  	s3 =	sld [smem:$0x3FDB];
	s0 =	simm.s32 @p2 $0x1  }
0x17: {  	s4 =	simm.s32 $0x1BF5;
	[smem:$0x3F96] =	sst s0  }
0x18: {  	s0 =	sld [smem:$0x3F79];
	_ =	swait.ge [sflag:s4], $0x0  }
0x19: {  	s7 =	sld [smem:$0x3F7A]  }
0x1a: {  	s8 =	sadd.s32 $0xFFFFE003, lr  }
0x1b: {  	s9 =	sadd.s32 $0xFFFFFEF7, lr;
	s5 =	simm.s32 $0xFFFFFFFF;
	p2 =	slt.u32 s8, $0xFFFFF086  }
0x1c: {  	p1 =	slt.u32 s9, $0xF7A;
	s5 =	simm.s32 @!p2 $0x0  }
0x1d: {  	s5 =	simm.s32 @p1 $0x1;
	p0 =	seq.s32 s7, s2  }
0x1e: {  	s7 =	smul.u32 @!p0 $0xF7A, s2;
	p2 =	seq.s32 @!p0 s5, $0x0  }
0x1f: {  	s9 =	smul.u32 $0xF7A, s1;
	s8 =	simm.s32 @!p0 $0x1BF5;
	p2 =	por !p2, p0  }
0x20: {  	[sflag:s8] =	ssyncset.s32 @!p0 $0xFFFFF086;
	s6 =	sadd.s32 @!p0 s3, s7;
	s7 =	simm.s32 @!p0 $0x108  }
0x21: {  	s3 =	sadd.s32 s3, s9;
	s6 =	sadd.s32 @!p0 $0x88, s6;
	s7 =	simm.s32 @p2 $0x1082  }
0x22: {  	[simem:s7], [sflag:s8] =	dma.local @!p0 [hbm:s6], $0xF7A  }
0x23: {  	s9 =	sor.u32 $0xD0000000, s2;
	s6 =	simm.s32 $0x108;
	_ =	swait.ge @!p0 [sflag:s8], $0x0  }
0x24: {  	s3 =	sadd.s32 $0x88, s3;
	s6 =	simm.s32 @!p1 $0x1082;
	[sflag:s4] =	ssyncset.s32 $0xFFFFF086  }
0x25: {  	[simem:s6], [sflag:s4] =	dma.local [hbm:s3], $0xF7A  }
0x26: {  	[smem:$0x3F7A] =	sst s1;
	(tag) =	ssettag s2;
	_ =	strace s9  }
0x27: {  	s1 =	sld [smem:$0x3F8A]  }
0x28: {  	s2 =	sld [smem:$0x3F8B]  }
0x29: {  	s4 =	sld [smem:$0x3F8D]  }
0x2a: {  	p0 =	seq.s32 s5, $0x0;
	s5 =	sld [smem:$0x3F8E]  }
0x2b: {  	s6 =	sld [smem:$0x3F8F]  }
0x2c: {  	s7 =	sld [smem:$0x3F90]  }
0x2d: {  	s3 =	simm.s32 $0x108;
	s8 =	sld [smem:$0x3F91]  }
0x2e: {  	s3 =	simm.s32 @!p0 $0x1082;
	s9 =	sld [smem:$0x3F92]  }
0x2f: {  	lr =	sadd.s32 s0, s3;
	s0 =	sld [smem:$0x3F89]  }
0x30: {  	s3 =	sld [smem:$0x3F8C]  }
0x31: {  	[smem:$0x3F95] =	sst s10  }
0x32: {  	s10 =	sld [smem:$0x3F93];
	_ =	sdelay $0x3  }
0x33: {  	p0 =	seq.s32 s10, $0x1;
	s10 =	sld [smem:$0x3F95];
	_ =	sdelay $0x3  }
0x34: {  	[smem:$0x3F95] =	sst s10  }
0x35: {  	s10 =	sld [smem:$0x3F94];
	_ =	sdelay $0x3  }
0x36: {  	p1 =	seq.s32 s10, $0x1;
	s10 =	sld [smem:$0x3F95];
	_ =	sdelay $0x3  }
0x37: {  	[smem:$0x3F95] =	sst s10  }
0x38: {  	s10 =	sld [smem:$0x3F96]  }
0x39: {  	_ = 	snop;
	(pc) =	sbr.ind lr, $3  }
0x3a: {  	_ = 	snop  }
0x3b: {  	_ = 	snop  }
0x3c: {  	p2 =	seq.s32 s10, $0x1;
	s10 =	sld [smem:$0x3F95]  }
0x3d: {  	_ =	shalt  }
0x3e: {  	_ =	shalt  }
0x3f: {  	_ =	shalt  }
0x40: {  	_ =	shalt  }
0x41: {  	_ =	shalt  }
0x42: {  	_ =	shalt  }
0x43: {  	_ =	shalt  }
0x44: {  	_ =	shalt  }
0x45: {  	_ =	shalt  }
0x46: {  	_ =	shalt  }
0x47: {  	_ =	shalt  }
0x48: {  	_ =	shalt  }
0x49: {  	_ =	shalt  }
0x4a: {  	_ =	shalt  }
0x4b: {  	_ =	shalt  }
0x4c: {  	_ =	shalt  }
0x4d: {  	_ =	shalt  }
0x4e: {  	_ =	shalt  }
0x4f: {  	_ =	shalt  }
0x50: {  	_ =	shalt  }
0x51: {  	_ =	shalt  }
0x52: {  	_ =	shalt  }
0x53: {  	_ =	shalt  }
0x54: {  	_ =	shalt  }
0x55: {  	_ =	shalt  }
0x56: {  	_ =	shalt  }
0x57: {  	_ =	shalt  }
0x58: {  	_ =	shalt  }
0x59: {  	_ =	shalt  }
0x5a: {  	_ =	shalt  }
0x5b: {  	_ =	shalt  }
0x5c: {  	_ =	shalt  }
0x5d: {  	_ =	shalt  }
0x5e: {  	_ =	shalt  }
0x5f: {  	_ =	shalt  }
0x60: {  	_ =	shalt  }
0x61: {  	_ =	shalt  }
0x62: {  	_ =	shalt  }
0x63: {  	_ =	shalt  }
0x64: {  	_ =	shalt  }
0x65: {  	_ =	shalt  }
0x66: {  	_ =	shalt  }
0x67: {  	_ =	shalt  }
0x68: {  	_ =	shalt  }
0x69: {  	_ =	shalt  }
0x6a: {  	_ =	shalt  }
0x6b: {  	_ =	shalt  }
0x6c: {  	_ =	shalt  }
0x6d: {  	_ =	shalt  }
0x6e: {  	_ =	shalt  }
0x6f: {  	_ =	shalt  }
0x70: {  	_ =	shalt  }
0x71: {  	_ =	shalt  }
0x72: {  	_ =	shalt  }
0x73: {  	_ =	shalt  }
0x74: {  	_ =	shalt  }
0x75: {  	_ =	shalt  }
0x76: {  	_ =	shalt  }
0x77: {  	_ =	shalt  }
0x78: {  	_ =	shalt  }
0x79: {  	_ =	shalt  }
0x7a: {  	_ =	shalt  }
0x7b: {  	_ =	shalt  }
0x7c: {  	_ =	shalt  }
0x7d: {  	_ =	shalt  }
0x7e: {  	_ =	shalt  }
0x7f: {  	_ =	shalt  }
0x80: {  	_ =	shalt  }
0x81: {  	_ =	shalt  }
0x82: {  	_ =	shalt  }
0x83: {  	_ =	shalt  }
0x84: {  	_ =	shalt  }
0x85: {  	_ =	shalt  }
0x86: {  	_ =	shalt  }
0x87: {  	_ =	shalt  }
.Lfunc_end0:
.L_simem_size_0:
called_computation.5_lowered:
.L_overlay_start_0:
0x88: {  	s2 =	sld [smem:$0x3FD9]  }
0x89: {  	s3 =	sld [smem:$0x3FFE];
	_ =	sdelay $0x1  }
0x8a: {  	s1 =	srdreg.scid  }
0x8b: {  	s0 =	sand.u32 $0x1, s1  }
0x8c: {  	s16 =	sshll.u32 s0, $0xA;
	s2 =	sadd.s32 s3, s2  }
0x8d: {  	s2 =	sadd.s32 s2, s16  }
0x8e: {  	[smem:$0x3FA1] =	sst s2  }
0x8f: {  	_ = 	snop  }
0x90: {  	(tm) =	ssettm $0x1  }
0x91: {  	s17 =	sld [smem:$0x3FFB];
	_ =	sdelay $0x3  }
0x92: {  	_ =	strace s17  }
0x93: {  	s2 =	sld [smem:$0x3FFC];
	_ =	sdelay $0x3  }
0x94: {  	_ =	strace s2  }
0x95: {  	s2 =	sld [smem:$0x3FFD];
	_ =	sdelay $0x3  }
0x96: {  	_ =	strace s2  }
0x97: {  	_ =	strace $0x8FFFFFFF  }
0x98: {  	s18 =	sld [smem:$0x3FDB];
	_ =	sdelay $0x1  }
0x99: {  	s19 =	simm.s32 $_scs_section_size  }
0x9a: {  	s4 =	simm.s32 $_size__tile_overlayer_lowered;
	s5 =	simm.s32 $_tile_overlayer_lowered  }
0x9b: {  	s22 =	simm.s32 $0x1BFF;
	s21 =	sshll.u32 s5, $0x1;
	s2 =	sadd.s32 s19, s18  }
0x9c: {  	s6 =	simm.s32 $0x0;
	s20 =	sshll.u32 s4, $0x1;
	s4 =	sadd.s32 s21, s2  }
0x9d: {  	[timem:s6], [sflag:s22] =	dma.local [hbm:s4], s20  }
0x9e: {  	_ =	swait.ge [sflag:s22], s20  }
0x9f: {  	s3 =	ssub.s32 $0x0, s20;
	[sflag:s22] =	ssyncset.done $0x0  }
0xa0: {  	[sflag:s22] =	ssyncadd.s32 s3;
	_ =	sdelay $0x1  }
0xa1: {  	s23 =	simm.s32 $0x1B8B  }
0xa2: {  	_ =	swait.ge [sflag:s23], $0x1  }
0xa3: {  	[sflag:s23] =	ssyncset.done $0x0  }
0xa4: {  	s25 =	simm.s32 $0x1B8E;
	s24 =	sld [smem:$0x3FFE];
	[sflag:s23] =	ssyncadd.s32 $0xFFFFFFFF  }
0xa5: {  	s26 =	simm.s32 $execute0_lowered;
	[smem:$0x3FD2] =	sst s25  }
0xa6: {  	s4 =	sshll.u32 s26, $0x1;
	_ =	strace $0x80000055;
	[dreg:$0x1] =	wrdreg $0xFFFFFFFF  }
0xa7: {  	s28 =	simm.s32 $_size_execute0_lowered;
	s2 =	sadd.s32 s2, s4;
	[dreg:$0x0] =	wrdreg $0x0  }
0xa8: {  	s4 =	sshll.u32 s28, $0x1;
	[dreg:$0x2] =	wrdreg s2  }
0xa9: {  	[dreg:$0x3] =	wrdreg s4  }
0xaa: {  	[dreg:$0x4] =	wrdreg $0xC0  }
0xab: {  	_ =	task [dreg:s6], $0x5FFFF  }
0xac: {  	[dreg:$0x1] =	wrdreg $0xFFFFFFFF  }
0xad: {  	[dreg:$0x0] =	wrdreg $0x60  }
0xae: {  	[dreg:$0x2] =	wrdreg s24  }
0xaf: {  	[dreg:$0x3] =	wrdreg $0x68000  }
0xb0: {  	[dreg:$0x4] =	wrdreg $0x9  }
0xb1: {  	_ =	task.clear_ibuf [dreg:s6], $0x5FFFF;
	_ =	strace $0x90000055  }
0xb2: {  	s29 =	simm.s32 $0x9;
	_ =	strace $0x80000057  }
0xb3: {  	_ =	swait.ge [sflag:s29], $0x1  }
0xb4: {  	[sflag:s29] =	ssyncadd.s32 $0xFFFFFFFF  }
0xb5: {  	_ =	strace $0x90000057  }
0xb6: {  	_ =	sfence  }
0xb7: {  	s30 =	sld [smem:$0x0];
	_ =	sdelay $0x2  }
0xb8: {  	s31 =	sshll.u32 s1, $0xD;
	s1 =	sshrl.u32 s1, $0x2  }
0xb9: {  	s3 =	sand.u32 $0x4000, s31;
	s1 =	sadd.s32 s1, s30  }
0xba: {  	s0 =	sor.u32 s3, s0;
	s1 =	sshll.u32 s1, $0x11  }
0xbb: {  	s0 =	sor.u32 s1, s0  }
0xbc: {  	s0 =	sadd.s32 $0x8F2B, s0  }
0xbd: {  	[sflag:s0] =	ssyncadd.remote.s32 $0x1  }
0xbe: {  	_ =	sfence.sel $0xFFFF  }
0xbf: {  	[dreg:$0x0] =	wrdreg $0xFFFFFFFF;
	(pc) =	sbr.abs _section_cstart, $3  }
0xc0: {  	[dreg:$0x1] =	wrdreg $0xFFFFFFFF  }
0xc1: {  	_ =	task.clear_ibuf [dreg:s6], $0x2FFFF;
	_ =	strace $0x9FFFFFFF  }
0xc2: {  	(tm) =	ssettm $0x7FFFFFFF  }
0xc3: {  	_ =	shalt  }
tec
execute0_lowered:
.L_overlay_start_1:
0x0: {  	(tag) =	ssettag $0x1  }
0x1: {  	s1 =	srdreg.scid  }
0x2: {  	s0 =	stileid.u32;
	s4 =	rddreg [dreg:$0x0]  }
0x3: {  	s2 =	rddreg [dreg:$0x1];
	s6 =	smul.u32 $0x50000, s0  }
0x4: {  	s3 =	simm.s32 $0x0;
	s16 =	simm.s32 $0x80;
	s8 =	smul.u32 $0x13800, s0  }
0x5: {  	s19 =	simm.s32 $0x0;
	s9 =	sand.u32 $0x1, s1;
	s14 =	smul.u32 $0x4E000, s0  }
0x6: {  	s26 =	sshll.u32 s0, $0x1;
	[smem:$0x7FF] =	sst s3;
	s7 =	smul.u32 $0x138800, s9  }
0x7: {  	s17 =	sshll.u32 s0, $0x6;
	s1 =	sor.u32 s9, s26;
	s15 =	smul.u32 $0x28000, s9  }
0x8: {  	s29 =	ssub.s32 $0x2, s9;
	s17 =	sor.u32 $0x1C02, s17;
	s5 =	smul.u32 $0x2800, s1  }
0x9: {  	s1 =	rddreg [dreg:$0x2];
	_ =	strace $0x80000056;
	s12 =	sadd.s32 s6, s4  }
0xa: {  	s30 =	sshrl.u32 s29, $0x1;
	s6 =	sshrl.u32 s6, $0x2;
	s31 =	sshrl.u32 s14, $0x2  }
0xb: {  	s14 =	simm.s32 $0x2;
	s28 =	sadd.s32 s8, s7;
	s13 =	ssub.s32 s29, s30  }
0xc: {  	s18 =	sadd.s32 s31, s2;
	s12 =	sadd.s32 s15, s12;
	s5 =	sshrl.u32 s5, $0x3  }
0xd: {  	s15 =	simm.s32 $0x1;
	s10 =	sadd.s32 s5, s4;
	s5 =	sshrl.u32 s28, $0x3  }
0xe: {  	s12 =	sadd.s32 $0x5C5800, s12;
	s11 =	sadd.s32 s5, s4;
	s4 =	sadd.s32 s6, s2  }
0xf: {  	s18 =	sshrl.u32 s18, $0x3;
	s9 =	sadd.s32 $0x8A600, s10;
	s5 =	sadd.s32 $0x4000, s4  }
0x10: {  	s6 =	sadd.s32 $0x8000, s4;
	s7 =	sadd.s32 $0xC000, s4;
	s8 =	sadd.s32 $0x10000, s4  }
0x11: {  	v0 =	vimm.f32 $0.0e+00;
	s10 =	sadd.s32 $0xB000, s11;
	s11 =	smax.u32 s13, $0x1;
	s13 =	simm.s32 $0x2800  }
.LBB2_1:
0x12: {  	s20 =	simm.s32 $0x0;
	s21 =	simm.s32 $0x200  }
.LBB2_2:
0x13: {  	p0 =	sne.s32 s21, $0xFE00;
	[tilespmem:s20+$0x2870] =	vst v0  }
0x14: {  	[tilespmem:s20+$0x2800] =	vst v0  }
0x15: {  	[tilespmem:s20+$0x2810] =	vst v0  }
.Ltmp0:
0x16: {  	[tilespmem:s20+$0x2820] =	vst v0;
	(pc) =	sbr.rel @p0 .LBB2_2-.Ltmp0, $4  }
0x17: {  	[tilespmem:s20+$0x2830] =	vst v0  }
0x18: {  	[tilespmem:s20+$0x2840] =	vst v0  }
0x19: {  	[tilespmem:s20+$0x2850] =	vst v0  }
0x1a: {  	[tilespmem:s20+$0x2860] =	vst v0;
	s20 =	sshra.s32 s21, $0x2;
	s21 =	sadd.s32 $0x200, s21  }
0x1b: {  	[tilespmem:s20+$0x2870] =	vst v0  }
0x1c: {  	[tilespmem:s20+$0x2800] =	vst v0  }
0x1d: {  	[tilespmem:s20+$0x2810] =	vst v0  }
0x1e: {  	[tilespmem:s20+$0x2820] =	vst v0  }
0x1f: {  	[tilespmem:s20+$0x2830] =	vst v0  }
0x20: {  	[tilespmem:s20+$0x2840] =	vst v0  }
0x21: {  	[tilespmem:s20+$0x2850] =	vst v0  }
0x22: {  	[tilespmem:s20+$0x2860] =	vst v0  }
0x23: {  	[spmem:s4] =	stream.linear.scatter [tilespmem:s13], [sflag:$0x2], $0x4000, $0x38;
	[tilespmem:$0x1A800] =	vst v63  }
0x24: {  	_ =	swait.ge [sflag:s14], $0x4000  }
0x25: {  	[sflag:s14] =	ssyncset.done $0x0  }
0x26: {  	[sflag:s14] =	ssyncadd.s32 $0xFFFFC000  }
0x27: {  	[spmem:s5] =	stream.linear.scatter [tilespmem:s13], [sflag:$0x2], $0x4000, $0x38;
	[tilespmem:$0x1A800] =	vst v63  }
0x28: {  	_ =	swait.ge [sflag:s14], $0x4000  }
0x29: {  	[sflag:s14] =	ssyncset.done $0x0  }
0x2a: {  	[sflag:s14] =	ssyncadd.s32 $0xFFFFC000  }
0x2b: {  	[spmem:s6] =	stream.linear.scatter [tilespmem:s13], [sflag:$0x2], $0x4000, $0x38;
	[tilespmem:$0x1A800] =	vst v63  }
0x2c: {  	_ =	swait.ge [sflag:s14], $0x4000  }
0x2d: {  	[sflag:s14] =	ssyncset.done $0x0  }
0x2e: {  	[sflag:s14] =	ssyncadd.s32 $0xFFFFC000  }
0x2f: {  	[spmem:s7] =	stream.linear.scatter [tilespmem:s13], [sflag:$0x2], $0x4000, $0x38;
	[tilespmem:$0x1A800] =	vst v63  }
0x30: {  	_ =	swait.ge [sflag:s14], $0x4000  }
0x31: {  	[sflag:s14] =	ssyncset.done $0x0  }
0x32: {  	[sflag:s14] =	ssyncadd.s32 $0xFFFFC000  }
0x33: {  	[spmem:s8] =	stream.linear.scatter [tilespmem:s13], [sflag:$0x2], $0x4000, $0x38;
	[tilespmem:$0x1A800] =	vst v63  }
0x34: {  	_ =	swait.ge [sflag:s14], $0x4000  }
0x35: {  	[sflag:s14] =	ssyncset.done $0x0  }
0x36: {  	[sflag:s14] =	ssyncadd.s32 $0xFFFFC000  }
0x37: {  	s30 =	simm.s32 $0x0;
	[bflag:$0x0] =	sbarrier.arrive $0xFFFF  }
0x38: {  	[tilespmem:s30], [sflag:$0x2] =	stream.linear.gather [hbm4b:s9+s30], $0x2800, $0x38;
	[tilespmem:$0x1A800] =	vst v63  }
0x39: {  	_ =	swait.ge [sflag:s14], $0x2800  }
0x3a: {  	[sflag:s14] =	ssyncset.done $0x0  }
0x3b: {  	[sflag:s14] =	ssyncadd.s32 $0xFFFFD800  }
0x3c: {  	[tilespmem:s13], [sflag:$0x1] =	stream.linear.gather [hbm4b:s12+s3], $0x4000, $0x38;
	[tilespmem:$0x1A800] =	vst v63  }
0x3d: {  	_ =	swait.ge [sflag:s15], $0x4000  }
0x3e: {  	[sflag:s15] =	ssyncset.done $0x0  }
0x3f: {  	s31 =	simm.s32 $0x0;
	[sflag:s15] =	ssyncadd.s32 $0xFFFFC000  }
0x40: {  	[spmem:s2] =	stream.indirect.scatter.add.f32 [tilespmem:s13], [sflag:$0x2], $0x80, s31, s16, $0xb8;
	[tilespmem:$0x1A800] =	vst v63  }
0x41: {  	_ =	swait.ge [sflag:s14], $0x4000  }
0x42: {  	s20 =	simm.s32 $0x200;
	s21 =	smov.u32 s12;
	[sflag:s14] =	ssyncset.done $0x0  }
.LBB2_4:
0x43: {  	p0 =	sne.s32 s20, $0x9E00;
	[sflag:s14] =	ssyncadd.s32 $0xFFFFC000;
	s21 =	sadd.s32 $0x800, s21  }
0x44: {  	[tilespmem:s13], [sflag:$0x1] =	stream.linear.gather [hbm4b:s21+s3], $0x4000, $0x38;
	[tilespmem:$0x1A800] =	vst v63  }
0x45: {  	s22 =	smov.u32 s20;
	s20 =	sadd.s32 $0x200, s20;
	_ =	swait.ge [sflag:s15], $0x4000  }
.Ltmp1:
0x46: {  	[sflag:s15] =	ssyncset.done $0x0;
	(pc) =	sbr.rel @p0 .LBB2_4-.Ltmp1, $4  }
0x47: {  	s22 =	sshra.s32 s22, $0x2;
	[sflag:s15] =	ssyncadd.s32 $0xFFFFC000  }
0x48: {  	[spmem:s2] =	stream.indirect.scatter.add.f32 [tilespmem:s13], [sflag:$0x2], $0x80, s22, s16, $0xb8;
	[tilespmem:$0x1A800] =	vst v63  }
0x49: {  	_ =	swait.ge [sflag:s14], $0x4000  }
0x4a: {  	[sflag:s14] =	ssyncset.done $0x0  }
0x4b: {  	s19 =	sadd.s32 $0x1, s19  }
0x4c: {  	[sflag:s14] =	ssyncadd.s32 $0xFFFFC000;
	p0 =	sne.s32 s19, s11  }
.Ltmp2:
0x4d: {  	[bflag:$0x0] =	sbarrier.arrive $0xFFFF;
	(pc) =	sbr.rel @p0 .LBB2_1-.Ltmp2, $4  }
0x4e: {  	[hbm:s10], [sflag:s17] =	dma.local [spmem:s18], $0x2800  }
0x4f: {  	_ =	swait.ge [sflag:s14], $0x2800  }
0x50: {  	[sflag:s14] =	ssyncset.done $0x0  }
0x51: {  	[sflag:s14] =	ssyncadd.s32 $0xFFFFD800  }
0x52: {  	_ =	sfence.sel $0x180000  }
0x53: {  	[bflag:$0x0] =	sbarrier.arrive $0xFFFF  }
0x54: {  	p0 =	sne.s32 s0, $0x0;
	_ =	strace $0x90000056  }
0x55: {  	s0 =	sadd.s32 @!p0 $0x100000, s1;
	[bflag:$0x2] =	sbarrier.arrive $0xFFFF  }
0x56: {  	[sflag:s0] =	ssyncadd.tile.s32 @!p0 $0x1;
	_ =	shalt  }
.Lfunc_end2:
_tile_overlayer_lowered:
.L_overlay_start_2:
0x57: {  	(tag) =	ssettag $0x2  }
0x58: {  	s0 =	rddreg [dreg:$0x0];
	s2 =	stileid.u32  }
0x59: {  	s1 =	rddreg [dreg:$0x1];
	p0 =	sne.s32 s2, $0x0  }
0x5a: {  	s3 =	rddreg [dreg:$0x2];
	[bflag:$0x3] =	sbarrier.arrive $0xFFFF;
	s2 =	simm.s32 @!p0 $0x1C02  }
0x5b: {  	[timem:s3], [sflag:s2] =	dma.local @!p0 [hbm:s0], s1  }
0x5c: {  	s0 =	simm.s32 @!p0 $0x2  }
0x5d: {  	_ =	swait.ge @!p0 [sflag:s0], s1  }
0x5e: {  	s1 =	ssub.s32 @!p0 $0x0, s1;
	[sflag:s0] =	ssyncset.done @!p0 $0x0  }
0x5f: {  	[sflag:s0] =	ssyncadd.s32 @!p0 s1  }
0x60: {  	[bflag:$0x3] =	sbarrier.arrive $0xFFFF  }
0x61: {  	_ =	shalt  }

</sc_bundles>
